<compile_context>
chip_gen: v7x
topology: tpu7x:2x2x1
jax: 0.10.2.dev20260603
libtpu: 0.0.44.dev20260713+nightly
codegen_flags: <defaults>
</compile_context>

<pallas_src>
import functools

import jax
import jax.numpy as jnp
from jax.experimental import pallas as pl
from jax.experimental.pallas import tpu as pltpu
from jax.experimental.pallas import tpu_sc as plsc

_K = 8192
_D = 256
_NT = 8192
_S = 512
_J = 2048
_SB = 4096 // _S
_GW = 128
_NA = 4
_JS = 512
_COMMIT = 0.25


def _argmin_body(cbf_ref, z_ref, cb_ref, idx_ref, loss_ref,
                 bval_ref, bstr_ref, z2s_ref, zbt_ref, c2_ref):
    tc = pl.program_id(0)
    cc = pl.program_id(1)

    @pl.when(jnp.logical_and(tc == 0, cc == 0))
    def _():
        loss_ref[...] = jnp.zeros((1, 1), jnp.float32)
        cbf = cbf_ref[...]
        c2_ref[...] = jnp.sum(cbf * cbf, axis=1, keepdims=True)

    @pl.when(cc == 0)
    def _():
        bval_ref[...] = jnp.full((_NA * 8, _S), jnp.inf, jnp.float32)
        bstr_ref[...] = jnp.zeros((_NA * 8, _S), jnp.int32)
        zt = z_ref[...].T
        z2 = jnp.sum(zt * zt, axis=0, keepdims=True)
        z2s_ref[...] = jnp.broadcast_to(z2, (8, _S))
        zbt_ref[...] = zt.astype(jnp.bfloat16)

    zb = zbt_ref[...]
    z2b = z2s_ref[...]
    bv = [bval_ref[pl.ds(8 * g, 8), :] for g in range(_NA)]
    bs = [bstr_ref[pl.ds(8 * g, 8), :] for g in range(_NA)]
    nk = _J // _JS

    def _subdot(k):
        cb = cb_ref[pl.ds(cc * _J + k * _JS, _JS), :]
        return jax.lax.dot_general(
            cb, zb, (((1,), (0,)), ((), ())),
            preferred_element_type=jnp.float32)

    def _sweep(k, mm2):
        for s2 in range(_JS // 8):
            s = k * (_JS // 8) + s2
            g = s % _NA
            mm_s = jax.lax.slice(mm2, (8 * s2, 0), (8 * s2 + 8, _S))
            c2s = c2_ref[pl.ds(cc * _J + 8 * s, 8), :]
            t = z2b + c2s
            d = t - mm_s
            nb = jnp.minimum(d, bv[g])
            m = nb != bv[g]
            bv[g] = nb
            bs[g] = jnp.where(m, cc * (_J // 8) + s, bs[g])

    mms = [_subdot(k) for k in range(nk)]
    for k in range(nk):
        _sweep(k, mms[k])
    for g in range(_NA):
        bval_ref[pl.ds(8 * g, 8), :] = bv[g]
        bstr_ref[pl.ds(8 * g, 8), :] = bs[g]

    @pl.when(cc == _K // _J - 1)
    def _():
        mv, ms = bv[0], bs[0]
        for g in range(1, _NA):
            better = (bv[g] < mv) | ((bv[g] == mv) & (bs[g] < ms))
            mv = jnp.where(better, bv[g], mv)
            ms = jnp.where(better, bs[g], ms)
        gmin = jnp.min(mv, axis=0, keepdims=True)
        ridx = ms * 8 + jax.lax.broadcasted_iota(jnp.int32, (8, _S), 0)
        lidx = jnp.min(jnp.where(mv == gmin, ridx, jnp.int32(2 ** 30)),
                       axis=0, keepdims=True)
        idx_ref[0] = lidx
        loss_ref[...] += jnp.sum(gmin).reshape(1, 1)


def _vq_argmin(z_flat, cbb, codebook):
    return pl.pallas_call(
        _argmin_body,
        grid=(_NT // _S, _K // _J),
        in_specs=[
            pl.BlockSpec((_K, _D), lambda tc, cc: (0, 0)),
            pl.BlockSpec((_S, _D), lambda tc, cc: (tc, 0)),
            pl.BlockSpec((_K, _D), lambda tc, cc: (0, 0)),
        ],
        out_specs=[
            pl.BlockSpec((1, 1, _S), lambda tc, cc: (tc, 0, 0)),
            pl.BlockSpec((1, 1), lambda tc, cc: (0, 0)),
        ],
        out_shape=[
            jax.ShapeDtypeStruct((_NT // _S, 1, _S), jnp.int32),
            jax.ShapeDtypeStruct((1, 1), jnp.float32),
        ],
        scratch_shapes=[
            pltpu.VMEM((_NA * 8, _S), jnp.float32),
            pltpu.VMEM((_NA * 8, _S), jnp.int32),
            pltpu.VMEM((8, _S), jnp.float32),
            pltpu.VMEM((_D, _S), jnp.bfloat16),
            pltpu.VMEM((_K, 1), jnp.float32),
        ],
    )(codebook, z_flat, cbb)


def _sc_gather(codebook, idx):
    idx2 = idx.reshape(1, _NT)

    @functools.partial(
        pl.kernel,
        out_type=jax.ShapeDtypeStruct((_NT, _D), jnp.float32),
        mesh=plsc.VectorSubcoreMesh(core_axis_name="c", subcore_axis_name="s"))
    def gather_kernel(cb_hbm, i_hbm, o_hbm):
        def body(i_vmem, o_vmem):
            pltpu.sync_copy(cb_hbm.at[i_vmem.at[0]], o_vmem)

        pltpu.emit_pipeline(
            body,
            grid=(_NT // _GW,),
            in_specs=[pl.BlockSpec((1, _GW), index_map=lambda i: (0, i))],
            out_specs=[pl.BlockSpec((_GW, _D), index_map=lambda i: (i, 0))],
            core_axis_name=("c", "s"),
            dimension_semantics=(pltpu.PARALLEL,),
        )(i_hbm, o_hbm)

    return gather_kernel(codebook, idx2)


def kernel(z, codebook):
    z_flat = jnp.transpose(z.reshape(2, _D, 4096), (0, 2, 1)).reshape(_NT, _D)
    cbb = codebook.astype(jnp.bfloat16) * jnp.bfloat16(2.0)

    idx3, loss_acc = _vq_argmin(z_flat, cbb, codebook)
    idx_flat = idx3.reshape(-1)

    rows = _sc_gather(codebook, idx_flat)
    z_q_out = jnp.transpose(rows.reshape(2, 4096, _D), (0, 2, 1)).reshape(
        z.shape)
    vq_loss = (1.0 + _COMMIT) * (loss_acc[0, 0] / (_NT * _D))
    indices = idx_flat.reshape((2, 4, 32, 32))
    return z_q_out, vq_loss, indices

# --- scband reference (transcript-rebuilt; emitter-appended) ---
"""Pipeline reference for scband-vector-quantizer-60103772340473 (READ-ONLY COPY).

The authoritative reference and input builder live on the scoring server;
editing this copy changes nothing except your own understanding.
"""

import jax, jax.numpy as jnp
import numpy as np

NUM_EMBEDDINGS = 8192
EMBEDDING_DIM = 256
COMMITMENT_COST = 0.25


def setup_inputs(seed: int = 0) -> dict:
    key = jax.random.key(seed)
    k1, k2 = jax.random.split(key)
    z = jax.random.normal(k1, (2, 256, 4, 32, 32), dtype=jnp.float32)
    # embedding weight initialized uniform(-1/K, 1/K) as in the torch module
    codebook = jax.random.uniform(
        k2, (NUM_EMBEDDINGS, EMBEDDING_DIM), dtype=jnp.float32,
        minval=-1.0 / NUM_EMBEDDINGS, maxval=1.0 / NUM_EMBEDDINGS)
    return {"z": z, "codebook": codebook}


def reference(z, codebook):
    # z: (B, C, D, H, W) -> (B, D, H, W, C)
    zp = jnp.transpose(z, (0, 2, 3, 4, 1))
    z_flat = zp.reshape(-1, EMBEDDING_DIM)
    distances = (jnp.sum(z_flat ** 2, axis=1, keepdims=True)
                 + jnp.sum(codebook ** 2, axis=1)
                 - 2.0 * jnp.matmul(z_flat, codebook.T))
    encoding_indices = jnp.argmin(distances, axis=1)
    z_q = jnp.take(codebook, encoding_indices, axis=0).reshape(zp.shape)
    # straight-through estimator
    z_q = zp + jax.lax.stop_gradient(z_q - zp)
    codebook_loss = jnp.mean((z_q - jax.lax.stop_gradient(zp)) ** 2)
    commitment_loss = jnp.mean((zp - jax.lax.stop_gradient(z_q)) ** 2)
    vq_loss = codebook_loss + COMMITMENT_COST * commitment_loss
    indices = encoding_indices.reshape(zp.shape[:-1])
    z_q_out = jnp.transpose(z_q, (0, 4, 1, 2, 3))
    return z_q_out, vq_loss, indices

if __name__ == "__main__":
    import jax
    _d = setup_inputs()
    print(jax.jit(kernel)(*tuple(_d.values())))

</pallas_src>

<mosaic_0001>
#map = affine_map<(d0, d1) -> (0, 0)>
module attributes {stable_mosaic.version = 14 : i64} {
  func.func @gather_kernel(%arg0: i32, %arg1: i32, %arg2: memref<8192x256xf32, #tpu.memory_space<hbm>>, %arg3: memref<1x8192xi32, #tpu.memory_space<hbm>>, %arg4: memref<8192x256xf32, #tpu.memory_space<hbm>>) attributes {dimension_semantics = [#tpu.dimension_semantics<core_parallel>, #tpu.dimension_semantics<subcore_parallel>], iteration_bounds = array<i64: 2, 16>, scalar_prefetch = 0 : i64, scratch_operands = 0 : i64, tpu.core_type = #tpu.core_type<sc_vector_subcore>, window_params = [{transform_indices = #map}, {transform_indices = #map}, {transform_indices = #map}]} {
    %mul3A = arith.constant 1 : i32
    %mul3A_0 = arith.muli %arg1, %mul3A : i32
    %add3A = arith.constant 0 : i32
    %add3A_1 = arith.addi %add3A, %mul3A_0 : i32
    %mul3A_2 = arith.constant 16 : i32
    %mul3A_3 = arith.muli %arg0, %mul3A_2 : i32
    %add3A_4 = arith.addi %add3A_1, %mul3A_3 : i32
    %mul3A_5 = arith.constant 2 : i32
    %mul3A_6 = arith.muli %add3A_4, %mul3A_5 : i32
    "tpu.region"() ({
      %run_scoped3A = memref.alloca() : memref<2x1x128xi32, #tpu.memory_space<vmem>>
      %run_scoped3A_7 = tpu.sem_alloc : memref<2x!tpu.dma_semaphore, #tpu.memory_space<semaphore_mem>>
      %run_scoped3A_8 = memref.alloca() : memref<2x128x256xf32, #tpu.memory_space<vmem>>
      %run_scoped3A_9 = tpu.sem_alloc : memref<2x!tpu.dma_semaphore, #tpu.memory_space<semaphore_mem>>
      %add3A_10 = arith.constant 0 : i32
      %add3A_11 = arith.addi %add3A_10, %mul3A_6 : i32
      %select_n3A = arith.constant true
      %select_n3A_12 = arith.constant 0 : i32
      %select_n3A_13 = arith.constant -1 : i32
      %select_n3A_14 = arith.select %select_n3A, %select_n3A_13, %select_n3A_12 : i32
      %eq3A = arith.constant -1 : i32
      %eq3A_15 = arith.cmpi eq, %select_n3A_14, %eq3A : i32
      %select_n3A_16 = arith.constant 1 : i32
      %select_n3A_17 = arith.select %eq3A_15, %select_n3A_16, %select_n3A_14 : i32
      %add3A_18 = arith.addi %select_n3A_17, %mul3A_6 : i32
      %select_n3A_19 = arith.constant true
      %select_n3A_20 = arith.constant 0 : i32
      %select_n3A_21 = arith.constant 1 : i32
      %select_n3A_22 = arith.select %select_n3A_19, %select_n3A_21, %select_n3A_20 : i32
      %eq3A_23 = arith.constant 2 : i32
      %eq3A_24 = arith.cmpi eq, %select_n3A_22, %eq3A_23 : i32
      %select_n3A_25 = arith.constant 0 : i32
      %select_n3A_26 = arith.select %eq3A_24, %select_n3A_25, %select_n3A_22 : i32
      %add3A_27 = arith.addi %select_n3A_26, %mul3A_6 : i32
      %add3A_28 = arith.constant 1 : i32
      %add3A_29 = arith.addi %select_n3A_26, %add3A_28 : i32
      %select_n3A_30 = arith.constant true
      %select_n3A_31 = arith.select %select_n3A_30, %add3A_29, %select_n3A_26 : i32
      %eq3A_32 = arith.constant 2 : i32
      %eq3A_33 = arith.cmpi eq, %select_n3A_31, %eq3A_32 : i32
      %select_n3A_34 = arith.constant 0 : i32
      %select_n3A_35 = arith.select %eq3A_33, %select_n3A_34, %select_n3A_31 : i32
      %add3A_36 = arith.addi %select_n3A_35, %mul3A_6 : i32
      "tpu.trace_start"() <{level = 10 : i32, message = "ep_initialize_0"}> : () -> ()
      %rem3A = arith.constant 0 : i32
      %rem3A_37 = arith.constant 2 : i32
      %rem3A_38 = arith.remui %rem3A, %rem3A_37 : i32
      %mul3A_39 = arith.constant 128 : i32
      %mul3A_40 = arith.muli %mul3A_39, %add3A_11 : i32
      %dma_start3A = arith.constant 0 : i32
      %dma_start3A_41 = arith.constant 0 : i32
      %dma_start3A_42 = tpu.memref_slice %run_scoped3A[%rem3A_38, %dma_start3A, %dma_start3A_41] : memref<2x1x128xi32, #tpu.memory_space<vmem>> -> memref<1x1x128xi32, #tpu.memory_space<vmem>>
      %dma_start3A_43 = tpu.memref_squeeze %dma_start3A_42 : memref<1x1x128xi32, #tpu.memory_space<vmem>> -> memref<1x128xi32, #tpu.memory_space<vmem>>
      %dma_start3A_44 = arith.constant 0 : i32
      %dma_start3A_45 = tpu.memref_slice %arg3[%dma_start3A_44, %mul3A_40] : memref<1x8192xi32, #tpu.memory_space<hbm>> -> memref<1x128xi32, #tpu.memory_space<hbm>>
      %dma_start3A_46 = tpu.memref_slice %run_scoped3A_7[%rem3A_38] : memref<2x!tpu.dma_semaphore, #tpu.memory_space<semaphore_mem>> -> memref<1x!tpu.dma_semaphore, #tpu.memory_space<semaphore_mem>>
      %dma_start3A_47 = tpu.memref_squeeze %dma_start3A_46 : memref<1x!tpu.dma_semaphore, #tpu.memory_space<semaphore_mem>> -> memref<!tpu.dma_semaphore, #tpu.memory_space<semaphore_mem>>
      %dma_start3A_48 = arith.constant 0 : i32
      %dma_start3A_49 = arith.constant 0 : i32
      %dma_start3A_50 = tpu.memref_slice %run_scoped3A[%rem3A_38, %dma_start3A_48, %dma_start3A_49] : memref<2x1x128xi32, #tpu.memory_space<vmem>> -> memref<1x1x128xi32, #tpu.memory_space<vmem>>
      %dma_start3A_51 = tpu.memref_squeeze %dma_start3A_50 : memref<1x1x128xi32, #tpu.memory_space<vmem>> -> memref<1x128xi32, #tpu.memory_space<vmem>>
      %dma_start3A_52 = arith.constant 0 : i32
      %dma_start3A_53 = tpu.memref_slice %arg3[%dma_start3A_52, %mul3A_40] : memref<1x8192xi32, #tpu.memory_space<hbm>> -> memref<1x128xi32, #tpu.memory_space<hbm>>
      tpu.enqueue_dma source(%dma_start3A_53 : memref<1x128xi32, #tpu.memory_space<hbm>>) target(%dma_start3A_51 : memref<1x128xi32, #tpu.memory_space<vmem>>) target_semaphore(%dma_start3A_47 : memref<!tpu.dma_semaphore, #tpu.memory_space<semaphore_mem>>)
      %add3A_54 = arith.constant 0 : i32
      %add3A_55 = arith.constant 1 : i32
      %add3A_56 = arith.addi %add3A_54, %add3A_55 : i32
      %select_n3A_57 = arith.constant true
      %select_n3A_58 = arith.constant 0 : i32
      %select_n3A_59 = arith.select %select_n3A_57, %add3A_56, %select_n3A_58 : i32
      "tpu.trace_stop"() : () -> ()
      %scan3A = arith.constant 0 : i32
      %scan3A_60 = arith.constant 0 : i32
      %scan3A_61 = arith.constant 0 : i32
      %scan3A_62 = arith.constant 0 : i32
      %scan3A_63 = arith.constant 0 : i32
      %scan3A_64 = arith.constant 2 : i32
      %scan3A_65 = arith.addi %scan3A_63, %scan3A_64 : i32
      %scan3A_66 = arith.constant 1 : i32
      %scan3A_67:5 = scf.for %scan3A_121 = %scan3A_63 to %scan3A_65 step %scan3A_66 iter_args(%scan3A_122 = %select_n3A_59, %scan3A_123 = %scan3A, %scan3A_124 = %scan3A_60, %scan3A_125 = %scan3A_61, %scan3A_126 = %scan3A_62) -> (i32, i32, i32, i32, i32)  : i32 {
        %eq3A_127 = arith.constant 0 : i32
        %eq3A_128 = arith.cmpi eq, %scan3A_121, %eq3A_127 : i32
        %eq3A_129 = arith.constant 1 : i32
        %eq3A_130 = arith.cmpi eq, %scan3A_121, %eq3A_129 : i32
        %add3A_131 = arith.addi %scan3A_126, %mul3A_6 : i32
        %sub3A_132 = arith.constant 1 : i32
        %sub3A_133 = arith.subi %scan3A_126, %sub3A_132 : i32
        %select_n3A_134 = arith.constant true
        %select_n3A_135 = arith.select %select_n3A_134, %sub3A_133, %scan3A_126 : i32
        %eq3A_136 = arith.constant -1 : i32
        %eq3A_137 = arith.cmpi eq, %select_n3A_135, %eq3A_136 : i32
        %select_n3A_138 = arith.constant 1 : i32
        %select_n3A_139 = arith.select %eq3A_137, %select_n3A_138, %select_n3A_135 : i32
        %add3A_140 = arith.addi %select_n3A_139, %mul3A_6 : i32
        %add3A_141 = arith.constant 1 : i32
        %add3A_142 = arith.addi %scan3A_126, %add3A_141 : i32
        %select_n3A_143 = arith.constant true
        %select_n3A_144 = arith.select %select_n3A_143, %add3A_142, %scan3A_126 : i32
        %eq3A_145 = arith.constant 2 : i32
        %eq3A_146 = arith.cmpi eq, %select_n3A_144, %eq3A_145 : i32
        %select_n3A_147 = arith.constant 0 : i32
        %select_n3A_148 = arith.select %eq3A_146, %select_n3A_147, %select_n3A_144 : i32
        %add3A_149 = arith.addi %select_n3A_148, %mul3A_6 : i32
        %add3A_150 = arith.constant 1 : i32
        %add3A_151 = arith.addi %select_n3A_148, %add3A_150 : i32
        %select_n3A_152 = arith.constant true
        %select_n3A_153 = arith.select %select_n3A_152, %add3A_151, %select_n3A_148 : i32
        %eq3A_154 = arith.constant 2 : i32
        %eq3A_155 = arith.cmpi eq, %select_n3A_153, %eq3A_154 : i32
        %select_n3A_156 = arith.constant 0 : i32
        %select_n3A_157 = arith.select %eq3A_155, %select_n3A_156, %select_n3A_153 : i32
        %add3A_158 = arith.addi %select_n3A_157, %mul3A_6 : i32
        %ne3A = arith.cmpi ne, %add3A_131, %add3A_149 : i32
        %or3A = arith.constant false
        %or3A_159 = arith.ori %or3A, %ne3A : i1
        %ge3A = arith.constant 1 : i32
        %ge3A_160 = arith.cmpi sge, %scan3A_121, %ge3A : i32
        %not3A = arith.constant true
        %not3A_161 = arith.xori %ge3A_160, %not3A : i1
        %and3A = arith.andi %or3A_159, %not3A_161 : i1
        %convert_element_type3A = arith.extui %and3A : i1 to i32
        %cond3A = arith.constant 0 : i32
        %cond3A_162 = arith.cmpi ne, %convert_element_type3A, %cond3A : i32
        scf.if %cond3A_162 {
          "tpu.trace_start"() <{level = 10 : i32, message = "ep_copy_in"}> : () -> ()
          %rem3A_264 = arith.constant 2 : i32
          %rem3A_265 = arith.remui %scan3A_122, %rem3A_264 : i32
          %mul3A_266 = arith.constant 128 : i32
          %mul3A_267 = arith.muli %mul3A_266, %add3A_149 : i32
          %dma_start3A_268 = arith.constant 0 : i32
          %dma_start3A_269 = arith.constant 0 : i32
          %dma_start3A_270 = tpu.memref_slice %run_scoped3A[%rem3A_265, %dma_start3A_268, %dma_start3A_269] : memref<2x1x128xi32, #tpu.memory_space<vmem>> -> memref<1x1x128xi32, #tpu.memory_space<vmem>>
          %dma_start3A_271 = tpu.memref_squeeze %dma_start3A_270 : memref<1x1x128xi32, #tpu.memory_space<vmem>> -> memref<1x128xi32, #tpu.memory_space<vmem>>
          %dma_start3A_272 = arith.constant 0 : i32
          %dma_start3A_273 = tpu.memref_slice %arg3[%dma_start3A_272, %mul3A_267] : memref<1x8192xi32, #tpu.memory_space<hbm>> -> memref<1x128xi32, #tpu.memory_space<hbm>>
          %dma_start3A_274 = tpu.memref_slice %run_scoped3A_7[%rem3A_265] : memref<2x!tpu.dma_semaphore, #tpu.memory_space<semaphore_mem>> -> memref<1x!tpu.dma_semaphore, #tpu.memory_space<semaphore_mem>>
          %dma_start3A_275 = tpu.memref_squeeze %dma_start3A_274 : memref<1x!tpu.dma_semaphore, #tpu.memory_space<semaphore_mem>> -> memref<!tpu.dma_semaphore, #tpu.memory_space<semaphore_mem>>
          %dma_start3A_276 = arith.constant 0 : i32
          %dma_start3A_277 = arith.constant 0 : i32
          %dma_start3A_278 = tpu.memref_slice %run_scoped3A[%rem3A_265, %dma_start3A_276, %dma_start3A_277] : memref<2x1x128xi32, #tpu.memory_space<vmem>> -> memref<1x1x128xi32, #tpu.memory_space<vmem>>
          %dma_start3A_279 = tpu.memref_squeeze %dma_start3A_278 : memref<1x1x128xi32, #tpu.memory_space<vmem>> -> memref<1x128xi32, #tpu.memory_space<vmem>>
          %dma_start3A_280 = arith.constant 0 : i32
          %dma_start3A_281 = tpu.memref_slice %arg3[%dma_start3A_280, %mul3A_267] : memref<1x8192xi32, #tpu.memory_space<hbm>> -> memref<1x128xi32, #tpu.memory_space<hbm>>
          tpu.enqueue_dma source(%dma_start3A_281 : memref<1x128xi32, #tpu.memory_space<hbm>>) target(%dma_start3A_279 : memref<1x128xi32, #tpu.memory_space<vmem>>) target_semaphore(%dma_start3A_275 : memref<!tpu.dma_semaphore, #tpu.memory_space<semaphore_mem>>)
          "tpu.trace_stop"() : () -> ()
        } else {
        }
        %and3A_163 = arith.constant true
        %and3A_164 = arith.andi %and3A, %and3A_163 : i1
        %add3A_165 = arith.constant 1 : i32
        %add3A_166 = arith.addi %scan3A_122, %add3A_165 : i32
        %select_n3A_167 = arith.select %and3A_164, %add3A_166, %scan3A_122 : i32
        %ne3A_168 = arith.cmpi ne, %add3A_131, %add3A_149 : i32
        %or3A_169 = arith.constant false
        %or3A_170 = arith.ori %or3A_169, %ne3A_168 : i1
        %or3A_171 = arith.constant false
        %or3A_172 = arith.ori %or3A_170, %or3A_171 : i1
        %ge3A_173 = arith.constant 1 : i32
        %ge3A_174 = arith.cmpi sge, %scan3A_121, %ge3A_173 : i32
        %not3A_175 = arith.constant true
        %not3A_176 = arith.xori %ge3A_174, %not3A_175 : i1
        %and3A_177 = arith.andi %or3A_172, %not3A_176 : i1
        %ne3A_178 = arith.cmpi ne, %add3A_131, %add3A_140 : i32
        %or3A_179 = arith.constant false
        %or3A_180 = arith.ori %or3A_179, %ne3A_178 : i1
        %or3A_181 = arith.ori %or3A_180, %eq3A_128 : i1
        %convert_element_type3A_182 = arith.extui %or3A_181 : i1 to i32
        %cond3A_183 = arith.constant 0 : i32
        %cond3A_184 = arith.cmpi ne, %convert_element_type3A_182, %cond3A_183 : i32
        scf.if %cond3A_184 {
          "tpu.trace_start"() <{level = 10 : i32, message = "ep_wait_in"}> : () -> ()
          %mul3A_264 = arith.constant 128 : i32
          %mul3A_265 = arith.muli %mul3A_264, %add3A_131 : i32
          %rem3A_266 = arith.constant 2 : i32
          %rem3A_267 = arith.remui %scan3A_123, %rem3A_266 : i32
          %dma_wait3A_268 = arith.constant 0 : i32
          %dma_wait3A_269 = arith.constant 0 : i32
          %dma_wait3A_270 = tpu.memref_slice %run_scoped3A[%rem3A_267, %dma_wait3A_268, %dma_wait3A_269] : memref<2x1x128xi32, #tpu.memory_space<vmem>> -> memref<1x1x128xi32, #tpu.memory_space<vmem>>
          %dma_wait3A_271 = tpu.memref_squeeze %dma_wait3A_270 : memref<1x1x128xi32, #tpu.memory_space<vmem>> -> memref<1x128xi32, #tpu.memory_space<vmem>>
          %dma_wait3A_272 = arith.constant 0 : i32
          %dma_wait3A_273 = tpu.memref_slice %arg3[%dma_wait3A_272, %mul3A_265] : memref<1x8192xi32, #tpu.memory_space<hbm>> -> memref<1x128xi32, #tpu.memory_space<hbm>>
          %dma_wait3A_274 = tpu.memref_slice %run_scoped3A_7[%rem3A_267] : memref<2x!tpu.dma_semaphore, #tpu.memory_space<semaphore_mem>> -> memref<1x!tpu.dma_semaphore, #tpu.memory_space<semaphore_mem>>
          %dma_wait3A_275 = tpu.memref_squeeze %dma_wait3A_274 : memref<1x!tpu.dma_semaphore, #tpu.memory_space<semaphore_mem>> -> memref<!tpu.dma_semaphore, #tpu.memory_space<semaphore_mem>>
          %dma_wait3A_276 = arith.constant 0 : i32
          %dma_wait3A_277 = arith.constant 0 : i32
          %dma_wait3A_278 = tpu.memref_slice %run_scoped3A[%rem3A_267, %dma_wait3A_276, %dma_wait3A_277] : memref<2x1x128xi32, #tpu.memory_space<vmem>> -> memref<1x1x128xi32, #tpu.memory_space<vmem>>
          %dma_wait3A_279 = tpu.memref_squeeze %dma_wait3A_278 : memref<1x1x128xi32, #tpu.memory_space<vmem>> -> memref<1x128xi32, #tpu.memory_space<vmem>>
          %dma_wait3A_280 = arith.constant 0 : i32
          %dma_wait3A_281 = tpu.memref_slice %arg3[%dma_wait3A_280, %mul3A_265] : memref<1x8192xi32, #tpu.memory_space<hbm>> -> memref<1x128xi32, #tpu.memory_space<hbm>>
          tpu.wait_dma2 semaphore(%dma_wait3A_275 : memref<!tpu.dma_semaphore, #tpu.memory_space<semaphore_mem>>) src(%dma_wait3A_281 : memref<1x128xi32, #tpu.memory_space<hbm>>) dst(%dma_wait3A_279 : memref<1x128xi32, #tpu.memory_space<vmem>>)
          "tpu.trace_stop"() : () -> ()
        } else {
        }
        %ne3A_185 = arith.cmpi ne, %add3A_131, %add3A_140 : i32
        %or3A_186 = arith.constant false
        %or3A_187 = arith.ori %or3A_186, %ne3A_185 : i1
        %or3A_188 = arith.constant false
        %or3A_189 = arith.ori %or3A_187, %or3A_188 : i1
        %or3A_190 = arith.ori %or3A_189, %eq3A_128 : i1
        %convert_element_type3A_191 = arith.extui %or3A_190 : i1 to i32
        %cond3A_192 = arith.constant 0 : i32
        %cond3A_193 = arith.cmpi ne, %convert_element_type3A_191, %cond3A_192 : i32
        scf.if %cond3A_193 {
        } else {
        }
        %rem3A_194 = arith.constant 2 : i32
        %rem3A_195 = arith.remui %scan3A_123, %rem3A_194 : i32
        %rem3A_196 = arith.constant 2 : i32
        %rem3A_197 = arith.remui %scan3A_124, %rem3A_196 : i32
        %run_scoped3A_198 = arith.constant 0 : i32
        "tpu.trace_start"() <{level = 10 : i32, message = "ep_run_kernel"}> : () -> ()
        "tpu.region"() ({
          %run_scoped3A_264 = tpu.sem_alloc : memref<!tpu.dma_semaphore, #tpu.memory_space<semaphore_mem>>
          %dma_start3A_265 = arith.constant 0 : i32
          %dma_start3A_266 = arith.constant 0 : i32
          %dma_start3A_267 = tpu.memref_slice %run_scoped3A_8[%rem3A_197, %dma_start3A_265, %dma_start3A_266] : memref<2x128x256xf32, #tpu.memory_space<vmem>> -> memref<1x128x256xf32, #tpu.memory_space<vmem>>
          %dma_start3A_268 = tpu.memref_squeeze %dma_start3A_267 : memref<1x128x256xf32, #tpu.memory_space<vmem>> -> memref<128x256xf32, #tpu.memory_space<vmem>>
          %dma_start3A_269 = arith.constant 0 : i32
          %dma_start3A_270 = arith.constant 0 : i32
          %dma_start3A_271 = tpu.memref_slice %run_scoped3A[%rem3A_195, %dma_start3A_269, %dma_start3A_270] : memref<2x1x128xi32, #tpu.memory_space<vmem>> -> memref<1x1x128xi32, #tpu.memory_space<vmem>>
          %dma_start3A_272 = tpu.memref_squeeze %dma_start3A_271 : memref<1x1x128xi32, #tpu.memory_space<vmem>> -> memref<1x128xi32, #tpu.memory_space<vmem>>
          %dma_start3A_273 = arith.constant 0 : i32
          %dma_start3A_274 = tpu.memref_slice %dma_start3A_272[%run_scoped3A_198, %dma_start3A_273] : memref<1x128xi32, #tpu.memory_space<vmem>> -> memref<1x128xi32, #tpu.memory_space<vmem>>
          %dma_start3A_275 = tpu.memref_squeeze %dma_start3A_274 : memref<1x128xi32, #tpu.memory_space<vmem>> -> memref<128xi32, #tpu.memory_space<vmem>>
          %dma_start3A_276 = arith.constant 0 : i32
          %dma_start3A_277 = arith.constant 0 : i32
          %dma_start3A_278 = tpu.memref_slice %arg2[%dma_start3A_276, %dma_start3A_277] : memref<8192x256xf32, #tpu.memory_space<hbm>> -> memref<8192x256xf32, #tpu.memory_space<hbm>>
          tpu.enqueue_indirect_dma source(%dma_start3A_278 : memref<8192x256xf32, #tpu.memory_space<hbm>>) target(%dma_start3A_268 : memref<128x256xf32, #tpu.memory_space<vmem>>) offsets(%dma_start3A_275 : memref<128xi32, #tpu.memory_space<vmem>>) semaphore(%run_scoped3A_264 : memref<!tpu.dma_semaphore, #tpu.memory_space<semaphore_mem>>)
          %dma_wait3A_279 = arith.constant 0 : i32
          %dma_wait3A_280 = arith.constant 0 : i32
          %dma_wait3A_281 = tpu.memref_slice %run_scoped3A_8[%rem3A_197, %dma_wait3A_279, %dma_wait3A_280] : memref<2x128x256xf32, #tpu.memory_space<vmem>> -> memref<1x128x256xf32, #tpu.memory_space<vmem>>
          %dma_wait3A_282 = tpu.memref_squeeze %dma_wait3A_281 : memref<1x128x256xf32, #tpu.memory_space<vmem>> -> memref<128x256xf32, #tpu.memory_space<vmem>>
          %dma_wait3A_283 = arith.constant 0 : i32
          %dma_wait3A_284 = arith.constant 0 : i32
          %dma_wait3A_285 = tpu.memref_slice %run_scoped3A[%rem3A_195, %dma_wait3A_283, %dma_wait3A_284] : memref<2x1x128xi32, #tpu.memory_space<vmem>> -> memref<1x1x128xi32, #tpu.memory_space<vmem>>
          %dma_wait3A_286 = tpu.memref_squeeze %dma_wait3A_285 : memref<1x1x128xi32, #tpu.memory_space<vmem>> -> memref<1x128xi32, #tpu.memory_space<vmem>>
          %dma_wait3A_287 = arith.constant 0 : i32
          %dma_wait3A_288 = tpu.memref_slice %dma_wait3A_286[%run_scoped3A_198, %dma_wait3A_287] : memref<1x128xi32, #tpu.memory_space<vmem>> -> memref<1x128xi32, #tpu.memory_space<vmem>>
          %dma_wait3A_289 = tpu.memref_squeeze %dma_wait3A_288 : memref<1x128xi32, #tpu.memory_space<vmem>> -> memref<128xi32, #tpu.memory_space<vmem>>
          %dma_wait3A_290 = arith.constant 0 : i32
          %dma_wait3A_291 = arith.constant 0 : i32
          %dma_wait3A_292 = tpu.memref_slice %arg2[%dma_wait3A_290, %dma_wait3A_291] : memref<8192x256xf32, #tpu.memory_space<hbm>> -> memref<8192x256xf32, #tpu.memory_space<hbm>>
          tpu.wait_indirect_dma semaphore(%run_scoped3A_264 : memref<!tpu.dma_semaphore, #tpu.memory_space<semaphore_mem>>) src(%dma_wait3A_292 : memref<8192x256xf32, #tpu.memory_space<hbm>>) dst(%dma_wait3A_282 : memref<128x256xf32, #tpu.memory_space<vmem>>)
          tpu.yield
        }) : () -> ()
        "tpu.trace_stop"() : () -> ()
        %ne3A_199 = arith.cmpi ne, %add3A_131, %add3A_149 : i32
        %or3A_200 = arith.constant false
        %or3A_201 = arith.ori %or3A_200, %ne3A_199 : i1
        %or3A_202 = arith.ori %or3A_201, %eq3A_130 : i1
        %convert_element_type3A_203 = arith.extui %or3A_202 : i1 to i32
        %cond3A_204 = arith.constant 0 : i32
        %cond3A_205 = arith.cmpi ne, %convert_element_type3A_203, %cond3A_204 : i32
        scf.if %cond3A_205 {
        } else {
        }
        %and3A_206 = arith.constant false
        %and3A_207 = arith.andi %or3A_202, %and3A_206 : i1
        %ne3A_208 = arith.cmpi ne, %add3A_131, %add3A_149 : i32
        %or3A_209 = arith.constant false
        %or3A_210 = arith.ori %or3A_209, %ne3A_208 : i1
        %or3A_211 = arith.constant false
        %or3A_212 = arith.ori %or3A_210, %or3A_211 : i1
        %or3A_213 = arith.ori %or3A_212, %eq3A_130 : i1
        %convert_element_type3A_214 = arith.extui %or3A_213 : i1 to i32
        %cond3A_215 = arith.constant 0 : i32
        %cond3A_216 = arith.cmpi ne, %convert_element_type3A_214, %cond3A_215 : i32
        scf.if %cond3A_216 {
          "tpu.trace_start"() <{level = 10 : i32, message = "ep_copy_out"}> : () -> ()
          %rem3A_264 = arith.constant 2 : i32
          %rem3A_265 = arith.remui %scan3A_124, %rem3A_264 : i32
          %mul3A_266 = arith.constant 128 : i32
          %mul3A_267 = arith.muli %mul3A_266, %add3A_131 : i32
          %dma_start3A_268 = arith.constant 0 : i32
          %dma_start3A_269 = arith.constant 0 : i32
          %dma_start3A_270 = tpu.memref_slice %run_scoped3A_8[%rem3A_265, %dma_start3A_268, %dma_start3A_269] : memref<2x128x256xf32, #tpu.memory_space<vmem>> -> memref<1x128x256xf32, #tpu.memory_space<vmem>>
          %dma_start3A_271 = tpu.memref_squeeze %dma_start3A_270 : memref<1x128x256xf32, #tpu.memory_space<vmem>> -> memref<128x256xf32, #tpu.memory_space<vmem>>
          %dma_start3A_272 = arith.constant 0 : i32
          %dma_start3A_273 = tpu.memref_slice %arg4[%mul3A_267, %dma_start3A_272] : memref<8192x256xf32, #tpu.memory_space<hbm>> -> memref<128x256xf32, #tpu.memory_space<hbm>>
          %dma_start3A_274 = tpu.memref_slice %run_scoped3A_9[%rem3A_265] : memref<2x!tpu.dma_semaphore, #tpu.memory_space<semaphore_mem>> -> memref<1x!tpu.dma_semaphore, #tpu.memory_space<semaphore_mem>>
          %dma_start3A_275 = tpu.memref_squeeze %dma_start3A_274 : memref<1x!tpu.dma_semaphore, #tpu.memory_space<semaphore_mem>> -> memref<!tpu.dma_semaphore, #tpu.memory_space<semaphore_mem>>
          %dma_start3A_276 = arith.constant 0 : i32
          %dma_start3A_277 = tpu.memref_slice %arg4[%mul3A_267, %dma_start3A_276] : memref<8192x256xf32, #tpu.memory_space<hbm>> -> memref<128x256xf32, #tpu.memory_space<hbm>>
          %dma_start3A_278 = arith.constant 0 : i32
          %dma_start3A_279 = arith.constant 0 : i32
          %dma_start3A_280 = tpu.memref_slice %run_scoped3A_8[%rem3A_265, %dma_start3A_278, %dma_start3A_279] : memref<2x128x256xf32, #tpu.memory_space<vmem>> -> memref<1x128x256xf32, #tpu.memory_space<vmem>>
          %dma_start3A_281 = tpu.memref_squeeze %dma_start3A_280 : memref<1x128x256xf32, #tpu.memory_space<vmem>> -> memref<128x256xf32, #tpu.memory_space<vmem>>
          tpu.enqueue_dma source(%dma_start3A_281 : memref<128x256xf32, #tpu.memory_space<vmem>>) target(%dma_start3A_277 : memref<128x256xf32, #tpu.memory_space<hbm>>) target_semaphore(%dma_start3A_275 : memref<!tpu.dma_semaphore, #tpu.memory_space<semaphore_mem>>)
          "tpu.trace_stop"() : () -> ()
        } else {
        }
        %and3A_217 = arith.constant true
        %and3A_218 = arith.andi %or3A_213, %and3A_217 : i1
        %add3A_219 = arith.constant 1 : i32
        %add3A_220 = arith.addi %scan3A_124, %add3A_219 : i32
        %select_n3A_221 = arith.select %and3A_218, %add3A_220, %scan3A_124 : i32
        %ne3A_222 = arith.cmpi ne, %add3A_131, %add3A_140 : i32
        %or3A_223 = arith.constant false
        %or3A_224 = arith.ori %or3A_223, %ne3A_222 : i1
        %not3A_225 = arith.constant true
        %not3A_226 = arith.xori %eq3A_128, %not3A_225 : i1
        %and3A_227 = arith.andi %or3A_224, %not3A_226 : i1
        %convert_element_type3A_228 = arith.extui %and3A_227 : i1 to i32
        %cond3A_229 = arith.constant 0 : i32
        %cond3A_230 = arith.cmpi ne, %convert_element_type3A_228, %cond3A_229 : i32
        scf.if %cond3A_230 {
        } else {
        }
        %and3A_231 = arith.constant false
        %and3A_232 = arith.andi %and3A_227, %and3A_231 : i1
        %ne3A_233 = arith.cmpi ne, %add3A_131, %add3A_140 : i32
        %or3A_234 = arith.constant false
        %or3A_235 = arith.ori %or3A_234, %ne3A_233 : i1
        %or3A_236 = arith.constant false
        %or3A_237 = arith.ori %or3A_235, %or3A_236 : i1
        %not3A_238 = arith.constant true
        %not3A_239 = arith.xori %eq3A_128, %not3A_238 : i1
        %and3A_240 = arith.andi %or3A_237, %not3A_239 : i1
        %convert_element_type3A_241 = arith.extui %and3A_240 : i1 to i32
        %cond3A_242 = arith.constant 0 : i32
        %cond3A_243 = arith.cmpi ne, %convert_element_type3A_241, %cond3A_242 : i32
        scf.if %cond3A_243 {
          "tpu.trace_start"() <{level = 10 : i32, message = "ep_wait_out"}> : () -> ()
          %rem3A_264 = arith.constant 2 : i32
          %rem3A_265 = arith.remui %scan3A_125, %rem3A_264 : i32
          %mul3A_266 = arith.constant 128 : i32
          %mul3A_267 = arith.muli %mul3A_266, %add3A_140 : i32
          %dma_wait3A_268 = arith.constant 0 : i32
          %dma_wait3A_269 = arith.constant 0 : i32
          %dma_wait3A_270 = tpu.memref_slice %run_scoped3A_8[%rem3A_265, %dma_wait3A_268, %dma_wait3A_269] : memref<2x128x256xf32, #tpu.memory_space<vmem>> -> memref<1x128x256xf32, #tpu.memory_space<vmem>>
          %dma_wait3A_271 = tpu.memref_squeeze %dma_wait3A_270 : memref<1x128x256xf32, #tpu.memory_space<vmem>> -> memref<128x256xf32, #tpu.memory_space<vmem>>
          %dma_wait3A_272 = arith.constant 0 : i32
          %dma_wait3A_273 = tpu.memref_slice %arg4[%mul3A_267, %dma_wait3A_272] : memref<8192x256xf32, #tpu.memory_space<hbm>> -> memref<128x256xf32, #tpu.memory_space<hbm>>
          %dma_wait3A_274 = tpu.memref_slice %run_scoped3A_9[%rem3A_265] : memref<2x!tpu.dma_semaphore, #tpu.memory_space<semaphore_mem>> -> memref<1x!tpu.dma_semaphore, #tpu.memory_space<semaphore_mem>>
          %dma_wait3A_275 = tpu.memref_squeeze %dma_wait3A_274 : memref<1x!tpu.dma_semaphore, #tpu.memory_space<semaphore_mem>> -> memref<!tpu.dma_semaphore, #tpu.memory_space<semaphore_mem>>
          %dma_wait3A_276 = arith.constant 0 : i32
          %dma_wait3A_277 = tpu.memref_slice %arg4[%mul3A_267, %dma_wait3A_276] : memref<8192x256xf32, #tpu.memory_space<hbm>> -> memref<128x256xf32, #tpu.memory_space<hbm>>
          %dma_wait3A_278 = arith.constant 0 : i32
          %dma_wait3A_279 = arith.constant 0 : i32
          %dma_wait3A_280 = tpu.memref_slice %run_scoped3A_8[%rem3A_265, %dma_wait3A_278, %dma_wait3A_279] : memref<2x128x256xf32, #tpu.memory_space<vmem>> -> memref<1x128x256xf32, #tpu.memory_space<vmem>>
          %dma_wait3A_281 = tpu.memref_squeeze %dma_wait3A_280 : memref<1x128x256xf32, #tpu.memory_space<vmem>> -> memref<128x256xf32, #tpu.memory_space<vmem>>
          tpu.wait_dma2 semaphore(%dma_wait3A_275 : memref<!tpu.dma_semaphore, #tpu.memory_space<semaphore_mem>>) src(%dma_wait3A_281 : memref<128x256xf32, #tpu.memory_space<vmem>>) dst(%dma_wait3A_277 : memref<128x256xf32, #tpu.memory_space<hbm>>)
          "tpu.trace_stop"() : () -> ()
        } else {
        }
        %and3A_244 = arith.constant true
        %and3A_245 = arith.andi %and3A_240, %and3A_244 : i1
        %add3A_246 = arith.constant 1 : i32
        %add3A_247 = arith.addi %scan3A_125, %add3A_246 : i32
        %select_n3A_248 = arith.select %and3A_245, %add3A_247, %scan3A_125 : i32
        %ne3A_249 = arith.cmpi ne, %add3A_131, %add3A_149 : i32
        %or3A_250 = arith.constant false
        %or3A_251 = arith.ori %or3A_250, %ne3A_249 : i1
        %or3A_252 = arith.ori %or3A_251, %eq3A_130 : i1
        %add3A_253 = arith.constant 1 : i32
        %add3A_254 = arith.addi %scan3A_123, %add3A_253 : i32
        %select_n3A_255 = arith.select %or3A_252, %add3A_254, %scan3A_123 : i32
        %add3A_256 = arith.constant 1 : i32
        %add3A_257 = arith.addi %scan3A_126, %add3A_256 : i32
        %select_n3A_258 = arith.constant true
        %select_n3A_259 = arith.select %select_n3A_258, %add3A_257, %scan3A_126 : i32
        %eq3A_260 = arith.constant 2 : i32
        %eq3A_261 = arith.cmpi eq, %select_n3A_259, %eq3A_260 : i32
        %select_n3A_262 = arith.constant 0 : i32
        %select_n3A_263 = arith.select %eq3A_261, %select_n3A_262, %select_n3A_259 : i32
        scf.yield %select_n3A_167, %select_n3A_255, %select_n3A_221, %select_n3A_248, %select_n3A_263 : i32, i32, i32, i32, i32
      }
      %scan3A_68 = arith.constant 2 : i32
      %sub3A = arith.constant 1 : i32
      %sub3A_69 = arith.subi %scan3A_67#4, %sub3A : i32
      %select_n3A_70 = arith.constant true
      %select_n3A_71 = arith.select %select_n3A_70, %sub3A_69, %scan3A_67#4 : i32
      %eq3A_72 = arith.constant -1 : i32
      %eq3A_73 = arith.cmpi eq, %select_n3A_71, %eq3A_72 : i32
      %select_n3A_74 = arith.constant 1 : i32
      %select_n3A_75 = arith.select %eq3A_73, %select_n3A_74, %select_n3A_71 : i32
      %add3A_76 = arith.addi %select_n3A_75, %mul3A_6 : i32
      %sub3A_77 = arith.constant 1 : i32
      %sub3A_78 = arith.subi %select_n3A_75, %sub3A_77 : i32
      %select_n3A_79 = arith.constant true
      %select_n3A_80 = arith.select %select_n3A_79, %sub3A_78, %select_n3A_75 : i32
      %eq3A_81 = arith.constant -1 : i32
      %eq3A_82 = arith.cmpi eq, %select_n3A_80, %eq3A_81 : i32
      %select_n3A_83 = arith.constant 1 : i32
      %select_n3A_84 = arith.select %eq3A_82, %select_n3A_83, %select_n3A_80 : i32
      %add3A_85 = arith.addi %select_n3A_84, %mul3A_6 : i32
      %add3A_86 = arith.constant 1 : i32
      %add3A_87 = arith.addi %select_n3A_75, %add3A_86 : i32
      %select_n3A_88 = arith.constant true
      %select_n3A_89 = arith.select %select_n3A_88, %add3A_87, %select_n3A_75 : i32
      %eq3A_90 = arith.constant 2 : i32
      %eq3A_91 = arith.cmpi eq, %select_n3A_89, %eq3A_90 : i32
      %select_n3A_92 = arith.constant 0 : i32
      %select_n3A_93 = arith.select %eq3A_91, %select_n3A_92, %select_n3A_89 : i32
      %add3A_94 = arith.addi %select_n3A_93, %mul3A_6 : i32
      %add3A_95 = arith.constant 1 : i32
      %add3A_96 = arith.addi %select_n3A_93, %add3A_95 : i32
      %select_n3A_97 = arith.constant true
      %select_n3A_98 = arith.select %select_n3A_97, %add3A_96, %select_n3A_93 : i32
      %eq3A_99 = arith.constant 2 : i32
      %eq3A_100 = arith.cmpi eq, %select_n3A_98, %eq3A_99 : i32
      %select_n3A_101 = arith.constant 0 : i32
      %select_n3A_102 = arith.select %eq3A_100, %select_n3A_101, %select_n3A_98 : i32
      %add3A_103 = arith.addi %select_n3A_102, %mul3A_6 : i32
      "tpu.trace_start"() <{level = 10 : i32, message = "ep_finalize"}> : () -> ()
      %rem3A_104 = arith.constant 2 : i32
      %rem3A_105 = arith.remui %scan3A_67#3, %rem3A_104 : i32
      %mul3A_106 = arith.constant 128 : i32
      %mul3A_107 = arith.muli %mul3A_106, %add3A_76 : i32
      %dma_wait3A = arith.constant 0 : i32
      %dma_wait3A_108 = arith.constant 0 : i32
      %dma_wait3A_109 = tpu.memref_slice %run_scoped3A_8[%rem3A_105, %dma_wait3A, %dma_wait3A_108] : memref<2x128x256xf32, #tpu.memory_space<vmem>> -> memref<1x128x256xf32, #tpu.memory_space<vmem>>
      %dma_wait3A_110 = tpu.memref_squeeze %dma_wait3A_109 : memref<1x128x256xf32, #tpu.memory_space<vmem>> -> memref<128x256xf32, #tpu.memory_space<vmem>>
      %dma_wait3A_111 = arith.constant 0 : i32
      %dma_wait3A_112 = tpu.memref_slice %arg4[%mul3A_107, %dma_wait3A_111] : memref<8192x256xf32, #tpu.memory_space<hbm>> -> memref<128x256xf32, #tpu.memory_space<hbm>>
      %dma_wait3A_113 = tpu.memref_slice %run_scoped3A_9[%rem3A_105] : memref<2x!tpu.dma_semaphore, #tpu.memory_space<semaphore_mem>> -> memref<1x!tpu.dma_semaphore, #tpu.memory_space<semaphore_mem>>
      %dma_wait3A_114 = tpu.memref_squeeze %dma_wait3A_113 : memref<1x!tpu.dma_semaphore, #tpu.memory_space<semaphore_mem>> -> memref<!tpu.dma_semaphore, #tpu.memory_space<semaphore_mem>>
      %dma_wait3A_115 = arith.constant 0 : i32
      %dma_wait3A_116 = tpu.memref_slice %arg4[%mul3A_107, %dma_wait3A_115] : memref<8192x256xf32, #tpu.memory_space<hbm>> -> memref<128x256xf32, #tpu.memory_space<hbm>>
      %dma_wait3A_117 = arith.constant 0 : i32
      %dma_wait3A_118 = arith.constant 0 : i32
      %dma_wait3A_119 = tpu.memref_slice %run_scoped3A_8[%rem3A_105, %dma_wait3A_117, %dma_wait3A_118] : memref<2x128x256xf32, #tpu.memory_space<vmem>> -> memref<1x128x256xf32, #tpu.memory_space<vmem>>
      %dma_wait3A_120 = tpu.memref_squeeze %dma_wait3A_119 : memref<1x128x256xf32, #tpu.memory_space<vmem>> -> memref<128x256xf32, #tpu.memory_space<vmem>>
      tpu.wait_dma2 semaphore(%dma_wait3A_114 : memref<!tpu.dma_semaphore, #tpu.memory_space<semaphore_mem>>) src(%dma_wait3A_120 : memref<128x256xf32, #tpu.memory_space<vmem>>) dst(%dma_wait3A_116 : memref<128x256xf32, #tpu.memory_space<hbm>>)
      "tpu.trace_stop"() : () -> ()
      tpu.yield
    }) : () -> ()
    return
  }
}

module attributes {stable_mosaic.version = 14 : i64} {
  func.func @_argmin_body(%arg0: i32, %arg1: i32, %arg2: memref<8192x256xf32, #tpu.memory_space<vmem>>, %arg3: memref<512x256xf32, #tpu.memory_space<vmem>>, %arg4: memref<8192x256xbf16, #tpu.memory_space<vmem>>, %arg5: memref<1x1x512xi32, #tpu.memory_space<vmem>>, %arg6: memref<1x1xf32, #tpu.memory_space<vmem>>, %arg7: memref<32x512xf32, #tpu.memory_space<vmem>>, %arg8: memref<32x512xi32, #tpu.memory_space<vmem>>, %arg9: memref<8x512xf32, #tpu.memory_space<vmem>>, %arg10: memref<256x512xbf16, #tpu.memory_space<vmem>>, %arg11: memref<8192x1xf32, #tpu.memory_space<vmem>>) attributes {dimension_semantics = [#tpu.dimension_semantics<arbitrary>, #tpu.dimension_semantics<arbitrary>], iteration_bounds = array<i64: 16, 4>, scalar_prefetch = 0 : i64, scratch_operands = 5 : i64, tpu.core_type = #tpu.core_type<tc>, window_params = [{pipeline_mode = #tpu.pipeline_mode<synchronous>, transform_indices = @transform_0, window_bounds = array<i64: 8192, 256>}, {transform_indices = @transform_1, window_bounds = array<i64: 512, 256>}, {pipeline_mode = #tpu.pipeline_mode<synchronous>, transform_indices = @transform_2, window_bounds = array<i64: 8192, 256>}, {transform_indices = @transform_3, window_bounds = array<i64: 1, 1, 512>}, {pipeline_mode = #tpu.pipeline_mode<synchronous>, transform_indices = @transform_4, window_bounds = array<i64: 1, 1>}]} {
    %eq3A = arith.constant 0 : i32
    %eq3A_0 = arith.cmpi eq, %arg0, %eq3A : i32
    %eq3A_1 = arith.constant 0 : i32
    %eq3A_2 = arith.cmpi eq, %arg1, %eq3A_1 : i32
    %and3A = arith.andi %eq3A_0, %eq3A_2 : i1
    %convert_element_type3A = arith.extui %and3A : i1 to i32
    %cond3A = arith.constant 0 : i32
    %cond3A_3 = arith.cmpi ne, %convert_element_type3A, %cond3A : i32
    scf.if %cond3A_3 {
      %broadcast_in_dim3A_4957 = arith.constant 0.000000e+00 : f32
      %broadcast_in_dim3A_4958 = vector.broadcast %broadcast_in_dim3A_4957 : f32 to vector<1x1xf32>
      %swap3A_4959 = arith.constant 0 : index
      %swap3A_4960 = arith.constant 0 : index
      %swap3A_4961 = vector.load %arg6[%swap3A_4959, %swap3A_4960] : memref<1x1xf32, #tpu.memory_space<vmem>>, vector<1x1xf32>
      tpu.vector_store %arg6[%swap3A_4959, %swap3A_4960], %broadcast_in_dim3A_4958 {strides = array<i32>} : memref<1x1xf32, #tpu.memory_space<vmem>>, vector<1x1xf32>,
      %get3A_4962 = arith.constant 0 : index
      %get3A_4963 = arith.constant 0 : index
      %get3A_4964 = vector.load %arg2[%get3A_4962, %get3A_4963] : memref<8192x256xf32, #tpu.memory_space<vmem>>, vector<8192x256xf32>
      %mul3A_4965 = arith.mulf %get3A_4964, %get3A_4964 : vector<8192x256xf32>
      %reduce_sum3A = arith.constant dense<0.000000e+00> : vector<8192xf32>
      %reduce_sum3A_4966 = vector.multi_reduction <add>, %mul3A_4965, %reduce_sum3A [1] : vector<8192x256xf32> to vector<8192xf32>
      %broadcast_in_dim3A_4967 = vector.shape_cast %reduce_sum3A_4966 : vector<8192xf32> to vector<8192x1xf32>
      %swap3A_4968 = arith.constant 0 : index
      %swap3A_4969 = arith.constant 0 : index
      %swap3A_4970 = vector.load %arg11[%swap3A_4968, %swap3A_4969] : memref<8192x1xf32, #tpu.memory_space<vmem>>, vector<8192x1xf32>
      tpu.vector_store %arg11[%swap3A_4968, %swap3A_4969], %broadcast_in_dim3A_4967 {strides = array<i32>} : memref<8192x1xf32, #tpu.memory_space<vmem>>, vector<8192x1xf32>,
    } else {
    }
    %eq3A_4 = arith.constant 0 : i32
    %eq3A_5 = arith.cmpi eq, %arg1, %eq3A_4 : i32
    %convert_element_type3A_6 = arith.extui %eq3A_5 : i1 to i32
    %cond3A_7 = arith.constant 0 : i32
    %cond3A_8 = arith.cmpi ne, %convert_element_type3A_6, %cond3A_7 : i32
    scf.if %cond3A_8 {
      %broadcast_in_dim3A_4957 = arith.constant 0x7F800000 : f32
      %broadcast_in_dim3A_4958 = vector.broadcast %broadcast_in_dim3A_4957 : f32 to vector<32x512xf32>
      %swap3A_4959 = arith.constant 0 : index
      %swap3A_4960 = arith.constant 0 : index
      %swap3A_4961 = vector.load %arg7[%swap3A_4959, %swap3A_4960] : memref<32x512xf32, #tpu.memory_space<vmem>>, vector<32x512xf32>
      tpu.vector_store %arg7[%swap3A_4959, %swap3A_4960], %broadcast_in_dim3A_4958 {strides = array<i32>} : memref<32x512xf32, #tpu.memory_space<vmem>>, vector<32x512xf32>,
      %broadcast_in_dim3A_4962 = arith.constant 0 : i32
      %broadcast_in_dim3A_4963 = vector.broadcast %broadcast_in_dim3A_4962 : i32 to vector<32x512xi32>
      %swap3A_4964 = arith.constant 0 : index
      %swap3A_4965 = arith.constant 0 : index
      %swap3A_4966 = vector.load %arg8[%swap3A_4964, %swap3A_4965] : memref<32x512xi32, #tpu.memory_space<vmem>>, vector<32x512xi32>
      tpu.vector_store %arg8[%swap3A_4964, %swap3A_4965], %broadcast_in_dim3A_4963 {strides = array<i32>} : memref<32x512xi32, #tpu.memory_space<vmem>>, vector<32x512xi32>,
      %get3A_4967 = arith.constant 0 : index
      %get3A_4968 = arith.constant 0 : index
      %get3A_4969 = vector.load %arg3[%get3A_4967, %get3A_4968] : memref<512x256xf32, #tpu.memory_space<vmem>>, vector<512x256xf32>
      %transpose3A = tpu.transpose %get3A_4969, [1, 0] : vector<512x256xf32> -> vector<256x512xf32>
      %mul3A_4970 = arith.mulf %transpose3A, %transpose3A : vector<256x512xf32>
      %reduce_sum3A = arith.constant dense<0.000000e+00> : vector<512xf32>
      %reduce_sum3A_4971 = vector.multi_reduction <add>, %mul3A_4970, %reduce_sum3A [0] : vector<256x512xf32> to vector<512xf32>
      %broadcast_in_dim3A_4972 = vector.shape_cast %reduce_sum3A_4971 : vector<512xf32> to vector<1x512xf32>
      %broadcast_in_dim3A_4973 = vector.shape_cast %broadcast_in_dim3A_4972 : vector<1x512xf32> to vector<1x512xf32>
      %broadcast_in_dim3A_4974 = vector.broadcast %broadcast_in_dim3A_4973 : vector<1x512xf32> to vector<8x512xf32>
      %swap3A_4975 = arith.constant 0 : index
      %swap3A_4976 = arith.constant 0 : index
      %swap3A_4977 = vector.load %arg9[%swap3A_4975, %swap3A_4976] : memref<8x512xf32, #tpu.memory_space<vmem>>, vector<8x512xf32>
      tpu.vector_store %arg9[%swap3A_4975, %swap3A_4976], %broadcast_in_dim3A_4974 {strides = array<i32>} : memref<8x512xf32, #tpu.memory_space<vmem>>, vector<8x512xf32>,
      %convert_element_type3A_4978 = arith.truncf %transpose3A : vector<256x512xf32> to vector<256x512xbf16>
      %swap3A_4979 = arith.constant 0 : index
      %swap3A_4980 = arith.constant 0 : index
      %swap3A_4981 = vector.load %arg10[%swap3A_4979, %swap3A_4980] : memref<256x512xbf16, #tpu.memory_space<vmem>>, vector<256x512xbf16>
      tpu.vector_store %arg10[%swap3A_4979, %swap3A_4980], %convert_element_type3A_4978 {strides = array<i32>} : memref<256x512xbf16, #tpu.memory_space<vmem>>, vector<256x512xbf16>,
    } else {
    }
    %get3A = arith.constant 0 : index
    %get3A_9 = arith.constant 0 : index
    %get3A_10 = vector.load %arg10[%get3A, %get3A_9] : memref<256x512xbf16, #tpu.memory_space<vmem>>, vector<256x512xbf16>
    %get3A_11 = arith.constant 0 : index
    %get3A_12 = arith.constant 0 : index
    %get3A_13 = vector.load %arg9[%get3A_11, %get3A_12] : memref<8x512xf32, #tpu.memory_space<vmem>>, vector<8x512xf32>
    %get3A_14 = arith.constant 0 : index
    %get3A_15 = arith.constant 0 : index
    %get3A_16 = vector.load %arg7[%get3A_14, %get3A_15] : memref<32x512xf32, #tpu.memory_space<vmem>>, vector<8x512xf32>
    %get3A_17 = arith.constant 8 : index
    %get3A_18 = arith.constant 0 : index
    %get3A_19 = vector.load %arg7[%get3A_17, %get3A_18] : memref<32x512xf32, #tpu.memory_space<vmem>>, vector<8x512xf32>
    %get3A_20 = arith.constant 16 : index
    %get3A_21 = arith.constant 0 : index
    %get3A_22 = vector.load %arg7[%get3A_20, %get3A_21] : memref<32x512xf32, #tpu.memory_space<vmem>>, vector<8x512xf32>
    %get3A_23 = arith.constant 24 : index
    %get3A_24 = arith.constant 0 : index
    %get3A_25 = vector.load %arg7[%get3A_23, %get3A_24] : memref<32x512xf32, #tpu.memory_space<vmem>>, vector<8x512xf32>
    %get3A_26 = arith.constant 0 : index
    %get3A_27 = arith.constant 0 : index
    %get3A_28 = vector.load %arg8[%get3A_26, %get3A_27] : memref<32x512xi32, #tpu.memory_space<vmem>>, vector<8x512xi32>
    %get3A_29 = arith.constant 8 : index
    %get3A_30 = arith.constant 0 : index
    %get3A_31 = vector.load %arg8[%get3A_29, %get3A_30] : memref<32x512xi32, #tpu.memory_space<vmem>>, vector<8x512xi32>
    %get3A_32 = arith.constant 16 : index
    %get3A_33 = arith.constant 0 : index
    %get3A_34 = vector.load %arg8[%get3A_32, %get3A_33] : memref<32x512xi32, #tpu.memory_space<vmem>>, vector<8x512xi32>
    %get3A_35 = arith.constant 24 : index
    %get3A_36 = arith.constant 0 : index
    %get3A_37 = vector.load %arg8[%get3A_35, %get3A_36] : memref<32x512xi32, #tpu.memory_space<vmem>>, vector<8x512xi32>
    %mul3A = arith.constant 2048 : i32
    %mul3A_38 = arith.muli %arg1, %mul3A : i32
    %add3A = arith.constant 0 : i32
    %add3A_39 = arith.addi %mul3A_38, %add3A : i32
    %get3A_40 = arith.index_cast %add3A_39 : i32 to index
    %get3A_41 = arith.constant 0 : index
    %get3A_42 = vector.load %arg4[%get3A_40, %get3A_41] : memref<8192x256xbf16, #tpu.memory_space<vmem>>, vector<512x256xbf16>
    %dot_general3A = arith.constant dense<0.000000e+00> : vector<512x512xf32>
    %dot_general3A_43 = tpu.matmul %get3A_42, %get3A_10, %dot_general3A {dimension_numbers = #tpu.dot_dimension_numbers<[1], [0], [0], [1], [0, 0, 1, 1], [], []>, transpose_lhs_hint = false} : vector<512x256xbf16>, vector<256x512xbf16>, vector<512x512xf32> -> vector<512x512xf32>
    %mul3A_44 = arith.constant 2048 : i32
    %mul3A_45 = arith.muli %arg1, %mul3A_44 : i32
    %add3A_46 = arith.constant 512 : i32
    %add3A_47 = arith.addi %mul3A_45, %add3A_46 : i32
    %get3A_48 = arith.index_cast %add3A_47 : i32 to index
    %get3A_49 = arith.constant 0 : index
    %get3A_50 = vector.load %arg4[%get3A_48, %get3A_49] : memref<8192x256xbf16, #tpu.memory_space<vmem>>, vector<512x256xbf16>
    %dot_general3A_51 = arith.constant dense<0.000000e+00> : vector<512x512xf32>
    %dot_general3A_52 = tpu.matmul %get3A_50, %get3A_10, %dot_general3A_51 {dimension_numbers = #tpu.dot_dimension_numbers<[1], [0], [0], [1], [0, 0, 1, 1], [], []>, transpose_lhs_hint = false} : vector<512x256xbf16>, vector<256x512xbf16>, vector<512x512xf32> -> vector<512x512xf32>
    %mul3A_53 = arith.constant 2048 : i32
    %mul3A_54 = arith.muli %arg1, %mul3A_53 : i32
    %add3A_55 = arith.constant 1024 : i32
    %add3A_56 = arith.addi %mul3A_54, %add3A_55 : i32
    %get3A_57 = arith.index_cast %add3A_56 : i32 to index
    %get3A_58 = arith.constant 0 : index
    %get3A_59 = vector.load %arg4[%get3A_57, %get3A_58] : memref<8192x256xbf16, #tpu.memory_space<vmem>>, vector<512x256xbf16>
    %dot_general3A_60 = arith.constant dense<0.000000e+00> : vector<512x512xf32>
    %dot_general3A_61 = tpu.matmul %get3A_59, %get3A_10, %dot_general3A_60 {dimension_numbers = #tpu.dot_dimension_numbers<[1], [0], [0], [1], [0, 0, 1, 1], [], []>, transpose_lhs_hint = false} : vector<512x256xbf16>, vector<256x512xbf16>, vector<512x512xf32> -> vector<512x512xf32>
    %mul3A_62 = arith.constant 2048 : i32
    %mul3A_63 = arith.muli %arg1, %mul3A_62 : i32
    %add3A_64 = arith.constant 1536 : i32
    %add3A_65 = arith.addi %mul3A_63, %add3A_64 : i32
    %get3A_66 = arith.index_cast %add3A_65 : i32 to index
    %get3A_67 = arith.constant 0 : index
    %get3A_68 = vector.load %arg4[%get3A_66, %get3A_67] : memref<8192x256xbf16, #tpu.memory_space<vmem>>, vector<512x256xbf16>
    %dot_general3A_69 = arith.constant dense<0.000000e+00> : vector<512x512xf32>
    %dot_general3A_70 = tpu.matmul %get3A_68, %get3A_10, %dot_general3A_69 {dimension_numbers = #tpu.dot_dimension_numbers<[1], [0], [0], [1], [0, 0, 1, 1], [], []>, transpose_lhs_hint = false} : vector<512x256xbf16>, vector<256x512xbf16>, vector<512x512xf32> -> vector<512x512xf32>
    %slice3A = vector.extract_strided_slice %dot_general3A_43 {offsets = [0, 0], sizes = [8, 512], strides = [1, 1]} : vector<512x512xf32> to vector<8x512xf32>
    %mul3A_71 = arith.constant 2048 : i32
    %mul3A_72 = arith.muli %arg1, %mul3A_71 : i32
    %add3A_73 = arith.constant 0 : i32
    %add3A_74 = arith.addi %mul3A_72, %add3A_73 : i32
    %get3A_75 = arith.index_cast %add3A_74 : i32 to index
    %get3A_76 = arith.constant 0 : index
    %get3A_77 = vector.load %arg11[%get3A_75, %get3A_76] : memref<8192x1xf32, #tpu.memory_space<vmem>>, vector<8x1xf32>
    %add3A_78 = vector.broadcast %get3A_77 : vector<8x1xf32> to vector<8x512xf32>
    %add3A_79 = arith.addf %get3A_13, %add3A_78 : vector<8x512xf32>
    %sub3A = arith.subf %add3A_79, %slice3A : vector<8x512xf32>
    %min3A = arith.minimumf %sub3A, %get3A_16 : vector<8x512xf32>
    %ne3A = arith.cmpf one, %min3A, %get3A_16 : vector<8x512xf32>
    %mul3A_80 = arith.constant 256 : i32
    %mul3A_81 = arith.muli %arg1, %mul3A_80 : i32
    %add3A_82 = arith.constant 0 : i32
    %add3A_83 = arith.addi %mul3A_81, %add3A_82 : i32
    %broadcast_in_dim3A = vector.broadcast %add3A_83 : i32 to vector<8x512xi32>
    %select_n3A = arith.select %ne3A, %broadcast_in_dim3A, %get3A_28 : vector<8x512xi1>, vector<8x512xi32>
    %slice3A_84 = vector.extract_strided_slice %dot_general3A_43 {offsets = [8, 0], sizes = [8, 512], strides = [1, 1]} : vector<512x512xf32> to vector<8x512xf32>
    %mul3A_85 = arith.constant 2048 : i32
    %mul3A_86 = arith.muli %arg1, %mul3A_85 : i32
    %add3A_87 = arith.constant 8 : i32
    %add3A_88 = arith.addi %mul3A_86, %add3A_87 : i32
    %get3A_89 = arith.index_cast %add3A_88 : i32 to index
    %get3A_90 = arith.constant 0 : index
    %get3A_91 = vector.load %arg11[%get3A_89, %get3A_90] : memref<8192x1xf32, #tpu.memory_space<vmem>>, vector<8x1xf32>
    %add3A_92 = vector.broadcast %get3A_91 : vector<8x1xf32> to vector<8x512xf32>
    %add3A_93 = arith.addf %get3A_13, %add3A_92 : vector<8x512xf32>
    %sub3A_94 = arith.subf %add3A_93, %slice3A_84 : vector<8x512xf32>
    %min3A_95 = arith.minimumf %sub3A_94, %get3A_19 : vector<8x512xf32>
    %ne3A_96 = arith.cmpf one, %min3A_95, %get3A_19 : vector<8x512xf32>
    %mul3A_97 = arith.constant 256 : i32
    %mul3A_98 = arith.muli %arg1, %mul3A_97 : i32
    %add3A_99 = arith.constant 1 : i32
    %add3A_100 = arith.addi %mul3A_98, %add3A_99 : i32
    %broadcast_in_dim3A_101 = vector.broadcast %add3A_100 : i32 to vector<8x512xi32>
    %select_n3A_102 = arith.select %ne3A_96, %broadcast_in_dim3A_101, %get3A_31 : vector<8x512xi1>, vector<8x512xi32>
    %slice3A_103 = vector.extract_strided_slice %dot_general3A_43 {offsets = [16, 0], sizes = [8, 512], strides = [1, 1]} : vector<512x512xf32> to vector<8x512xf32>
    %mul3A_104 = arith.constant 2048 : i32
    %mul3A_105 = arith.muli %arg1, %mul3A_104 : i32
    %add3A_106 = arith.constant 16 : i32
    %add3A_107 = arith.addi %mul3A_105, %add3A_106 : i32
    %get3A_108 = arith.index_cast %add3A_107 : i32 to index
    %get3A_109 = arith.constant 0 : index
    %get3A_110 = vector.load %arg11[%get3A_108, %get3A_109] : memref<8192x1xf32, #tpu.memory_space<vmem>>, vector<8x1xf32>
    %add3A_111 = vector.broadcast %get3A_110 : vector<8x1xf32> to vector<8x512xf32>
    %add3A_112 = arith.addf %get3A_13, %add3A_111 : vector<8x512xf32>
    %sub3A_113 = arith.subf %add3A_112, %slice3A_103 : vector<8x512xf32>
    %min3A_114 = arith.minimumf %sub3A_113, %get3A_22 : vector<8x512xf32>
    %ne3A_115 = arith.cmpf one, %min3A_114, %get3A_22 : vector<8x512xf32>
    %mul3A_116 = arith.constant 256 : i32
    %mul3A_117 = arith.muli %arg1, %mul3A_116 : i32
    %add3A_118 = arith.constant 2 : i32
    %add3A_119 = arith.addi %mul3A_117, %add3A_118 : i32
    %broadcast_in_dim3A_120 = vector.broadcast %add3A_119 : i32 to vector<8x512xi32>
    %select_n3A_121 = arith.select %ne3A_115, %broadcast_in_dim3A_120, %get3A_34 : vector<8x512xi1>, vector<8x512xi32>
    %slice3A_122 = vector.extract_strided_slice %dot_general3A_43 {offsets = [24, 0], sizes = [8, 512], strides = [1, 1]} : vector<512x512xf32> to vector<8x512xf32>
    %mul3A_123 = arith.constant 2048 : i32
    %mul3A_124 = arith.muli %arg1, %mul3A_123 : i32
    %add3A_125 = arith.constant 24 : i32
    %add3A_126 = arith.addi %mul3A_124, %add3A_125 : i32
    %get3A_127 = arith.index_cast %add3A_126 : i32 to index
    %get3A_128 = arith.constant 0 : index
    %get3A_129 = vector.load %arg11[%get3A_127, %get3A_128] : memref<8192x1xf32, #tpu.memory_space<vmem>>, vector<8x1xf32>
    %add3A_130 = vector.broadcast %get3A_129 : vector<8x1xf32> to vector<8x512xf32>
    %add3A_131 = arith.addf %get3A_13, %add3A_130 : vector<8x512xf32>
    %sub3A_132 = arith.subf %add3A_131, %slice3A_122 : vector<8x512xf32>
    %min3A_133 = arith.minimumf %sub3A_132, %get3A_25 : vector<8x512xf32>
    %ne3A_134 = arith.cmpf one, %min3A_133, %get3A_25 : vector<8x512xf32>
    %mul3A_135 = arith.constant 256 : i32
    %mul3A_136 = arith.muli %arg1, %mul3A_135 : i32
    %add3A_137 = arith.constant 3 : i32
    %add3A_138 = arith.addi %mul3A_136, %add3A_137 : i32
    %broadcast_in_dim3A_139 = vector.broadcast %add3A_138 : i32 to vector<8x512xi32>
    %select_n3A_140 = arith.select %ne3A_134, %broadcast_in_dim3A_139, %get3A_37 : vector<8x512xi1>, vector<8x512xi32>
    %slice3A_141 = vector.extract_strided_slice %dot_general3A_43 {offsets = [32, 0], sizes = [8, 512], strides = [1, 1]} : vector<512x512xf32> to vector<8x512xf32>
    %mul3A_142 = arith.constant 2048 : i32
    %mul3A_143 = arith.muli %arg1, %mul3A_142 : i32
    %add3A_144 = arith.constant 32 : i32
    %add3A_145 = arith.addi %mul3A_143, %add3A_144 : i32
    %get3A_146 = arith.index_cast %add3A_145 : i32 to index
    %get3A_147 = arith.constant 0 : index
    %get3A_148 = vector.load %arg11[%get3A_146, %get3A_147] : memref<8192x1xf32, #tpu.memory_space<vmem>>, vector<8x1xf32>
    %add3A_149 = vector.broadcast %get3A_148 : vector<8x1xf32> to vector<8x512xf32>
    %add3A_150 = arith.addf %get3A_13, %add3A_149 : vector<8x512xf32>
    %sub3A_151 = arith.subf %add3A_150, %slice3A_141 : vector<8x512xf32>
    %min3A_152 = arith.minimumf %sub3A_151, %min3A : vector<8x512xf32>
    %ne3A_153 = arith.cmpf one, %min3A_152, %min3A : vector<8x512xf32>
    %mul3A_154 = arith.constant 256 : i32
    %mul3A_155 = arith.muli %arg1, %mul3A_154 : i32
    %add3A_156 = arith.constant 4 : i32
    %add3A_157 = arith.addi %mul3A_155, %add3A_156 : i32
    %broadcast_in_dim3A_158 = vector.broadcast %add3A_157 : i32 to vector<8x512xi32>
    %select_n3A_159 = arith.select %ne3A_153, %broadcast_in_dim3A_158, %select_n3A : vector<8x512xi1>, vector<8x512xi32>
    %slice3A_160 = vector.extract_strided_slice %dot_general3A_43 {offsets = [40, 0], sizes = [8, 512], strides = [1, 1]} : vector<512x512xf32> to vector<8x512xf32>
    %mul3A_161 = arith.constant 2048 : i32
    %mul3A_162 = arith.muli %arg1, %mul3A_161 : i32
    %add3A_163 = arith.constant 40 : i32
    %add3A_164 = arith.addi %mul3A_162, %add3A_163 : i32
    %get3A_165 = arith.index_cast %add3A_164 : i32 to index
    %get3A_166 = arith.constant 0 : index
    %get3A_167 = vector.load %arg11[%get3A_165, %get3A_166] : memref<8192x1xf32, #tpu.memory_space<vmem>>, vector<8x1xf32>
    %add3A_168 = vector.broadcast %get3A_167 : vector<8x1xf32> to vector<8x512xf32>
    %add3A_169 = arith.addf %get3A_13, %add3A_168 : vector<8x512xf32>
    %sub3A_170 = arith.subf %add3A_169, %slice3A_160 : vector<8x512xf32>
    %min3A_171 = arith.minimumf %sub3A_170, %min3A_95 : vector<8x512xf32>
    %ne3A_172 = arith.cmpf one, %min3A_171, %min3A_95 : vector<8x512xf32>
    %mul3A_173 = arith.constant 256 : i32
    %mul3A_174 = arith.muli %arg1, %mul3A_173 : i32
    %add3A_175 = arith.constant 5 : i32
    %add3A_176 = arith.addi %mul3A_174, %add3A_175 : i32
    %broadcast_in_dim3A_177 = vector.broadcast %add3A_176 : i32 to vector<8x512xi32>
    %select_n3A_178 = arith.select %ne3A_172, %broadcast_in_dim3A_177, %select_n3A_102 : vector<8x512xi1>, vector<8x512xi32>
    %slice3A_179 = vector.extract_strided_slice %dot_general3A_43 {offsets = [48, 0], sizes = [8, 512], strides = [1, 1]} : vector<512x512xf32> to vector<8x512xf32>
    %mul3A_180 = arith.constant 2048 : i32
    %mul3A_181 = arith.muli %arg1, %mul3A_180 : i32
    %add3A_182 = arith.constant 48 : i32
    %add3A_183 = arith.addi %mul3A_181, %add3A_182 : i32
    %get3A_184 = arith.index_cast %add3A_183 : i32 to index
    %get3A_185 = arith.constant 0 : index
    %get3A_186 = vector.load %arg11[%get3A_184, %get3A_185] : memref<8192x1xf32, #tpu.memory_space<vmem>>, vector<8x1xf32>
    %add3A_187 = vector.broadcast %get3A_186 : vector<8x1xf32> to vector<8x512xf32>
    %add3A_188 = arith.addf %get3A_13, %add3A_187 : vector<8x512xf32>
    %sub3A_189 = arith.subf %add3A_188, %slice3A_179 : vector<8x512xf32>
    %min3A_190 = arith.minimumf %sub3A_189, %min3A_114 : vector<8x512xf32>
    %ne3A_191 = arith.cmpf one, %min3A_190, %min3A_114 : vector<8x512xf32>
    %mul3A_192 = arith.constant 256 : i32
    %mul3A_193 = arith.muli %arg1, %mul3A_192 : i32
    %add3A_194 = arith.constant 6 : i32
    %add3A_195 = arith.addi %mul3A_193, %add3A_194 : i32
    %broadcast_in_dim3A_196 = vector.broadcast %add3A_195 : i32 to vector<8x512xi32>
    %select_n3A_197 = arith.select %ne3A_191, %broadcast_in_dim3A_196, %select_n3A_121 : vector<8x512xi1>, vector<8x512xi32>
    %slice3A_198 = vector.extract_strided_slice %dot_general3A_43 {offsets = [56, 0], sizes = [8, 512], strides = [1, 1]} : vector<512x512xf32> to vector<8x512xf32>
    %mul3A_199 = arith.constant 2048 : i32
    %mul3A_200 = arith.muli %arg1, %mul3A_199 : i32
    %add3A_201 = arith.constant 56 : i32
    %add3A_202 = arith.addi %mul3A_200, %add3A_201 : i32
    %get3A_203 = arith.index_cast %add3A_202 : i32 to index
    %get3A_204 = arith.constant 0 : index
    %get3A_205 = vector.load %arg11[%get3A_203, %get3A_204] : memref<8192x1xf32, #tpu.memory_space<vmem>>, vector<8x1xf32>
    %add3A_206 = vector.broadcast %get3A_205 : vector<8x1xf32> to vector<8x512xf32>
    %add3A_207 = arith.addf %get3A_13, %add3A_206 : vector<8x512xf32>
    %sub3A_208 = arith.subf %add3A_207, %slice3A_198 : vector<8x512xf32>
    %min3A_209 = arith.minimumf %sub3A_208, %min3A_133 : vector<8x512xf32>
    %ne3A_210 = arith.cmpf one, %min3A_209, %min3A_133 : vector<8x512xf32>
    %mul3A_211 = arith.constant 256 : i32
    %mul3A_212 = arith.muli %arg1, %mul3A_211 : i32
    %add3A_213 = arith.constant 7 : i32
    %add3A_214 = arith.addi %mul3A_212, %add3A_213 : i32
    %broadcast_in_dim3A_215 = vector.broadcast %add3A_214 : i32 to vector<8x512xi32>
    %select_n3A_216 = arith.select %ne3A_210, %broadcast_in_dim3A_215, %select_n3A_140 : vector<8x512xi1>, vector<8x512xi32>
    %slice3A_217 = vector.extract_strided_slice %dot_general3A_43 {offsets = [64, 0], sizes = [8, 512], strides = [1, 1]} : vector<512x512xf32> to vector<8x512xf32>
    %mul3A_218 = arith.constant 2048 : i32
    %mul3A_219 = arith.muli %arg1, %mul3A_218 : i32
    %add3A_220 = arith.constant 64 : i32
    %add3A_221 = arith.addi %mul3A_219, %add3A_220 : i32
    %get3A_222 = arith.index_cast %add3A_221 : i32 to index
    %get3A_223 = arith.constant 0 : index
    %get3A_224 = vector.load %arg11[%get3A_222, %get3A_223] : memref<8192x1xf32, #tpu.memory_space<vmem>>, vector<8x1xf32>
    %add3A_225 = vector.broadcast %get3A_224 : vector<8x1xf32> to vector<8x512xf32>
    %add3A_226 = arith.addf %get3A_13, %add3A_225 : vector<8x512xf32>
    %sub3A_227 = arith.subf %add3A_226, %slice3A_217 : vector<8x512xf32>
    %min3A_228 = arith.minimumf %sub3A_227, %min3A_152 : vector<8x512xf32>
    %ne3A_229 = arith.cmpf one, %min3A_228, %min3A_152 : vector<8x512xf32>
    %mul3A_230 = arith.constant 256 : i32
    %mul3A_231 = arith.muli %arg1, %mul3A_230 : i32
    %add3A_232 = arith.constant 8 : i32
    %add3A_233 = arith.addi %mul3A_231, %add3A_232 : i32
    %broadcast_in_dim3A_234 = vector.broadcast %add3A_233 : i32 to vector<8x512xi32>
    %select_n3A_235 = arith.select %ne3A_229, %broadcast_in_dim3A_234, %select_n3A_159 : vector<8x512xi1>, vector<8x512xi32>
    %slice3A_236 = vector.extract_strided_slice %dot_general3A_43 {offsets = [72, 0], sizes = [8, 512], strides = [1, 1]} : vector<512x512xf32> to vector<8x512xf32>
    %mul3A_237 = arith.constant 2048 : i32
    %mul3A_238 = arith.muli %arg1, %mul3A_237 : i32
    %add3A_239 = arith.constant 72 : i32
    %add3A_240 = arith.addi %mul3A_238, %add3A_239 : i32
    %get3A_241 = arith.index_cast %add3A_240 : i32 to index
    %get3A_242 = arith.constant 0 : index
    %get3A_243 = vector.load %arg11[%get3A_241, %get3A_242] : memref<8192x1xf32, #tpu.memory_space<vmem>>, vector<8x1xf32>
    %add3A_244 = vector.broadcast %get3A_243 : vector<8x1xf32> to vector<8x512xf32>
    %add3A_245 = arith.addf %get3A_13, %add3A_244 : vector<8x512xf32>
    %sub3A_246 = arith.subf %add3A_245, %slice3A_236 : vector<8x512xf32>
    %min3A_247 = arith.minimumf %sub3A_246, %min3A_171 : vector<8x512xf32>
    %ne3A_248 = arith.cmpf one, %min3A_247, %min3A_171 : vector<8x512xf32>
    %mul3A_249 = arith.constant 256 : i32
    %mul3A_250 = arith.muli %arg1, %mul3A_249 : i32
    %add3A_251 = arith.constant 9 : i32
    %add3A_252 = arith.addi %mul3A_250, %add3A_251 : i32
    %broadcast_in_dim3A_253 = vector.broadcast %add3A_252 : i32 to vector<8x512xi32>
    %select_n3A_254 = arith.select %ne3A_248, %broadcast_in_dim3A_253, %select_n3A_178 : vector<8x512xi1>, vector<8x512xi32>
    %slice3A_255 = vector.extract_strided_slice %dot_general3A_43 {offsets = [80, 0], sizes = [8, 512], strides = [1, 1]} : vector<512x512xf32> to vector<8x512xf32>
    %mul3A_256 = arith.constant 2048 : i32
    %mul3A_257 = arith.muli %arg1, %mul3A_256 : i32
    %add3A_258 = arith.constant 80 : i32
    %add3A_259 = arith.addi %mul3A_257, %add3A_258 : i32
    %get3A_260 = arith.index_cast %add3A_259 : i32 to index
    %get3A_261 = arith.constant 0 : index
    %get3A_262 = vector.load %arg11[%get3A_260, %get3A_261] : memref<8192x1xf32, #tpu.memory_space<vmem>>, vector<8x1xf32>
    %add3A_263 = vector.broadcast %get3A_262 : vector<8x1xf32> to vector<8x512xf32>
    %add3A_264 = arith.addf %get3A_13, %add3A_263 : vector<8x512xf32>
    %sub3A_265 = arith.subf %add3A_264, %slice3A_255 : vector<8x512xf32>
    %min3A_266 = arith.minimumf %sub3A_265, %min3A_190 : vector<8x512xf32>
    %ne3A_267 = arith.cmpf one, %min3A_266, %min3A_190 : vector<8x512xf32>
    %mul3A_268 = arith.constant 256 : i32
    %mul3A_269 = arith.muli %arg1, %mul3A_268 : i32
    %add3A_270 = arith.constant 10 : i32
    %add3A_271 = arith.addi %mul3A_269, %add3A_270 : i32
    %broadcast_in_dim3A_272 = vector.broadcast %add3A_271 : i32 to vector<8x512xi32>
    %select_n3A_273 = arith.select %ne3A_267, %broadcast_in_dim3A_272, %select_n3A_197 : vector<8x512xi1>, vector<8x512xi32>
    %slice3A_274 = vector.extract_strided_slice %dot_general3A_43 {offsets = [88, 0], sizes = [8, 512], strides = [1, 1]} : vector<512x512xf32> to vector<8x512xf32>
    %mul3A_275 = arith.constant 2048 : i32
    %mul3A_276 = arith.muli %arg1, %mul3A_275 : i32
    %add3A_277 = arith.constant 88 : i32
    %add3A_278 = arith.addi %mul3A_276, %add3A_277 : i32
    %get3A_279 = arith.index_cast %add3A_278 : i32 to index
    %get3A_280 = arith.constant 0 : index
    %get3A_281 = vector.load %arg11[%get3A_279, %get3A_280] : memref<8192x1xf32, #tpu.memory_space<vmem>>, vector<8x1xf32>
    %add3A_282 = vector.broadcast %get3A_281 : vector<8x1xf32> to vector<8x512xf32>
    %add3A_283 = arith.addf %get3A_13, %add3A_282 : vector<8x512xf32>
    %sub3A_284 = arith.subf %add3A_283, %slice3A_274 : vector<8x512xf32>
    %min3A_285 = arith.minimumf %sub3A_284, %min3A_209 : vector<8x512xf32>
    %ne3A_286 = arith.cmpf one, %min3A_285, %min3A_209 : vector<8x512xf32>
    %mul3A_287 = arith.constant 256 : i32
    %mul3A_288 = arith.muli %arg1, %mul3A_287 : i32
    %add3A_289 = arith.constant 11 : i32
    %add3A_290 = arith.addi %mul3A_288, %add3A_289 : i32
    %broadcast_in_dim3A_291 = vector.broadcast %add3A_290 : i32 to vector<8x512xi32>
    %select_n3A_292 = arith.select %ne3A_286, %broadcast_in_dim3A_291, %select_n3A_216 : vector<8x512xi1>, vector<8x512xi32>
    %slice3A_293 = vector.extract_strided_slice %dot_general3A_43 {offsets = [96, 0], sizes = [8, 512], strides = [1, 1]} : vector<512x512xf32> to vector<8x512xf32>
    %mul3A_294 = arith.constant 2048 : i32
    %mul3A_295 = arith.muli %arg1, %mul3A_294 : i32
    %add3A_296 = arith.constant 96 : i32
    %add3A_297 = arith.addi %mul3A_295, %add3A_296 : i32
    %get3A_298 = arith.index_cast %add3A_297 : i32 to index
    %get3A_299 = arith.constant 0 : index
    %get3A_300 = vector.load %arg11[%get3A_298, %get3A_299] : memref<8192x1xf32, #tpu.memory_space<vmem>>, vector<8x1xf32>
    %add3A_301 = vector.broadcast %get3A_300 : vector<8x1xf32> to vector<8x512xf32>
    %add3A_302 = arith.addf %get3A_13, %add3A_301 : vector<8x512xf32>
    %sub3A_303 = arith.subf %add3A_302, %slice3A_293 : vector<8x512xf32>
    %min3A_304 = arith.minimumf %sub3A_303, %min3A_228 : vector<8x512xf32>
    %ne3A_305 = arith.cmpf one, %min3A_304, %min3A_228 : vector<8x512xf32>
    %mul3A_306 = arith.constant 256 : i32
    %mul3A_307 = arith.muli %arg1, %mul3A_306 : i32
    %add3A_308 = arith.constant 12 : i32
    %add3A_309 = arith.addi %mul3A_307, %add3A_308 : i32
    %broadcast_in_dim3A_310 = vector.broadcast %add3A_309 : i32 to vector<8x512xi32>
    %select_n3A_311 = arith.select %ne3A_305, %broadcast_in_dim3A_310, %select_n3A_235 : vector<8x512xi1>, vector<8x512xi32>
    %slice3A_312 = vector.extract_strided_slice %dot_general3A_43 {offsets = [104, 0], sizes = [8, 512], strides = [1, 1]} : vector<512x512xf32> to vector<8x512xf32>
    %mul3A_313 = arith.constant 2048 : i32
    %mul3A_314 = arith.muli %arg1, %mul3A_313 : i32
    %add3A_315 = arith.constant 104 : i32
    %add3A_316 = arith.addi %mul3A_314, %add3A_315 : i32
    %get3A_317 = arith.index_cast %add3A_316 : i32 to index
    %get3A_318 = arith.constant 0 : index
    %get3A_319 = vector.load %arg11[%get3A_317, %get3A_318] : memref<8192x1xf32, #tpu.memory_space<vmem>>, vector<8x1xf32>
    %add3A_320 = vector.broadcast %get3A_319 : vector<8x1xf32> to vector<8x512xf32>
    %add3A_321 = arith.addf %get3A_13, %add3A_320 : vector<8x512xf32>
    %sub3A_322 = arith.subf %add3A_321, %slice3A_312 : vector<8x512xf32>
    %min3A_323 = arith.minimumf %sub3A_322, %min3A_247 : vector<8x512xf32>
    %ne3A_324 = arith.cmpf one, %min3A_323, %min3A_247 : vector<8x512xf32>
    %mul3A_325 = arith.constant 256 : i32
    %mul3A_326 = arith.muli %arg1, %mul3A_325 : i32
    %add3A_327 = arith.constant 13 : i32
    %add3A_328 = arith.addi %mul3A_326, %add3A_327 : i32
    %broadcast_in_dim3A_329 = vector.broadcast %add3A_328 : i32 to vector<8x512xi32>
    %select_n3A_330 = arith.select %ne3A_324, %broadcast_in_dim3A_329, %select_n3A_254 : vector<8x512xi1>, vector<8x512xi32>
    %slice3A_331 = vector.extract_strided_slice %dot_general3A_43 {offsets = [112, 0], sizes = [8, 512], strides = [1, 1]} : vector<512x512xf32> to vector<8x512xf32>
    %mul3A_332 = arith.constant 2048 : i32
    %mul3A_333 = arith.muli %arg1, %mul3A_332 : i32
    %add3A_334 = arith.constant 112 : i32
    %add3A_335 = arith.addi %mul3A_333, %add3A_334 : i32
    %get3A_336 = arith.index_cast %add3A_335 : i32 to index
    %get3A_337 = arith.constant 0 : index
    %get3A_338 = vector.load %arg11[%get3A_336, %get3A_337] : memref<8192x1xf32, #tpu.memory_space<vmem>>, vector<8x1xf32>
    %add3A_339 = vector.broadcast %get3A_338 : vector<8x1xf32> to vector<8x512xf32>
    %add3A_340 = arith.addf %get3A_13, %add3A_339 : vector<8x512xf32>
    %sub3A_341 = arith.subf %add3A_340, %slice3A_331 : vector<8x512xf32>
    %min3A_342 = arith.minimumf %sub3A_341, %min3A_266 : vector<8x512xf32>
    %ne3A_343 = arith.cmpf one, %min3A_342, %min3A_266 : vector<8x512xf32>
    %mul3A_344 = arith.constant 256 : i32
    %mul3A_345 = arith.muli %arg1, %mul3A_344 : i32
    %add3A_346 = arith.constant 14 : i32
    %add3A_347 = arith.addi %mul3A_345, %add3A_346 : i32
    %broadcast_in_dim3A_348 = vector.broadcast %add3A_347 : i32 to vector<8x512xi32>
    %select_n3A_349 = arith.select %ne3A_343, %broadcast_in_dim3A_348, %select_n3A_273 : vector<8x512xi1>, vector<8x512xi32>
    %slice3A_350 = vector.extract_strided_slice %dot_general3A_43 {offsets = [120, 0], sizes = [8, 512], strides = [1, 1]} : vector<512x512xf32> to vector<8x512xf32>
    %mul3A_351 = arith.constant 2048 : i32
    %mul3A_352 = arith.muli %arg1, %mul3A_351 : i32
    %add3A_353 = arith.constant 120 : i32
    %add3A_354 = arith.addi %mul3A_352, %add3A_353 : i32
    %get3A_355 = arith.index_cast %add3A_354 : i32 to index
    %get3A_356 = arith.constant 0 : index
    %get3A_357 = vector.load %arg11[%get3A_355, %get3A_356] : memref<8192x1xf32, #tpu.memory_space<vmem>>, vector<8x1xf32>
    %add3A_358 = vector.broadcast %get3A_357 : vector<8x1xf32> to vector<8x512xf32>
    %add3A_359 = arith.addf %get3A_13, %add3A_358 : vector<8x512xf32>
    %sub3A_360 = arith.subf %add3A_359, %slice3A_350 : vector<8x512xf32>
    %min3A_361 = arith.minimumf %sub3A_360, %min3A_285 : vector<8x512xf32>
    %ne3A_362 = arith.cmpf one, %min3A_361, %min3A_285 : vector<8x512xf32>
    %mul3A_363 = arith.constant 256 : i32
    %mul3A_364 = arith.muli %arg1, %mul3A_363 : i32
    %add3A_365 = arith.constant 15 : i32
    %add3A_366 = arith.addi %mul3A_364, %add3A_365 : i32
    %broadcast_in_dim3A_367 = vector.broadcast %add3A_366 : i32 to vector<8x512xi32>
    %select_n3A_368 = arith.select %ne3A_362, %broadcast_in_dim3A_367, %select_n3A_292 : vector<8x512xi1>, vector<8x512xi32>
    %slice3A_369 = vector.extract_strided_slice %dot_general3A_43 {offsets = [128, 0], sizes = [8, 512], strides = [1, 1]} : vector<512x512xf32> to vector<8x512xf32>
    %mul3A_370 = arith.constant 2048 : i32
    %mul3A_371 = arith.muli %arg1, %mul3A_370 : i32
    %add3A_372 = arith.constant 128 : i32
    %add3A_373 = arith.addi %mul3A_371, %add3A_372 : i32
    %get3A_374 = arith.index_cast %add3A_373 : i32 to index
    %get3A_375 = arith.constant 0 : index
    %get3A_376 = vector.load %arg11[%get3A_374, %get3A_375] : memref<8192x1xf32, #tpu.memory_space<vmem>>, vector<8x1xf32>
    %add3A_377 = vector.broadcast %get3A_376 : vector<8x1xf32> to vector<8x512xf32>
    %add3A_378 = arith.addf %get3A_13, %add3A_377 : vector<8x512xf32>
    %sub3A_379 = arith.subf %add3A_378, %slice3A_369 : vector<8x512xf32>
    %min3A_380 = arith.minimumf %sub3A_379, %min3A_304 : vector<8x512xf32>
    %ne3A_381 = arith.cmpf one, %min3A_380, %min3A_304 : vector<8x512xf32>
    %mul3A_382 = arith.constant 256 : i32
    %mul3A_383 = arith.muli %arg1, %mul3A_382 : i32
    %add3A_384 = arith.constant 16 : i32
    %add3A_385 = arith.addi %mul3A_383, %add3A_384 : i32
    %broadcast_in_dim3A_386 = vector.broadcast %add3A_385 : i32 to vector<8x512xi32>
    %select_n3A_387 = arith.select %ne3A_381, %broadcast_in_dim3A_386, %select_n3A_311 : vector<8x512xi1>, vector<8x512xi32>
    %slice3A_388 = vector.extract_strided_slice %dot_general3A_43 {offsets = [136, 0], sizes = [8, 512], strides = [1, 1]} : vector<512x512xf32> to vector<8x512xf32>
    %mul3A_389 = arith.constant 2048 : i32
    %mul3A_390 = arith.muli %arg1, %mul3A_389 : i32
    %add3A_391 = arith.constant 136 : i32
    %add3A_392 = arith.addi %mul3A_390, %add3A_391 : i32
    %get3A_393 = arith.index_cast %add3A_392 : i32 to index
    %get3A_394 = arith.constant 0 : index
    %get3A_395 = vector.load %arg11[%get3A_393, %get3A_394] : memref<8192x1xf32, #tpu.memory_space<vmem>>, vector<8x1xf32>
    %add3A_396 = vector.broadcast %get3A_395 : vector<8x1xf32> to vector<8x512xf32>
    %add3A_397 = arith.addf %get3A_13, %add3A_396 : vector<8x512xf32>
    %sub3A_398 = arith.subf %add3A_397, %slice3A_388 : vector<8x512xf32>
    %min3A_399 = arith.minimumf %sub3A_398, %min3A_323 : vector<8x512xf32>
    %ne3A_400 = arith.cmpf one, %min3A_399, %min3A_323 : vector<8x512xf32>
    %mul3A_401 = arith.constant 256 : i32
    %mul3A_402 = arith.muli %arg1, %mul3A_401 : i32
    %add3A_403 = arith.constant 17 : i32
    %add3A_404 = arith.addi %mul3A_402, %add3A_403 : i32
    %broadcast_in_dim3A_405 = vector.broadcast %add3A_404 : i32 to vector<8x512xi32>
    %select_n3A_406 = arith.select %ne3A_400, %broadcast_in_dim3A_405, %select_n3A_330 : vector<8x512xi1>, vector<8x512xi32>
    %slice3A_407 = vector.extract_strided_slice %dot_general3A_43 {offsets = [144, 0], sizes = [8, 512], strides = [1, 1]} : vector<512x512xf32> to vector<8x512xf32>
    %mul3A_408 = arith.constant 2048 : i32
    %mul3A_409 = arith.muli %arg1, %mul3A_408 : i32
    %add3A_410 = arith.constant 144 : i32
    %add3A_411 = arith.addi %mul3A_409, %add3A_410 : i32
    %get3A_412 = arith.index_cast %add3A_411 : i32 to index
    %get3A_413 = arith.constant 0 : index
    %get3A_414 = vector.load %arg11[%get3A_412, %get3A_413] : memref<8192x1xf32, #tpu.memory_space<vmem>>, vector<8x1xf32>
    %add3A_415 = vector.broadcast %get3A_414 : vector<8x1xf32> to vector<8x512xf32>
    %add3A_416 = arith.addf %get3A_13, %add3A_415 : vector<8x512xf32>
    %sub3A_417 = arith.subf %add3A_416, %slice3A_407 : vector<8x512xf32>
    %min3A_418 = arith.minimumf %sub3A_417, %min3A_342 : vector<8x512xf32>
    %ne3A_419 = arith.cmpf one, %min3A_418, %min3A_342 : vector<8x512xf32>
    %mul3A_420 = arith.constant 256 : i32
    %mul3A_421 = arith.muli %arg1, %mul3A_420 : i32
    %add3A_422 = arith.constant 18 : i32
    %add3A_423 = arith.addi %mul3A_421, %add3A_422 : i32
    %broadcast_in_dim3A_424 = vector.broadcast %add3A_423 : i32 to vector<8x512xi32>
    %select_n3A_425 = arith.select %ne3A_419, %broadcast_in_dim3A_424, %select_n3A_349 : vector<8x512xi1>, vector<8x512xi32>
    %slice3A_426 = vector.extract_strided_slice %dot_general3A_43 {offsets = [152, 0], sizes = [8, 512], strides = [1, 1]} : vector<512x512xf32> to vector<8x512xf32>
    %mul3A_427 = arith.constant 2048 : i32
    %mul3A_428 = arith.muli %arg1, %mul3A_427 : i32
    %add3A_429 = arith.constant 152 : i32
    %add3A_430 = arith.addi %mul3A_428, %add3A_429 : i32
    %get3A_431 = arith.index_cast %add3A_430 : i32 to index
    %get3A_432 = arith.constant 0 : index
    %get3A_433 = vector.load %arg11[%get3A_431, %get3A_432] : memref<8192x1xf32, #tpu.memory_space<vmem>>, vector<8x1xf32>
    %add3A_434 = vector.broadcast %get3A_433 : vector<8x1xf32> to vector<8x512xf32>
    %add3A_435 = arith.addf %get3A_13, %add3A_434 : vector<8x512xf32>
    %sub3A_436 = arith.subf %add3A_435, %slice3A_426 : vector<8x512xf32>
    %min3A_437 = arith.minimumf %sub3A_436, %min3A_361 : vector<8x512xf32>
    %ne3A_438 = arith.cmpf one, %min3A_437, %min3A_361 : vector<8x512xf32>
    %mul3A_439 = arith.constant 256 : i32
    %mul3A_440 = arith.muli %arg1, %mul3A_439 : i32
    %add3A_441 = arith.constant 19 : i32
    %add3A_442 = arith.addi %mul3A_440, %add3A_441 : i32
    %broadcast_in_dim3A_443 = vector.broadcast %add3A_442 : i32 to vector<8x512xi32>
    %select_n3A_444 = arith.select %ne3A_438, %broadcast_in_dim3A_443, %select_n3A_368 : vector<8x512xi1>, vector<8x512xi32>
    %slice3A_445 = vector.extract_strided_slice %dot_general3A_43 {offsets = [160, 0], sizes = [8, 512], strides = [1, 1]} : vector<512x512xf32> to vector<8x512xf32>
    %mul3A_446 = arith.constant 2048 : i32
    %mul3A_447 = arith.muli %arg1, %mul3A_446 : i32
    %add3A_448 = arith.constant 160 : i32
    %add3A_449 = arith.addi %mul3A_447, %add3A_448 : i32
    %get3A_450 = arith.index_cast %add3A_449 : i32 to index
    %get3A_451 = arith.constant 0 : index
    %get3A_452 = vector.load %arg11[%get3A_450, %get3A_451] : memref<8192x1xf32, #tpu.memory_space<vmem>>, vector<8x1xf32>
    %add3A_453 = vector.broadcast %get3A_452 : vector<8x1xf32> to vector<8x512xf32>
    %add3A_454 = arith.addf %get3A_13, %add3A_453 : vector<8x512xf32>
    %sub3A_455 = arith.subf %add3A_454, %slice3A_445 : vector<8x512xf32>
    %min3A_456 = arith.minimumf %sub3A_455, %min3A_380 : vector<8x512xf32>
    %ne3A_457 = arith.cmpf one, %min3A_456, %min3A_380 : vector<8x512xf32>
    %mul3A_458 = arith.constant 256 : i32
    %mul3A_459 = arith.muli %arg1, %mul3A_458 : i32
    %add3A_460 = arith.constant 20 : i32
    %add3A_461 = arith.addi %mul3A_459, %add3A_460 : i32
    %broadcast_in_dim3A_462 = vector.broadcast %add3A_461 : i32 to vector<8x512xi32>
    %select_n3A_463 = arith.select %ne3A_457, %broadcast_in_dim3A_462, %select_n3A_387 : vector<8x512xi1>, vector<8x512xi32>
    %slice3A_464 = vector.extract_strided_slice %dot_general3A_43 {offsets = [168, 0], sizes = [8, 512], strides = [1, 1]} : vector<512x512xf32> to vector<8x512xf32>
    %mul3A_465 = arith.constant 2048 : i32
    %mul3A_466 = arith.muli %arg1, %mul3A_465 : i32
    %add3A_467 = arith.constant 168 : i32
    %add3A_468 = arith.addi %mul3A_466, %add3A_467 : i32
    %get3A_469 = arith.index_cast %add3A_468 : i32 to index
    %get3A_470 = arith.constant 0 : index
    %get3A_471 = vector.load %arg11[%get3A_469, %get3A_470] : memref<8192x1xf32, #tpu.memory_space<vmem>>, vector<8x1xf32>
    %add3A_472 = vector.broadcast %get3A_471 : vector<8x1xf32> to vector<8x512xf32>
    %add3A_473 = arith.addf %get3A_13, %add3A_472 : vector<8x512xf32>
    %sub3A_474 = arith.subf %add3A_473, %slice3A_464 : vector<8x512xf32>
    %min3A_475 = arith.minimumf %sub3A_474, %min3A_399 : vector<8x512xf32>
    %ne3A_476 = arith.cmpf one, %min3A_475, %min3A_399 : vector<8x512xf32>
    %mul3A_477 = arith.constant 256 : i32
    %mul3A_478 = arith.muli %arg1, %mul3A_477 : i32
    %add3A_479 = arith.constant 21 : i32
    %add3A_480 = arith.addi %mul3A_478, %add3A_479 : i32
    %broadcast_in_dim3A_481 = vector.broadcast %add3A_480 : i32 to vector<8x512xi32>
    %select_n3A_482 = arith.select %ne3A_476, %broadcast_in_dim3A_481, %select_n3A_406 : vector<8x512xi1>, vector<8x512xi32>
    %slice3A_483 = vector.extract_strided_slice %dot_general3A_43 {offsets = [176, 0], sizes = [8, 512], strides = [1, 1]} : vector<512x512xf32> to vector<8x512xf32>
    %mul3A_484 = arith.constant 2048 : i32
    %mul3A_485 = arith.muli %arg1, %mul3A_484 : i32
    %add3A_486 = arith.constant 176 : i32
    %add3A_487 = arith.addi %mul3A_485, %add3A_486 : i32
    %get3A_488 = arith.index_cast %add3A_487 : i32 to index
    %get3A_489 = arith.constant 0 : index
    %get3A_490 = vector.load %arg11[%get3A_488, %get3A_489] : memref<8192x1xf32, #tpu.memory_space<vmem>>, vector<8x1xf32>
    %add3A_491 = vector.broadcast %get3A_490 : vector<8x1xf32> to vector<8x512xf32>
    %add3A_492 = arith.addf %get3A_13, %add3A_491 : vector<8x512xf32>
    %sub3A_493 = arith.subf %add3A_492, %slice3A_483 : vector<8x512xf32>
    %min3A_494 = arith.minimumf %sub3A_493, %min3A_418 : vector<8x512xf32>
    %ne3A_495 = arith.cmpf one, %min3A_494, %min3A_418 : vector<8x512xf32>
    %mul3A_496 = arith.constant 256 : i32
    %mul3A_497 = arith.muli %arg1, %mul3A_496 : i32
    %add3A_498 = arith.constant 22 : i32
    %add3A_499 = arith.addi %mul3A_497, %add3A_498 : i32
    %broadcast_in_dim3A_500 = vector.broadcast %add3A_499 : i32 to vector<8x512xi32>
    %select_n3A_501 = arith.select %ne3A_495, %broadcast_in_dim3A_500, %select_n3A_425 : vector<8x512xi1>, vector<8x512xi32>
    %slice3A_502 = vector.extract_strided_slice %dot_general3A_43 {offsets = [184, 0], sizes = [8, 512], strides = [1, 1]} : vector<512x512xf32> to vector<8x512xf32>
    %mul3A_503 = arith.constant 2048 : i32
    %mul3A_504 = arith.muli %arg1, %mul3A_503 : i32
    %add3A_505 = arith.constant 184 : i32
    %add3A_506 = arith.addi %mul3A_504, %add3A_505 : i32
    %get3A_507 = arith.index_cast %add3A_506 : i32 to index
    %get3A_508 = arith.constant 0 : index
    %get3A_509 = vector.load %arg11[%get3A_507, %get3A_508] : memref<8192x1xf32, #tpu.memory_space<vmem>>, vector<8x1xf32>
    %add3A_510 = vector.broadcast %get3A_509 : vector<8x1xf32> to vector<8x512xf32>
    %add3A_511 = arith.addf %get3A_13, %add3A_510 : vector<8x512xf32>
    %sub3A_512 = arith.subf %add3A_511, %slice3A_502 : vector<8x512xf32>
    %min3A_513 = arith.minimumf %sub3A_512, %min3A_437 : vector<8x512xf32>
    %ne3A_514 = arith.cmpf one, %min3A_513, %min3A_437 : vector<8x512xf32>
    %mul3A_515 = arith.constant 256 : i32
    %mul3A_516 = arith.muli %arg1, %mul3A_515 : i32
    %add3A_517 = arith.constant 23 : i32
    %add3A_518 = arith.addi %mul3A_516, %add3A_517 : i32
    %broadcast_in_dim3A_519 = vector.broadcast %add3A_518 : i32 to vector<8x512xi32>
    %select_n3A_520 = arith.select %ne3A_514, %broadcast_in_dim3A_519, %select_n3A_444 : vector<8x512xi1>, vector<8x512xi32>
    %slice3A_521 = vector.extract_strided_slice %dot_general3A_43 {offsets = [192, 0], sizes = [8, 512], strides = [1, 1]} : vector<512x512xf32> to vector<8x512xf32>
    %mul3A_522 = arith.constant 2048 : i32
    %mul3A_523 = arith.muli %arg1, %mul3A_522 : i32
    %add3A_524 = arith.constant 192 : i32
    %add3A_525 = arith.addi %mul3A_523, %add3A_524 : i32
    %get3A_526 = arith.index_cast %add3A_525 : i32 to index
    %get3A_527 = arith.constant 0 : index
    %get3A_528 = vector.load %arg11[%get3A_526, %get3A_527] : memref<8192x1xf32, #tpu.memory_space<vmem>>, vector<8x1xf32>
    %add3A_529 = vector.broadcast %get3A_528 : vector<8x1xf32> to vector<8x512xf32>
    %add3A_530 = arith.addf %get3A_13, %add3A_529 : vector<8x512xf32>
    %sub3A_531 = arith.subf %add3A_530, %slice3A_521 : vector<8x512xf32>
    %min3A_532 = arith.minimumf %sub3A_531, %min3A_456 : vector<8x512xf32>
    %ne3A_533 = arith.cmpf one, %min3A_532, %min3A_456 : vector<8x512xf32>
    %mul3A_534 = arith.constant 256 : i32
    %mul3A_535 = arith.muli %arg1, %mul3A_534 : i32
    %add3A_536 = arith.constant 24 : i32
    %add3A_537 = arith.addi %mul3A_535, %add3A_536 : i32
    %broadcast_in_dim3A_538 = vector.broadcast %add3A_537 : i32 to vector<8x512xi32>
    %select_n3A_539 = arith.select %ne3A_533, %broadcast_in_dim3A_538, %select_n3A_463 : vector<8x512xi1>, vector<8x512xi32>
    %slice3A_540 = vector.extract_strided_slice %dot_general3A_43 {offsets = [200, 0], sizes = [8, 512], strides = [1, 1]} : vector<512x512xf32> to vector<8x512xf32>
    %mul3A_541 = arith.constant 2048 : i32
    %mul3A_542 = arith.muli %arg1, %mul3A_541 : i32
    %add3A_543 = arith.constant 200 : i32
    %add3A_544 = arith.addi %mul3A_542, %add3A_543 : i32
    %get3A_545 = arith.index_cast %add3A_544 : i32 to index
    %get3A_546 = arith.constant 0 : index
    %get3A_547 = vector.load %arg11[%get3A_545, %get3A_546] : memref<8192x1xf32, #tpu.memory_space<vmem>>, vector<8x1xf32>
    %add3A_548 = vector.broadcast %get3A_547 : vector<8x1xf32> to vector<8x512xf32>
    %add3A_549 = arith.addf %get3A_13, %add3A_548 : vector<8x512xf32>
    %sub3A_550 = arith.subf %add3A_549, %slice3A_540 : vector<8x512xf32>
    %min3A_551 = arith.minimumf %sub3A_550, %min3A_475 : vector<8x512xf32>
    %ne3A_552 = arith.cmpf one, %min3A_551, %min3A_475 : vector<8x512xf32>
    %mul3A_553 = arith.constant 256 : i32
    %mul3A_554 = arith.muli %arg1, %mul3A_553 : i32
    %add3A_555 = arith.constant 25 : i32
    %add3A_556 = arith.addi %mul3A_554, %add3A_555 : i32
    %broadcast_in_dim3A_557 = vector.broadcast %add3A_556 : i32 to vector<8x512xi32>
    %select_n3A_558 = arith.select %ne3A_552, %broadcast_in_dim3A_557, %select_n3A_482 : vector<8x512xi1>, vector<8x512xi32>
    %slice3A_559 = vector.extract_strided_slice %dot_general3A_43 {offsets = [208, 0], sizes = [8, 512], strides = [1, 1]} : vector<512x512xf32> to vector<8x512xf32>
    %mul3A_560 = arith.constant 2048 : i32
    %mul3A_561 = arith.muli %arg1, %mul3A_560 : i32
    %add3A_562 = arith.constant 208 : i32
    %add3A_563 = arith.addi %mul3A_561, %add3A_562 : i32
    %get3A_564 = arith.index_cast %add3A_563 : i32 to index
    %get3A_565 = arith.constant 0 : index
    %get3A_566 = vector.load %arg11[%get3A_564, %get3A_565] : memref<8192x1xf32, #tpu.memory_space<vmem>>, vector<8x1xf32>
    %add3A_567 = vector.broadcast %get3A_566 : vector<8x1xf32> to vector<8x512xf32>
    %add3A_568 = arith.addf %get3A_13, %add3A_567 : vector<8x512xf32>
    %sub3A_569 = arith.subf %add3A_568, %slice3A_559 : vector<8x512xf32>
    %min3A_570 = arith.minimumf %sub3A_569, %min3A_494 : vector<8x512xf32>
    %ne3A_571 = arith.cmpf one, %min3A_570, %min3A_494 : vector<8x512xf32>
    %mul3A_572 = arith.constant 256 : i32
    %mul3A_573 = arith.muli %arg1, %mul3A_572 : i32
    %add3A_574 = arith.constant 26 : i32
    %add3A_575 = arith.addi %mul3A_573, %add3A_574 : i32
    %broadcast_in_dim3A_576 = vector.broadcast %add3A_575 : i32 to vector<8x512xi32>
    %select_n3A_577 = arith.select %ne3A_571, %broadcast_in_dim3A_576, %select_n3A_501 : vector<8x512xi1>, vector<8x512xi32>
    %slice3A_578 = vector.extract_strided_slice %dot_general3A_43 {offsets = [216, 0], sizes = [8, 512], strides = [1, 1]} : vector<512x512xf32> to vector<8x512xf32>
    %mul3A_579 = arith.constant 2048 : i32
    %mul3A_580 = arith.muli %arg1, %mul3A_579 : i32
    %add3A_581 = arith.constant 216 : i32
    %add3A_582 = arith.addi %mul3A_580, %add3A_581 : i32
    %get3A_583 = arith.index_cast %add3A_582 : i32 to index
    %get3A_584 = arith.constant 0 : index
    %get3A_585 = vector.load %arg11[%get3A_583, %get3A_584] : memref<8192x1xf32, #tpu.memory_space<vmem>>, vector<8x1xf32>
    %add3A_586 = vector.broadcast %get3A_585 : vector<8x1xf32> to vector<8x512xf32>
    %add3A_587 = arith.addf %get3A_13, %add3A_586 : vector<8x512xf32>
    %sub3A_588 = arith.subf %add3A_587, %slice3A_578 : vector<8x512xf32>
    %min3A_589 = arith.minimumf %sub3A_588, %min3A_513 : vector<8x512xf32>
    %ne3A_590 = arith.cmpf one, %min3A_589, %min3A_513 : vector<8x512xf32>
    %mul3A_591 = arith.constant 256 : i32
    %mul3A_592 = arith.muli %arg1, %mul3A_591 : i32
    %add3A_593 = arith.constant 27 : i32
    %add3A_594 = arith.addi %mul3A_592, %add3A_593 : i32
    %broadcast_in_dim3A_595 = vector.broadcast %add3A_594 : i32 to vector<8x512xi32>
    %select_n3A_596 = arith.select %ne3A_590, %broadcast_in_dim3A_595, %select_n3A_520 : vector<8x512xi1>, vector<8x512xi32>
    %slice3A_597 = vector.extract_strided_slice %dot_general3A_43 {offsets = [224, 0], sizes = [8, 512], strides = [1, 1]} : vector<512x512xf32> to vector<8x512xf32>
    %mul3A_598 = arith.constant 2048 : i32
    %mul3A_599 = arith.muli %arg1, %mul3A_598 : i32
    %add3A_600 = arith.constant 224 : i32
    %add3A_601 = arith.addi %mul3A_599, %add3A_600 : i32
    %get3A_602 = arith.index_cast %add3A_601 : i32 to index
    %get3A_603 = arith.constant 0 : index
    %get3A_604 = vector.load %arg11[%get3A_602, %get3A_603] : memref<8192x1xf32, #tpu.memory_space<vmem>>, vector<8x1xf32>
    %add3A_605 = vector.broadcast %get3A_604 : vector<8x1xf32> to vector<8x512xf32>
    %add3A_606 = arith.addf %get3A_13, %add3A_605 : vector<8x512xf32>
    %sub3A_607 = arith.subf %add3A_606, %slice3A_597 : vector<8x512xf32>
    %min3A_608 = arith.minimumf %sub3A_607, %min3A_532 : vector<8x512xf32>
    %ne3A_609 = arith.cmpf one, %min3A_608, %min3A_532 : vector<8x512xf32>
    %mul3A_610 = arith.constant 256 : i32
    %mul3A_611 = arith.muli %arg1, %mul3A_610 : i32
    %add3A_612 = arith.constant 28 : i32
    %add3A_613 = arith.addi %mul3A_611, %add3A_612 : i32
    %broadcast_in_dim3A_614 = vector.broadcast %add3A_613 : i32 to vector<8x512xi32>
    %select_n3A_615 = arith.select %ne3A_609, %broadcast_in_dim3A_614, %select_n3A_539 : vector<8x512xi1>, vector<8x512xi32>
    %slice3A_616 = vector.extract_strided_slice %dot_general3A_43 {offsets = [232, 0], sizes = [8, 512], strides = [1, 1]} : vector<512x512xf32> to vector<8x512xf32>
    %mul3A_617 = arith.constant 2048 : i32
    %mul3A_618 = arith.muli %arg1, %mul3A_617 : i32
    %add3A_619 = arith.constant 232 : i32
    %add3A_620 = arith.addi %mul3A_618, %add3A_619 : i32
    %get3A_621 = arith.index_cast %add3A_620 : i32 to index
    %get3A_622 = arith.constant 0 : index
    %get3A_623 = vector.load %arg11[%get3A_621, %get3A_622] : memref<8192x1xf32, #tpu.memory_space<vmem>>, vector<8x1xf32>
    %add3A_624 = vector.broadcast %get3A_623 : vector<8x1xf32> to vector<8x512xf32>
    %add3A_625 = arith.addf %get3A_13, %add3A_624 : vector<8x512xf32>
    %sub3A_626 = arith.subf %add3A_625, %slice3A_616 : vector<8x512xf32>
    %min3A_627 = arith.minimumf %sub3A_626, %min3A_551 : vector<8x512xf32>
    %ne3A_628 = arith.cmpf one, %min3A_627, %min3A_551 : vector<8x512xf32>
    %mul3A_629 = arith.constant 256 : i32
    %mul3A_630 = arith.muli %arg1, %mul3A_629 : i32
    %add3A_631 = arith.constant 29 : i32
    %add3A_632 = arith.addi %mul3A_630, %add3A_631 : i32
    %broadcast_in_dim3A_633 = vector.broadcast %add3A_632 : i32 to vector<8x512xi32>
    %select_n3A_634 = arith.select %ne3A_628, %broadcast_in_dim3A_633, %select_n3A_558 : vector<8x512xi1>, vector<8x512xi32>
    %slice3A_635 = vector.extract_strided_slice %dot_general3A_43 {offsets = [240, 0], sizes = [8, 512], strides = [1, 1]} : vector<512x512xf32> to vector<8x512xf32>
    %mul3A_636 = arith.constant 2048 : i32
    %mul3A_637 = arith.muli %arg1, %mul3A_636 : i32
    %add3A_638 = arith.constant 240 : i32
    %add3A_639 = arith.addi %mul3A_637, %add3A_638 : i32
    %get3A_640 = arith.index_cast %add3A_639 : i32 to index
    %get3A_641 = arith.constant 0 : index
    %get3A_642 = vector.load %arg11[%get3A_640, %get3A_641] : memref<8192x1xf32, #tpu.memory_space<vmem>>, vector<8x1xf32>
    %add3A_643 = vector.broadcast %get3A_642 : vector<8x1xf32> to vector<8x512xf32>
    %add3A_644 = arith.addf %get3A_13, %add3A_643 : vector<8x512xf32>
    %sub3A_645 = arith.subf %add3A_644, %slice3A_635 : vector<8x512xf32>
    %min3A_646 = arith.minimumf %sub3A_645, %min3A_570 : vector<8x512xf32>
    %ne3A_647 = arith.cmpf one, %min3A_646, %min3A_570 : vector<8x512xf32>
    %mul3A_648 = arith.constant 256 : i32
    %mul3A_649 = arith.muli %arg1, %mul3A_648 : i32
    %add3A_650 = arith.constant 30 : i32
    %add3A_651 = arith.addi %mul3A_649, %add3A_650 : i32
    %broadcast_in_dim3A_652 = vector.broadcast %add3A_651 : i32 to vector<8x512xi32>
    %select_n3A_653 = arith.select %ne3A_647, %broadcast_in_dim3A_652, %select_n3A_577 : vector<8x512xi1>, vector<8x512xi32>
    %slice3A_654 = vector.extract_strided_slice %dot_general3A_43 {offsets = [248, 0], sizes = [8, 512], strides = [1, 1]} : vector<512x512xf32> to vector<8x512xf32>
    %mul3A_655 = arith.constant 2048 : i32
    %mul3A_656 = arith.muli %arg1, %mul3A_655 : i32
    %add3A_657 = arith.constant 248 : i32
    %add3A_658 = arith.addi %mul3A_656, %add3A_657 : i32
    %get3A_659 = arith.index_cast %add3A_658 : i32 to index
    %get3A_660 = arith.constant 0 : index
    %get3A_661 = vector.load %arg11[%get3A_659, %get3A_660] : memref<8192x1xf32, #tpu.memory_space<vmem>>, vector<8x1xf32>
    %add3A_662 = vector.broadcast %get3A_661 : vector<8x1xf32> to vector<8x512xf32>
    %add3A_663 = arith.addf %get3A_13, %add3A_662 : vector<8x512xf32>
    %sub3A_664 = arith.subf %add3A_663, %slice3A_654 : vector<8x512xf32>
    %min3A_665 = arith.minimumf %sub3A_664, %min3A_589 : vector<8x512xf32>
    %ne3A_666 = arith.cmpf one, %min3A_665, %min3A_589 : vector<8x512xf32>
    %mul3A_667 = arith.constant 256 : i32
    %mul3A_668 = arith.muli %arg1, %mul3A_667 : i32
    %add3A_669 = arith.constant 31 : i32
    %add3A_670 = arith.addi %mul3A_668, %add3A_669 : i32
    %broadcast_in_dim3A_671 = vector.broadcast %add3A_670 : i32 to vector<8x512xi32>
    %select_n3A_672 = arith.select %ne3A_666, %broadcast_in_dim3A_671, %select_n3A_596 : vector<8x512xi1>, vector<8x512xi32>
    %slice3A_673 = vector.extract_strided_slice %dot_general3A_43 {offsets = [256, 0], sizes = [8, 512], strides = [1, 1]} : vector<512x512xf32> to vector<8x512xf32>
    %mul3A_674 = arith.constant 2048 : i32
    %mul3A_675 = arith.muli %arg1, %mul3A_674 : i32
    %add3A_676 = arith.constant 256 : i32
    %add3A_677 = arith.addi %mul3A_675, %add3A_676 : i32
    %get3A_678 = arith.index_cast %add3A_677 : i32 to index
    %get3A_679 = arith.constant 0 : index
    %get3A_680 = vector.load %arg11[%get3A_678, %get3A_679] : memref<8192x1xf32, #tpu.memory_space<vmem>>, vector<8x1xf32>
    %add3A_681 = vector.broadcast %get3A_680 : vector<8x1xf32> to vector<8x512xf32>
    %add3A_682 = arith.addf %get3A_13, %add3A_681 : vector<8x512xf32>
    %sub3A_683 = arith.subf %add3A_682, %slice3A_673 : vector<8x512xf32>
    %min3A_684 = arith.minimumf %sub3A_683, %min3A_608 : vector<8x512xf32>
    %ne3A_685 = arith.cmpf one, %min3A_684, %min3A_608 : vector<8x512xf32>
    %mul3A_686 = arith.constant 256 : i32
    %mul3A_687 = arith.muli %arg1, %mul3A_686 : i32
    %add3A_688 = arith.constant 32 : i32
    %add3A_689 = arith.addi %mul3A_687, %add3A_688 : i32
    %broadcast_in_dim3A_690 = vector.broadcast %add3A_689 : i32 to vector<8x512xi32>
    %select_n3A_691 = arith.select %ne3A_685, %broadcast_in_dim3A_690, %select_n3A_615 : vector<8x512xi1>, vector<8x512xi32>
    %slice3A_692 = vector.extract_strided_slice %dot_general3A_43 {offsets = [264, 0], sizes = [8, 512], strides = [1, 1]} : vector<512x512xf32> to vector<8x512xf32>
    %mul3A_693 = arith.constant 2048 : i32
    %mul3A_694 = arith.muli %arg1, %mul3A_693 : i32
    %add3A_695 = arith.constant 264 : i32
    %add3A_696 = arith.addi %mul3A_694, %add3A_695 : i32
    %get3A_697 = arith.index_cast %add3A_696 : i32 to index
    %get3A_698 = arith.constant 0 : index
    %get3A_699 = vector.load %arg11[%get3A_697, %get3A_698] : memref<8192x1xf32, #tpu.memory_space<vmem>>, vector<8x1xf32>
    %add3A_700 = vector.broadcast %get3A_699 : vector<8x1xf32> to vector<8x512xf32>
    %add3A_701 = arith.addf %get3A_13, %add3A_700 : vector<8x512xf32>
    %sub3A_702 = arith.subf %add3A_701, %slice3A_692 : vector<8x512xf32>
    %min3A_703 = arith.minimumf %sub3A_702, %min3A_627 : vector<8x512xf32>
    %ne3A_704 = arith.cmpf one, %min3A_703, %min3A_627 : vector<8x512xf32>
    %mul3A_705 = arith.constant 256 : i32
    %mul3A_706 = arith.muli %arg1, %mul3A_705 : i32
    %add3A_707 = arith.constant 33 : i32
    %add3A_708 = arith.addi %mul3A_706, %add3A_707 : i32
    %broadcast_in_dim3A_709 = vector.broadcast %add3A_708 : i32 to vector<8x512xi32>
    %select_n3A_710 = arith.select %ne3A_704, %broadcast_in_dim3A_709, %select_n3A_634 : vector<8x512xi1>, vector<8x512xi32>
    %slice3A_711 = vector.extract_strided_slice %dot_general3A_43 {offsets = [272, 0], sizes = [8, 512], strides = [1, 1]} : vector<512x512xf32> to vector<8x512xf32>
    %mul3A_712 = arith.constant 2048 : i32
    %mul3A_713 = arith.muli %arg1, %mul3A_712 : i32
    %add3A_714 = arith.constant 272 : i32
    %add3A_715 = arith.addi %mul3A_713, %add3A_714 : i32
    %get3A_716 = arith.index_cast %add3A_715 : i32 to index
    %get3A_717 = arith.constant 0 : index
    %get3A_718 = vector.load %arg11[%get3A_716, %get3A_717] : memref<8192x1xf32, #tpu.memory_space<vmem>>, vector<8x1xf32>
    %add3A_719 = vector.broadcast %get3A_718 : vector<8x1xf32> to vector<8x512xf32>
    %add3A_720 = arith.addf %get3A_13, %add3A_719 : vector<8x512xf32>
    %sub3A_721 = arith.subf %add3A_720, %slice3A_711 : vector<8x512xf32>
    %min3A_722 = arith.minimumf %sub3A_721, %min3A_646 : vector<8x512xf32>
    %ne3A_723 = arith.cmpf one, %min3A_722, %min3A_646 : vector<8x512xf32>
    %mul3A_724 = arith.constant 256 : i32
    %mul3A_725 = arith.muli %arg1, %mul3A_724 : i32
    %add3A_726 = arith.constant 34 : i32
    %add3A_727 = arith.addi %mul3A_725, %add3A_726 : i32
    %broadcast_in_dim3A_728 = vector.broadcast %add3A_727 : i32 to vector<8x512xi32>
    %select_n3A_729 = arith.select %ne3A_723, %broadcast_in_dim3A_728, %select_n3A_653 : vector<8x512xi1>, vector<8x512xi32>
    %slice3A_730 = vector.extract_strided_slice %dot_general3A_43 {offsets = [280, 0], sizes = [8, 512], strides = [1, 1]} : vector<512x512xf32> to vector<8x512xf32>
    %mul3A_731 = arith.constant 2048 : i32
    %mul3A_732 = arith.muli %arg1, %mul3A_731 : i32
    %add3A_733 = arith.constant 280 : i32
    %add3A_734 = arith.addi %mul3A_732, %add3A_733 : i32
    %get3A_735 = arith.index_cast %add3A_734 : i32 to index
    %get3A_736 = arith.constant 0 : index
    %get3A_737 = vector.load %arg11[%get3A_735, %get3A_736] : memref<8192x1xf32, #tpu.memory_space<vmem>>, vector<8x1xf32>
    %add3A_738 = vector.broadcast %get3A_737 : vector<8x1xf32> to vector<8x512xf32>
    %add3A_739 = arith.addf %get3A_13, %add3A_738 : vector<8x512xf32>
    %sub3A_740 = arith.subf %add3A_739, %slice3A_730 : vector<8x512xf32>
    %min3A_741 = arith.minimumf %sub3A_740, %min3A_665 : vector<8x512xf32>
    %ne3A_742 = arith.cmpf one, %min3A_741, %min3A_665 : vector<8x512xf32>
    %mul3A_743 = arith.constant 256 : i32
    %mul3A_744 = arith.muli %arg1, %mul3A_743 : i32
    %add3A_745 = arith.constant 35 : i32
    %add3A_746 = arith.addi %mul3A_744, %add3A_745 : i32
    %broadcast_in_dim3A_747 = vector.broadcast %add3A_746 : i32 to vector<8x512xi32>
    %select_n3A_748 = arith.select %ne3A_742, %broadcast_in_dim3A_747, %select_n3A_672 : vector<8x512xi1>, vector<8x512xi32>
    %slice3A_749 = vector.extract_strided_slice %dot_general3A_43 {offsets = [288, 0], sizes = [8, 512], strides = [1, 1]} : vector<512x512xf32> to vector<8x512xf32>
    %mul3A_750 = arith.constant 2048 : i32
    %mul3A_751 = arith.muli %arg1, %mul3A_750 : i32
    %add3A_752 = arith.constant 288 : i32
    %add3A_753 = arith.addi %mul3A_751, %add3A_752 : i32
    %get3A_754 = arith.index_cast %add3A_753 : i32 to index
    %get3A_755 = arith.constant 0 : index
    %get3A_756 = vector.load %arg11[%get3A_754, %get3A_755] : memref<8192x1xf32, #tpu.memory_space<vmem>>, vector<8x1xf32>
    %add3A_757 = vector.broadcast %get3A_756 : vector<8x1xf32> to vector<8x512xf32>
    %add3A_758 = arith.addf %get3A_13, %add3A_757 : vector<8x512xf32>
    %sub3A_759 = arith.subf %add3A_758, %slice3A_749 : vector<8x512xf32>
    %min3A_760 = arith.minimumf %sub3A_759, %min3A_684 : vector<8x512xf32>
    %ne3A_761 = arith.cmpf one, %min3A_760, %min3A_684 : vector<8x512xf32>
    %mul3A_762 = arith.constant 256 : i32
    %mul3A_763 = arith.muli %arg1, %mul3A_762 : i32
    %add3A_764 = arith.constant 36 : i32
    %add3A_765 = arith.addi %mul3A_763, %add3A_764 : i32
    %broadcast_in_dim3A_766 = vector.broadcast %add3A_765 : i32 to vector<8x512xi32>
    %select_n3A_767 = arith.select %ne3A_761, %broadcast_in_dim3A_766, %select_n3A_691 : vector<8x512xi1>, vector<8x512xi32>
    %slice3A_768 = vector.extract_strided_slice %dot_general3A_43 {offsets = [296, 0], sizes = [8, 512], strides = [1, 1]} : vector<512x512xf32> to vector<8x512xf32>
    %mul3A_769 = arith.constant 2048 : i32
    %mul3A_770 = arith.muli %arg1, %mul3A_769 : i32
    %add3A_771 = arith.constant 296 : i32
    %add3A_772 = arith.addi %mul3A_770, %add3A_771 : i32
    %get3A_773 = arith.index_cast %add3A_772 : i32 to index
    %get3A_774 = arith.constant 0 : index
    %get3A_775 = vector.load %arg11[%get3A_773, %get3A_774] : memref<8192x1xf32, #tpu.memory_space<vmem>>, vector<8x1xf32>
    %add3A_776 = vector.broadcast %get3A_775 : vector<8x1xf32> to vector<8x512xf32>
    %add3A_777 = arith.addf %get3A_13, %add3A_776 : vector<8x512xf32>
    %sub3A_778 = arith.subf %add3A_777, %slice3A_768 : vector<8x512xf32>
    %min3A_779 = arith.minimumf %sub3A_778, %min3A_703 : vector<8x512xf32>
    %ne3A_780 = arith.cmpf one, %min3A_779, %min3A_703 : vector<8x512xf32>
    %mul3A_781 = arith.constant 256 : i32
    %mul3A_782 = arith.muli %arg1, %mul3A_781 : i32
    %add3A_783 = arith.constant 37 : i32
    %add3A_784 = arith.addi %mul3A_782, %add3A_783 : i32
    %broadcast_in_dim3A_785 = vector.broadcast %add3A_784 : i32 to vector<8x512xi32>
    %select_n3A_786 = arith.select %ne3A_780, %broadcast_in_dim3A_785, %select_n3A_710 : vector<8x512xi1>, vector<8x512xi32>
    %slice3A_787 = vector.extract_strided_slice %dot_general3A_43 {offsets = [304, 0], sizes = [8, 512], strides = [1, 1]} : vector<512x512xf32> to vector<8x512xf32>
    %mul3A_788 = arith.constant 2048 : i32
    %mul3A_789 = arith.muli %arg1, %mul3A_788 : i32
    %add3A_790 = arith.constant 304 : i32
    %add3A_791 = arith.addi %mul3A_789, %add3A_790 : i32
    %get3A_792 = arith.index_cast %add3A_791 : i32 to index
    %get3A_793 = arith.constant 0 : index
    %get3A_794 = vector.load %arg11[%get3A_792, %get3A_793] : memref<8192x1xf32, #tpu.memory_space<vmem>>, vector<8x1xf32>
    %add3A_795 = vector.broadcast %get3A_794 : vector<8x1xf32> to vector<8x512xf32>
    %add3A_796 = arith.addf %get3A_13, %add3A_795 : vector<8x512xf32>
    %sub3A_797 = arith.subf %add3A_796, %slice3A_787 : vector<8x512xf32>
    %min3A_798 = arith.minimumf %sub3A_797, %min3A_722 : vector<8x512xf32>
    %ne3A_799 = arith.cmpf one, %min3A_798, %min3A_722 : vector<8x512xf32>
    %mul3A_800 = arith.constant 256 : i32
    %mul3A_801 = arith.muli %arg1, %mul3A_800 : i32
    %add3A_802 = arith.constant 38 : i32
    %add3A_803 = arith.addi %mul3A_801, %add3A_802 : i32
    %broadcast_in_dim3A_804 = vector.broadcast %add3A_803 : i32 to vector<8x512xi32>
    %select_n3A_805 = arith.select %ne3A_799, %broadcast_in_dim3A_804, %select_n3A_729 : vector<8x512xi1>, vector<8x512xi32>
    %slice3A_806 = vector.extract_strided_slice %dot_general3A_43 {offsets = [312, 0], sizes = [8, 512], strides = [1, 1]} : vector<512x512xf32> to vector<8x512xf32>
    %mul3A_807 = arith.constant 2048 : i32
    %mul3A_808 = arith.muli %arg1, %mul3A_807 : i32
    %add3A_809 = arith.constant 312 : i32
    %add3A_810 = arith.addi %mul3A_808, %add3A_809 : i32
    %get3A_811 = arith.index_cast %add3A_810 : i32 to index
    %get3A_812 = arith.constant 0 : index
    %get3A_813 = vector.load %arg11[%get3A_811, %get3A_812] : memref<8192x1xf32, #tpu.memory_space<vmem>>, vector<8x1xf32>
    %add3A_814 = vector.broadcast %get3A_813 : vector<8x1xf32> to vector<8x512xf32>
    %add3A_815 = arith.addf %get3A_13, %add3A_814 : vector<8x512xf32>
    %sub3A_816 = arith.subf %add3A_815, %slice3A_806 : vector<8x512xf32>
    %min3A_817 = arith.minimumf %sub3A_816, %min3A_741 : vector<8x512xf32>
    %ne3A_818 = arith.cmpf one, %min3A_817, %min3A_741 : vector<8x512xf32>
    %mul3A_819 = arith.constant 256 : i32
    %mul3A_820 = arith.muli %arg1, %mul3A_819 : i32
    %add3A_821 = arith.constant 39 : i32
    %add3A_822 = arith.addi %mul3A_820, %add3A_821 : i32
    %broadcast_in_dim3A_823 = vector.broadcast %add3A_822 : i32 to vector<8x512xi32>
    %select_n3A_824 = arith.select %ne3A_818, %broadcast_in_dim3A_823, %select_n3A_748 : vector<8x512xi1>, vector<8x512xi32>
    %slice3A_825 = vector.extract_strided_slice %dot_general3A_43 {offsets = [320, 0], sizes = [8, 512], strides = [1, 1]} : vector<512x512xf32> to vector<8x512xf32>
    %mul3A_826 = arith.constant 2048 : i32
    %mul3A_827 = arith.muli %arg1, %mul3A_826 : i32
    %add3A_828 = arith.constant 320 : i32
    %add3A_829 = arith.addi %mul3A_827, %add3A_828 : i32
    %get3A_830 = arith.index_cast %add3A_829 : i32 to index
    %get3A_831 = arith.constant 0 : index
    %get3A_832 = vector.load %arg11[%get3A_830, %get3A_831] : memref<8192x1xf32, #tpu.memory_space<vmem>>, vector<8x1xf32>
    %add3A_833 = vector.broadcast %get3A_832 : vector<8x1xf32> to vector<8x512xf32>
    %add3A_834 = arith.addf %get3A_13, %add3A_833 : vector<8x512xf32>
    %sub3A_835 = arith.subf %add3A_834, %slice3A_825 : vector<8x512xf32>
    %min3A_836 = arith.minimumf %sub3A_835, %min3A_760 : vector<8x512xf32>
    %ne3A_837 = arith.cmpf one, %min3A_836, %min3A_760 : vector<8x512xf32>
    %mul3A_838 = arith.constant 256 : i32
    %mul3A_839 = arith.muli %arg1, %mul3A_838 : i32
    %add3A_840 = arith.constant 40 : i32
    %add3A_841 = arith.addi %mul3A_839, %add3A_840 : i32
    %broadcast_in_dim3A_842 = vector.broadcast %add3A_841 : i32 to vector<8x512xi32>
    %select_n3A_843 = arith.select %ne3A_837, %broadcast_in_dim3A_842, %select_n3A_767 : vector<8x512xi1>, vector<8x512xi32>
    %slice3A_844 = vector.extract_strided_slice %dot_general3A_43 {offsets = [328, 0], sizes = [8, 512], strides = [1, 1]} : vector<512x512xf32> to vector<8x512xf32>
    %mul3A_845 = arith.constant 2048 : i32
    %mul3A_846 = arith.muli %arg1, %mul3A_845 : i32
    %add3A_847 = arith.constant 328 : i32
    %add3A_848 = arith.addi %mul3A_846, %add3A_847 : i32
    %get3A_849 = arith.index_cast %add3A_848 : i32 to index
    %get3A_850 = arith.constant 0 : index
    %get3A_851 = vector.load %arg11[%get3A_849, %get3A_850] : memref<8192x1xf32, #tpu.memory_space<vmem>>, vector<8x1xf32>
    %add3A_852 = vector.broadcast %get3A_851 : vector<8x1xf32> to vector<8x512xf32>
    %add3A_853 = arith.addf %get3A_13, %add3A_852 : vector<8x512xf32>
    %sub3A_854 = arith.subf %add3A_853, %slice3A_844 : vector<8x512xf32>
    %min3A_855 = arith.minimumf %sub3A_854, %min3A_779 : vector<8x512xf32>
    %ne3A_856 = arith.cmpf one, %min3A_855, %min3A_779 : vector<8x512xf32>
    %mul3A_857 = arith.constant 256 : i32
    %mul3A_858 = arith.muli %arg1, %mul3A_857 : i32
    %add3A_859 = arith.constant 41 : i32
    %add3A_860 = arith.addi %mul3A_858, %add3A_859 : i32
    %broadcast_in_dim3A_861 = vector.broadcast %add3A_860 : i32 to vector<8x512xi32>
    %select_n3A_862 = arith.select %ne3A_856, %broadcast_in_dim3A_861, %select_n3A_786 : vector<8x512xi1>, vector<8x512xi32>
    %slice3A_863 = vector.extract_strided_slice %dot_general3A_43 {offsets = [336, 0], sizes = [8, 512], strides = [1, 1]} : vector<512x512xf32> to vector<8x512xf32>
    %mul3A_864 = arith.constant 2048 : i32
    %mul3A_865 = arith.muli %arg1, %mul3A_864 : i32
    %add3A_866 = arith.constant 336 : i32
    %add3A_867 = arith.addi %mul3A_865, %add3A_866 : i32
    %get3A_868 = arith.index_cast %add3A_867 : i32 to index
    %get3A_869 = arith.constant 0 : index
    %get3A_870 = vector.load %arg11[%get3A_868, %get3A_869] : memref<8192x1xf32, #tpu.memory_space<vmem>>, vector<8x1xf32>
    %add3A_871 = vector.broadcast %get3A_870 : vector<8x1xf32> to vector<8x512xf32>
    %add3A_872 = arith.addf %get3A_13, %add3A_871 : vector<8x512xf32>
    %sub3A_873 = arith.subf %add3A_872, %slice3A_863 : vector<8x512xf32>
    %min3A_874 = arith.minimumf %sub3A_873, %min3A_798 : vector<8x512xf32>
    %ne3A_875 = arith.cmpf one, %min3A_874, %min3A_798 : vector<8x512xf32>
    %mul3A_876 = arith.constant 256 : i32
    %mul3A_877 = arith.muli %arg1, %mul3A_876 : i32
    %add3A_878 = arith.constant 42 : i32
    %add3A_879 = arith.addi %mul3A_877, %add3A_878 : i32
    %broadcast_in_dim3A_880 = vector.broadcast %add3A_879 : i32 to vector<8x512xi32>
    %select_n3A_881 = arith.select %ne3A_875, %broadcast_in_dim3A_880, %select_n3A_805 : vector<8x512xi1>, vector<8x512xi32>
    %slice3A_882 = vector.extract_strided_slice %dot_general3A_43 {offsets = [344, 0], sizes = [8, 512], strides = [1, 1]} : vector<512x512xf32> to vector<8x512xf32>
    %mul3A_883 = arith.constant 2048 : i32
    %mul3A_884 = arith.muli %arg1, %mul3A_883 : i32
    %add3A_885 = arith.constant 344 : i32
    %add3A_886 = arith.addi %mul3A_884, %add3A_885 : i32
    %get3A_887 = arith.index_cast %add3A_886 : i32 to index
    %get3A_888 = arith.constant 0 : index
    %get3A_889 = vector.load %arg11[%get3A_887, %get3A_888] : memref<8192x1xf32, #tpu.memory_space<vmem>>, vector<8x1xf32>
    %add3A_890 = vector.broadcast %get3A_889 : vector<8x1xf32> to vector<8x512xf32>
    %add3A_891 = arith.addf %get3A_13, %add3A_890 : vector<8x512xf32>
    %sub3A_892 = arith.subf %add3A_891, %slice3A_882 : vector<8x512xf32>
    %min3A_893 = arith.minimumf %sub3A_892, %min3A_817 : vector<8x512xf32>
    %ne3A_894 = arith.cmpf one, %min3A_893, %min3A_817 : vector<8x512xf32>
    %mul3A_895 = arith.constant 256 : i32
    %mul3A_896 = arith.muli %arg1, %mul3A_895 : i32
    %add3A_897 = arith.constant 43 : i32
    %add3A_898 = arith.addi %mul3A_896, %add3A_897 : i32
    %broadcast_in_dim3A_899 = vector.broadcast %add3A_898 : i32 to vector<8x512xi32>
    %select_n3A_900 = arith.select %ne3A_894, %broadcast_in_dim3A_899, %select_n3A_824 : vector<8x512xi1>, vector<8x512xi32>
    %slice3A_901 = vector.extract_strided_slice %dot_general3A_43 {offsets = [352, 0], sizes = [8, 512], strides = [1, 1]} : vector<512x512xf32> to vector<8x512xf32>
    %mul3A_902 = arith.constant 2048 : i32
    %mul3A_903 = arith.muli %arg1, %mul3A_902 : i32
    %add3A_904 = arith.constant 352 : i32
    %add3A_905 = arith.addi %mul3A_903, %add3A_904 : i32
    %get3A_906 = arith.index_cast %add3A_905 : i32 to index
    %get3A_907 = arith.constant 0 : index
    %get3A_908 = vector.load %arg11[%get3A_906, %get3A_907] : memref<8192x1xf32, #tpu.memory_space<vmem>>, vector<8x1xf32>
    %add3A_909 = vector.broadcast %get3A_908 : vector<8x1xf32> to vector<8x512xf32>
    %add3A_910 = arith.addf %get3A_13, %add3A_909 : vector<8x512xf32>
    %sub3A_911 = arith.subf %add3A_910, %slice3A_901 : vector<8x512xf32>
    %min3A_912 = arith.minimumf %sub3A_911, %min3A_836 : vector<8x512xf32>
    %ne3A_913 = arith.cmpf one, %min3A_912, %min3A_836 : vector<8x512xf32>
    %mul3A_914 = arith.constant 256 : i32
    %mul3A_915 = arith.muli %arg1, %mul3A_914 : i32
    %add3A_916 = arith.constant 44 : i32
    %add3A_917 = arith.addi %mul3A_915, %add3A_916 : i32
    %broadcast_in_dim3A_918 = vector.broadcast %add3A_917 : i32 to vector<8x512xi32>
    %select_n3A_919 = arith.select %ne3A_913, %broadcast_in_dim3A_918, %select_n3A_843 : vector<8x512xi1>, vector<8x512xi32>
    %slice3A_920 = vector.extract_strided_slice %dot_general3A_43 {offsets = [360, 0], sizes = [8, 512], strides = [1, 1]} : vector<512x512xf32> to vector<8x512xf32>
    %mul3A_921 = arith.constant 2048 : i32
    %mul3A_922 = arith.muli %arg1, %mul3A_921 : i32
    %add3A_923 = arith.constant 360 : i32
    %add3A_924 = arith.addi %mul3A_922, %add3A_923 : i32
    %get3A_925 = arith.index_cast %add3A_924 : i32 to index
    %get3A_926 = arith.constant 0 : index
    %get3A_927 = vector.load %arg11[%get3A_925, %get3A_926] : memref<8192x1xf32, #tpu.memory_space<vmem>>, vector<8x1xf32>
    %add3A_928 = vector.broadcast %get3A_927 : vector<8x1xf32> to vector<8x512xf32>
    %add3A_929 = arith.addf %get3A_13, %add3A_928 : vector<8x512xf32>
    %sub3A_930 = arith.subf %add3A_929, %slice3A_920 : vector<8x512xf32>
    %min3A_931 = arith.minimumf %sub3A_930, %min3A_855 : vector<8x512xf32>
    %ne3A_932 = arith.cmpf one, %min3A_931, %min3A_855 : vector<8x512xf32>
    %mul3A_933 = arith.constant 256 : i32
    %mul3A_934 = arith.muli %arg1, %mul3A_933 : i32
    %add3A_935 = arith.constant 45 : i32
    %add3A_936 = arith.addi %mul3A_934, %add3A_935 : i32
    %broadcast_in_dim3A_937 = vector.broadcast %add3A_936 : i32 to vector<8x512xi32>
    %select_n3A_938 = arith.select %ne3A_932, %broadcast_in_dim3A_937, %select_n3A_862 : vector<8x512xi1>, vector<8x512xi32>
    %slice3A_939 = vector.extract_strided_slice %dot_general3A_43 {offsets = [368, 0], sizes = [8, 512], strides = [1, 1]} : vector<512x512xf32> to vector<8x512xf32>
    %mul3A_940 = arith.constant 2048 : i32
    %mul3A_941 = arith.muli %arg1, %mul3A_940 : i32
    %add3A_942 = arith.constant 368 : i32
    %add3A_943 = arith.addi %mul3A_941, %add3A_942 : i32
    %get3A_944 = arith.index_cast %add3A_943 : i32 to index
    %get3A_945 = arith.constant 0 : index
    %get3A_946 = vector.load %arg11[%get3A_944, %get3A_945] : memref<8192x1xf32, #tpu.memory_space<vmem>>, vector<8x1xf32>
    %add3A_947 = vector.broadcast %get3A_946 : vector<8x1xf32> to vector<8x512xf32>
    %add3A_948 = arith.addf %get3A_13, %add3A_947 : vector<8x512xf32>
    %sub3A_949 = arith.subf %add3A_948, %slice3A_939 : vector<8x512xf32>
    %min3A_950 = arith.minimumf %sub3A_949, %min3A_874 : vector<8x512xf32>
    %ne3A_951 = arith.cmpf one, %min3A_950, %min3A_874 : vector<8x512xf32>
    %mul3A_952 = arith.constant 256 : i32
    %mul3A_953 = arith.muli %arg1, %mul3A_952 : i32
    %add3A_954 = arith.constant 46 : i32
    %add3A_955 = arith.addi %mul3A_953, %add3A_954 : i32
    %broadcast_in_dim3A_956 = vector.broadcast %add3A_955 : i32 to vector<8x512xi32>
    %select_n3A_957 = arith.select %ne3A_951, %broadcast_in_dim3A_956, %select_n3A_881 : vector<8x512xi1>, vector<8x512xi32>
    %slice3A_958 = vector.extract_strided_slice %dot_general3A_43 {offsets = [376, 0], sizes = [8, 512], strides = [1, 1]} : vector<512x512xf32> to vector<8x512xf32>
    %mul3A_959 = arith.constant 2048 : i32
    %mul3A_960 = arith.muli %arg1, %mul3A_959 : i32
    %add3A_961 = arith.constant 376 : i32
    %add3A_962 = arith.addi %mul3A_960, %add3A_961 : i32
    %get3A_963 = arith.index_cast %add3A_962 : i32 to index
    %get3A_964 = arith.constant 0 : index
    %get3A_965 = vector.load %arg11[%get3A_963, %get3A_964] : memref<8192x1xf32, #tpu.memory_space<vmem>>, vector<8x1xf32>
    %add3A_966 = vector.broadcast %get3A_965 : vector<8x1xf32> to vector<8x512xf32>
    %add3A_967 = arith.addf %get3A_13, %add3A_966 : vector<8x512xf32>
    %sub3A_968 = arith.subf %add3A_967, %slice3A_958 : vector<8x512xf32>
    %min3A_969 = arith.minimumf %sub3A_968, %min3A_893 : vector<8x512xf32>
    %ne3A_970 = arith.cmpf one, %min3A_969, %min3A_893 : vector<8x512xf32>
    %mul3A_971 = arith.constant 256 : i32
    %mul3A_972 = arith.muli %arg1, %mul3A_971 : i32
    %add3A_973 = arith.constant 47 : i32
    %add3A_974 = arith.addi %mul3A_972, %add3A_973 : i32
    %broadcast_in_dim3A_975 = vector.broadcast %add3A_974 : i32 to vector<8x512xi32>
    %select_n3A_976 = arith.select %ne3A_970, %broadcast_in_dim3A_975, %select_n3A_900 : vector<8x512xi1>, vector<8x512xi32>
    %slice3A_977 = vector.extract_strided_slice %dot_general3A_43 {offsets = [384, 0], sizes = [8, 512], strides = [1, 1]} : vector<512x512xf32> to vector<8x512xf32>
    %mul3A_978 = arith.constant 2048 : i32
    %mul3A_979 = arith.muli %arg1, %mul3A_978 : i32
    %add3A_980 = arith.constant 384 : i32
    %add3A_981 = arith.addi %mul3A_979, %add3A_980 : i32
    %get3A_982 = arith.index_cast %add3A_981 : i32 to index
    %get3A_983 = arith.constant 0 : index
    %get3A_984 = vector.load %arg11[%get3A_982, %get3A_983] : memref<8192x1xf32, #tpu.memory_space<vmem>>, vector<8x1xf32>
    %add3A_985 = vector.broadcast %get3A_984 : vector<8x1xf32> to vector<8x512xf32>
    %add3A_986 = arith.addf %get3A_13, %add3A_985 : vector<8x512xf32>
    %sub3A_987 = arith.subf %add3A_986, %slice3A_977 : vector<8x512xf32>
    %min3A_988 = arith.minimumf %sub3A_987, %min3A_912 : vector<8x512xf32>
    %ne3A_989 = arith.cmpf one, %min3A_988, %min3A_912 : vector<8x512xf32>
    %mul3A_990 = arith.constant 256 : i32
    %mul3A_991 = arith.muli %arg1, %mul3A_990 : i32
    %add3A_992 = arith.constant 48 : i32
    %add3A_993 = arith.addi %mul3A_991, %add3A_992 : i32
    %broadcast_in_dim3A_994 = vector.broadcast %add3A_993 : i32 to vector<8x512xi32>
    %select_n3A_995 = arith.select %ne3A_989, %broadcast_in_dim3A_994, %select_n3A_919 : vector<8x512xi1>, vector<8x512xi32>
    %slice3A_996 = vector.extract_strided_slice %dot_general3A_43 {offsets = [392, 0], sizes = [8, 512], strides = [1, 1]} : vector<512x512xf32> to vector<8x512xf32>
    %mul3A_997 = arith.constant 2048 : i32
    %mul3A_998 = arith.muli %arg1, %mul3A_997 : i32
    %add3A_999 = arith.constant 392 : i32
    %add3A_1000 = arith.addi %mul3A_998, %add3A_999 : i32
    %get3A_1001 = arith.index_cast %add3A_1000 : i32 to index
    %get3A_1002 = arith.constant 0 : index
    %get3A_1003 = vector.load %arg11[%get3A_1001, %get3A_1002] : memref<8192x1xf32, #tpu.memory_space<vmem>>, vector<8x1xf32>
    %add3A_1004 = vector.broadcast %get3A_1003 : vector<8x1xf32> to vector<8x512xf32>
    %add3A_1005 = arith.addf %get3A_13, %add3A_1004 : vector<8x512xf32>
    %sub3A_1006 = arith.subf %add3A_1005, %slice3A_996 : vector<8x512xf32>
    %min3A_1007 = arith.minimumf %sub3A_1006, %min3A_931 : vector<8x512xf32>
    %ne3A_1008 = arith.cmpf one, %min3A_1007, %min3A_931 : vector<8x512xf32>
    %mul3A_1009 = arith.constant 256 : i32
    %mul3A_1010 = arith.muli %arg1, %mul3A_1009 : i32
    %add3A_1011 = arith.constant 49 : i32
    %add3A_1012 = arith.addi %mul3A_1010, %add3A_1011 : i32
    %broadcast_in_dim3A_1013 = vector.broadcast %add3A_1012 : i32 to vector<8x512xi32>
    %select_n3A_1014 = arith.select %ne3A_1008, %broadcast_in_dim3A_1013, %select_n3A_938 : vector<8x512xi1>, vector<8x512xi32>
    %slice3A_1015 = vector.extract_strided_slice %dot_general3A_43 {offsets = [400, 0], sizes = [8, 512], strides = [1, 1]} : vector<512x512xf32> to vector<8x512xf32>
    %mul3A_1016 = arith.constant 2048 : i32
    %mul3A_1017 = arith.muli %arg1, %mul3A_1016 : i32
    %add3A_1018 = arith.constant 400 : i32
    %add3A_1019 = arith.addi %mul3A_1017, %add3A_1018 : i32
    %get3A_1020 = arith.index_cast %add3A_1019 : i32 to index
    %get3A_1021 = arith.constant 0 : index
    %get3A_1022 = vector.load %arg11[%get3A_1020, %get3A_1021] : memref<8192x1xf32, #tpu.memory_space<vmem>>, vector<8x1xf32>
    %add3A_1023 = vector.broadcast %get3A_1022 : vector<8x1xf32> to vector<8x512xf32>
    %add3A_1024 = arith.addf %get3A_13, %add3A_1023 : vector<8x512xf32>
    %sub3A_1025 = arith.subf %add3A_1024, %slice3A_1015 : vector<8x512xf32>
    %min3A_1026 = arith.minimumf %sub3A_1025, %min3A_950 : vector<8x512xf32>
    %ne3A_1027 = arith.cmpf one, %min3A_1026, %min3A_950 : vector<8x512xf32>
    %mul3A_1028 = arith.constant 256 : i32
    %mul3A_1029 = arith.muli %arg1, %mul3A_1028 : i32
    %add3A_1030 = arith.constant 50 : i32
    %add3A_1031 = arith.addi %mul3A_1029, %add3A_1030 : i32
    %broadcast_in_dim3A_1032 = vector.broadcast %add3A_1031 : i32 to vector<8x512xi32>
    %select_n3A_1033 = arith.select %ne3A_1027, %broadcast_in_dim3A_1032, %select_n3A_957 : vector<8x512xi1>, vector<8x512xi32>
    %slice3A_1034 = vector.extract_strided_slice %dot_general3A_43 {offsets = [408, 0], sizes = [8, 512], strides = [1, 1]} : vector<512x512xf32> to vector<8x512xf32>
    %mul3A_1035 = arith.constant 2048 : i32
    %mul3A_1036 = arith.muli %arg1, %mul3A_1035 : i32
    %add3A_1037 = arith.constant 408 : i32
    %add3A_1038 = arith.addi %mul3A_1036, %add3A_1037 : i32
    %get3A_1039 = arith.index_cast %add3A_1038 : i32 to index
    %get3A_1040 = arith.constant 0 : index
    %get3A_1041 = vector.load %arg11[%get3A_1039, %get3A_1040] : memref<8192x1xf32, #tpu.memory_space<vmem>>, vector<8x1xf32>
    %add3A_1042 = vector.broadcast %get3A_1041 : vector<8x1xf32> to vector<8x512xf32>
    %add3A_1043 = arith.addf %get3A_13, %add3A_1042 : vector<8x512xf32>
    %sub3A_1044 = arith.subf %add3A_1043, %slice3A_1034 : vector<8x512xf32>
    %min3A_1045 = arith.minimumf %sub3A_1044, %min3A_969 : vector<8x512xf32>
    %ne3A_1046 = arith.cmpf one, %min3A_1045, %min3A_969 : vector<8x512xf32>
    %mul3A_1047 = arith.constant 256 : i32
    %mul3A_1048 = arith.muli %arg1, %mul3A_1047 : i32
    %add3A_1049 = arith.constant 51 : i32
    %add3A_1050 = arith.addi %mul3A_1048, %add3A_1049 : i32
    %broadcast_in_dim3A_1051 = vector.broadcast %add3A_1050 : i32 to vector<8x512xi32>
    %select_n3A_1052 = arith.select %ne3A_1046, %broadcast_in_dim3A_1051, %select_n3A_976 : vector<8x512xi1>, vector<8x512xi32>
    %slice3A_1053 = vector.extract_strided_slice %dot_general3A_43 {offsets = [416, 0], sizes = [8, 512], strides = [1, 1]} : vector<512x512xf32> to vector<8x512xf32>
    %mul3A_1054 = arith.constant 2048 : i32
    %mul3A_1055 = arith.muli %arg1, %mul3A_1054 : i32
    %add3A_1056 = arith.constant 416 : i32
    %add3A_1057 = arith.addi %mul3A_1055, %add3A_1056 : i32
    %get3A_1058 = arith.index_cast %add3A_1057 : i32 to index
    %get3A_1059 = arith.constant 0 : index
    %get3A_1060 = vector.load %arg11[%get3A_1058, %get3A_1059] : memref<8192x1xf32, #tpu.memory_space<vmem>>, vector<8x1xf32>
    %add3A_1061 = vector.broadcast %get3A_1060 : vector<8x1xf32> to vector<8x512xf32>
    %add3A_1062 = arith.addf %get3A_13, %add3A_1061 : vector<8x512xf32>
    %sub3A_1063 = arith.subf %add3A_1062, %slice3A_1053 : vector<8x512xf32>
    %min3A_1064 = arith.minimumf %sub3A_1063, %min3A_988 : vector<8x512xf32>
    %ne3A_1065 = arith.cmpf one, %min3A_1064, %min3A_988 : vector<8x512xf32>
    %mul3A_1066 = arith.constant 256 : i32
    %mul3A_1067 = arith.muli %arg1, %mul3A_1066 : i32
    %add3A_1068 = arith.constant 52 : i32
    %add3A_1069 = arith.addi %mul3A_1067, %add3A_1068 : i32
    %broadcast_in_dim3A_1070 = vector.broadcast %add3A_1069 : i32 to vector<8x512xi32>
    %select_n3A_1071 = arith.select %ne3A_1065, %broadcast_in_dim3A_1070, %select_n3A_995 : vector<8x512xi1>, vector<8x512xi32>
    %slice3A_1072 = vector.extract_strided_slice %dot_general3A_43 {offsets = [424, 0], sizes = [8, 512], strides = [1, 1]} : vector<512x512xf32> to vector<8x512xf32>
    %mul3A_1073 = arith.constant 2048 : i32
    %mul3A_1074 = arith.muli %arg1, %mul3A_1073 : i32
    %add3A_1075 = arith.constant 424 : i32
    %add3A_1076 = arith.addi %mul3A_1074, %add3A_1075 : i32
    %get3A_1077 = arith.index_cast %add3A_1076 : i32 to index
    %get3A_1078 = arith.constant 0 : index
    %get3A_1079 = vector.load %arg11[%get3A_1077, %get3A_1078] : memref<8192x1xf32, #tpu.memory_space<vmem>>, vector<8x1xf32>
    %add3A_1080 = vector.broadcast %get3A_1079 : vector<8x1xf32> to vector<8x512xf32>
    %add3A_1081 = arith.addf %get3A_13, %add3A_1080 : vector<8x512xf32>
    %sub3A_1082 = arith.subf %add3A_1081, %slice3A_1072 : vector<8x512xf32>
    %min3A_1083 = arith.minimumf %sub3A_1082, %min3A_1007 : vector<8x512xf32>
    %ne3A_1084 = arith.cmpf one, %min3A_1083, %min3A_1007 : vector<8x512xf32>
    %mul3A_1085 = arith.constant 256 : i32
    %mul3A_1086 = arith.muli %arg1, %mul3A_1085 : i32
    %add3A_1087 = arith.constant 53 : i32
    %add3A_1088 = arith.addi %mul3A_1086, %add3A_1087 : i32
    %broadcast_in_dim3A_1089 = vector.broadcast %add3A_1088 : i32 to vector<8x512xi32>
    %select_n3A_1090 = arith.select %ne3A_1084, %broadcast_in_dim3A_1089, %select_n3A_1014 : vector<8x512xi1>, vector<8x512xi32>
    %slice3A_1091 = vector.extract_strided_slice %dot_general3A_43 {offsets = [432, 0], sizes = [8, 512], strides = [1, 1]} : vector<512x512xf32> to vector<8x512xf32>
    %mul3A_1092 = arith.constant 2048 : i32
    %mul3A_1093 = arith.muli %arg1, %mul3A_1092 : i32
    %add3A_1094 = arith.constant 432 : i32
    %add3A_1095 = arith.addi %mul3A_1093, %add3A_1094 : i32
    %get3A_1096 = arith.index_cast %add3A_1095 : i32 to index
    %get3A_1097 = arith.constant 0 : index
    %get3A_1098 = vector.load %arg11[%get3A_1096, %get3A_1097] : memref<8192x1xf32, #tpu.memory_space<vmem>>, vector<8x1xf32>
    %add3A_1099 = vector.broadcast %get3A_1098 : vector<8x1xf32> to vector<8x512xf32>
    %add3A_1100 = arith.addf %get3A_13, %add3A_1099 : vector<8x512xf32>
    %sub3A_1101 = arith.subf %add3A_1100, %slice3A_1091 : vector<8x512xf32>
    %min3A_1102 = arith.minimumf %sub3A_1101, %min3A_1026 : vector<8x512xf32>
    %ne3A_1103 = arith.cmpf one, %min3A_1102, %min3A_1026 : vector<8x512xf32>
    %mul3A_1104 = arith.constant 256 : i32
    %mul3A_1105 = arith.muli %arg1, %mul3A_1104 : i32
    %add3A_1106 = arith.constant 54 : i32
    %add3A_1107 = arith.addi %mul3A_1105, %add3A_1106 : i32
    %broadcast_in_dim3A_1108 = vector.broadcast %add3A_1107 : i32 to vector<8x512xi32>
    %select_n3A_1109 = arith.select %ne3A_1103, %broadcast_in_dim3A_1108, %select_n3A_1033 : vector<8x512xi1>, vector<8x512xi32>
    %slice3A_1110 = vector.extract_strided_slice %dot_general3A_43 {offsets = [440, 0], sizes = [8, 512], strides = [1, 1]} : vector<512x512xf32> to vector<8x512xf32>
    %mul3A_1111 = arith.constant 2048 : i32
    %mul3A_1112 = arith.muli %arg1, %mul3A_1111 : i32
    %add3A_1113 = arith.constant 440 : i32
    %add3A_1114 = arith.addi %mul3A_1112, %add3A_1113 : i32
    %get3A_1115 = arith.index_cast %add3A_1114 : i32 to index
    %get3A_1116 = arith.constant 0 : index
    %get3A_1117 = vector.load %arg11[%get3A_1115, %get3A_1116] : memref<8192x1xf32, #tpu.memory_space<vmem>>, vector<8x1xf32>
    %add3A_1118 = vector.broadcast %get3A_1117 : vector<8x1xf32> to vector<8x512xf32>
    %add3A_1119 = arith.addf %get3A_13, %add3A_1118 : vector<8x512xf32>
    %sub3A_1120 = arith.subf %add3A_1119, %slice3A_1110 : vector<8x512xf32>
    %min3A_1121 = arith.minimumf %sub3A_1120, %min3A_1045 : vector<8x512xf32>
    %ne3A_1122 = arith.cmpf one, %min3A_1121, %min3A_1045 : vector<8x512xf32>
    %mul3A_1123 = arith.constant 256 : i32
    %mul3A_1124 = arith.muli %arg1, %mul3A_1123 : i32
    %add3A_1125 = arith.constant 55 : i32
    %add3A_1126 = arith.addi %mul3A_1124, %add3A_1125 : i32
    %broadcast_in_dim3A_1127 = vector.broadcast %add3A_1126 : i32 to vector<8x512xi32>
    %select_n3A_1128 = arith.select %ne3A_1122, %broadcast_in_dim3A_1127, %select_n3A_1052 : vector<8x512xi1>, vector<8x512xi32>
    %slice3A_1129 = vector.extract_strided_slice %dot_general3A_43 {offsets = [448, 0], sizes = [8, 512], strides = [1, 1]} : vector<512x512xf32> to vector<8x512xf32>
    %mul3A_1130 = arith.constant 2048 : i32
    %mul3A_1131 = arith.muli %arg1, %mul3A_1130 : i32
    %add3A_1132 = arith.constant 448 : i32
    %add3A_1133 = arith.addi %mul3A_1131, %add3A_1132 : i32
    %get3A_1134 = arith.index_cast %add3A_1133 : i32 to index
    %get3A_1135 = arith.constant 0 : index
    %get3A_1136 = vector.load %arg11[%get3A_1134, %get3A_1135] : memref<8192x1xf32, #tpu.memory_space<vmem>>, vector<8x1xf32>
    %add3A_1137 = vector.broadcast %get3A_1136 : vector<8x1xf32> to vector<8x512xf32>
    %add3A_1138 = arith.addf %get3A_13, %add3A_1137 : vector<8x512xf32>
    %sub3A_1139 = arith.subf %add3A_1138, %slice3A_1129 : vector<8x512xf32>
    %min3A_1140 = arith.minimumf %sub3A_1139, %min3A_1064 : vector<8x512xf32>
    %ne3A_1141 = arith.cmpf one, %min3A_1140, %min3A_1064 : vector<8x512xf32>
    %mul3A_1142 = arith.constant 256 : i32
    %mul3A_1143 = arith.muli %arg1, %mul3A_1142 : i32
    %add3A_1144 = arith.constant 56 : i32
    %add3A_1145 = arith.addi %mul3A_1143, %add3A_1144 : i32
    %broadcast_in_dim3A_1146 = vector.broadcast %add3A_1145 : i32 to vector<8x512xi32>
    %select_n3A_1147 = arith.select %ne3A_1141, %broadcast_in_dim3A_1146, %select_n3A_1071 : vector<8x512xi1>, vector<8x512xi32>
    %slice3A_1148 = vector.extract_strided_slice %dot_general3A_43 {offsets = [456, 0], sizes = [8, 512], strides = [1, 1]} : vector<512x512xf32> to vector<8x512xf32>
    %mul3A_1149 = arith.constant 2048 : i32
    %mul3A_1150 = arith.muli %arg1, %mul3A_1149 : i32
    %add3A_1151 = arith.constant 456 : i32
    %add3A_1152 = arith.addi %mul3A_1150, %add3A_1151 : i32
    %get3A_1153 = arith.index_cast %add3A_1152 : i32 to index
    %get3A_1154 = arith.constant 0 : index
    %get3A_1155 = vector.load %arg11[%get3A_1153, %get3A_1154] : memref<8192x1xf32, #tpu.memory_space<vmem>>, vector<8x1xf32>
    %add3A_1156 = vector.broadcast %get3A_1155 : vector<8x1xf32> to vector<8x512xf32>
    %add3A_1157 = arith.addf %get3A_13, %add3A_1156 : vector<8x512xf32>
    %sub3A_1158 = arith.subf %add3A_1157, %slice3A_1148 : vector<8x512xf32>
    %min3A_1159 = arith.minimumf %sub3A_1158, %min3A_1083 : vector<8x512xf32>
    %ne3A_1160 = arith.cmpf one, %min3A_1159, %min3A_1083 : vector<8x512xf32>
    %mul3A_1161 = arith.constant 256 : i32
    %mul3A_1162 = arith.muli %arg1, %mul3A_1161 : i32
    %add3A_1163 = arith.constant 57 : i32
    %add3A_1164 = arith.addi %mul3A_1162, %add3A_1163 : i32
    %broadcast_in_dim3A_1165 = vector.broadcast %add3A_1164 : i32 to vector<8x512xi32>
    %select_n3A_1166 = arith.select %ne3A_1160, %broadcast_in_dim3A_1165, %select_n3A_1090 : vector<8x512xi1>, vector<8x512xi32>
    %slice3A_1167 = vector.extract_strided_slice %dot_general3A_43 {offsets = [464, 0], sizes = [8, 512], strides = [1, 1]} : vector<512x512xf32> to vector<8x512xf32>
    %mul3A_1168 = arith.constant 2048 : i32
    %mul3A_1169 = arith.muli %arg1, %mul3A_1168 : i32
    %add3A_1170 = arith.constant 464 : i32
    %add3A_1171 = arith.addi %mul3A_1169, %add3A_1170 : i32
    %get3A_1172 = arith.index_cast %add3A_1171 : i32 to index
    %get3A_1173 = arith.constant 0 : index
    %get3A_1174 = vector.load %arg11[%get3A_1172, %get3A_1173] : memref<8192x1xf32, #tpu.memory_space<vmem>>, vector<8x1xf32>
    %add3A_1175 = vector.broadcast %get3A_1174 : vector<8x1xf32> to vector<8x512xf32>
    %add3A_1176 = arith.addf %get3A_13, %add3A_1175 : vector<8x512xf32>
    %sub3A_1177 = arith.subf %add3A_1176, %slice3A_1167 : vector<8x512xf32>
    %min3A_1178 = arith.minimumf %sub3A_1177, %min3A_1102 : vector<8x512xf32>
    %ne3A_1179 = arith.cmpf one, %min3A_1178, %min3A_1102 : vector<8x512xf32>
    %mul3A_1180 = arith.constant 256 : i32
    %mul3A_1181 = arith.muli %arg1, %mul3A_1180 : i32
    %add3A_1182 = arith.constant 58 : i32
    %add3A_1183 = arith.addi %mul3A_1181, %add3A_1182 : i32
    %broadcast_in_dim3A_1184 = vector.broadcast %add3A_1183 : i32 to vector<8x512xi32>
    %select_n3A_1185 = arith.select %ne3A_1179, %broadcast_in_dim3A_1184, %select_n3A_1109 : vector<8x512xi1>, vector<8x512xi32>
    %slice3A_1186 = vector.extract_strided_slice %dot_general3A_43 {offsets = [472, 0], sizes = [8, 512], strides = [1, 1]} : vector<512x512xf32> to vector<8x512xf32>
    %mul3A_1187 = arith.constant 2048 : i32
    %mul3A_1188 = arith.muli %arg1, %mul3A_1187 : i32
    %add3A_1189 = arith.constant 472 : i32
    %add3A_1190 = arith.addi %mul3A_1188, %add3A_1189 : i32
    %get3A_1191 = arith.index_cast %add3A_1190 : i32 to index
    %get3A_1192 = arith.constant 0 : index
    %get3A_1193 = vector.load %arg11[%get3A_1191, %get3A_1192] : memref<8192x1xf32, #tpu.memory_space<vmem>>, vector<8x1xf32>
    %add3A_1194 = vector.broadcast %get3A_1193 : vector<8x1xf32> to vector<8x512xf32>
    %add3A_1195 = arith.addf %get3A_13, %add3A_1194 : vector<8x512xf32>
    %sub3A_1196 = arith.subf %add3A_1195, %slice3A_1186 : vector<8x512xf32>
    %min3A_1197 = arith.minimumf %sub3A_1196, %min3A_1121 : vector<8x512xf32>
    %ne3A_1198 = arith.cmpf one, %min3A_1197, %min3A_1121 : vector<8x512xf32>
    %mul3A_1199 = arith.constant 256 : i32
    %mul3A_1200 = arith.muli %arg1, %mul3A_1199 : i32
    %add3A_1201 = arith.constant 59 : i32
    %add3A_1202 = arith.addi %mul3A_1200, %add3A_1201 : i32
    %broadcast_in_dim3A_1203 = vector.broadcast %add3A_1202 : i32 to vector<8x512xi32>
    %select_n3A_1204 = arith.select %ne3A_1198, %broadcast_in_dim3A_1203, %select_n3A_1128 : vector<8x512xi1>, vector<8x512xi32>
    %slice3A_1205 = vector.extract_strided_slice %dot_general3A_43 {offsets = [480, 0], sizes = [8, 512], strides = [1, 1]} : vector<512x512xf32> to vector<8x512xf32>
    %mul3A_1206 = arith.constant 2048 : i32
    %mul3A_1207 = arith.muli %arg1, %mul3A_1206 : i32
    %add3A_1208 = arith.constant 480 : i32
    %add3A_1209 = arith.addi %mul3A_1207, %add3A_1208 : i32
    %get3A_1210 = arith.index_cast %add3A_1209 : i32 to index
    %get3A_1211 = arith.constant 0 : index
    %get3A_1212 = vector.load %arg11[%get3A_1210, %get3A_1211] : memref<8192x1xf32, #tpu.memory_space<vmem>>, vector<8x1xf32>
    %add3A_1213 = vector.broadcast %get3A_1212 : vector<8x1xf32> to vector<8x512xf32>
    %add3A_1214 = arith.addf %get3A_13, %add3A_1213 : vector<8x512xf32>
    %sub3A_1215 = arith.subf %add3A_1214, %slice3A_1205 : vector<8x512xf32>
    %min3A_1216 = arith.minimumf %sub3A_1215, %min3A_1140 : vector<8x512xf32>
    %ne3A_1217 = arith.cmpf one, %min3A_1216, %min3A_1140 : vector<8x512xf32>
    %mul3A_1218 = arith.constant 256 : i32
    %mul3A_1219 = arith.muli %arg1, %mul3A_1218 : i32
    %add3A_1220 = arith.constant 60 : i32
    %add3A_1221 = arith.addi %mul3A_1219, %add3A_1220 : i32
    %broadcast_in_dim3A_1222 = vector.broadcast %add3A_1221 : i32 to vector<8x512xi32>
    %select_n3A_1223 = arith.select %ne3A_1217, %broadcast_in_dim3A_1222, %select_n3A_1147 : vector<8x512xi1>, vector<8x512xi32>
    %slice3A_1224 = vector.extract_strided_slice %dot_general3A_43 {offsets = [488, 0], sizes = [8, 512], strides = [1, 1]} : vector<512x512xf32> to vector<8x512xf32>
    %mul3A_1225 = arith.constant 2048 : i32
    %mul3A_1226 = arith.muli %arg1, %mul3A_1225 : i32
    %add3A_1227 = arith.constant 488 : i32
    %add3A_1228 = arith.addi %mul3A_1226, %add3A_1227 : i32
    %get3A_1229 = arith.index_cast %add3A_1228 : i32 to index
    %get3A_1230 = arith.constant 0 : index
    %get3A_1231 = vector.load %arg11[%get3A_1229, %get3A_1230] : memref<8192x1xf32, #tpu.memory_space<vmem>>, vector<8x1xf32>
    %add3A_1232 = vector.broadcast %get3A_1231 : vector<8x1xf32> to vector<8x512xf32>
    %add3A_1233 = arith.addf %get3A_13, %add3A_1232 : vector<8x512xf32>
    %sub3A_1234 = arith.subf %add3A_1233, %slice3A_1224 : vector<8x512xf32>
    %min3A_1235 = arith.minimumf %sub3A_1234, %min3A_1159 : vector<8x512xf32>
    %ne3A_1236 = arith.cmpf one, %min3A_1235, %min3A_1159 : vector<8x512xf32>
    %mul3A_1237 = arith.constant 256 : i32
    %mul3A_1238 = arith.muli %arg1, %mul3A_1237 : i32
    %add3A_1239 = arith.constant 61 : i32
    %add3A_1240 = arith.addi %mul3A_1238, %add3A_1239 : i32
    %broadcast_in_dim3A_1241 = vector.broadcast %add3A_1240 : i32 to vector<8x512xi32>
    %select_n3A_1242 = arith.select %ne3A_1236, %broadcast_in_dim3A_1241, %select_n3A_1166 : vector<8x512xi1>, vector<8x512xi32>
    %slice3A_1243 = vector.extract_strided_slice %dot_general3A_43 {offsets = [496, 0], sizes = [8, 512], strides = [1, 1]} : vector<512x512xf32> to vector<8x512xf32>
    %mul3A_1244 = arith.constant 2048 : i32
    %mul3A_1245 = arith.muli %arg1, %mul3A_1244 : i32
    %add3A_1246 = arith.constant 496 : i32
    %add3A_1247 = arith.addi %mul3A_1245, %add3A_1246 : i32
    %get3A_1248 = arith.index_cast %add3A_1247 : i32 to index
    %get3A_1249 = arith.constant 0 : index
    %get3A_1250 = vector.load %arg11[%get3A_1248, %get3A_1249] : memref<8192x1xf32, #tpu.memory_space<vmem>>, vector<8x1xf32>
    %add3A_1251 = vector.broadcast %get3A_1250 : vector<8x1xf32> to vector<8x512xf32>
    %add3A_1252 = arith.addf %get3A_13, %add3A_1251 : vector<8x512xf32>
    %sub3A_1253 = arith.subf %add3A_1252, %slice3A_1243 : vector<8x512xf32>
    %min3A_1254 = arith.minimumf %sub3A_1253, %min3A_1178 : vector<8x512xf32>
    %ne3A_1255 = arith.cmpf one, %min3A_1254, %min3A_1178 : vector<8x512xf32>
    %mul3A_1256 = arith.constant 256 : i32
    %mul3A_1257 = arith.muli %arg1, %mul3A_1256 : i32
    %add3A_1258 = arith.constant 62 : i32
    %add3A_1259 = arith.addi %mul3A_1257, %add3A_1258 : i32
    %broadcast_in_dim3A_1260 = vector.broadcast %add3A_1259 : i32 to vector<8x512xi32>
    %select_n3A_1261 = arith.select %ne3A_1255, %broadcast_in_dim3A_1260, %select_n3A_1185 : vector<8x512xi1>, vector<8x512xi32>
    %slice3A_1262 = vector.extract_strided_slice %dot_general3A_43 {offsets = [504, 0], sizes = [8, 512], strides = [1, 1]} : vector<512x512xf32> to vector<8x512xf32>
    %mul3A_1263 = arith.constant 2048 : i32
    %mul3A_1264 = arith.muli %arg1, %mul3A_1263 : i32
    %add3A_1265 = arith.constant 504 : i32
    %add3A_1266 = arith.addi %mul3A_1264, %add3A_1265 : i32
    %get3A_1267 = arith.index_cast %add3A_1266 : i32 to index
    %get3A_1268 = arith.constant 0 : index
    %get3A_1269 = vector.load %arg11[%get3A_1267, %get3A_1268] : memref<8192x1xf32, #tpu.memory_space<vmem>>, vector<8x1xf32>
    %add3A_1270 = vector.broadcast %get3A_1269 : vector<8x1xf32> to vector<8x512xf32>
    %add3A_1271 = arith.addf %get3A_13, %add3A_1270 : vector<8x512xf32>
    %sub3A_1272 = arith.subf %add3A_1271, %slice3A_1262 : vector<8x512xf32>
    %min3A_1273 = arith.minimumf %sub3A_1272, %min3A_1197 : vector<8x512xf32>
    %ne3A_1274 = arith.cmpf one, %min3A_1273, %min3A_1197 : vector<8x512xf32>
    %mul3A_1275 = arith.constant 256 : i32
    %mul3A_1276 = arith.muli %arg1, %mul3A_1275 : i32
    %add3A_1277 = arith.constant 63 : i32
    %add3A_1278 = arith.addi %mul3A_1276, %add3A_1277 : i32
    %broadcast_in_dim3A_1279 = vector.broadcast %add3A_1278 : i32 to vector<8x512xi32>
    %select_n3A_1280 = arith.select %ne3A_1274, %broadcast_in_dim3A_1279, %select_n3A_1204 : vector<8x512xi1>, vector<8x512xi32>
    %slice3A_1281 = vector.extract_strided_slice %dot_general3A_52 {offsets = [0, 0], sizes = [8, 512], strides = [1, 1]} : vector<512x512xf32> to vector<8x512xf32>
    %mul3A_1282 = arith.constant 2048 : i32
    %mul3A_1283 = arith.muli %arg1, %mul3A_1282 : i32
    %add3A_1284 = arith.constant 512 : i32
    %add3A_1285 = arith.addi %mul3A_1283, %add3A_1284 : i32
    %get3A_1286 = arith.index_cast %add3A_1285 : i32 to index
    %get3A_1287 = arith.constant 0 : index
    %get3A_1288 = vector.load %arg11[%get3A_1286, %get3A_1287] : memref<8192x1xf32, #tpu.memory_space<vmem>>, vector<8x1xf32>
    %add3A_1289 = vector.broadcast %get3A_1288 : vector<8x1xf32> to vector<8x512xf32>
    %add3A_1290 = arith.addf %get3A_13, %add3A_1289 : vector<8x512xf32>
    %sub3A_1291 = arith.subf %add3A_1290, %slice3A_1281 : vector<8x512xf32>
    %min3A_1292 = arith.minimumf %sub3A_1291, %min3A_1216 : vector<8x512xf32>
    %ne3A_1293 = arith.cmpf one, %min3A_1292, %min3A_1216 : vector<8x512xf32>
    %mul3A_1294 = arith.constant 256 : i32
    %mul3A_1295 = arith.muli %arg1, %mul3A_1294 : i32
    %add3A_1296 = arith.constant 64 : i32
    %add3A_1297 = arith.addi %mul3A_1295, %add3A_1296 : i32
    %broadcast_in_dim3A_1298 = vector.broadcast %add3A_1297 : i32 to vector<8x512xi32>
    %select_n3A_1299 = arith.select %ne3A_1293, %broadcast_in_dim3A_1298, %select_n3A_1223 : vector<8x512xi1>, vector<8x512xi32>
    %slice3A_1300 = vector.extract_strided_slice %dot_general3A_52 {offsets = [8, 0], sizes = [8, 512], strides = [1, 1]} : vector<512x512xf32> to vector<8x512xf32>
    %mul3A_1301 = arith.constant 2048 : i32
    %mul3A_1302 = arith.muli %arg1, %mul3A_1301 : i32
    %add3A_1303 = arith.constant 520 : i32
    %add3A_1304 = arith.addi %mul3A_1302, %add3A_1303 : i32
    %get3A_1305 = arith.index_cast %add3A_1304 : i32 to index
    %get3A_1306 = arith.constant 0 : index
    %get3A_1307 = vector.load %arg11[%get3A_1305, %get3A_1306] : memref<8192x1xf32, #tpu.memory_space<vmem>>, vector<8x1xf32>
    %add3A_1308 = vector.broadcast %get3A_1307 : vector<8x1xf32> to vector<8x512xf32>
    %add3A_1309 = arith.addf %get3A_13, %add3A_1308 : vector<8x512xf32>
    %sub3A_1310 = arith.subf %add3A_1309, %slice3A_1300 : vector<8x512xf32>
    %min3A_1311 = arith.minimumf %sub3A_1310, %min3A_1235 : vector<8x512xf32>
    %ne3A_1312 = arith.cmpf one, %min3A_1311, %min3A_1235 : vector<8x512xf32>
    %mul3A_1313 = arith.constant 256 : i32
    %mul3A_1314 = arith.muli %arg1, %mul3A_1313 : i32
    %add3A_1315 = arith.constant 65 : i32
    %add3A_1316 = arith.addi %mul3A_1314, %add3A_1315 : i32
    %broadcast_in_dim3A_1317 = vector.broadcast %add3A_1316 : i32 to vector<8x512xi32>
    %select_n3A_1318 = arith.select %ne3A_1312, %broadcast_in_dim3A_1317, %select_n3A_1242 : vector<8x512xi1>, vector<8x512xi32>
    %slice3A_1319 = vector.extract_strided_slice %dot_general3A_52 {offsets = [16, 0], sizes = [8, 512], strides = [1, 1]} : vector<512x512xf32> to vector<8x512xf32>
    %mul3A_1320 = arith.constant 2048 : i32
    %mul3A_1321 = arith.muli %arg1, %mul3A_1320 : i32
    %add3A_1322 = arith.constant 528 : i32
    %add3A_1323 = arith.addi %mul3A_1321, %add3A_1322 : i32
    %get3A_1324 = arith.index_cast %add3A_1323 : i32 to index
    %get3A_1325 = arith.constant 0 : index
    %get3A_1326 = vector.load %arg11[%get3A_1324, %get3A_1325] : memref<8192x1xf32, #tpu.memory_space<vmem>>, vector<8x1xf32>
    %add3A_1327 = vector.broadcast %get3A_1326 : vector<8x1xf32> to vector<8x512xf32>
    %add3A_1328 = arith.addf %get3A_13, %add3A_1327 : vector<8x512xf32>
    %sub3A_1329 = arith.subf %add3A_1328, %slice3A_1319 : vector<8x512xf32>
    %min3A_1330 = arith.minimumf %sub3A_1329, %min3A_1254 : vector<8x512xf32>
    %ne3A_1331 = arith.cmpf one, %min3A_1330, %min3A_1254 : vector<8x512xf32>
    %mul3A_1332 = arith.constant 256 : i32
    %mul3A_1333 = arith.muli %arg1, %mul3A_1332 : i32
    %add3A_1334 = arith.constant 66 : i32
    %add3A_1335 = arith.addi %mul3A_1333, %add3A_1334 : i32
    %broadcast_in_dim3A_1336 = vector.broadcast %add3A_1335 : i32 to vector<8x512xi32>
    %select_n3A_1337 = arith.select %ne3A_1331, %broadcast_in_dim3A_1336, %select_n3A_1261 : vector<8x512xi1>, vector<8x512xi32>
    %slice3A_1338 = vector.extract_strided_slice %dot_general3A_52 {offsets = [24, 0], sizes = [8, 512], strides = [1, 1]} : vector<512x512xf32> to vector<8x512xf32>
    %mul3A_1339 = arith.constant 2048 : i32
    %mul3A_1340 = arith.muli %arg1, %mul3A_1339 : i32
    %add3A_1341 = arith.constant 536 : i32
    %add3A_1342 = arith.addi %mul3A_1340, %add3A_1341 : i32
    %get3A_1343 = arith.index_cast %add3A_1342 : i32 to index
    %get3A_1344 = arith.constant 0 : index
    %get3A_1345 = vector.load %arg11[%get3A_1343, %get3A_1344] : memref<8192x1xf32, #tpu.memory_space<vmem>>, vector<8x1xf32>
    %add3A_1346 = vector.broadcast %get3A_1345 : vector<8x1xf32> to vector<8x512xf32>
    %add3A_1347 = arith.addf %get3A_13, %add3A_1346 : vector<8x512xf32>
    %sub3A_1348 = arith.subf %add3A_1347, %slice3A_1338 : vector<8x512xf32>
    %min3A_1349 = arith.minimumf %sub3A_1348, %min3A_1273 : vector<8x512xf32>
    %ne3A_1350 = arith.cmpf one, %min3A_1349, %min3A_1273 : vector<8x512xf32>
    %mul3A_1351 = arith.constant 256 : i32
    %mul3A_1352 = arith.muli %arg1, %mul3A_1351 : i32
    %add3A_1353 = arith.constant 67 : i32
    %add3A_1354 = arith.addi %mul3A_1352, %add3A_1353 : i32
    %broadcast_in_dim3A_1355 = vector.broadcast %add3A_1354 : i32 to vector<8x512xi32>
    %select_n3A_1356 = arith.select %ne3A_1350, %broadcast_in_dim3A_1355, %select_n3A_1280 : vector<8x512xi1>, vector<8x512xi32>
    %slice3A_1357 = vector.extract_strided_slice %dot_general3A_52 {offsets = [32, 0], sizes = [8, 512], strides = [1, 1]} : vector<512x512xf32> to vector<8x512xf32>
    %mul3A_1358 = arith.constant 2048 : i32
    %mul3A_1359 = arith.muli %arg1, %mul3A_1358 : i32
    %add3A_1360 = arith.constant 544 : i32
    %add3A_1361 = arith.addi %mul3A_1359, %add3A_1360 : i32
    %get3A_1362 = arith.index_cast %add3A_1361 : i32 to index
    %get3A_1363 = arith.constant 0 : index
    %get3A_1364 = vector.load %arg11[%get3A_1362, %get3A_1363] : memref<8192x1xf32, #tpu.memory_space<vmem>>, vector<8x1xf32>
    %add3A_1365 = vector.broadcast %get3A_1364 : vector<8x1xf32> to vector<8x512xf32>
    %add3A_1366 = arith.addf %get3A_13, %add3A_1365 : vector<8x512xf32>
    %sub3A_1367 = arith.subf %add3A_1366, %slice3A_1357 : vector<8x512xf32>
    %min3A_1368 = arith.minimumf %sub3A_1367, %min3A_1292 : vector<8x512xf32>
    %ne3A_1369 = arith.cmpf one, %min3A_1368, %min3A_1292 : vector<8x512xf32>
    %mul3A_1370 = arith.constant 256 : i32
    %mul3A_1371 = arith.muli %arg1, %mul3A_1370 : i32
    %add3A_1372 = arith.constant 68 : i32
    %add3A_1373 = arith.addi %mul3A_1371, %add3A_1372 : i32
    %broadcast_in_dim3A_1374 = vector.broadcast %add3A_1373 : i32 to vector<8x512xi32>
    %select_n3A_1375 = arith.select %ne3A_1369, %broadcast_in_dim3A_1374, %select_n3A_1299 : vector<8x512xi1>, vector<8x512xi32>
    %slice3A_1376 = vector.extract_strided_slice %dot_general3A_52 {offsets = [40, 0], sizes = [8, 512], strides = [1, 1]} : vector<512x512xf32> to vector<8x512xf32>
    %mul3A_1377 = arith.constant 2048 : i32
    %mul3A_1378 = arith.muli %arg1, %mul3A_1377 : i32
    %add3A_1379 = arith.constant 552 : i32
    %add3A_1380 = arith.addi %mul3A_1378, %add3A_1379 : i32
    %get3A_1381 = arith.index_cast %add3A_1380 : i32 to index
    %get3A_1382 = arith.constant 0 : index
    %get3A_1383 = vector.load %arg11[%get3A_1381, %get3A_1382] : memref<8192x1xf32, #tpu.memory_space<vmem>>, vector<8x1xf32>
    %add3A_1384 = vector.broadcast %get3A_1383 : vector<8x1xf32> to vector<8x512xf32>
    %add3A_1385 = arith.addf %get3A_13, %add3A_1384 : vector<8x512xf32>
    %sub3A_1386 = arith.subf %add3A_1385, %slice3A_1376 : vector<8x512xf32>
    %min3A_1387 = arith.minimumf %sub3A_1386, %min3A_1311 : vector<8x512xf32>
    %ne3A_1388 = arith.cmpf one, %min3A_1387, %min3A_1311 : vector<8x512xf32>
    %mul3A_1389 = arith.constant 256 : i32
    %mul3A_1390 = arith.muli %arg1, %mul3A_1389 : i32
    %add3A_1391 = arith.constant 69 : i32
    %add3A_1392 = arith.addi %mul3A_1390, %add3A_1391 : i32
    %broadcast_in_dim3A_1393 = vector.broadcast %add3A_1392 : i32 to vector<8x512xi32>
    %select_n3A_1394 = arith.select %ne3A_1388, %broadcast_in_dim3A_1393, %select_n3A_1318 : vector<8x512xi1>, vector<8x512xi32>
    %slice3A_1395 = vector.extract_strided_slice %dot_general3A_52 {offsets = [48, 0], sizes = [8, 512], strides = [1, 1]} : vector<512x512xf32> to vector<8x512xf32>
    %mul3A_1396 = arith.constant 2048 : i32
    %mul3A_1397 = arith.muli %arg1, %mul3A_1396 : i32
    %add3A_1398 = arith.constant 560 : i32
    %add3A_1399 = arith.addi %mul3A_1397, %add3A_1398 : i32
    %get3A_1400 = arith.index_cast %add3A_1399 : i32 to index
    %get3A_1401 = arith.constant 0 : index
    %get3A_1402 = vector.load %arg11[%get3A_1400, %get3A_1401] : memref<8192x1xf32, #tpu.memory_space<vmem>>, vector<8x1xf32>
    %add3A_1403 = vector.broadcast %get3A_1402 : vector<8x1xf32> to vector<8x512xf32>
    %add3A_1404 = arith.addf %get3A_13, %add3A_1403 : vector<8x512xf32>
    %sub3A_1405 = arith.subf %add3A_1404, %slice3A_1395 : vector<8x512xf32>
    %min3A_1406 = arith.minimumf %sub3A_1405, %min3A_1330 : vector<8x512xf32>
    %ne3A_1407 = arith.cmpf one, %min3A_1406, %min3A_1330 : vector<8x512xf32>
    %mul3A_1408 = arith.constant 256 : i32
    %mul3A_1409 = arith.muli %arg1, %mul3A_1408 : i32
    %add3A_1410 = arith.constant 70 : i32
    %add3A_1411 = arith.addi %mul3A_1409, %add3A_1410 : i32
    %broadcast_in_dim3A_1412 = vector.broadcast %add3A_1411 : i32 to vector<8x512xi32>
    %select_n3A_1413 = arith.select %ne3A_1407, %broadcast_in_dim3A_1412, %select_n3A_1337 : vector<8x512xi1>, vector<8x512xi32>
    %slice3A_1414 = vector.extract_strided_slice %dot_general3A_52 {offsets = [56, 0], sizes = [8, 512], strides = [1, 1]} : vector<512x512xf32> to vector<8x512xf32>
    %mul3A_1415 = arith.constant 2048 : i32
    %mul3A_1416 = arith.muli %arg1, %mul3A_1415 : i32
    %add3A_1417 = arith.constant 568 : i32
    %add3A_1418 = arith.addi %mul3A_1416, %add3A_1417 : i32
    %get3A_1419 = arith.index_cast %add3A_1418 : i32 to index
    %get3A_1420 = arith.constant 0 : index
    %get3A_1421 = vector.load %arg11[%get3A_1419, %get3A_1420] : memref<8192x1xf32, #tpu.memory_space<vmem>>, vector<8x1xf32>
    %add3A_1422 = vector.broadcast %get3A_1421 : vector<8x1xf32> to vector<8x512xf32>
    %add3A_1423 = arith.addf %get3A_13, %add3A_1422 : vector<8x512xf32>
    %sub3A_1424 = arith.subf %add3A_1423, %slice3A_1414 : vector<8x512xf32>
    %min3A_1425 = arith.minimumf %sub3A_1424, %min3A_1349 : vector<8x512xf32>
    %ne3A_1426 = arith.cmpf one, %min3A_1425, %min3A_1349 : vector<8x512xf32>
    %mul3A_1427 = arith.constant 256 : i32
    %mul3A_1428 = arith.muli %arg1, %mul3A_1427 : i32
    %add3A_1429 = arith.constant 71 : i32
    %add3A_1430 = arith.addi %mul3A_1428, %add3A_1429 : i32
    %broadcast_in_dim3A_1431 = vector.broadcast %add3A_1430 : i32 to vector<8x512xi32>
    %select_n3A_1432 = arith.select %ne3A_1426, %broadcast_in_dim3A_1431, %select_n3A_1356 : vector<8x512xi1>, vector<8x512xi32>
    %slice3A_1433 = vector.extract_strided_slice %dot_general3A_52 {offsets = [64, 0], sizes = [8, 512], strides = [1, 1]} : vector<512x512xf32> to vector<8x512xf32>
    %mul3A_1434 = arith.constant 2048 : i32
    %mul3A_1435 = arith.muli %arg1, %mul3A_1434 : i32
    %add3A_1436 = arith.constant 576 : i32
    %add3A_1437 = arith.addi %mul3A_1435, %add3A_1436 : i32
    %get3A_1438 = arith.index_cast %add3A_1437 : i32 to index
    %get3A_1439 = arith.constant 0 : index
    %get3A_1440 = vector.load %arg11[%get3A_1438, %get3A_1439] : memref<8192x1xf32, #tpu.memory_space<vmem>>, vector<8x1xf32>
    %add3A_1441 = vector.broadcast %get3A_1440 : vector<8x1xf32> to vector<8x512xf32>
    %add3A_1442 = arith.addf %get3A_13, %add3A_1441 : vector<8x512xf32>
    %sub3A_1443 = arith.subf %add3A_1442, %slice3A_1433 : vector<8x512xf32>
    %min3A_1444 = arith.minimumf %sub3A_1443, %min3A_1368 : vector<8x512xf32>
    %ne3A_1445 = arith.cmpf one, %min3A_1444, %min3A_1368 : vector<8x512xf32>
    %mul3A_1446 = arith.constant 256 : i32
    %mul3A_1447 = arith.muli %arg1, %mul3A_1446 : i32
    %add3A_1448 = arith.constant 72 : i32
    %add3A_1449 = arith.addi %mul3A_1447, %add3A_1448 : i32
    %broadcast_in_dim3A_1450 = vector.broadcast %add3A_1449 : i32 to vector<8x512xi32>
    %select_n3A_1451 = arith.select %ne3A_1445, %broadcast_in_dim3A_1450, %select_n3A_1375 : vector<8x512xi1>, vector<8x512xi32>
    %slice3A_1452 = vector.extract_strided_slice %dot_general3A_52 {offsets = [72, 0], sizes = [8, 512], strides = [1, 1]} : vector<512x512xf32> to vector<8x512xf32>
    %mul3A_1453 = arith.constant 2048 : i32
    %mul3A_1454 = arith.muli %arg1, %mul3A_1453 : i32
    %add3A_1455 = arith.constant 584 : i32
    %add3A_1456 = arith.addi %mul3A_1454, %add3A_1455 : i32
    %get3A_1457 = arith.index_cast %add3A_1456 : i32 to index
    %get3A_1458 = arith.constant 0 : index
    %get3A_1459 = vector.load %arg11[%get3A_1457, %get3A_1458] : memref<8192x1xf32, #tpu.memory_space<vmem>>, vector<8x1xf32>
    %add3A_1460 = vector.broadcast %get3A_1459 : vector<8x1xf32> to vector<8x512xf32>
    %add3A_1461 = arith.addf %get3A_13, %add3A_1460 : vector<8x512xf32>
    %sub3A_1462 = arith.subf %add3A_1461, %slice3A_1452 : vector<8x512xf32>
    %min3A_1463 = arith.minimumf %sub3A_1462, %min3A_1387 : vector<8x512xf32>
    %ne3A_1464 = arith.cmpf one, %min3A_1463, %min3A_1387 : vector<8x512xf32>
    %mul3A_1465 = arith.constant 256 : i32
    %mul3A_1466 = arith.muli %arg1, %mul3A_1465 : i32
    %add3A_1467 = arith.constant 73 : i32
    %add3A_1468 = arith.addi %mul3A_1466, %add3A_1467 : i32
    %broadcast_in_dim3A_1469 = vector.broadcast %add3A_1468 : i32 to vector<8x512xi32>
    %select_n3A_1470 = arith.select %ne3A_1464, %broadcast_in_dim3A_1469, %select_n3A_1394 : vector<8x512xi1>, vector<8x512xi32>
    %slice3A_1471 = vector.extract_strided_slice %dot_general3A_52 {offsets = [80, 0], sizes = [8, 512], strides = [1, 1]} : vector<512x512xf32> to vector<8x512xf32>
    %mul3A_1472 = arith.constant 2048 : i32
    %mul3A_1473 = arith.muli %arg1, %mul3A_1472 : i32
    %add3A_1474 = arith.constant 592 : i32
    %add3A_1475 = arith.addi %mul3A_1473, %add3A_1474 : i32
    %get3A_1476 = arith.index_cast %add3A_1475 : i32 to index
    %get3A_1477 = arith.constant 0 : index
    %get3A_1478 = vector.load %arg11[%get3A_1476, %get3A_1477] : memref<8192x1xf32, #tpu.memory_space<vmem>>, vector<8x1xf32>
    %add3A_1479 = vector.broadcast %get3A_1478 : vector<8x1xf32> to vector<8x512xf32>
    %add3A_1480 = arith.addf %get3A_13, %add3A_1479 : vector<8x512xf32>
    %sub3A_1481 = arith.subf %add3A_1480, %slice3A_1471 : vector<8x512xf32>
    %min3A_1482 = arith.minimumf %sub3A_1481, %min3A_1406 : vector<8x512xf32>
    %ne3A_1483 = arith.cmpf one, %min3A_1482, %min3A_1406 : vector<8x512xf32>
    %mul3A_1484 = arith.constant 256 : i32
    %mul3A_1485 = arith.muli %arg1, %mul3A_1484 : i32
    %add3A_1486 = arith.constant 74 : i32
    %add3A_1487 = arith.addi %mul3A_1485, %add3A_1486 : i32
    %broadcast_in_dim3A_1488 = vector.broadcast %add3A_1487 : i32 to vector<8x512xi32>
    %select_n3A_1489 = arith.select %ne3A_1483, %broadcast_in_dim3A_1488, %select_n3A_1413 : vector<8x512xi1>, vector<8x512xi32>
    %slice3A_1490 = vector.extract_strided_slice %dot_general3A_52 {offsets = [88, 0], sizes = [8, 512], strides = [1, 1]} : vector<512x512xf32> to vector<8x512xf32>
    %mul3A_1491 = arith.constant 2048 : i32
    %mul3A_1492 = arith.muli %arg1, %mul3A_1491 : i32
    %add3A_1493 = arith.constant 600 : i32
    %add3A_1494 = arith.addi %mul3A_1492, %add3A_1493 : i32
    %get3A_1495 = arith.index_cast %add3A_1494 : i32 to index
    %get3A_1496 = arith.constant 0 : index
    %get3A_1497 = vector.load %arg11[%get3A_1495, %get3A_1496] : memref<8192x1xf32, #tpu.memory_space<vmem>>, vector<8x1xf32>
    %add3A_1498 = vector.broadcast %get3A_1497 : vector<8x1xf32> to vector<8x512xf32>
    %add3A_1499 = arith.addf %get3A_13, %add3A_1498 : vector<8x512xf32>
    %sub3A_1500 = arith.subf %add3A_1499, %slice3A_1490 : vector<8x512xf32>
    %min3A_1501 = arith.minimumf %sub3A_1500, %min3A_1425 : vector<8x512xf32>
    %ne3A_1502 = arith.cmpf one, %min3A_1501, %min3A_1425 : vector<8x512xf32>
    %mul3A_1503 = arith.constant 256 : i32
    %mul3A_1504 = arith.muli %arg1, %mul3A_1503 : i32
    %add3A_1505 = arith.constant 75 : i32
    %add3A_1506 = arith.addi %mul3A_1504, %add3A_1505 : i32
    %broadcast_in_dim3A_1507 = vector.broadcast %add3A_1506 : i32 to vector<8x512xi32>
    %select_n3A_1508 = arith.select %ne3A_1502, %broadcast_in_dim3A_1507, %select_n3A_1432 : vector<8x512xi1>, vector<8x512xi32>
    %slice3A_1509 = vector.extract_strided_slice %dot_general3A_52 {offsets = [96, 0], sizes = [8, 512], strides = [1, 1]} : vector<512x512xf32> to vector<8x512xf32>
    %mul3A_1510 = arith.constant 2048 : i32
    %mul3A_1511 = arith.muli %arg1, %mul3A_1510 : i32
    %add3A_1512 = arith.constant 608 : i32
    %add3A_1513 = arith.addi %mul3A_1511, %add3A_1512 : i32
    %get3A_1514 = arith.index_cast %add3A_1513 : i32 to index
    %get3A_1515 = arith.constant 0 : index
    %get3A_1516 = vector.load %arg11[%get3A_1514, %get3A_1515] : memref<8192x1xf32, #tpu.memory_space<vmem>>, vector<8x1xf32>
    %add3A_1517 = vector.broadcast %get3A_1516 : vector<8x1xf32> to vector<8x512xf32>
    %add3A_1518 = arith.addf %get3A_13, %add3A_1517 : vector<8x512xf32>
    %sub3A_1519 = arith.subf %add3A_1518, %slice3A_1509 : vector<8x512xf32>
    %min3A_1520 = arith.minimumf %sub3A_1519, %min3A_1444 : vector<8x512xf32>
    %ne3A_1521 = arith.cmpf one, %min3A_1520, %min3A_1444 : vector<8x512xf32>
    %mul3A_1522 = arith.constant 256 : i32
    %mul3A_1523 = arith.muli %arg1, %mul3A_1522 : i32
    %add3A_1524 = arith.constant 76 : i32
    %add3A_1525 = arith.addi %mul3A_1523, %add3A_1524 : i32
    %broadcast_in_dim3A_1526 = vector.broadcast %add3A_1525 : i32 to vector<8x512xi32>
    %select_n3A_1527 = arith.select %ne3A_1521, %broadcast_in_dim3A_1526, %select_n3A_1451 : vector<8x512xi1>, vector<8x512xi32>
    %slice3A_1528 = vector.extract_strided_slice %dot_general3A_52 {offsets = [104, 0], sizes = [8, 512], strides = [1, 1]} : vector<512x512xf32> to vector<8x512xf32>
    %mul3A_1529 = arith.constant 2048 : i32
    %mul3A_1530 = arith.muli %arg1, %mul3A_1529 : i32
    %add3A_1531 = arith.constant 616 : i32
    %add3A_1532 = arith.addi %mul3A_1530, %add3A_1531 : i32
    %get3A_1533 = arith.index_cast %add3A_1532 : i32 to index
    %get3A_1534 = arith.constant 0 : index
    %get3A_1535 = vector.load %arg11[%get3A_1533, %get3A_1534] : memref<8192x1xf32, #tpu.memory_space<vmem>>, vector<8x1xf32>
    %add3A_1536 = vector.broadcast %get3A_1535 : vector<8x1xf32> to vector<8x512xf32>
    %add3A_1537 = arith.addf %get3A_13, %add3A_1536 : vector<8x512xf32>
    %sub3A_1538 = arith.subf %add3A_1537, %slice3A_1528 : vector<8x512xf32>
    %min3A_1539 = arith.minimumf %sub3A_1538, %min3A_1463 : vector<8x512xf32>
    %ne3A_1540 = arith.cmpf one, %min3A_1539, %min3A_1463 : vector<8x512xf32>
    %mul3A_1541 = arith.constant 256 : i32
    %mul3A_1542 = arith.muli %arg1, %mul3A_1541 : i32
    %add3A_1543 = arith.constant 77 : i32
    %add3A_1544 = arith.addi %mul3A_1542, %add3A_1543 : i32
    %broadcast_in_dim3A_1545 = vector.broadcast %add3A_1544 : i32 to vector<8x512xi32>
    %select_n3A_1546 = arith.select %ne3A_1540, %broadcast_in_dim3A_1545, %select_n3A_1470 : vector<8x512xi1>, vector<8x512xi32>
    %slice3A_1547 = vector.extract_strided_slice %dot_general3A_52 {offsets = [112, 0], sizes = [8, 512], strides = [1, 1]} : vector<512x512xf32> to vector<8x512xf32>
    %mul3A_1548 = arith.constant 2048 : i32
    %mul3A_1549 = arith.muli %arg1, %mul3A_1548 : i32
    %add3A_1550 = arith.constant 624 : i32
    %add3A_1551 = arith.addi %mul3A_1549, %add3A_1550 : i32
    %get3A_1552 = arith.index_cast %add3A_1551 : i32 to index
    %get3A_1553 = arith.constant 0 : index
    %get3A_1554 = vector.load %arg11[%get3A_1552, %get3A_1553] : memref<8192x1xf32, #tpu.memory_space<vmem>>, vector<8x1xf32>
    %add3A_1555 = vector.broadcast %get3A_1554 : vector<8x1xf32> to vector<8x512xf32>
    %add3A_1556 = arith.addf %get3A_13, %add3A_1555 : vector<8x512xf32>
    %sub3A_1557 = arith.subf %add3A_1556, %slice3A_1547 : vector<8x512xf32>
    %min3A_1558 = arith.minimumf %sub3A_1557, %min3A_1482 : vector<8x512xf32>
    %ne3A_1559 = arith.cmpf one, %min3A_1558, %min3A_1482 : vector<8x512xf32>
    %mul3A_1560 = arith.constant 256 : i32
    %mul3A_1561 = arith.muli %arg1, %mul3A_1560 : i32
    %add3A_1562 = arith.constant 78 : i32
    %add3A_1563 = arith.addi %mul3A_1561, %add3A_1562 : i32
    %broadcast_in_dim3A_1564 = vector.broadcast %add3A_1563 : i32 to vector<8x512xi32>
    %select_n3A_1565 = arith.select %ne3A_1559, %broadcast_in_dim3A_1564, %select_n3A_1489 : vector<8x512xi1>, vector<8x512xi32>
    %slice3A_1566 = vector.extract_strided_slice %dot_general3A_52 {offsets = [120, 0], sizes = [8, 512], strides = [1, 1]} : vector<512x512xf32> to vector<8x512xf32>
    %mul3A_1567 = arith.constant 2048 : i32
    %mul3A_1568 = arith.muli %arg1, %mul3A_1567 : i32
    %add3A_1569 = arith.constant 632 : i32
    %add3A_1570 = arith.addi %mul3A_1568, %add3A_1569 : i32
    %get3A_1571 = arith.index_cast %add3A_1570 : i32 to index
    %get3A_1572 = arith.constant 0 : index
    %get3A_1573 = vector.load %arg11[%get3A_1571, %get3A_1572] : memref<8192x1xf32, #tpu.memory_space<vmem>>, vector<8x1xf32>
    %add3A_1574 = vector.broadcast %get3A_1573 : vector<8x1xf32> to vector<8x512xf32>
    %add3A_1575 = arith.addf %get3A_13, %add3A_1574 : vector<8x512xf32>
    %sub3A_1576 = arith.subf %add3A_1575, %slice3A_1566 : vector<8x512xf32>
    %min3A_1577 = arith.minimumf %sub3A_1576, %min3A_1501 : vector<8x512xf32>
    %ne3A_1578 = arith.cmpf one, %min3A_1577, %min3A_1501 : vector<8x512xf32>
    %mul3A_1579 = arith.constant 256 : i32
    %mul3A_1580 = arith.muli %arg1, %mul3A_1579 : i32
    %add3A_1581 = arith.constant 79 : i32
    %add3A_1582 = arith.addi %mul3A_1580, %add3A_1581 : i32
    %broadcast_in_dim3A_1583 = vector.broadcast %add3A_1582 : i32 to vector<8x512xi32>
    %select_n3A_1584 = arith.select %ne3A_1578, %broadcast_in_dim3A_1583, %select_n3A_1508 : vector<8x512xi1>, vector<8x512xi32>
    %slice3A_1585 = vector.extract_strided_slice %dot_general3A_52 {offsets = [128, 0], sizes = [8, 512], strides = [1, 1]} : vector<512x512xf32> to vector<8x512xf32>
    %mul3A_1586 = arith.constant 2048 : i32
    %mul3A_1587 = arith.muli %arg1, %mul3A_1586 : i32
    %add3A_1588 = arith.constant 640 : i32
    %add3A_1589 = arith.addi %mul3A_1587, %add3A_1588 : i32
    %get3A_1590 = arith.index_cast %add3A_1589 : i32 to index
    %get3A_1591 = arith.constant 0 : index
    %get3A_1592 = vector.load %arg11[%get3A_1590, %get3A_1591] : memref<8192x1xf32, #tpu.memory_space<vmem>>, vector<8x1xf32>
    %add3A_1593 = vector.broadcast %get3A_1592 : vector<8x1xf32> to vector<8x512xf32>
    %add3A_1594 = arith.addf %get3A_13, %add3A_1593 : vector<8x512xf32>
    %sub3A_1595 = arith.subf %add3A_1594, %slice3A_1585 : vector<8x512xf32>
    %min3A_1596 = arith.minimumf %sub3A_1595, %min3A_1520 : vector<8x512xf32>
    %ne3A_1597 = arith.cmpf one, %min3A_1596, %min3A_1520 : vector<8x512xf32>
    %mul3A_1598 = arith.constant 256 : i32
    %mul3A_1599 = arith.muli %arg1, %mul3A_1598 : i32
    %add3A_1600 = arith.constant 80 : i32
    %add3A_1601 = arith.addi %mul3A_1599, %add3A_1600 : i32
    %broadcast_in_dim3A_1602 = vector.broadcast %add3A_1601 : i32 to vector<8x512xi32>
    %select_n3A_1603 = arith.select %ne3A_1597, %broadcast_in_dim3A_1602, %select_n3A_1527 : vector<8x512xi1>, vector<8x512xi32>
    %slice3A_1604 = vector.extract_strided_slice %dot_general3A_52 {offsets = [136, 0], sizes = [8, 512], strides = [1, 1]} : vector<512x512xf32> to vector<8x512xf32>
    %mul3A_1605 = arith.constant 2048 : i32
    %mul3A_1606 = arith.muli %arg1, %mul3A_1605 : i32
    %add3A_1607 = arith.constant 648 : i32
    %add3A_1608 = arith.addi %mul3A_1606, %add3A_1607 : i32
    %get3A_1609 = arith.index_cast %add3A_1608 : i32 to index
    %get3A_1610 = arith.constant 0 : index
    %get3A_1611 = vector.load %arg11[%get3A_1609, %get3A_1610] : memref<8192x1xf32, #tpu.memory_space<vmem>>, vector<8x1xf32>
    %add3A_1612 = vector.broadcast %get3A_1611 : vector<8x1xf32> to vector<8x512xf32>
    %add3A_1613 = arith.addf %get3A_13, %add3A_1612 : vector<8x512xf32>
    %sub3A_1614 = arith.subf %add3A_1613, %slice3A_1604 : vector<8x512xf32>
    %min3A_1615 = arith.minimumf %sub3A_1614, %min3A_1539 : vector<8x512xf32>
    %ne3A_1616 = arith.cmpf one, %min3A_1615, %min3A_1539 : vector<8x512xf32>
    %mul3A_1617 = arith.constant 256 : i32
    %mul3A_1618 = arith.muli %arg1, %mul3A_1617 : i32
    %add3A_1619 = arith.constant 81 : i32
    %add3A_1620 = arith.addi %mul3A_1618, %add3A_1619 : i32
    %broadcast_in_dim3A_1621 = vector.broadcast %add3A_1620 : i32 to vector<8x512xi32>
    %select_n3A_1622 = arith.select %ne3A_1616, %broadcast_in_dim3A_1621, %select_n3A_1546 : vector<8x512xi1>, vector<8x512xi32>
    %slice3A_1623 = vector.extract_strided_slice %dot_general3A_52 {offsets = [144, 0], sizes = [8, 512], strides = [1, 1]} : vector<512x512xf32> to vector<8x512xf32>
    %mul3A_1624 = arith.constant 2048 : i32
    %mul3A_1625 = arith.muli %arg1, %mul3A_1624 : i32
    %add3A_1626 = arith.constant 656 : i32
    %add3A_1627 = arith.addi %mul3A_1625, %add3A_1626 : i32
    %get3A_1628 = arith.index_cast %add3A_1627 : i32 to index
    %get3A_1629 = arith.constant 0 : index
    %get3A_1630 = vector.load %arg11[%get3A_1628, %get3A_1629] : memref<8192x1xf32, #tpu.memory_space<vmem>>, vector<8x1xf32>
    %add3A_1631 = vector.broadcast %get3A_1630 : vector<8x1xf32> to vector<8x512xf32>
    %add3A_1632 = arith.addf %get3A_13, %add3A_1631 : vector<8x512xf32>
    %sub3A_1633 = arith.subf %add3A_1632, %slice3A_1623 : vector<8x512xf32>
    %min3A_1634 = arith.minimumf %sub3A_1633, %min3A_1558 : vector<8x512xf32>
    %ne3A_1635 = arith.cmpf one, %min3A_1634, %min3A_1558 : vector<8x512xf32>
    %mul3A_1636 = arith.constant 256 : i32
    %mul3A_1637 = arith.muli %arg1, %mul3A_1636 : i32
    %add3A_1638 = arith.constant 82 : i32
    %add3A_1639 = arith.addi %mul3A_1637, %add3A_1638 : i32
    %broadcast_in_dim3A_1640 = vector.broadcast %add3A_1639 : i32 to vector<8x512xi32>
    %select_n3A_1641 = arith.select %ne3A_1635, %broadcast_in_dim3A_1640, %select_n3A_1565 : vector<8x512xi1>, vector<8x512xi32>
    %slice3A_1642 = vector.extract_strided_slice %dot_general3A_52 {offsets = [152, 0], sizes = [8, 512], strides = [1, 1]} : vector<512x512xf32> to vector<8x512xf32>
    %mul3A_1643 = arith.constant 2048 : i32
    %mul3A_1644 = arith.muli %arg1, %mul3A_1643 : i32
    %add3A_1645 = arith.constant 664 : i32
    %add3A_1646 = arith.addi %mul3A_1644, %add3A_1645 : i32
    %get3A_1647 = arith.index_cast %add3A_1646 : i32 to index
    %get3A_1648 = arith.constant 0 : index
    %get3A_1649 = vector.load %arg11[%get3A_1647, %get3A_1648] : memref<8192x1xf32, #tpu.memory_space<vmem>>, vector<8x1xf32>
    %add3A_1650 = vector.broadcast %get3A_1649 : vector<8x1xf32> to vector<8x512xf32>
    %add3A_1651 = arith.addf %get3A_13, %add3A_1650 : vector<8x512xf32>
    %sub3A_1652 = arith.subf %add3A_1651, %slice3A_1642 : vector<8x512xf32>
    %min3A_1653 = arith.minimumf %sub3A_1652, %min3A_1577 : vector<8x512xf32>
    %ne3A_1654 = arith.cmpf one, %min3A_1653, %min3A_1577 : vector<8x512xf32>
    %mul3A_1655 = arith.constant 256 : i32
    %mul3A_1656 = arith.muli %arg1, %mul3A_1655 : i32
    %add3A_1657 = arith.constant 83 : i32
    %add3A_1658 = arith.addi %mul3A_1656, %add3A_1657 : i32
    %broadcast_in_dim3A_1659 = vector.broadcast %add3A_1658 : i32 to vector<8x512xi32>
    %select_n3A_1660 = arith.select %ne3A_1654, %broadcast_in_dim3A_1659, %select_n3A_1584 : vector<8x512xi1>, vector<8x512xi32>
    %slice3A_1661 = vector.extract_strided_slice %dot_general3A_52 {offsets = [160, 0], sizes = [8, 512], strides = [1, 1]} : vector<512x512xf32> to vector<8x512xf32>
    %mul3A_1662 = arith.constant 2048 : i32
    %mul3A_1663 = arith.muli %arg1, %mul3A_1662 : i32
    %add3A_1664 = arith.constant 672 : i32
    %add3A_1665 = arith.addi %mul3A_1663, %add3A_1664 : i32
    %get3A_1666 = arith.index_cast %add3A_1665 : i32 to index
    %get3A_1667 = arith.constant 0 : index
    %get3A_1668 = vector.load %arg11[%get3A_1666, %get3A_1667] : memref<8192x1xf32, #tpu.memory_space<vmem>>, vector<8x1xf32>
    %add3A_1669 = vector.broadcast %get3A_1668 : vector<8x1xf32> to vector<8x512xf32>
    %add3A_1670 = arith.addf %get3A_13, %add3A_1669 : vector<8x512xf32>
    %sub3A_1671 = arith.subf %add3A_1670, %slice3A_1661 : vector<8x512xf32>
    %min3A_1672 = arith.minimumf %sub3A_1671, %min3A_1596 : vector<8x512xf32>
    %ne3A_1673 = arith.cmpf one, %min3A_1672, %min3A_1596 : vector<8x512xf32>
    %mul3A_1674 = arith.constant 256 : i32
    %mul3A_1675 = arith.muli %arg1, %mul3A_1674 : i32
    %add3A_1676 = arith.constant 84 : i32
    %add3A_1677 = arith.addi %mul3A_1675, %add3A_1676 : i32
    %broadcast_in_dim3A_1678 = vector.broadcast %add3A_1677 : i32 to vector<8x512xi32>
    %select_n3A_1679 = arith.select %ne3A_1673, %broadcast_in_dim3A_1678, %select_n3A_1603 : vector<8x512xi1>, vector<8x512xi32>
    %slice3A_1680 = vector.extract_strided_slice %dot_general3A_52 {offsets = [168, 0], sizes = [8, 512], strides = [1, 1]} : vector<512x512xf32> to vector<8x512xf32>
    %mul3A_1681 = arith.constant 2048 : i32
    %mul3A_1682 = arith.muli %arg1, %mul3A_1681 : i32
    %add3A_1683 = arith.constant 680 : i32
    %add3A_1684 = arith.addi %mul3A_1682, %add3A_1683 : i32
    %get3A_1685 = arith.index_cast %add3A_1684 : i32 to index
    %get3A_1686 = arith.constant 0 : index
    %get3A_1687 = vector.load %arg11[%get3A_1685, %get3A_1686] : memref<8192x1xf32, #tpu.memory_space<vmem>>, vector<8x1xf32>
    %add3A_1688 = vector.broadcast %get3A_1687 : vector<8x1xf32> to vector<8x512xf32>
    %add3A_1689 = arith.addf %get3A_13, %add3A_1688 : vector<8x512xf32>
    %sub3A_1690 = arith.subf %add3A_1689, %slice3A_1680 : vector<8x512xf32>
    %min3A_1691 = arith.minimumf %sub3A_1690, %min3A_1615 : vector<8x512xf32>
    %ne3A_1692 = arith.cmpf one, %min3A_1691, %min3A_1615 : vector<8x512xf32>
    %mul3A_1693 = arith.constant 256 : i32
    %mul3A_1694 = arith.muli %arg1, %mul3A_1693 : i32
    %add3A_1695 = arith.constant 85 : i32
    %add3A_1696 = arith.addi %mul3A_1694, %add3A_1695 : i32
    %broadcast_in_dim3A_1697 = vector.broadcast %add3A_1696 : i32 to vector<8x512xi32>
    %select_n3A_1698 = arith.select %ne3A_1692, %broadcast_in_dim3A_1697, %select_n3A_1622 : vector<8x512xi1>, vector<8x512xi32>
    %slice3A_1699 = vector.extract_strided_slice %dot_general3A_52 {offsets = [176, 0], sizes = [8, 512], strides = [1, 1]} : vector<512x512xf32> to vector<8x512xf32>
    %mul3A_1700 = arith.constant 2048 : i32
    %mul3A_1701 = arith.muli %arg1, %mul3A_1700 : i32
    %add3A_1702 = arith.constant 688 : i32
    %add3A_1703 = arith.addi %mul3A_1701, %add3A_1702 : i32
    %get3A_1704 = arith.index_cast %add3A_1703 : i32 to index
    %get3A_1705 = arith.constant 0 : index
    %get3A_1706 = vector.load %arg11[%get3A_1704, %get3A_1705] : memref<8192x1xf32, #tpu.memory_space<vmem>>, vector<8x1xf32>
    %add3A_1707 = vector.broadcast %get3A_1706 : vector<8x1xf32> to vector<8x512xf32>
    %add3A_1708 = arith.addf %get3A_13, %add3A_1707 : vector<8x512xf32>
    %sub3A_1709 = arith.subf %add3A_1708, %slice3A_1699 : vector<8x512xf32>
    %min3A_1710 = arith.minimumf %sub3A_1709, %min3A_1634 : vector<8x512xf32>
    %ne3A_1711 = arith.cmpf one, %min3A_1710, %min3A_1634 : vector<8x512xf32>
    %mul3A_1712 = arith.constant 256 : i32
    %mul3A_1713 = arith.muli %arg1, %mul3A_1712 : i32
    %add3A_1714 = arith.constant 86 : i32
    %add3A_1715 = arith.addi %mul3A_1713, %add3A_1714 : i32
    %broadcast_in_dim3A_1716 = vector.broadcast %add3A_1715 : i32 to vector<8x512xi32>
    %select_n3A_1717 = arith.select %ne3A_1711, %broadcast_in_dim3A_1716, %select_n3A_1641 : vector<8x512xi1>, vector<8x512xi32>
    %slice3A_1718 = vector.extract_strided_slice %dot_general3A_52 {offsets = [184, 0], sizes = [8, 512], strides = [1, 1]} : vector<512x512xf32> to vector<8x512xf32>
    %mul3A_1719 = arith.constant 2048 : i32
    %mul3A_1720 = arith.muli %arg1, %mul3A_1719 : i32
    %add3A_1721 = arith.constant 696 : i32
    %add3A_1722 = arith.addi %mul3A_1720, %add3A_1721 : i32
    %get3A_1723 = arith.index_cast %add3A_1722 : i32 to index
    %get3A_1724 = arith.constant 0 : index
    %get3A_1725 = vector.load %arg11[%get3A_1723, %get3A_1724] : memref<8192x1xf32, #tpu.memory_space<vmem>>, vector<8x1xf32>
    %add3A_1726 = vector.broadcast %get3A_1725 : vector<8x1xf32> to vector<8x512xf32>
    %add3A_1727 = arith.addf %get3A_13, %add3A_1726 : vector<8x512xf32>
    %sub3A_1728 = arith.subf %add3A_1727, %slice3A_1718 : vector<8x512xf32>
    %min3A_1729 = arith.minimumf %sub3A_1728, %min3A_1653 : vector<8x512xf32>
    %ne3A_1730 = arith.cmpf one, %min3A_1729, %min3A_1653 : vector<8x512xf32>
    %mul3A_1731 = arith.constant 256 : i32
    %mul3A_1732 = arith.muli %arg1, %mul3A_1731 : i32
    %add3A_1733 = arith.constant 87 : i32
    %add3A_1734 = arith.addi %mul3A_1732, %add3A_1733 : i32
    %broadcast_in_dim3A_1735 = vector.broadcast %add3A_1734 : i32 to vector<8x512xi32>
    %select_n3A_1736 = arith.select %ne3A_1730, %broadcast_in_dim3A_1735, %select_n3A_1660 : vector<8x512xi1>, vector<8x512xi32>
    %slice3A_1737 = vector.extract_strided_slice %dot_general3A_52 {offsets = [192, 0], sizes = [8, 512], strides = [1, 1]} : vector<512x512xf32> to vector<8x512xf32>
    %mul3A_1738 = arith.constant 2048 : i32
    %mul3A_1739 = arith.muli %arg1, %mul3A_1738 : i32
    %add3A_1740 = arith.constant 704 : i32
    %add3A_1741 = arith.addi %mul3A_1739, %add3A_1740 : i32
    %get3A_1742 = arith.index_cast %add3A_1741 : i32 to index
    %get3A_1743 = arith.constant 0 : index
    %get3A_1744 = vector.load %arg11[%get3A_1742, %get3A_1743] : memref<8192x1xf32, #tpu.memory_space<vmem>>, vector<8x1xf32>
    %add3A_1745 = vector.broadcast %get3A_1744 : vector<8x1xf32> to vector<8x512xf32>
    %add3A_1746 = arith.addf %get3A_13, %add3A_1745 : vector<8x512xf32>
    %sub3A_1747 = arith.subf %add3A_1746, %slice3A_1737 : vector<8x512xf32>
    %min3A_1748 = arith.minimumf %sub3A_1747, %min3A_1672 : vector<8x512xf32>
    %ne3A_1749 = arith.cmpf one, %min3A_1748, %min3A_1672 : vector<8x512xf32>
    %mul3A_1750 = arith.constant 256 : i32
    %mul3A_1751 = arith.muli %arg1, %mul3A_1750 : i32
    %add3A_1752 = arith.constant 88 : i32
    %add3A_1753 = arith.addi %mul3A_1751, %add3A_1752 : i32
    %broadcast_in_dim3A_1754 = vector.broadcast %add3A_1753 : i32 to vector<8x512xi32>
    %select_n3A_1755 = arith.select %ne3A_1749, %broadcast_in_dim3A_1754, %select_n3A_1679 : vector<8x512xi1>, vector<8x512xi32>
    %slice3A_1756 = vector.extract_strided_slice %dot_general3A_52 {offsets = [200, 0], sizes = [8, 512], strides = [1, 1]} : vector<512x512xf32> to vector<8x512xf32>
    %mul3A_1757 = arith.constant 2048 : i32
    %mul3A_1758 = arith.muli %arg1, %mul3A_1757 : i32
    %add3A_1759 = arith.constant 712 : i32
    %add3A_1760 = arith.addi %mul3A_1758, %add3A_1759 : i32
    %get3A_1761 = arith.index_cast %add3A_1760 : i32 to index
    %get3A_1762 = arith.constant 0 : index
    %get3A_1763 = vector.load %arg11[%get3A_1761, %get3A_1762] : memref<8192x1xf32, #tpu.memory_space<vmem>>, vector<8x1xf32>
    %add3A_1764 = vector.broadcast %get3A_1763 : vector<8x1xf32> to vector<8x512xf32>
    %add3A_1765 = arith.addf %get3A_13, %add3A_1764 : vector<8x512xf32>
    %sub3A_1766 = arith.subf %add3A_1765, %slice3A_1756 : vector<8x512xf32>
    %min3A_1767 = arith.minimumf %sub3A_1766, %min3A_1691 : vector<8x512xf32>
    %ne3A_1768 = arith.cmpf one, %min3A_1767, %min3A_1691 : vector<8x512xf32>
    %mul3A_1769 = arith.constant 256 : i32
    %mul3A_1770 = arith.muli %arg1, %mul3A_1769 : i32
    %add3A_1771 = arith.constant 89 : i32
    %add3A_1772 = arith.addi %mul3A_1770, %add3A_1771 : i32
    %broadcast_in_dim3A_1773 = vector.broadcast %add3A_1772 : i32 to vector<8x512xi32>
    %select_n3A_1774 = arith.select %ne3A_1768, %broadcast_in_dim3A_1773, %select_n3A_1698 : vector<8x512xi1>, vector<8x512xi32>
    %slice3A_1775 = vector.extract_strided_slice %dot_general3A_52 {offsets = [208, 0], sizes = [8, 512], strides = [1, 1]} : vector<512x512xf32> to vector<8x512xf32>
    %mul3A_1776 = arith.constant 2048 : i32
    %mul3A_1777 = arith.muli %arg1, %mul3A_1776 : i32
    %add3A_1778 = arith.constant 720 : i32
    %add3A_1779 = arith.addi %mul3A_1777, %add3A_1778 : i32
    %get3A_1780 = arith.index_cast %add3A_1779 : i32 to index
    %get3A_1781 = arith.constant 0 : index
    %get3A_1782 = vector.load %arg11[%get3A_1780, %get3A_1781] : memref<8192x1xf32, #tpu.memory_space<vmem>>, vector<8x1xf32>
    %add3A_1783 = vector.broadcast %get3A_1782 : vector<8x1xf32> to vector<8x512xf32>
    %add3A_1784 = arith.addf %get3A_13, %add3A_1783 : vector<8x512xf32>
    %sub3A_1785 = arith.subf %add3A_1784, %slice3A_1775 : vector<8x512xf32>
    %min3A_1786 = arith.minimumf %sub3A_1785, %min3A_1710 : vector<8x512xf32>
    %ne3A_1787 = arith.cmpf one, %min3A_1786, %min3A_1710 : vector<8x512xf32>
    %mul3A_1788 = arith.constant 256 : i32
    %mul3A_1789 = arith.muli %arg1, %mul3A_1788 : i32
    %add3A_1790 = arith.constant 90 : i32
    %add3A_1791 = arith.addi %mul3A_1789, %add3A_1790 : i32
    %broadcast_in_dim3A_1792 = vector.broadcast %add3A_1791 : i32 to vector<8x512xi32>
    %select_n3A_1793 = arith.select %ne3A_1787, %broadcast_in_dim3A_1792, %select_n3A_1717 : vector<8x512xi1>, vector<8x512xi32>
    %slice3A_1794 = vector.extract_strided_slice %dot_general3A_52 {offsets = [216, 0], sizes = [8, 512], strides = [1, 1]} : vector<512x512xf32> to vector<8x512xf32>
    %mul3A_1795 = arith.constant 2048 : i32
    %mul3A_1796 = arith.muli %arg1, %mul3A_1795 : i32
    %add3A_1797 = arith.constant 728 : i32
    %add3A_1798 = arith.addi %mul3A_1796, %add3A_1797 : i32
    %get3A_1799 = arith.index_cast %add3A_1798 : i32 to index
    %get3A_1800 = arith.constant 0 : index
    %get3A_1801 = vector.load %arg11[%get3A_1799, %get3A_1800] : memref<8192x1xf32, #tpu.memory_space<vmem>>, vector<8x1xf32>
    %add3A_1802 = vector.broadcast %get3A_1801 : vector<8x1xf32> to vector<8x512xf32>
    %add3A_1803 = arith.addf %get3A_13, %add3A_1802 : vector<8x512xf32>
    %sub3A_1804 = arith.subf %add3A_1803, %slice3A_1794 : vector<8x512xf32>
    %min3A_1805 = arith.minimumf %sub3A_1804, %min3A_1729 : vector<8x512xf32>
    %ne3A_1806 = arith.cmpf one, %min3A_1805, %min3A_1729 : vector<8x512xf32>
    %mul3A_1807 = arith.constant 256 : i32
    %mul3A_1808 = arith.muli %arg1, %mul3A_1807 : i32
    %add3A_1809 = arith.constant 91 : i32
    %add3A_1810 = arith.addi %mul3A_1808, %add3A_1809 : i32
    %broadcast_in_dim3A_1811 = vector.broadcast %add3A_1810 : i32 to vector<8x512xi32>
    %select_n3A_1812 = arith.select %ne3A_1806, %broadcast_in_dim3A_1811, %select_n3A_1736 : vector<8x512xi1>, vector<8x512xi32>
    %slice3A_1813 = vector.extract_strided_slice %dot_general3A_52 {offsets = [224, 0], sizes = [8, 512], strides = [1, 1]} : vector<512x512xf32> to vector<8x512xf32>
    %mul3A_1814 = arith.constant 2048 : i32
    %mul3A_1815 = arith.muli %arg1, %mul3A_1814 : i32
    %add3A_1816 = arith.constant 736 : i32
    %add3A_1817 = arith.addi %mul3A_1815, %add3A_1816 : i32
    %get3A_1818 = arith.index_cast %add3A_1817 : i32 to index
    %get3A_1819 = arith.constant 0 : index
    %get3A_1820 = vector.load %arg11[%get3A_1818, %get3A_1819] : memref<8192x1xf32, #tpu.memory_space<vmem>>, vector<8x1xf32>
    %add3A_1821 = vector.broadcast %get3A_1820 : vector<8x1xf32> to vector<8x512xf32>
    %add3A_1822 = arith.addf %get3A_13, %add3A_1821 : vector<8x512xf32>
    %sub3A_1823 = arith.subf %add3A_1822, %slice3A_1813 : vector<8x512xf32>
    %min3A_1824 = arith.minimumf %sub3A_1823, %min3A_1748 : vector<8x512xf32>
    %ne3A_1825 = arith.cmpf one, %min3A_1824, %min3A_1748 : vector<8x512xf32>
    %mul3A_1826 = arith.constant 256 : i32
    %mul3A_1827 = arith.muli %arg1, %mul3A_1826 : i32
    %add3A_1828 = arith.constant 92 : i32
    %add3A_1829 = arith.addi %mul3A_1827, %add3A_1828 : i32
    %broadcast_in_dim3A_1830 = vector.broadcast %add3A_1829 : i32 to vector<8x512xi32>
    %select_n3A_1831 = arith.select %ne3A_1825, %broadcast_in_dim3A_1830, %select_n3A_1755 : vector<8x512xi1>, vector<8x512xi32>
    %slice3A_1832 = vector.extract_strided_slice %dot_general3A_52 {offsets = [232, 0], sizes = [8, 512], strides = [1, 1]} : vector<512x512xf32> to vector<8x512xf32>
    %mul3A_1833 = arith.constant 2048 : i32
    %mul3A_1834 = arith.muli %arg1, %mul3A_1833 : i32
    %add3A_1835 = arith.constant 744 : i32
    %add3A_1836 = arith.addi %mul3A_1834, %add3A_1835 : i32
    %get3A_1837 = arith.index_cast %add3A_1836 : i32 to index
    %get3A_1838 = arith.constant 0 : index
    %get3A_1839 = vector.load %arg11[%get3A_1837, %get3A_1838] : memref<8192x1xf32, #tpu.memory_space<vmem>>, vector<8x1xf32>
    %add3A_1840 = vector.broadcast %get3A_1839 : vector<8x1xf32> to vector<8x512xf32>
    %add3A_1841 = arith.addf %get3A_13, %add3A_1840 : vector<8x512xf32>
    %sub3A_1842 = arith.subf %add3A_1841, %slice3A_1832 : vector<8x512xf32>
    %min3A_1843 = arith.minimumf %sub3A_1842, %min3A_1767 : vector<8x512xf32>
    %ne3A_1844 = arith.cmpf one, %min3A_1843, %min3A_1767 : vector<8x512xf32>
    %mul3A_1845 = arith.constant 256 : i32
    %mul3A_1846 = arith.muli %arg1, %mul3A_1845 : i32
    %add3A_1847 = arith.constant 93 : i32
    %add3A_1848 = arith.addi %mul3A_1846, %add3A_1847 : i32
    %broadcast_in_dim3A_1849 = vector.broadcast %add3A_1848 : i32 to vector<8x512xi32>
    %select_n3A_1850 = arith.select %ne3A_1844, %broadcast_in_dim3A_1849, %select_n3A_1774 : vector<8x512xi1>, vector<8x512xi32>
    %slice3A_1851 = vector.extract_strided_slice %dot_general3A_52 {offsets = [240, 0], sizes = [8, 512], strides = [1, 1]} : vector<512x512xf32> to vector<8x512xf32>
    %mul3A_1852 = arith.constant 2048 : i32
    %mul3A_1853 = arith.muli %arg1, %mul3A_1852 : i32
    %add3A_1854 = arith.constant 752 : i32
    %add3A_1855 = arith.addi %mul3A_1853, %add3A_1854 : i32
    %get3A_1856 = arith.index_cast %add3A_1855 : i32 to index
    %get3A_1857 = arith.constant 0 : index
    %get3A_1858 = vector.load %arg11[%get3A_1856, %get3A_1857] : memref<8192x1xf32, #tpu.memory_space<vmem>>, vector<8x1xf32>
    %add3A_1859 = vector.broadcast %get3A_1858 : vector<8x1xf32> to vector<8x512xf32>
    %add3A_1860 = arith.addf %get3A_13, %add3A_1859 : vector<8x512xf32>
    %sub3A_1861 = arith.subf %add3A_1860, %slice3A_1851 : vector<8x512xf32>
    %min3A_1862 = arith.minimumf %sub3A_1861, %min3A_1786 : vector<8x512xf32>
    %ne3A_1863 = arith.cmpf one, %min3A_1862, %min3A_1786 : vector<8x512xf32>
    %mul3A_1864 = arith.constant 256 : i32
    %mul3A_1865 = arith.muli %arg1, %mul3A_1864 : i32
    %add3A_1866 = arith.constant 94 : i32
    %add3A_1867 = arith.addi %mul3A_1865, %add3A_1866 : i32
    %broadcast_in_dim3A_1868 = vector.broadcast %add3A_1867 : i32 to vector<8x512xi32>
    %select_n3A_1869 = arith.select %ne3A_1863, %broadcast_in_dim3A_1868, %select_n3A_1793 : vector<8x512xi1>, vector<8x512xi32>
    %slice3A_1870 = vector.extract_strided_slice %dot_general3A_52 {offsets = [248, 0], sizes = [8, 512], strides = [1, 1]} : vector<512x512xf32> to vector<8x512xf32>
    %mul3A_1871 = arith.constant 2048 : i32
    %mul3A_1872 = arith.muli %arg1, %mul3A_1871 : i32
    %add3A_1873 = arith.constant 760 : i32
    %add3A_1874 = arith.addi %mul3A_1872, %add3A_1873 : i32
    %get3A_1875 = arith.index_cast %add3A_1874 : i32 to index
    %get3A_1876 = arith.constant 0 : index
    %get3A_1877 = vector.load %arg11[%get3A_1875, %get3A_1876] : memref<8192x1xf32, #tpu.memory_space<vmem>>, vector<8x1xf32>
    %add3A_1878 = vector.broadcast %get3A_1877 : vector<8x1xf32> to vector<8x512xf32>
    %add3A_1879 = arith.addf %get3A_13, %add3A_1878 : vector<8x512xf32>
    %sub3A_1880 = arith.subf %add3A_1879, %slice3A_1870 : vector<8x512xf32>
    %min3A_1881 = arith.minimumf %sub3A_1880, %min3A_1805 : vector<8x512xf32>
    %ne3A_1882 = arith.cmpf one, %min3A_1881, %min3A_1805 : vector<8x512xf32>
    %mul3A_1883 = arith.constant 256 : i32
    %mul3A_1884 = arith.muli %arg1, %mul3A_1883 : i32
    %add3A_1885 = arith.constant 95 : i32
    %add3A_1886 = arith.addi %mul3A_1884, %add3A_1885 : i32
    %broadcast_in_dim3A_1887 = vector.broadcast %add3A_1886 : i32 to vector<8x512xi32>
    %select_n3A_1888 = arith.select %ne3A_1882, %broadcast_in_dim3A_1887, %select_n3A_1812 : vector<8x512xi1>, vector<8x512xi32>
    %slice3A_1889 = vector.extract_strided_slice %dot_general3A_52 {offsets = [256, 0], sizes = [8, 512], strides = [1, 1]} : vector<512x512xf32> to vector<8x512xf32>
    %mul3A_1890 = arith.constant 2048 : i32
    %mul3A_1891 = arith.muli %arg1, %mul3A_1890 : i32
    %add3A_1892 = arith.constant 768 : i32
    %add3A_1893 = arith.addi %mul3A_1891, %add3A_1892 : i32
    %get3A_1894 = arith.index_cast %add3A_1893 : i32 to index
    %get3A_1895 = arith.constant 0 : index
    %get3A_1896 = vector.load %arg11[%get3A_1894, %get3A_1895] : memref<8192x1xf32, #tpu.memory_space<vmem>>, vector<8x1xf32>
    %add3A_1897 = vector.broadcast %get3A_1896 : vector<8x1xf32> to vector<8x512xf32>
    %add3A_1898 = arith.addf %get3A_13, %add3A_1897 : vector<8x512xf32>
    %sub3A_1899 = arith.subf %add3A_1898, %slice3A_1889 : vector<8x512xf32>
    %min3A_1900 = arith.minimumf %sub3A_1899, %min3A_1824 : vector<8x512xf32>
    %ne3A_1901 = arith.cmpf one, %min3A_1900, %min3A_1824 : vector<8x512xf32>
    %mul3A_1902 = arith.constant 256 : i32
    %mul3A_1903 = arith.muli %arg1, %mul3A_1902 : i32
    %add3A_1904 = arith.constant 96 : i32
    %add3A_1905 = arith.addi %mul3A_1903, %add3A_1904 : i32
    %broadcast_in_dim3A_1906 = vector.broadcast %add3A_1905 : i32 to vector<8x512xi32>
    %select_n3A_1907 = arith.select %ne3A_1901, %broadcast_in_dim3A_1906, %select_n3A_1831 : vector<8x512xi1>, vector<8x512xi32>
    %slice3A_1908 = vector.extract_strided_slice %dot_general3A_52 {offsets = [264, 0], sizes = [8, 512], strides = [1, 1]} : vector<512x512xf32> to vector<8x512xf32>
    %mul3A_1909 = arith.constant 2048 : i32
    %mul3A_1910 = arith.muli %arg1, %mul3A_1909 : i32
    %add3A_1911 = arith.constant 776 : i32
    %add3A_1912 = arith.addi %mul3A_1910, %add3A_1911 : i32
    %get3A_1913 = arith.index_cast %add3A_1912 : i32 to index
    %get3A_1914 = arith.constant 0 : index
    %get3A_1915 = vector.load %arg11[%get3A_1913, %get3A_1914] : memref<8192x1xf32, #tpu.memory_space<vmem>>, vector<8x1xf32>
    %add3A_1916 = vector.broadcast %get3A_1915 : vector<8x1xf32> to vector<8x512xf32>
    %add3A_1917 = arith.addf %get3A_13, %add3A_1916 : vector<8x512xf32>
    %sub3A_1918 = arith.subf %add3A_1917, %slice3A_1908 : vector<8x512xf32>
    %min3A_1919 = arith.minimumf %sub3A_1918, %min3A_1843 : vector<8x512xf32>
    %ne3A_1920 = arith.cmpf one, %min3A_1919, %min3A_1843 : vector<8x512xf32>
    %mul3A_1921 = arith.constant 256 : i32
    %mul3A_1922 = arith.muli %arg1, %mul3A_1921 : i32
    %add3A_1923 = arith.constant 97 : i32
    %add3A_1924 = arith.addi %mul3A_1922, %add3A_1923 : i32
    %broadcast_in_dim3A_1925 = vector.broadcast %add3A_1924 : i32 to vector<8x512xi32>
    %select_n3A_1926 = arith.select %ne3A_1920, %broadcast_in_dim3A_1925, %select_n3A_1850 : vector<8x512xi1>, vector<8x512xi32>
    %slice3A_1927 = vector.extract_strided_slice %dot_general3A_52 {offsets = [272, 0], sizes = [8, 512], strides = [1, 1]} : vector<512x512xf32> to vector<8x512xf32>
    %mul3A_1928 = arith.constant 2048 : i32
    %mul3A_1929 = arith.muli %arg1, %mul3A_1928 : i32
    %add3A_1930 = arith.constant 784 : i32
    %add3A_1931 = arith.addi %mul3A_1929, %add3A_1930 : i32
    %get3A_1932 = arith.index_cast %add3A_1931 : i32 to index
    %get3A_1933 = arith.constant 0 : index
    %get3A_1934 = vector.load %arg11[%get3A_1932, %get3A_1933] : memref<8192x1xf32, #tpu.memory_space<vmem>>, vector<8x1xf32>
    %add3A_1935 = vector.broadcast %get3A_1934 : vector<8x1xf32> to vector<8x512xf32>
    %add3A_1936 = arith.addf %get3A_13, %add3A_1935 : vector<8x512xf32>
    %sub3A_1937 = arith.subf %add3A_1936, %slice3A_1927 : vector<8x512xf32>
    %min3A_1938 = arith.minimumf %sub3A_1937, %min3A_1862 : vector<8x512xf32>
    %ne3A_1939 = arith.cmpf one, %min3A_1938, %min3A_1862 : vector<8x512xf32>
    %mul3A_1940 = arith.constant 256 : i32
    %mul3A_1941 = arith.muli %arg1, %mul3A_1940 : i32
    %add3A_1942 = arith.constant 98 : i32
    %add3A_1943 = arith.addi %mul3A_1941, %add3A_1942 : i32
    %broadcast_in_dim3A_1944 = vector.broadcast %add3A_1943 : i32 to vector<8x512xi32>
    %select_n3A_1945 = arith.select %ne3A_1939, %broadcast_in_dim3A_1944, %select_n3A_1869 : vector<8x512xi1>, vector<8x512xi32>
    %slice3A_1946 = vector.extract_strided_slice %dot_general3A_52 {offsets = [280, 0], sizes = [8, 512], strides = [1, 1]} : vector<512x512xf32> to vector<8x512xf32>
    %mul3A_1947 = arith.constant 2048 : i32
    %mul3A_1948 = arith.muli %arg1, %mul3A_1947 : i32
    %add3A_1949 = arith.constant 792 : i32
    %add3A_1950 = arith.addi %mul3A_1948, %add3A_1949 : i32
    %get3A_1951 = arith.index_cast %add3A_1950 : i32 to index
    %get3A_1952 = arith.constant 0 : index
    %get3A_1953 = vector.load %arg11[%get3A_1951, %get3A_1952] : memref<8192x1xf32, #tpu.memory_space<vmem>>, vector<8x1xf32>
    %add3A_1954 = vector.broadcast %get3A_1953 : vector<8x1xf32> to vector<8x512xf32>
    %add3A_1955 = arith.addf %get3A_13, %add3A_1954 : vector<8x512xf32>
    %sub3A_1956 = arith.subf %add3A_1955, %slice3A_1946 : vector<8x512xf32>
    %min3A_1957 = arith.minimumf %sub3A_1956, %min3A_1881 : vector<8x512xf32>
    %ne3A_1958 = arith.cmpf one, %min3A_1957, %min3A_1881 : vector<8x512xf32>
    %mul3A_1959 = arith.constant 256 : i32
    %mul3A_1960 = arith.muli %arg1, %mul3A_1959 : i32
    %add3A_1961 = arith.constant 99 : i32
    %add3A_1962 = arith.addi %mul3A_1960, %add3A_1961 : i32
    %broadcast_in_dim3A_1963 = vector.broadcast %add3A_1962 : i32 to vector<8x512xi32>
    %select_n3A_1964 = arith.select %ne3A_1958, %broadcast_in_dim3A_1963, %select_n3A_1888 : vector<8x512xi1>, vector<8x512xi32>
    %slice3A_1965 = vector.extract_strided_slice %dot_general3A_52 {offsets = [288, 0], sizes = [8, 512], strides = [1, 1]} : vector<512x512xf32> to vector<8x512xf32>
    %mul3A_1966 = arith.constant 2048 : i32
    %mul3A_1967 = arith.muli %arg1, %mul3A_1966 : i32
    %add3A_1968 = arith.constant 800 : i32
    %add3A_1969 = arith.addi %mul3A_1967, %add3A_1968 : i32
    %get3A_1970 = arith.index_cast %add3A_1969 : i32 to index
    %get3A_1971 = arith.constant 0 : index
    %get3A_1972 = vector.load %arg11[%get3A_1970, %get3A_1971] : memref<8192x1xf32, #tpu.memory_space<vmem>>, vector<8x1xf32>
    %add3A_1973 = vector.broadcast %get3A_1972 : vector<8x1xf32> to vector<8x512xf32>
    %add3A_1974 = arith.addf %get3A_13, %add3A_1973 : vector<8x512xf32>
    %sub3A_1975 = arith.subf %add3A_1974, %slice3A_1965 : vector<8x512xf32>
    %min3A_1976 = arith.minimumf %sub3A_1975, %min3A_1900 : vector<8x512xf32>
    %ne3A_1977 = arith.cmpf one, %min3A_1976, %min3A_1900 : vector<8x512xf32>
    %mul3A_1978 = arith.constant 256 : i32
    %mul3A_1979 = arith.muli %arg1, %mul3A_1978 : i32
    %add3A_1980 = arith.constant 100 : i32
    %add3A_1981 = arith.addi %mul3A_1979, %add3A_1980 : i32
    %broadcast_in_dim3A_1982 = vector.broadcast %add3A_1981 : i32 to vector<8x512xi32>
    %select_n3A_1983 = arith.select %ne3A_1977, %broadcast_in_dim3A_1982, %select_n3A_1907 : vector<8x512xi1>, vector<8x512xi32>
    %slice3A_1984 = vector.extract_strided_slice %dot_general3A_52 {offsets = [296, 0], sizes = [8, 512], strides = [1, 1]} : vector<512x512xf32> to vector<8x512xf32>
    %mul3A_1985 = arith.constant 2048 : i32
    %mul3A_1986 = arith.muli %arg1, %mul3A_1985 : i32
    %add3A_1987 = arith.constant 808 : i32
    %add3A_1988 = arith.addi %mul3A_1986, %add3A_1987 : i32
    %get3A_1989 = arith.index_cast %add3A_1988 : i32 to index
    %get3A_1990 = arith.constant 0 : index
    %get3A_1991 = vector.load %arg11[%get3A_1989, %get3A_1990] : memref<8192x1xf32, #tpu.memory_space<vmem>>, vector<8x1xf32>
    %add3A_1992 = vector.broadcast %get3A_1991 : vector<8x1xf32> to vector<8x512xf32>
    %add3A_1993 = arith.addf %get3A_13, %add3A_1992 : vector<8x512xf32>
    %sub3A_1994 = arith.subf %add3A_1993, %slice3A_1984 : vector<8x512xf32>
    %min3A_1995 = arith.minimumf %sub3A_1994, %min3A_1919 : vector<8x512xf32>
    %ne3A_1996 = arith.cmpf one, %min3A_1995, %min3A_1919 : vector<8x512xf32>
    %mul3A_1997 = arith.constant 256 : i32
    %mul3A_1998 = arith.muli %arg1, %mul3A_1997 : i32
    %add3A_1999 = arith.constant 101 : i32
    %add3A_2000 = arith.addi %mul3A_1998, %add3A_1999 : i32
    %broadcast_in_dim3A_2001 = vector.broadcast %add3A_2000 : i32 to vector<8x512xi32>
    %select_n3A_2002 = arith.select %ne3A_1996, %broadcast_in_dim3A_2001, %select_n3A_1926 : vector<8x512xi1>, vector<8x512xi32>
    %slice3A_2003 = vector.extract_strided_slice %dot_general3A_52 {offsets = [304, 0], sizes = [8, 512], strides = [1, 1]} : vector<512x512xf32> to vector<8x512xf32>
    %mul3A_2004 = arith.constant 2048 : i32
    %mul3A_2005 = arith.muli %arg1, %mul3A_2004 : i32
    %add3A_2006 = arith.constant 816 : i32
    %add3A_2007 = arith.addi %mul3A_2005, %add3A_2006 : i32
    %get3A_2008 = arith.index_cast %add3A_2007 : i32 to index
    %get3A_2009 = arith.constant 0 : index
    %get3A_2010 = vector.load %arg11[%get3A_2008, %get3A_2009] : memref<8192x1xf32, #tpu.memory_space<vmem>>, vector<8x1xf32>
    %add3A_2011 = vector.broadcast %get3A_2010 : vector<8x1xf32> to vector<8x512xf32>
    %add3A_2012 = arith.addf %get3A_13, %add3A_2011 : vector<8x512xf32>
    %sub3A_2013 = arith.subf %add3A_2012, %slice3A_2003 : vector<8x512xf32>
    %min3A_2014 = arith.minimumf %sub3A_2013, %min3A_1938 : vector<8x512xf32>
    %ne3A_2015 = arith.cmpf one, %min3A_2014, %min3A_1938 : vector<8x512xf32>
    %mul3A_2016 = arith.constant 256 : i32
    %mul3A_2017 = arith.muli %arg1, %mul3A_2016 : i32
    %add3A_2018 = arith.constant 102 : i32
    %add3A_2019 = arith.addi %mul3A_2017, %add3A_2018 : i32
    %broadcast_in_dim3A_2020 = vector.broadcast %add3A_2019 : i32 to vector<8x512xi32>
    %select_n3A_2021 = arith.select %ne3A_2015, %broadcast_in_dim3A_2020, %select_n3A_1945 : vector<8x512xi1>, vector<8x512xi32>
    %slice3A_2022 = vector.extract_strided_slice %dot_general3A_52 {offsets = [312, 0], sizes = [8, 512], strides = [1, 1]} : vector<512x512xf32> to vector<8x512xf32>
    %mul3A_2023 = arith.constant 2048 : i32
    %mul3A_2024 = arith.muli %arg1, %mul3A_2023 : i32
    %add3A_2025 = arith.constant 824 : i32
    %add3A_2026 = arith.addi %mul3A_2024, %add3A_2025 : i32
    %get3A_2027 = arith.index_cast %add3A_2026 : i32 to index
    %get3A_2028 = arith.constant 0 : index
    %get3A_2029 = vector.load %arg11[%get3A_2027, %get3A_2028] : memref<8192x1xf32, #tpu.memory_space<vmem>>, vector<8x1xf32>
    %add3A_2030 = vector.broadcast %get3A_2029 : vector<8x1xf32> to vector<8x512xf32>
    %add3A_2031 = arith.addf %get3A_13, %add3A_2030 : vector<8x512xf32>
    %sub3A_2032 = arith.subf %add3A_2031, %slice3A_2022 : vector<8x512xf32>
    %min3A_2033 = arith.minimumf %sub3A_2032, %min3A_1957 : vector<8x512xf32>
    %ne3A_2034 = arith.cmpf one, %min3A_2033, %min3A_1957 : vector<8x512xf32>
    %mul3A_2035 = arith.constant 256 : i32
    %mul3A_2036 = arith.muli %arg1, %mul3A_2035 : i32
    %add3A_2037 = arith.constant 103 : i32
    %add3A_2038 = arith.addi %mul3A_2036, %add3A_2037 : i32
    %broadcast_in_dim3A_2039 = vector.broadcast %add3A_2038 : i32 to vector<8x512xi32>
    %select_n3A_2040 = arith.select %ne3A_2034, %broadcast_in_dim3A_2039, %select_n3A_1964 : vector<8x512xi1>, vector<8x512xi32>
    %slice3A_2041 = vector.extract_strided_slice %dot_general3A_52 {offsets = [320, 0], sizes = [8, 512], strides = [1, 1]} : vector<512x512xf32> to vector<8x512xf32>
    %mul3A_2042 = arith.constant 2048 : i32
    %mul3A_2043 = arith.muli %arg1, %mul3A_2042 : i32
    %add3A_2044 = arith.constant 832 : i32
    %add3A_2045 = arith.addi %mul3A_2043, %add3A_2044 : i32
    %get3A_2046 = arith.index_cast %add3A_2045 : i32 to index
    %get3A_2047 = arith.constant 0 : index
    %get3A_2048 = vector.load %arg11[%get3A_2046, %get3A_2047] : memref<8192x1xf32, #tpu.memory_space<vmem>>, vector<8x1xf32>
    %add3A_2049 = vector.broadcast %get3A_2048 : vector<8x1xf32> to vector<8x512xf32>
    %add3A_2050 = arith.addf %get3A_13, %add3A_2049 : vector<8x512xf32>
    %sub3A_2051 = arith.subf %add3A_2050, %slice3A_2041 : vector<8x512xf32>
    %min3A_2052 = arith.minimumf %sub3A_2051, %min3A_1976 : vector<8x512xf32>
    %ne3A_2053 = arith.cmpf one, %min3A_2052, %min3A_1976 : vector<8x512xf32>
    %mul3A_2054 = arith.constant 256 : i32
    %mul3A_2055 = arith.muli %arg1, %mul3A_2054 : i32
    %add3A_2056 = arith.constant 104 : i32
    %add3A_2057 = arith.addi %mul3A_2055, %add3A_2056 : i32
    %broadcast_in_dim3A_2058 = vector.broadcast %add3A_2057 : i32 to vector<8x512xi32>
    %select_n3A_2059 = arith.select %ne3A_2053, %broadcast_in_dim3A_2058, %select_n3A_1983 : vector<8x512xi1>, vector<8x512xi32>
    %slice3A_2060 = vector.extract_strided_slice %dot_general3A_52 {offsets = [328, 0], sizes = [8, 512], strides = [1, 1]} : vector<512x512xf32> to vector<8x512xf32>
    %mul3A_2061 = arith.constant 2048 : i32
    %mul3A_2062 = arith.muli %arg1, %mul3A_2061 : i32
    %add3A_2063 = arith.constant 840 : i32
    %add3A_2064 = arith.addi %mul3A_2062, %add3A_2063 : i32
    %get3A_2065 = arith.index_cast %add3A_2064 : i32 to index
    %get3A_2066 = arith.constant 0 : index
    %get3A_2067 = vector.load %arg11[%get3A_2065, %get3A_2066] : memref<8192x1xf32, #tpu.memory_space<vmem>>, vector<8x1xf32>
    %add3A_2068 = vector.broadcast %get3A_2067 : vector<8x1xf32> to vector<8x512xf32>
    %add3A_2069 = arith.addf %get3A_13, %add3A_2068 : vector<8x512xf32>
    %sub3A_2070 = arith.subf %add3A_2069, %slice3A_2060 : vector<8x512xf32>
    %min3A_2071 = arith.minimumf %sub3A_2070, %min3A_1995 : vector<8x512xf32>
    %ne3A_2072 = arith.cmpf one, %min3A_2071, %min3A_1995 : vector<8x512xf32>
    %mul3A_2073 = arith.constant 256 : i32
    %mul3A_2074 = arith.muli %arg1, %mul3A_2073 : i32
    %add3A_2075 = arith.constant 105 : i32
    %add3A_2076 = arith.addi %mul3A_2074, %add3A_2075 : i32
    %broadcast_in_dim3A_2077 = vector.broadcast %add3A_2076 : i32 to vector<8x512xi32>
    %select_n3A_2078 = arith.select %ne3A_2072, %broadcast_in_dim3A_2077, %select_n3A_2002 : vector<8x512xi1>, vector<8x512xi32>
    %slice3A_2079 = vector.extract_strided_slice %dot_general3A_52 {offsets = [336, 0], sizes = [8, 512], strides = [1, 1]} : vector<512x512xf32> to vector<8x512xf32>
    %mul3A_2080 = arith.constant 2048 : i32
    %mul3A_2081 = arith.muli %arg1, %mul3A_2080 : i32
    %add3A_2082 = arith.constant 848 : i32
    %add3A_2083 = arith.addi %mul3A_2081, %add3A_2082 : i32
    %get3A_2084 = arith.index_cast %add3A_2083 : i32 to index
    %get3A_2085 = arith.constant 0 : index
    %get3A_2086 = vector.load %arg11[%get3A_2084, %get3A_2085] : memref<8192x1xf32, #tpu.memory_space<vmem>>, vector<8x1xf32>
    %add3A_2087 = vector.broadcast %get3A_2086 : vector<8x1xf32> to vector<8x512xf32>
    %add3A_2088 = arith.addf %get3A_13, %add3A_2087 : vector<8x512xf32>
    %sub3A_2089 = arith.subf %add3A_2088, %slice3A_2079 : vector<8x512xf32>
    %min3A_2090 = arith.minimumf %sub3A_2089, %min3A_2014 : vector<8x512xf32>
    %ne3A_2091 = arith.cmpf one, %min3A_2090, %min3A_2014 : vector<8x512xf32>
    %mul3A_2092 = arith.constant 256 : i32
    %mul3A_2093 = arith.muli %arg1, %mul3A_2092 : i32
    %add3A_2094 = arith.constant 106 : i32
    %add3A_2095 = arith.addi %mul3A_2093, %add3A_2094 : i32
    %broadcast_in_dim3A_2096 = vector.broadcast %add3A_2095 : i32 to vector<8x512xi32>
    %select_n3A_2097 = arith.select %ne3A_2091, %broadcast_in_dim3A_2096, %select_n3A_2021 : vector<8x512xi1>, vector<8x512xi32>
    %slice3A_2098 = vector.extract_strided_slice %dot_general3A_52 {offsets = [344, 0], sizes = [8, 512], strides = [1, 1]} : vector<512x512xf32> to vector<8x512xf32>
    %mul3A_2099 = arith.constant 2048 : i32
    %mul3A_2100 = arith.muli %arg1, %mul3A_2099 : i32
    %add3A_2101 = arith.constant 856 : i32
    %add3A_2102 = arith.addi %mul3A_2100, %add3A_2101 : i32
    %get3A_2103 = arith.index_cast %add3A_2102 : i32 to index
    %get3A_2104 = arith.constant 0 : index
    %get3A_2105 = vector.load %arg11[%get3A_2103, %get3A_2104] : memref<8192x1xf32, #tpu.memory_space<vmem>>, vector<8x1xf32>
    %add3A_2106 = vector.broadcast %get3A_2105 : vector<8x1xf32> to vector<8x512xf32>
    %add3A_2107 = arith.addf %get3A_13, %add3A_2106 : vector<8x512xf32>
    %sub3A_2108 = arith.subf %add3A_2107, %slice3A_2098 : vector<8x512xf32>
    %min3A_2109 = arith.minimumf %sub3A_2108, %min3A_2033 : vector<8x512xf32>
    %ne3A_2110 = arith.cmpf one, %min3A_2109, %min3A_2033 : vector<8x512xf32>
    %mul3A_2111 = arith.constant 256 : i32
    %mul3A_2112 = arith.muli %arg1, %mul3A_2111 : i32
    %add3A_2113 = arith.constant 107 : i32
    %add3A_2114 = arith.addi %mul3A_2112, %add3A_2113 : i32
    %broadcast_in_dim3A_2115 = vector.broadcast %add3A_2114 : i32 to vector<8x512xi32>
    %select_n3A_2116 = arith.select %ne3A_2110, %broadcast_in_dim3A_2115, %select_n3A_2040 : vector<8x512xi1>, vector<8x512xi32>
    %slice3A_2117 = vector.extract_strided_slice %dot_general3A_52 {offsets = [352, 0], sizes = [8, 512], strides = [1, 1]} : vector<512x512xf32> to vector<8x512xf32>
    %mul3A_2118 = arith.constant 2048 : i32
    %mul3A_2119 = arith.muli %arg1, %mul3A_2118 : i32
    %add3A_2120 = arith.constant 864 : i32
    %add3A_2121 = arith.addi %mul3A_2119, %add3A_2120 : i32
    %get3A_2122 = arith.index_cast %add3A_2121 : i32 to index
    %get3A_2123 = arith.constant 0 : index
    %get3A_2124 = vector.load %arg11[%get3A_2122, %get3A_2123] : memref<8192x1xf32, #tpu.memory_space<vmem>>, vector<8x1xf32>
    %add3A_2125 = vector.broadcast %get3A_2124 : vector<8x1xf32> to vector<8x512xf32>
    %add3A_2126 = arith.addf %get3A_13, %add3A_2125 : vector<8x512xf32>
    %sub3A_2127 = arith.subf %add3A_2126, %slice3A_2117 : vector<8x512xf32>
    %min3A_2128 = arith.minimumf %sub3A_2127, %min3A_2052 : vector<8x512xf32>
    %ne3A_2129 = arith.cmpf one, %min3A_2128, %min3A_2052 : vector<8x512xf32>
    %mul3A_2130 = arith.constant 256 : i32
    %mul3A_2131 = arith.muli %arg1, %mul3A_2130 : i32
    %add3A_2132 = arith.constant 108 : i32
    %add3A_2133 = arith.addi %mul3A_2131, %add3A_2132 : i32
    %broadcast_in_dim3A_2134 = vector.broadcast %add3A_2133 : i32 to vector<8x512xi32>
    %select_n3A_2135 = arith.select %ne3A_2129, %broadcast_in_dim3A_2134, %select_n3A_2059 : vector<8x512xi1>, vector<8x512xi32>
    %slice3A_2136 = vector.extract_strided_slice %dot_general3A_52 {offsets = [360, 0], sizes = [8, 512], strides = [1, 1]} : vector<512x512xf32> to vector<8x512xf32>
    %mul3A_2137 = arith.constant 2048 : i32
    %mul3A_2138 = arith.muli %arg1, %mul3A_2137 : i32
    %add3A_2139 = arith.constant 872 : i32
    %add3A_2140 = arith.addi %mul3A_2138, %add3A_2139 : i32
    %get3A_2141 = arith.index_cast %add3A_2140 : i32 to index
    %get3A_2142 = arith.constant 0 : index
    %get3A_2143 = vector.load %arg11[%get3A_2141, %get3A_2142] : memref<8192x1xf32, #tpu.memory_space<vmem>>, vector<8x1xf32>
    %add3A_2144 = vector.broadcast %get3A_2143 : vector<8x1xf32> to vector<8x512xf32>
    %add3A_2145 = arith.addf %get3A_13, %add3A_2144 : vector<8x512xf32>
    %sub3A_2146 = arith.subf %add3A_2145, %slice3A_2136 : vector<8x512xf32>
    %min3A_2147 = arith.minimumf %sub3A_2146, %min3A_2071 : vector<8x512xf32>
    %ne3A_2148 = arith.cmpf one, %min3A_2147, %min3A_2071 : vector<8x512xf32>
    %mul3A_2149 = arith.constant 256 : i32
    %mul3A_2150 = arith.muli %arg1, %mul3A_2149 : i32
    %add3A_2151 = arith.constant 109 : i32
    %add3A_2152 = arith.addi %mul3A_2150, %add3A_2151 : i32
    %broadcast_in_dim3A_2153 = vector.broadcast %add3A_2152 : i32 to vector<8x512xi32>
    %select_n3A_2154 = arith.select %ne3A_2148, %broadcast_in_dim3A_2153, %select_n3A_2078 : vector<8x512xi1>, vector<8x512xi32>
    %slice3A_2155 = vector.extract_strided_slice %dot_general3A_52 {offsets = [368, 0], sizes = [8, 512], strides = [1, 1]} : vector<512x512xf32> to vector<8x512xf32>
    %mul3A_2156 = arith.constant 2048 : i32
    %mul3A_2157 = arith.muli %arg1, %mul3A_2156 : i32
    %add3A_2158 = arith.constant 880 : i32
    %add3A_2159 = arith.addi %mul3A_2157, %add3A_2158 : i32
    %get3A_2160 = arith.index_cast %add3A_2159 : i32 to index
    %get3A_2161 = arith.constant 0 : index
    %get3A_2162 = vector.load %arg11[%get3A_2160, %get3A_2161] : memref<8192x1xf32, #tpu.memory_space<vmem>>, vector<8x1xf32>
    %add3A_2163 = vector.broadcast %get3A_2162 : vector<8x1xf32> to vector<8x512xf32>
    %add3A_2164 = arith.addf %get3A_13, %add3A_2163 : vector<8x512xf32>
    %sub3A_2165 = arith.subf %add3A_2164, %slice3A_2155 : vector<8x512xf32>
    %min3A_2166 = arith.minimumf %sub3A_2165, %min3A_2090 : vector<8x512xf32>
    %ne3A_2167 = arith.cmpf one, %min3A_2166, %min3A_2090 : vector<8x512xf32>
    %mul3A_2168 = arith.constant 256 : i32
    %mul3A_2169 = arith.muli %arg1, %mul3A_2168 : i32
    %add3A_2170 = arith.constant 110 : i32
    %add3A_2171 = arith.addi %mul3A_2169, %add3A_2170 : i32
    %broadcast_in_dim3A_2172 = vector.broadcast %add3A_2171 : i32 to vector<8x512xi32>
    %select_n3A_2173 = arith.select %ne3A_2167, %broadcast_in_dim3A_2172, %select_n3A_2097 : vector<8x512xi1>, vector<8x512xi32>
    %slice3A_2174 = vector.extract_strided_slice %dot_general3A_52 {offsets = [376, 0], sizes = [8, 512], strides = [1, 1]} : vector<512x512xf32> to vector<8x512xf32>
    %mul3A_2175 = arith.constant 2048 : i32
    %mul3A_2176 = arith.muli %arg1, %mul3A_2175 : i32
    %add3A_2177 = arith.constant 888 : i32
    %add3A_2178 = arith.addi %mul3A_2176, %add3A_2177 : i32
    %get3A_2179 = arith.index_cast %add3A_2178 : i32 to index
    %get3A_2180 = arith.constant 0 : index
    %get3A_2181 = vector.load %arg11[%get3A_2179, %get3A_2180] : memref<8192x1xf32, #tpu.memory_space<vmem>>, vector<8x1xf32>
    %add3A_2182 = vector.broadcast %get3A_2181 : vector<8x1xf32> to vector<8x512xf32>
    %add3A_2183 = arith.addf %get3A_13, %add3A_2182 : vector<8x512xf32>
    %sub3A_2184 = arith.subf %add3A_2183, %slice3A_2174 : vector<8x512xf32>
    %min3A_2185 = arith.minimumf %sub3A_2184, %min3A_2109 : vector<8x512xf32>
    %ne3A_2186 = arith.cmpf one, %min3A_2185, %min3A_2109 : vector<8x512xf32>
    %mul3A_2187 = arith.constant 256 : i32
    %mul3A_2188 = arith.muli %arg1, %mul3A_2187 : i32
    %add3A_2189 = arith.constant 111 : i32
    %add3A_2190 = arith.addi %mul3A_2188, %add3A_2189 : i32
    %broadcast_in_dim3A_2191 = vector.broadcast %add3A_2190 : i32 to vector<8x512xi32>
    %select_n3A_2192 = arith.select %ne3A_2186, %broadcast_in_dim3A_2191, %select_n3A_2116 : vector<8x512xi1>, vector<8x512xi32>
    %slice3A_2193 = vector.extract_strided_slice %dot_general3A_52 {offsets = [384, 0], sizes = [8, 512], strides = [1, 1]} : vector<512x512xf32> to vector<8x512xf32>
    %mul3A_2194 = arith.constant 2048 : i32
    %mul3A_2195 = arith.muli %arg1, %mul3A_2194 : i32
    %add3A_2196 = arith.constant 896 : i32
    %add3A_2197 = arith.addi %mul3A_2195, %add3A_2196 : i32
    %get3A_2198 = arith.index_cast %add3A_2197 : i32 to index
    %get3A_2199 = arith.constant 0 : index
    %get3A_2200 = vector.load %arg11[%get3A_2198, %get3A_2199] : memref<8192x1xf32, #tpu.memory_space<vmem>>, vector<8x1xf32>
    %add3A_2201 = vector.broadcast %get3A_2200 : vector<8x1xf32> to vector<8x512xf32>
    %add3A_2202 = arith.addf %get3A_13, %add3A_2201 : vector<8x512xf32>
    %sub3A_2203 = arith.subf %add3A_2202, %slice3A_2193 : vector<8x512xf32>
    %min3A_2204 = arith.minimumf %sub3A_2203, %min3A_2128 : vector<8x512xf32>
    %ne3A_2205 = arith.cmpf one, %min3A_2204, %min3A_2128 : vector<8x512xf32>
    %mul3A_2206 = arith.constant 256 : i32
    %mul3A_2207 = arith.muli %arg1, %mul3A_2206 : i32
    %add3A_2208 = arith.constant 112 : i32
    %add3A_2209 = arith.addi %mul3A_2207, %add3A_2208 : i32
    %broadcast_in_dim3A_2210 = vector.broadcast %add3A_2209 : i32 to vector<8x512xi32>
    %select_n3A_2211 = arith.select %ne3A_2205, %broadcast_in_dim3A_2210, %select_n3A_2135 : vector<8x512xi1>, vector<8x512xi32>
    %slice3A_2212 = vector.extract_strided_slice %dot_general3A_52 {offsets = [392, 0], sizes = [8, 512], strides = [1, 1]} : vector<512x512xf32> to vector<8x512xf32>
    %mul3A_2213 = arith.constant 2048 : i32
    %mul3A_2214 = arith.muli %arg1, %mul3A_2213 : i32
    %add3A_2215 = arith.constant 904 : i32
    %add3A_2216 = arith.addi %mul3A_2214, %add3A_2215 : i32
    %get3A_2217 = arith.index_cast %add3A_2216 : i32 to index
    %get3A_2218 = arith.constant 0 : index
    %get3A_2219 = vector.load %arg11[%get3A_2217, %get3A_2218] : memref<8192x1xf32, #tpu.memory_space<vmem>>, vector<8x1xf32>
    %add3A_2220 = vector.broadcast %get3A_2219 : vector<8x1xf32> to vector<8x512xf32>
    %add3A_2221 = arith.addf %get3A_13, %add3A_2220 : vector<8x512xf32>
    %sub3A_2222 = arith.subf %add3A_2221, %slice3A_2212 : vector<8x512xf32>
    %min3A_2223 = arith.minimumf %sub3A_2222, %min3A_2147 : vector<8x512xf32>
    %ne3A_2224 = arith.cmpf one, %min3A_2223, %min3A_2147 : vector<8x512xf32>
    %mul3A_2225 = arith.constant 256 : i32
    %mul3A_2226 = arith.muli %arg1, %mul3A_2225 : i32
    %add3A_2227 = arith.constant 113 : i32
    %add3A_2228 = arith.addi %mul3A_2226, %add3A_2227 : i32
    %broadcast_in_dim3A_2229 = vector.broadcast %add3A_2228 : i32 to vector<8x512xi32>
    %select_n3A_2230 = arith.select %ne3A_2224, %broadcast_in_dim3A_2229, %select_n3A_2154 : vector<8x512xi1>, vector<8x512xi32>
    %slice3A_2231 = vector.extract_strided_slice %dot_general3A_52 {offsets = [400, 0], sizes = [8, 512], strides = [1, 1]} : vector<512x512xf32> to vector<8x512xf32>
    %mul3A_2232 = arith.constant 2048 : i32
    %mul3A_2233 = arith.muli %arg1, %mul3A_2232 : i32
    %add3A_2234 = arith.constant 912 : i32
    %add3A_2235 = arith.addi %mul3A_2233, %add3A_2234 : i32
    %get3A_2236 = arith.index_cast %add3A_2235 : i32 to index
    %get3A_2237 = arith.constant 0 : index
    %get3A_2238 = vector.load %arg11[%get3A_2236, %get3A_2237] : memref<8192x1xf32, #tpu.memory_space<vmem>>, vector<8x1xf32>
    %add3A_2239 = vector.broadcast %get3A_2238 : vector<8x1xf32> to vector<8x512xf32>
    %add3A_2240 = arith.addf %get3A_13, %add3A_2239 : vector<8x512xf32>
    %sub3A_2241 = arith.subf %add3A_2240, %slice3A_2231 : vector<8x512xf32>
    %min3A_2242 = arith.minimumf %sub3A_2241, %min3A_2166 : vector<8x512xf32>
    %ne3A_2243 = arith.cmpf one, %min3A_2242, %min3A_2166 : vector<8x512xf32>
    %mul3A_2244 = arith.constant 256 : i32
    %mul3A_2245 = arith.muli %arg1, %mul3A_2244 : i32
    %add3A_2246 = arith.constant 114 : i32
    %add3A_2247 = arith.addi %mul3A_2245, %add3A_2246 : i32
    %broadcast_in_dim3A_2248 = vector.broadcast %add3A_2247 : i32 to vector<8x512xi32>
    %select_n3A_2249 = arith.select %ne3A_2243, %broadcast_in_dim3A_2248, %select_n3A_2173 : vector<8x512xi1>, vector<8x512xi32>
    %slice3A_2250 = vector.extract_strided_slice %dot_general3A_52 {offsets = [408, 0], sizes = [8, 512], strides = [1, 1]} : vector<512x512xf32> to vector<8x512xf32>
    %mul3A_2251 = arith.constant 2048 : i32
    %mul3A_2252 = arith.muli %arg1, %mul3A_2251 : i32
    %add3A_2253 = arith.constant 920 : i32
    %add3A_2254 = arith.addi %mul3A_2252, %add3A_2253 : i32
    %get3A_2255 = arith.index_cast %add3A_2254 : i32 to index
    %get3A_2256 = arith.constant 0 : index
    %get3A_2257 = vector.load %arg11[%get3A_2255, %get3A_2256] : memref<8192x1xf32, #tpu.memory_space<vmem>>, vector<8x1xf32>
    %add3A_2258 = vector.broadcast %get3A_2257 : vector<8x1xf32> to vector<8x512xf32>
    %add3A_2259 = arith.addf %get3A_13, %add3A_2258 : vector<8x512xf32>
    %sub3A_2260 = arith.subf %add3A_2259, %slice3A_2250 : vector<8x512xf32>
    %min3A_2261 = arith.minimumf %sub3A_2260, %min3A_2185 : vector<8x512xf32>
    %ne3A_2262 = arith.cmpf one, %min3A_2261, %min3A_2185 : vector<8x512xf32>
    %mul3A_2263 = arith.constant 256 : i32
    %mul3A_2264 = arith.muli %arg1, %mul3A_2263 : i32
    %add3A_2265 = arith.constant 115 : i32
    %add3A_2266 = arith.addi %mul3A_2264, %add3A_2265 : i32
    %broadcast_in_dim3A_2267 = vector.broadcast %add3A_2266 : i32 to vector<8x512xi32>
    %select_n3A_2268 = arith.select %ne3A_2262, %broadcast_in_dim3A_2267, %select_n3A_2192 : vector<8x512xi1>, vector<8x512xi32>
    %slice3A_2269 = vector.extract_strided_slice %dot_general3A_52 {offsets = [416, 0], sizes = [8, 512], strides = [1, 1]} : vector<512x512xf32> to vector<8x512xf32>
    %mul3A_2270 = arith.constant 2048 : i32
    %mul3A_2271 = arith.muli %arg1, %mul3A_2270 : i32
    %add3A_2272 = arith.constant 928 : i32
    %add3A_2273 = arith.addi %mul3A_2271, %add3A_2272 : i32
    %get3A_2274 = arith.index_cast %add3A_2273 : i32 to index
    %get3A_2275 = arith.constant 0 : index
    %get3A_2276 = vector.load %arg11[%get3A_2274, %get3A_2275] : memref<8192x1xf32, #tpu.memory_space<vmem>>, vector<8x1xf32>
    %add3A_2277 = vector.broadcast %get3A_2276 : vector<8x1xf32> to vector<8x512xf32>
    %add3A_2278 = arith.addf %get3A_13, %add3A_2277 : vector<8x512xf32>
    %sub3A_2279 = arith.subf %add3A_2278, %slice3A_2269 : vector<8x512xf32>
    %min3A_2280 = arith.minimumf %sub3A_2279, %min3A_2204 : vector<8x512xf32>
    %ne3A_2281 = arith.cmpf one, %min3A_2280, %min3A_2204 : vector<8x512xf32>
    %mul3A_2282 = arith.constant 256 : i32
    %mul3A_2283 = arith.muli %arg1, %mul3A_2282 : i32
    %add3A_2284 = arith.constant 116 : i32
    %add3A_2285 = arith.addi %mul3A_2283, %add3A_2284 : i32
    %broadcast_in_dim3A_2286 = vector.broadcast %add3A_2285 : i32 to vector<8x512xi32>
    %select_n3A_2287 = arith.select %ne3A_2281, %broadcast_in_dim3A_2286, %select_n3A_2211 : vector<8x512xi1>, vector<8x512xi32>
    %slice3A_2288 = vector.extract_strided_slice %dot_general3A_52 {offsets = [424, 0], sizes = [8, 512], strides = [1, 1]} : vector<512x512xf32> to vector<8x512xf32>
    %mul3A_2289 = arith.constant 2048 : i32
    %mul3A_2290 = arith.muli %arg1, %mul3A_2289 : i32
    %add3A_2291 = arith.constant 936 : i32
    %add3A_2292 = arith.addi %mul3A_2290, %add3A_2291 : i32
    %get3A_2293 = arith.index_cast %add3A_2292 : i32 to index
    %get3A_2294 = arith.constant 0 : index
    %get3A_2295 = vector.load %arg11[%get3A_2293, %get3A_2294] : memref<8192x1xf32, #tpu.memory_space<vmem>>, vector<8x1xf32>
    %add3A_2296 = vector.broadcast %get3A_2295 : vector<8x1xf32> to vector<8x512xf32>
    %add3A_2297 = arith.addf %get3A_13, %add3A_2296 : vector<8x512xf32>
    %sub3A_2298 = arith.subf %add3A_2297, %slice3A_2288 : vector<8x512xf32>
    %min3A_2299 = arith.minimumf %sub3A_2298, %min3A_2223 : vector<8x512xf32>
    %ne3A_2300 = arith.cmpf one, %min3A_2299, %min3A_2223 : vector<8x512xf32>
    %mul3A_2301 = arith.constant 256 : i32
    %mul3A_2302 = arith.muli %arg1, %mul3A_2301 : i32
    %add3A_2303 = arith.constant 117 : i32
    %add3A_2304 = arith.addi %mul3A_2302, %add3A_2303 : i32
    %broadcast_in_dim3A_2305 = vector.broadcast %add3A_2304 : i32 to vector<8x512xi32>
    %select_n3A_2306 = arith.select %ne3A_2300, %broadcast_in_dim3A_2305, %select_n3A_2230 : vector<8x512xi1>, vector<8x512xi32>
    %slice3A_2307 = vector.extract_strided_slice %dot_general3A_52 {offsets = [432, 0], sizes = [8, 512], strides = [1, 1]} : vector<512x512xf32> to vector<8x512xf32>
    %mul3A_2308 = arith.constant 2048 : i32
    %mul3A_2309 = arith.muli %arg1, %mul3A_2308 : i32
    %add3A_2310 = arith.constant 944 : i32
    %add3A_2311 = arith.addi %mul3A_2309, %add3A_2310 : i32
    %get3A_2312 = arith.index_cast %add3A_2311 : i32 to index
    %get3A_2313 = arith.constant 0 : index
    %get3A_2314 = vector.load %arg11[%get3A_2312, %get3A_2313] : memref<8192x1xf32, #tpu.memory_space<vmem>>, vector<8x1xf32>
    %add3A_2315 = vector.broadcast %get3A_2314 : vector<8x1xf32> to vector<8x512xf32>
    %add3A_2316 = arith.addf %get3A_13, %add3A_2315 : vector<8x512xf32>
    %sub3A_2317 = arith.subf %add3A_2316, %slice3A_2307 : vector<8x512xf32>
    %min3A_2318 = arith.minimumf %sub3A_2317, %min3A_2242 : vector<8x512xf32>
    %ne3A_2319 = arith.cmpf one, %min3A_2318, %min3A_2242 : vector<8x512xf32>
    %mul3A_2320 = arith.constant 256 : i32
    %mul3A_2321 = arith.muli %arg1, %mul3A_2320 : i32
    %add3A_2322 = arith.constant 118 : i32
    %add3A_2323 = arith.addi %mul3A_2321, %add3A_2322 : i32
    %broadcast_in_dim3A_2324 = vector.broadcast %add3A_2323 : i32 to vector<8x512xi32>
    %select_n3A_2325 = arith.select %ne3A_2319, %broadcast_in_dim3A_2324, %select_n3A_2249 : vector<8x512xi1>, vector<8x512xi32>
    %slice3A_2326 = vector.extract_strided_slice %dot_general3A_52 {offsets = [440, 0], sizes = [8, 512], strides = [1, 1]} : vector<512x512xf32> to vector<8x512xf32>
    %mul3A_2327 = arith.constant 2048 : i32
    %mul3A_2328 = arith.muli %arg1, %mul3A_2327 : i32
    %add3A_2329 = arith.constant 952 : i32
    %add3A_2330 = arith.addi %mul3A_2328, %add3A_2329 : i32
    %get3A_2331 = arith.index_cast %add3A_2330 : i32 to index
    %get3A_2332 = arith.constant 0 : index
    %get3A_2333 = vector.load %arg11[%get3A_2331, %get3A_2332] : memref<8192x1xf32, #tpu.memory_space<vmem>>, vector<8x1xf32>
    %add3A_2334 = vector.broadcast %get3A_2333 : vector<8x1xf32> to vector<8x512xf32>
    %add3A_2335 = arith.addf %get3A_13, %add3A_2334 : vector<8x512xf32>
    %sub3A_2336 = arith.subf %add3A_2335, %slice3A_2326 : vector<8x512xf32>
    %min3A_2337 = arith.minimumf %sub3A_2336, %min3A_2261 : vector<8x512xf32>
    %ne3A_2338 = arith.cmpf one, %min3A_2337, %min3A_2261 : vector<8x512xf32>
    %mul3A_2339 = arith.constant 256 : i32
    %mul3A_2340 = arith.muli %arg1, %mul3A_2339 : i32
    %add3A_2341 = arith.constant 119 : i32
    %add3A_2342 = arith.addi %mul3A_2340, %add3A_2341 : i32
    %broadcast_in_dim3A_2343 = vector.broadcast %add3A_2342 : i32 to vector<8x512xi32>
    %select_n3A_2344 = arith.select %ne3A_2338, %broadcast_in_dim3A_2343, %select_n3A_2268 : vector<8x512xi1>, vector<8x512xi32>
    %slice3A_2345 = vector.extract_strided_slice %dot_general3A_52 {offsets = [448, 0], sizes = [8, 512], strides = [1, 1]} : vector<512x512xf32> to vector<8x512xf32>
    %mul3A_2346 = arith.constant 2048 : i32
    %mul3A_2347 = arith.muli %arg1, %mul3A_2346 : i32
    %add3A_2348 = arith.constant 960 : i32
    %add3A_2349 = arith.addi %mul3A_2347, %add3A_2348 : i32
    %get3A_2350 = arith.index_cast %add3A_2349 : i32 to index
    %get3A_2351 = arith.constant 0 : index
    %get3A_2352 = vector.load %arg11[%get3A_2350, %get3A_2351] : memref<8192x1xf32, #tpu.memory_space<vmem>>, vector<8x1xf32>
    %add3A_2353 = vector.broadcast %get3A_2352 : vector<8x1xf32> to vector<8x512xf32>
    %add3A_2354 = arith.addf %get3A_13, %add3A_2353 : vector<8x512xf32>
    %sub3A_2355 = arith.subf %add3A_2354, %slice3A_2345 : vector<8x512xf32>
    %min3A_2356 = arith.minimumf %sub3A_2355, %min3A_2280 : vector<8x512xf32>
    %ne3A_2357 = arith.cmpf one, %min3A_2356, %min3A_2280 : vector<8x512xf32>
    %mul3A_2358 = arith.constant 256 : i32
    %mul3A_2359 = arith.muli %arg1, %mul3A_2358 : i32
    %add3A_2360 = arith.constant 120 : i32
    %add3A_2361 = arith.addi %mul3A_2359, %add3A_2360 : i32
    %broadcast_in_dim3A_2362 = vector.broadcast %add3A_2361 : i32 to vector<8x512xi32>
    %select_n3A_2363 = arith.select %ne3A_2357, %broadcast_in_dim3A_2362, %select_n3A_2287 : vector<8x512xi1>, vector<8x512xi32>
    %slice3A_2364 = vector.extract_strided_slice %dot_general3A_52 {offsets = [456, 0], sizes = [8, 512], strides = [1, 1]} : vector<512x512xf32> to vector<8x512xf32>
    %mul3A_2365 = arith.constant 2048 : i32
    %mul3A_2366 = arith.muli %arg1, %mul3A_2365 : i32
    %add3A_2367 = arith.constant 968 : i32
    %add3A_2368 = arith.addi %mul3A_2366, %add3A_2367 : i32
    %get3A_2369 = arith.index_cast %add3A_2368 : i32 to index
    %get3A_2370 = arith.constant 0 : index
    %get3A_2371 = vector.load %arg11[%get3A_2369, %get3A_2370] : memref<8192x1xf32, #tpu.memory_space<vmem>>, vector<8x1xf32>
    %add3A_2372 = vector.broadcast %get3A_2371 : vector<8x1xf32> to vector<8x512xf32>
    %add3A_2373 = arith.addf %get3A_13, %add3A_2372 : vector<8x512xf32>
    %sub3A_2374 = arith.subf %add3A_2373, %slice3A_2364 : vector<8x512xf32>
    %min3A_2375 = arith.minimumf %sub3A_2374, %min3A_2299 : vector<8x512xf32>
    %ne3A_2376 = arith.cmpf one, %min3A_2375, %min3A_2299 : vector<8x512xf32>
    %mul3A_2377 = arith.constant 256 : i32
    %mul3A_2378 = arith.muli %arg1, %mul3A_2377 : i32
    %add3A_2379 = arith.constant 121 : i32
    %add3A_2380 = arith.addi %mul3A_2378, %add3A_2379 : i32
    %broadcast_in_dim3A_2381 = vector.broadcast %add3A_2380 : i32 to vector<8x512xi32>
    %select_n3A_2382 = arith.select %ne3A_2376, %broadcast_in_dim3A_2381, %select_n3A_2306 : vector<8x512xi1>, vector<8x512xi32>
    %slice3A_2383 = vector.extract_strided_slice %dot_general3A_52 {offsets = [464, 0], sizes = [8, 512], strides = [1, 1]} : vector<512x512xf32> to vector<8x512xf32>
    %mul3A_2384 = arith.constant 2048 : i32
    %mul3A_2385 = arith.muli %arg1, %mul3A_2384 : i32
    %add3A_2386 = arith.constant 976 : i32
    %add3A_2387 = arith.addi %mul3A_2385, %add3A_2386 : i32
    %get3A_2388 = arith.index_cast %add3A_2387 : i32 to index
    %get3A_2389 = arith.constant 0 : index
    %get3A_2390 = vector.load %arg11[%get3A_2388, %get3A_2389] : memref<8192x1xf32, #tpu.memory_space<vmem>>, vector<8x1xf32>
    %add3A_2391 = vector.broadcast %get3A_2390 : vector<8x1xf32> to vector<8x512xf32>
    %add3A_2392 = arith.addf %get3A_13, %add3A_2391 : vector<8x512xf32>
    %sub3A_2393 = arith.subf %add3A_2392, %slice3A_2383 : vector<8x512xf32>
    %min3A_2394 = arith.minimumf %sub3A_2393, %min3A_2318 : vector<8x512xf32>
    %ne3A_2395 = arith.cmpf one, %min3A_2394, %min3A_2318 : vector<8x512xf32>
    %mul3A_2396 = arith.constant 256 : i32
    %mul3A_2397 = arith.muli %arg1, %mul3A_2396 : i32
    %add3A_2398 = arith.constant 122 : i32
    %add3A_2399 = arith.addi %mul3A_2397, %add3A_2398 : i32
    %broadcast_in_dim3A_2400 = vector.broadcast %add3A_2399 : i32 to vector<8x512xi32>
    %select_n3A_2401 = arith.select %ne3A_2395, %broadcast_in_dim3A_2400, %select_n3A_2325 : vector<8x512xi1>, vector<8x512xi32>
    %slice3A_2402 = vector.extract_strided_slice %dot_general3A_52 {offsets = [472, 0], sizes = [8, 512], strides = [1, 1]} : vector<512x512xf32> to vector<8x512xf32>
    %mul3A_2403 = arith.constant 2048 : i32
    %mul3A_2404 = arith.muli %arg1, %mul3A_2403 : i32
    %add3A_2405 = arith.constant 984 : i32
    %add3A_2406 = arith.addi %mul3A_2404, %add3A_2405 : i32
    %get3A_2407 = arith.index_cast %add3A_2406 : i32 to index
    %get3A_2408 = arith.constant 0 : index
    %get3A_2409 = vector.load %arg11[%get3A_2407, %get3A_2408] : memref<8192x1xf32, #tpu.memory_space<vmem>>, vector<8x1xf32>
    %add3A_2410 = vector.broadcast %get3A_2409 : vector<8x1xf32> to vector<8x512xf32>
    %add3A_2411 = arith.addf %get3A_13, %add3A_2410 : vector<8x512xf32>
    %sub3A_2412 = arith.subf %add3A_2411, %slice3A_2402 : vector<8x512xf32>
    %min3A_2413 = arith.minimumf %sub3A_2412, %min3A_2337 : vector<8x512xf32>
    %ne3A_2414 = arith.cmpf one, %min3A_2413, %min3A_2337 : vector<8x512xf32>
    %mul3A_2415 = arith.constant 256 : i32
    %mul3A_2416 = arith.muli %arg1, %mul3A_2415 : i32
    %add3A_2417 = arith.constant 123 : i32
    %add3A_2418 = arith.addi %mul3A_2416, %add3A_2417 : i32
    %broadcast_in_dim3A_2419 = vector.broadcast %add3A_2418 : i32 to vector<8x512xi32>
    %select_n3A_2420 = arith.select %ne3A_2414, %broadcast_in_dim3A_2419, %select_n3A_2344 : vector<8x512xi1>, vector<8x512xi32>
    %slice3A_2421 = vector.extract_strided_slice %dot_general3A_52 {offsets = [480, 0], sizes = [8, 512], strides = [1, 1]} : vector<512x512xf32> to vector<8x512xf32>
    %mul3A_2422 = arith.constant 2048 : i32
    %mul3A_2423 = arith.muli %arg1, %mul3A_2422 : i32
    %add3A_2424 = arith.constant 992 : i32
    %add3A_2425 = arith.addi %mul3A_2423, %add3A_2424 : i32
    %get3A_2426 = arith.index_cast %add3A_2425 : i32 to index
    %get3A_2427 = arith.constant 0 : index
    %get3A_2428 = vector.load %arg11[%get3A_2426, %get3A_2427] : memref<8192x1xf32, #tpu.memory_space<vmem>>, vector<8x1xf32>
    %add3A_2429 = vector.broadcast %get3A_2428 : vector<8x1xf32> to vector<8x512xf32>
    %add3A_2430 = arith.addf %get3A_13, %add3A_2429 : vector<8x512xf32>
    %sub3A_2431 = arith.subf %add3A_2430, %slice3A_2421 : vector<8x512xf32>
    %min3A_2432 = arith.minimumf %sub3A_2431, %min3A_2356 : vector<8x512xf32>
    %ne3A_2433 = arith.cmpf one, %min3A_2432, %min3A_2356 : vector<8x512xf32>
    %mul3A_2434 = arith.constant 256 : i32
    %mul3A_2435 = arith.muli %arg1, %mul3A_2434 : i32
    %add3A_2436 = arith.constant 124 : i32
    %add3A_2437 = arith.addi %mul3A_2435, %add3A_2436 : i32
    %broadcast_in_dim3A_2438 = vector.broadcast %add3A_2437 : i32 to vector<8x512xi32>
    %select_n3A_2439 = arith.select %ne3A_2433, %broadcast_in_dim3A_2438, %select_n3A_2363 : vector<8x512xi1>, vector<8x512xi32>
    %slice3A_2440 = vector.extract_strided_slice %dot_general3A_52 {offsets = [488, 0], sizes = [8, 512], strides = [1, 1]} : vector<512x512xf32> to vector<8x512xf32>
    %mul3A_2441 = arith.constant 2048 : i32
    %mul3A_2442 = arith.muli %arg1, %mul3A_2441 : i32
    %add3A_2443 = arith.constant 1000 : i32
    %add3A_2444 = arith.addi %mul3A_2442, %add3A_2443 : i32
    %get3A_2445 = arith.index_cast %add3A_2444 : i32 to index
    %get3A_2446 = arith.constant 0 : index
    %get3A_2447 = vector.load %arg11[%get3A_2445, %get3A_2446] : memref<8192x1xf32, #tpu.memory_space<vmem>>, vector<8x1xf32>
    %add3A_2448 = vector.broadcast %get3A_2447 : vector<8x1xf32> to vector<8x512xf32>
    %add3A_2449 = arith.addf %get3A_13, %add3A_2448 : vector<8x512xf32>
    %sub3A_2450 = arith.subf %add3A_2449, %slice3A_2440 : vector<8x512xf32>
    %min3A_2451 = arith.minimumf %sub3A_2450, %min3A_2375 : vector<8x512xf32>
    %ne3A_2452 = arith.cmpf one, %min3A_2451, %min3A_2375 : vector<8x512xf32>
    %mul3A_2453 = arith.constant 256 : i32
    %mul3A_2454 = arith.muli %arg1, %mul3A_2453 : i32
    %add3A_2455 = arith.constant 125 : i32
    %add3A_2456 = arith.addi %mul3A_2454, %add3A_2455 : i32
    %broadcast_in_dim3A_2457 = vector.broadcast %add3A_2456 : i32 to vector<8x512xi32>
    %select_n3A_2458 = arith.select %ne3A_2452, %broadcast_in_dim3A_2457, %select_n3A_2382 : vector<8x512xi1>, vector<8x512xi32>
    %slice3A_2459 = vector.extract_strided_slice %dot_general3A_52 {offsets = [496, 0], sizes = [8, 512], strides = [1, 1]} : vector<512x512xf32> to vector<8x512xf32>
    %mul3A_2460 = arith.constant 2048 : i32
    %mul3A_2461 = arith.muli %arg1, %mul3A_2460 : i32
    %add3A_2462 = arith.constant 1008 : i32
    %add3A_2463 = arith.addi %mul3A_2461, %add3A_2462 : i32
    %get3A_2464 = arith.index_cast %add3A_2463 : i32 to index
    %get3A_2465 = arith.constant 0 : index
    %get3A_2466 = vector.load %arg11[%get3A_2464, %get3A_2465] : memref<8192x1xf32, #tpu.memory_space<vmem>>, vector<8x1xf32>
    %add3A_2467 = vector.broadcast %get3A_2466 : vector<8x1xf32> to vector<8x512xf32>
    %add3A_2468 = arith.addf %get3A_13, %add3A_2467 : vector<8x512xf32>
    %sub3A_2469 = arith.subf %add3A_2468, %slice3A_2459 : vector<8x512xf32>
    %min3A_2470 = arith.minimumf %sub3A_2469, %min3A_2394 : vector<8x512xf32>
    %ne3A_2471 = arith.cmpf one, %min3A_2470, %min3A_2394 : vector<8x512xf32>
    %mul3A_2472 = arith.constant 256 : i32
    %mul3A_2473 = arith.muli %arg1, %mul3A_2472 : i32
    %add3A_2474 = arith.constant 126 : i32
    %add3A_2475 = arith.addi %mul3A_2473, %add3A_2474 : i32
    %broadcast_in_dim3A_2476 = vector.broadcast %add3A_2475 : i32 to vector<8x512xi32>
    %select_n3A_2477 = arith.select %ne3A_2471, %broadcast_in_dim3A_2476, %select_n3A_2401 : vector<8x512xi1>, vector<8x512xi32>
    %slice3A_2478 = vector.extract_strided_slice %dot_general3A_52 {offsets = [504, 0], sizes = [8, 512], strides = [1, 1]} : vector<512x512xf32> to vector<8x512xf32>
    %mul3A_2479 = arith.constant 2048 : i32
    %mul3A_2480 = arith.muli %arg1, %mul3A_2479 : i32
    %add3A_2481 = arith.constant 1016 : i32
    %add3A_2482 = arith.addi %mul3A_2480, %add3A_2481 : i32
    %get3A_2483 = arith.index_cast %add3A_2482 : i32 to index
    %get3A_2484 = arith.constant 0 : index
    %get3A_2485 = vector.load %arg11[%get3A_2483, %get3A_2484] : memref<8192x1xf32, #tpu.memory_space<vmem>>, vector<8x1xf32>
    %add3A_2486 = vector.broadcast %get3A_2485 : vector<8x1xf32> to vector<8x512xf32>
    %add3A_2487 = arith.addf %get3A_13, %add3A_2486 : vector<8x512xf32>
    %sub3A_2488 = arith.subf %add3A_2487, %slice3A_2478 : vector<8x512xf32>
    %min3A_2489 = arith.minimumf %sub3A_2488, %min3A_2413 : vector<8x512xf32>
    %ne3A_2490 = arith.cmpf one, %min3A_2489, %min3A_2413 : vector<8x512xf32>
    %mul3A_2491 = arith.constant 256 : i32
    %mul3A_2492 = arith.muli %arg1, %mul3A_2491 : i32
    %add3A_2493 = arith.constant 127 : i32
    %add3A_2494 = arith.addi %mul3A_2492, %add3A_2493 : i32
    %broadcast_in_dim3A_2495 = vector.broadcast %add3A_2494 : i32 to vector<8x512xi32>
    %select_n3A_2496 = arith.select %ne3A_2490, %broadcast_in_dim3A_2495, %select_n3A_2420 : vector<8x512xi1>, vector<8x512xi32>
    %slice3A_2497 = vector.extract_strided_slice %dot_general3A_61 {offsets = [0, 0], sizes = [8, 512], strides = [1, 1]} : vector<512x512xf32> to vector<8x512xf32>
    %mul3A_2498 = arith.constant 2048 : i32
    %mul3A_2499 = arith.muli %arg1, %mul3A_2498 : i32
    %add3A_2500 = arith.constant 1024 : i32
    %add3A_2501 = arith.addi %mul3A_2499, %add3A_2500 : i32
    %get3A_2502 = arith.index_cast %add3A_2501 : i32 to index
    %get3A_2503 = arith.constant 0 : index
    %get3A_2504 = vector.load %arg11[%get3A_2502, %get3A_2503] : memref<8192x1xf32, #tpu.memory_space<vmem>>, vector<8x1xf32>
    %add3A_2505 = vector.broadcast %get3A_2504 : vector<8x1xf32> to vector<8x512xf32>
    %add3A_2506 = arith.addf %get3A_13, %add3A_2505 : vector<8x512xf32>
    %sub3A_2507 = arith.subf %add3A_2506, %slice3A_2497 : vector<8x512xf32>
    %min3A_2508 = arith.minimumf %sub3A_2507, %min3A_2432 : vector<8x512xf32>
    %ne3A_2509 = arith.cmpf one, %min3A_2508, %min3A_2432 : vector<8x512xf32>
    %mul3A_2510 = arith.constant 256 : i32
    %mul3A_2511 = arith.muli %arg1, %mul3A_2510 : i32
    %add3A_2512 = arith.constant 128 : i32
    %add3A_2513 = arith.addi %mul3A_2511, %add3A_2512 : i32
    %broadcast_in_dim3A_2514 = vector.broadcast %add3A_2513 : i32 to vector<8x512xi32>
    %select_n3A_2515 = arith.select %ne3A_2509, %broadcast_in_dim3A_2514, %select_n3A_2439 : vector<8x512xi1>, vector<8x512xi32>
    %slice3A_2516 = vector.extract_strided_slice %dot_general3A_61 {offsets = [8, 0], sizes = [8, 512], strides = [1, 1]} : vector<512x512xf32> to vector<8x512xf32>
    %mul3A_2517 = arith.constant 2048 : i32
    %mul3A_2518 = arith.muli %arg1, %mul3A_2517 : i32
    %add3A_2519 = arith.constant 1032 : i32
    %add3A_2520 = arith.addi %mul3A_2518, %add3A_2519 : i32
    %get3A_2521 = arith.index_cast %add3A_2520 : i32 to index
    %get3A_2522 = arith.constant 0 : index
    %get3A_2523 = vector.load %arg11[%get3A_2521, %get3A_2522] : memref<8192x1xf32, #tpu.memory_space<vmem>>, vector<8x1xf32>
    %add3A_2524 = vector.broadcast %get3A_2523 : vector<8x1xf32> to vector<8x512xf32>
    %add3A_2525 = arith.addf %get3A_13, %add3A_2524 : vector<8x512xf32>
    %sub3A_2526 = arith.subf %add3A_2525, %slice3A_2516 : vector<8x512xf32>
    %min3A_2527 = arith.minimumf %sub3A_2526, %min3A_2451 : vector<8x512xf32>
    %ne3A_2528 = arith.cmpf one, %min3A_2527, %min3A_2451 : vector<8x512xf32>
    %mul3A_2529 = arith.constant 256 : i32
    %mul3A_2530 = arith.muli %arg1, %mul3A_2529 : i32
    %add3A_2531 = arith.constant 129 : i32
    %add3A_2532 = arith.addi %mul3A_2530, %add3A_2531 : i32
    %broadcast_in_dim3A_2533 = vector.broadcast %add3A_2532 : i32 to vector<8x512xi32>
    %select_n3A_2534 = arith.select %ne3A_2528, %broadcast_in_dim3A_2533, %select_n3A_2458 : vector<8x512xi1>, vector<8x512xi32>
    %slice3A_2535 = vector.extract_strided_slice %dot_general3A_61 {offsets = [16, 0], sizes = [8, 512], strides = [1, 1]} : vector<512x512xf32> to vector<8x512xf32>
    %mul3A_2536 = arith.constant 2048 : i32
    %mul3A_2537 = arith.muli %arg1, %mul3A_2536 : i32
    %add3A_2538 = arith.constant 1040 : i32
    %add3A_2539 = arith.addi %mul3A_2537, %add3A_2538 : i32
    %get3A_2540 = arith.index_cast %add3A_2539 : i32 to index
    %get3A_2541 = arith.constant 0 : index
    %get3A_2542 = vector.load %arg11[%get3A_2540, %get3A_2541] : memref<8192x1xf32, #tpu.memory_space<vmem>>, vector<8x1xf32>
    %add3A_2543 = vector.broadcast %get3A_2542 : vector<8x1xf32> to vector<8x512xf32>
    %add3A_2544 = arith.addf %get3A_13, %add3A_2543 : vector<8x512xf32>
    %sub3A_2545 = arith.subf %add3A_2544, %slice3A_2535 : vector<8x512xf32>
    %min3A_2546 = arith.minimumf %sub3A_2545, %min3A_2470 : vector<8x512xf32>
    %ne3A_2547 = arith.cmpf one, %min3A_2546, %min3A_2470 : vector<8x512xf32>
    %mul3A_2548 = arith.constant 256 : i32
    %mul3A_2549 = arith.muli %arg1, %mul3A_2548 : i32
    %add3A_2550 = arith.constant 130 : i32
    %add3A_2551 = arith.addi %mul3A_2549, %add3A_2550 : i32
    %broadcast_in_dim3A_2552 = vector.broadcast %add3A_2551 : i32 to vector<8x512xi32>
    %select_n3A_2553 = arith.select %ne3A_2547, %broadcast_in_dim3A_2552, %select_n3A_2477 : vector<8x512xi1>, vector<8x512xi32>
    %slice3A_2554 = vector.extract_strided_slice %dot_general3A_61 {offsets = [24, 0], sizes = [8, 512], strides = [1, 1]} : vector<512x512xf32> to vector<8x512xf32>
    %mul3A_2555 = arith.constant 2048 : i32
    %mul3A_2556 = arith.muli %arg1, %mul3A_2555 : i32
    %add3A_2557 = arith.constant 1048 : i32
    %add3A_2558 = arith.addi %mul3A_2556, %add3A_2557 : i32
    %get3A_2559 = arith.index_cast %add3A_2558 : i32 to index
    %get3A_2560 = arith.constant 0 : index
    %get3A_2561 = vector.load %arg11[%get3A_2559, %get3A_2560] : memref<8192x1xf32, #tpu.memory_space<vmem>>, vector<8x1xf32>
    %add3A_2562 = vector.broadcast %get3A_2561 : vector<8x1xf32> to vector<8x512xf32>
    %add3A_2563 = arith.addf %get3A_13, %add3A_2562 : vector<8x512xf32>
    %sub3A_2564 = arith.subf %add3A_2563, %slice3A_2554 : vector<8x512xf32>
    %min3A_2565 = arith.minimumf %sub3A_2564, %min3A_2489 : vector<8x512xf32>
    %ne3A_2566 = arith.cmpf one, %min3A_2565, %min3A_2489 : vector<8x512xf32>
    %mul3A_2567 = arith.constant 256 : i32
    %mul3A_2568 = arith.muli %arg1, %mul3A_2567 : i32
    %add3A_2569 = arith.constant 131 : i32
    %add3A_2570 = arith.addi %mul3A_2568, %add3A_2569 : i32
    %broadcast_in_dim3A_2571 = vector.broadcast %add3A_2570 : i32 to vector<8x512xi32>
    %select_n3A_2572 = arith.select %ne3A_2566, %broadcast_in_dim3A_2571, %select_n3A_2496 : vector<8x512xi1>, vector<8x512xi32>
    %slice3A_2573 = vector.extract_strided_slice %dot_general3A_61 {offsets = [32, 0], sizes = [8, 512], strides = [1, 1]} : vector<512x512xf32> to vector<8x512xf32>
    %mul3A_2574 = arith.constant 2048 : i32
    %mul3A_2575 = arith.muli %arg1, %mul3A_2574 : i32
    %add3A_2576 = arith.constant 1056 : i32
    %add3A_2577 = arith.addi %mul3A_2575, %add3A_2576 : i32
    %get3A_2578 = arith.index_cast %add3A_2577 : i32 to index
    %get3A_2579 = arith.constant 0 : index
    %get3A_2580 = vector.load %arg11[%get3A_2578, %get3A_2579] : memref<8192x1xf32, #tpu.memory_space<vmem>>, vector<8x1xf32>
    %add3A_2581 = vector.broadcast %get3A_2580 : vector<8x1xf32> to vector<8x512xf32>
    %add3A_2582 = arith.addf %get3A_13, %add3A_2581 : vector<8x512xf32>
    %sub3A_2583 = arith.subf %add3A_2582, %slice3A_2573 : vector<8x512xf32>
    %min3A_2584 = arith.minimumf %sub3A_2583, %min3A_2508 : vector<8x512xf32>
    %ne3A_2585 = arith.cmpf one, %min3A_2584, %min3A_2508 : vector<8x512xf32>
    %mul3A_2586 = arith.constant 256 : i32
    %mul3A_2587 = arith.muli %arg1, %mul3A_2586 : i32
    %add3A_2588 = arith.constant 132 : i32
    %add3A_2589 = arith.addi %mul3A_2587, %add3A_2588 : i32
    %broadcast_in_dim3A_2590 = vector.broadcast %add3A_2589 : i32 to vector<8x512xi32>
    %select_n3A_2591 = arith.select %ne3A_2585, %broadcast_in_dim3A_2590, %select_n3A_2515 : vector<8x512xi1>, vector<8x512xi32>
    %slice3A_2592 = vector.extract_strided_slice %dot_general3A_61 {offsets = [40, 0], sizes = [8, 512], strides = [1, 1]} : vector<512x512xf32> to vector<8x512xf32>
    %mul3A_2593 = arith.constant 2048 : i32
    %mul3A_2594 = arith.muli %arg1, %mul3A_2593 : i32
    %add3A_2595 = arith.constant 1064 : i32
    %add3A_2596 = arith.addi %mul3A_2594, %add3A_2595 : i32
    %get3A_2597 = arith.index_cast %add3A_2596 : i32 to index
    %get3A_2598 = arith.constant 0 : index
    %get3A_2599 = vector.load %arg11[%get3A_2597, %get3A_2598] : memref<8192x1xf32, #tpu.memory_space<vmem>>, vector<8x1xf32>
    %add3A_2600 = vector.broadcast %get3A_2599 : vector<8x1xf32> to vector<8x512xf32>
    %add3A_2601 = arith.addf %get3A_13, %add3A_2600 : vector<8x512xf32>
    %sub3A_2602 = arith.subf %add3A_2601, %slice3A_2592 : vector<8x512xf32>
    %min3A_2603 = arith.minimumf %sub3A_2602, %min3A_2527 : vector<8x512xf32>
    %ne3A_2604 = arith.cmpf one, %min3A_2603, %min3A_2527 : vector<8x512xf32>
    %mul3A_2605 = arith.constant 256 : i32
    %mul3A_2606 = arith.muli %arg1, %mul3A_2605 : i32
    %add3A_2607 = arith.constant 133 : i32
    %add3A_2608 = arith.addi %mul3A_2606, %add3A_2607 : i32
    %broadcast_in_dim3A_2609 = vector.broadcast %add3A_2608 : i32 to vector<8x512xi32>
    %select_n3A_2610 = arith.select %ne3A_2604, %broadcast_in_dim3A_2609, %select_n3A_2534 : vector<8x512xi1>, vector<8x512xi32>
    %slice3A_2611 = vector.extract_strided_slice %dot_general3A_61 {offsets = [48, 0], sizes = [8, 512], strides = [1, 1]} : vector<512x512xf32> to vector<8x512xf32>
    %mul3A_2612 = arith.constant 2048 : i32
    %mul3A_2613 = arith.muli %arg1, %mul3A_2612 : i32
    %add3A_2614 = arith.constant 1072 : i32
    %add3A_2615 = arith.addi %mul3A_2613, %add3A_2614 : i32
    %get3A_2616 = arith.index_cast %add3A_2615 : i32 to index
    %get3A_2617 = arith.constant 0 : index
    %get3A_2618 = vector.load %arg11[%get3A_2616, %get3A_2617] : memref<8192x1xf32, #tpu.memory_space<vmem>>, vector<8x1xf32>
    %add3A_2619 = vector.broadcast %get3A_2618 : vector<8x1xf32> to vector<8x512xf32>
    %add3A_2620 = arith.addf %get3A_13, %add3A_2619 : vector<8x512xf32>
    %sub3A_2621 = arith.subf %add3A_2620, %slice3A_2611 : vector<8x512xf32>
    %min3A_2622 = arith.minimumf %sub3A_2621, %min3A_2546 : vector<8x512xf32>
    %ne3A_2623 = arith.cmpf one, %min3A_2622, %min3A_2546 : vector<8x512xf32>
    %mul3A_2624 = arith.constant 256 : i32
    %mul3A_2625 = arith.muli %arg1, %mul3A_2624 : i32
    %add3A_2626 = arith.constant 134 : i32
    %add3A_2627 = arith.addi %mul3A_2625, %add3A_2626 : i32
    %broadcast_in_dim3A_2628 = vector.broadcast %add3A_2627 : i32 to vector<8x512xi32>
    %select_n3A_2629 = arith.select %ne3A_2623, %broadcast_in_dim3A_2628, %select_n3A_2553 : vector<8x512xi1>, vector<8x512xi32>
    %slice3A_2630 = vector.extract_strided_slice %dot_general3A_61 {offsets = [56, 0], sizes = [8, 512], strides = [1, 1]} : vector<512x512xf32> to vector<8x512xf32>
    %mul3A_2631 = arith.constant 2048 : i32
    %mul3A_2632 = arith.muli %arg1, %mul3A_2631 : i32
    %add3A_2633 = arith.constant 1080 : i32
    %add3A_2634 = arith.addi %mul3A_2632, %add3A_2633 : i32
    %get3A_2635 = arith.index_cast %add3A_2634 : i32 to index
    %get3A_2636 = arith.constant 0 : index
    %get3A_2637 = vector.load %arg11[%get3A_2635, %get3A_2636] : memref<8192x1xf32, #tpu.memory_space<vmem>>, vector<8x1xf32>
    %add3A_2638 = vector.broadcast %get3A_2637 : vector<8x1xf32> to vector<8x512xf32>
    %add3A_2639 = arith.addf %get3A_13, %add3A_2638 : vector<8x512xf32>
    %sub3A_2640 = arith.subf %add3A_2639, %slice3A_2630 : vector<8x512xf32>
    %min3A_2641 = arith.minimumf %sub3A_2640, %min3A_2565 : vector<8x512xf32>
    %ne3A_2642 = arith.cmpf one, %min3A_2641, %min3A_2565 : vector<8x512xf32>
    %mul3A_2643 = arith.constant 256 : i32
    %mul3A_2644 = arith.muli %arg1, %mul3A_2643 : i32
    %add3A_2645 = arith.constant 135 : i32
    %add3A_2646 = arith.addi %mul3A_2644, %add3A_2645 : i32
    %broadcast_in_dim3A_2647 = vector.broadcast %add3A_2646 : i32 to vector<8x512xi32>
    %select_n3A_2648 = arith.select %ne3A_2642, %broadcast_in_dim3A_2647, %select_n3A_2572 : vector<8x512xi1>, vector<8x512xi32>
    %slice3A_2649 = vector.extract_strided_slice %dot_general3A_61 {offsets = [64, 0], sizes = [8, 512], strides = [1, 1]} : vector<512x512xf32> to vector<8x512xf32>
    %mul3A_2650 = arith.constant 2048 : i32
    %mul3A_2651 = arith.muli %arg1, %mul3A_2650 : i32
    %add3A_2652 = arith.constant 1088 : i32
    %add3A_2653 = arith.addi %mul3A_2651, %add3A_2652 : i32
    %get3A_2654 = arith.index_cast %add3A_2653 : i32 to index
    %get3A_2655 = arith.constant 0 : index
    %get3A_2656 = vector.load %arg11[%get3A_2654, %get3A_2655] : memref<8192x1xf32, #tpu.memory_space<vmem>>, vector<8x1xf32>
    %add3A_2657 = vector.broadcast %get3A_2656 : vector<8x1xf32> to vector<8x512xf32>
    %add3A_2658 = arith.addf %get3A_13, %add3A_2657 : vector<8x512xf32>
    %sub3A_2659 = arith.subf %add3A_2658, %slice3A_2649 : vector<8x512xf32>
    %min3A_2660 = arith.minimumf %sub3A_2659, %min3A_2584 : vector<8x512xf32>
    %ne3A_2661 = arith.cmpf one, %min3A_2660, %min3A_2584 : vector<8x512xf32>
    %mul3A_2662 = arith.constant 256 : i32
    %mul3A_2663 = arith.muli %arg1, %mul3A_2662 : i32
    %add3A_2664 = arith.constant 136 : i32
    %add3A_2665 = arith.addi %mul3A_2663, %add3A_2664 : i32
    %broadcast_in_dim3A_2666 = vector.broadcast %add3A_2665 : i32 to vector<8x512xi32>
    %select_n3A_2667 = arith.select %ne3A_2661, %broadcast_in_dim3A_2666, %select_n3A_2591 : vector<8x512xi1>, vector<8x512xi32>
    %slice3A_2668 = vector.extract_strided_slice %dot_general3A_61 {offsets = [72, 0], sizes = [8, 512], strides = [1, 1]} : vector<512x512xf32> to vector<8x512xf32>
    %mul3A_2669 = arith.constant 2048 : i32
    %mul3A_2670 = arith.muli %arg1, %mul3A_2669 : i32
    %add3A_2671 = arith.constant 1096 : i32
    %add3A_2672 = arith.addi %mul3A_2670, %add3A_2671 : i32
    %get3A_2673 = arith.index_cast %add3A_2672 : i32 to index
    %get3A_2674 = arith.constant 0 : index
    %get3A_2675 = vector.load %arg11[%get3A_2673, %get3A_2674] : memref<8192x1xf32, #tpu.memory_space<vmem>>, vector<8x1xf32>
    %add3A_2676 = vector.broadcast %get3A_2675 : vector<8x1xf32> to vector<8x512xf32>
    %add3A_2677 = arith.addf %get3A_13, %add3A_2676 : vector<8x512xf32>
    %sub3A_2678 = arith.subf %add3A_2677, %slice3A_2668 : vector<8x512xf32>
    %min3A_2679 = arith.minimumf %sub3A_2678, %min3A_2603 : vector<8x512xf32>
    %ne3A_2680 = arith.cmpf one, %min3A_2679, %min3A_2603 : vector<8x512xf32>
    %mul3A_2681 = arith.constant 256 : i32
    %mul3A_2682 = arith.muli %arg1, %mul3A_2681 : i32
    %add3A_2683 = arith.constant 137 : i32
    %add3A_2684 = arith.addi %mul3A_2682, %add3A_2683 : i32
    %broadcast_in_dim3A_2685 = vector.broadcast %add3A_2684 : i32 to vector<8x512xi32>
    %select_n3A_2686 = arith.select %ne3A_2680, %broadcast_in_dim3A_2685, %select_n3A_2610 : vector<8x512xi1>, vector<8x512xi32>
    %slice3A_2687 = vector.extract_strided_slice %dot_general3A_61 {offsets = [80, 0], sizes = [8, 512], strides = [1, 1]} : vector<512x512xf32> to vector<8x512xf32>
    %mul3A_2688 = arith.constant 2048 : i32
    %mul3A_2689 = arith.muli %arg1, %mul3A_2688 : i32
    %add3A_2690 = arith.constant 1104 : i32
    %add3A_2691 = arith.addi %mul3A_2689, %add3A_2690 : i32
    %get3A_2692 = arith.index_cast %add3A_2691 : i32 to index
    %get3A_2693 = arith.constant 0 : index
    %get3A_2694 = vector.load %arg11[%get3A_2692, %get3A_2693] : memref<8192x1xf32, #tpu.memory_space<vmem>>, vector<8x1xf32>
    %add3A_2695 = vector.broadcast %get3A_2694 : vector<8x1xf32> to vector<8x512xf32>
    %add3A_2696 = arith.addf %get3A_13, %add3A_2695 : vector<8x512xf32>
    %sub3A_2697 = arith.subf %add3A_2696, %slice3A_2687 : vector<8x512xf32>
    %min3A_2698 = arith.minimumf %sub3A_2697, %min3A_2622 : vector<8x512xf32>
    %ne3A_2699 = arith.cmpf one, %min3A_2698, %min3A_2622 : vector<8x512xf32>
    %mul3A_2700 = arith.constant 256 : i32
    %mul3A_2701 = arith.muli %arg1, %mul3A_2700 : i32
    %add3A_2702 = arith.constant 138 : i32
    %add3A_2703 = arith.addi %mul3A_2701, %add3A_2702 : i32
    %broadcast_in_dim3A_2704 = vector.broadcast %add3A_2703 : i32 to vector<8x512xi32>
    %select_n3A_2705 = arith.select %ne3A_2699, %broadcast_in_dim3A_2704, %select_n3A_2629 : vector<8x512xi1>, vector<8x512xi32>
    %slice3A_2706 = vector.extract_strided_slice %dot_general3A_61 {offsets = [88, 0], sizes = [8, 512], strides = [1, 1]} : vector<512x512xf32> to vector<8x512xf32>
    %mul3A_2707 = arith.constant 2048 : i32
    %mul3A_2708 = arith.muli %arg1, %mul3A_2707 : i32
    %add3A_2709 = arith.constant 1112 : i32
    %add3A_2710 = arith.addi %mul3A_2708, %add3A_2709 : i32
    %get3A_2711 = arith.index_cast %add3A_2710 : i32 to index
    %get3A_2712 = arith.constant 0 : index
    %get3A_2713 = vector.load %arg11[%get3A_2711, %get3A_2712] : memref<8192x1xf32, #tpu.memory_space<vmem>>, vector<8x1xf32>
    %add3A_2714 = vector.broadcast %get3A_2713 : vector<8x1xf32> to vector<8x512xf32>
    %add3A_2715 = arith.addf %get3A_13, %add3A_2714 : vector<8x512xf32>
    %sub3A_2716 = arith.subf %add3A_2715, %slice3A_2706 : vector<8x512xf32>
    %min3A_2717 = arith.minimumf %sub3A_2716, %min3A_2641 : vector<8x512xf32>
    %ne3A_2718 = arith.cmpf one, %min3A_2717, %min3A_2641 : vector<8x512xf32>
    %mul3A_2719 = arith.constant 256 : i32
    %mul3A_2720 = arith.muli %arg1, %mul3A_2719 : i32
    %add3A_2721 = arith.constant 139 : i32
    %add3A_2722 = arith.addi %mul3A_2720, %add3A_2721 : i32
    %broadcast_in_dim3A_2723 = vector.broadcast %add3A_2722 : i32 to vector<8x512xi32>
    %select_n3A_2724 = arith.select %ne3A_2718, %broadcast_in_dim3A_2723, %select_n3A_2648 : vector<8x512xi1>, vector<8x512xi32>
    %slice3A_2725 = vector.extract_strided_slice %dot_general3A_61 {offsets = [96, 0], sizes = [8, 512], strides = [1, 1]} : vector<512x512xf32> to vector<8x512xf32>
    %mul3A_2726 = arith.constant 2048 : i32
    %mul3A_2727 = arith.muli %arg1, %mul3A_2726 : i32
    %add3A_2728 = arith.constant 1120 : i32
    %add3A_2729 = arith.addi %mul3A_2727, %add3A_2728 : i32
    %get3A_2730 = arith.index_cast %add3A_2729 : i32 to index
    %get3A_2731 = arith.constant 0 : index
    %get3A_2732 = vector.load %arg11[%get3A_2730, %get3A_2731] : memref<8192x1xf32, #tpu.memory_space<vmem>>, vector<8x1xf32>
    %add3A_2733 = vector.broadcast %get3A_2732 : vector<8x1xf32> to vector<8x512xf32>
    %add3A_2734 = arith.addf %get3A_13, %add3A_2733 : vector<8x512xf32>
    %sub3A_2735 = arith.subf %add3A_2734, %slice3A_2725 : vector<8x512xf32>
    %min3A_2736 = arith.minimumf %sub3A_2735, %min3A_2660 : vector<8x512xf32>
    %ne3A_2737 = arith.cmpf one, %min3A_2736, %min3A_2660 : vector<8x512xf32>
    %mul3A_2738 = arith.constant 256 : i32
    %mul3A_2739 = arith.muli %arg1, %mul3A_2738 : i32
    %add3A_2740 = arith.constant 140 : i32
    %add3A_2741 = arith.addi %mul3A_2739, %add3A_2740 : i32
    %broadcast_in_dim3A_2742 = vector.broadcast %add3A_2741 : i32 to vector<8x512xi32>
    %select_n3A_2743 = arith.select %ne3A_2737, %broadcast_in_dim3A_2742, %select_n3A_2667 : vector<8x512xi1>, vector<8x512xi32>
    %slice3A_2744 = vector.extract_strided_slice %dot_general3A_61 {offsets = [104, 0], sizes = [8, 512], strides = [1, 1]} : vector<512x512xf32> to vector<8x512xf32>
    %mul3A_2745 = arith.constant 2048 : i32
    %mul3A_2746 = arith.muli %arg1, %mul3A_2745 : i32
    %add3A_2747 = arith.constant 1128 : i32
    %add3A_2748 = arith.addi %mul3A_2746, %add3A_2747 : i32
    %get3A_2749 = arith.index_cast %add3A_2748 : i32 to index
    %get3A_2750 = arith.constant 0 : index
    %get3A_2751 = vector.load %arg11[%get3A_2749, %get3A_2750] : memref<8192x1xf32, #tpu.memory_space<vmem>>, vector<8x1xf32>
    %add3A_2752 = vector.broadcast %get3A_2751 : vector<8x1xf32> to vector<8x512xf32>
    %add3A_2753 = arith.addf %get3A_13, %add3A_2752 : vector<8x512xf32>
    %sub3A_2754 = arith.subf %add3A_2753, %slice3A_2744 : vector<8x512xf32>
    %min3A_2755 = arith.minimumf %sub3A_2754, %min3A_2679 : vector<8x512xf32>
    %ne3A_2756 = arith.cmpf one, %min3A_2755, %min3A_2679 : vector<8x512xf32>
    %mul3A_2757 = arith.constant 256 : i32
    %mul3A_2758 = arith.muli %arg1, %mul3A_2757 : i32
    %add3A_2759 = arith.constant 141 : i32
    %add3A_2760 = arith.addi %mul3A_2758, %add3A_2759 : i32
    %broadcast_in_dim3A_2761 = vector.broadcast %add3A_2760 : i32 to vector<8x512xi32>
    %select_n3A_2762 = arith.select %ne3A_2756, %broadcast_in_dim3A_2761, %select_n3A_2686 : vector<8x512xi1>, vector<8x512xi32>
    %slice3A_2763 = vector.extract_strided_slice %dot_general3A_61 {offsets = [112, 0], sizes = [8, 512], strides = [1, 1]} : vector<512x512xf32> to vector<8x512xf32>
    %mul3A_2764 = arith.constant 2048 : i32
    %mul3A_2765 = arith.muli %arg1, %mul3A_2764 : i32
    %add3A_2766 = arith.constant 1136 : i32
    %add3A_2767 = arith.addi %mul3A_2765, %add3A_2766 : i32
    %get3A_2768 = arith.index_cast %add3A_2767 : i32 to index
    %get3A_2769 = arith.constant 0 : index
    %get3A_2770 = vector.load %arg11[%get3A_2768, %get3A_2769] : memref<8192x1xf32, #tpu.memory_space<vmem>>, vector<8x1xf32>
    %add3A_2771 = vector.broadcast %get3A_2770 : vector<8x1xf32> to vector<8x512xf32>
    %add3A_2772 = arith.addf %get3A_13, %add3A_2771 : vector<8x512xf32>
    %sub3A_2773 = arith.subf %add3A_2772, %slice3A_2763 : vector<8x512xf32>
    %min3A_2774 = arith.minimumf %sub3A_2773, %min3A_2698 : vector<8x512xf32>
    %ne3A_2775 = arith.cmpf one, %min3A_2774, %min3A_2698 : vector<8x512xf32>
    %mul3A_2776 = arith.constant 256 : i32
    %mul3A_2777 = arith.muli %arg1, %mul3A_2776 : i32
    %add3A_2778 = arith.constant 142 : i32
    %add3A_2779 = arith.addi %mul3A_2777, %add3A_2778 : i32
    %broadcast_in_dim3A_2780 = vector.broadcast %add3A_2779 : i32 to vector<8x512xi32>
    %select_n3A_2781 = arith.select %ne3A_2775, %broadcast_in_dim3A_2780, %select_n3A_2705 : vector<8x512xi1>, vector<8x512xi32>
    %slice3A_2782 = vector.extract_strided_slice %dot_general3A_61 {offsets = [120, 0], sizes = [8, 512], strides = [1, 1]} : vector<512x512xf32> to vector<8x512xf32>
    %mul3A_2783 = arith.constant 2048 : i32
    %mul3A_2784 = arith.muli %arg1, %mul3A_2783 : i32
    %add3A_2785 = arith.constant 1144 : i32
    %add3A_2786 = arith.addi %mul3A_2784, %add3A_2785 : i32
    %get3A_2787 = arith.index_cast %add3A_2786 : i32 to index
    %get3A_2788 = arith.constant 0 : index
    %get3A_2789 = vector.load %arg11[%get3A_2787, %get3A_2788] : memref<8192x1xf32, #tpu.memory_space<vmem>>, vector<8x1xf32>
    %add3A_2790 = vector.broadcast %get3A_2789 : vector<8x1xf32> to vector<8x512xf32>
    %add3A_2791 = arith.addf %get3A_13, %add3A_2790 : vector<8x512xf32>
    %sub3A_2792 = arith.subf %add3A_2791, %slice3A_2782 : vector<8x512xf32>
    %min3A_2793 = arith.minimumf %sub3A_2792, %min3A_2717 : vector<8x512xf32>
    %ne3A_2794 = arith.cmpf one, %min3A_2793, %min3A_2717 : vector<8x512xf32>
    %mul3A_2795 = arith.constant 256 : i32
    %mul3A_2796 = arith.muli %arg1, %mul3A_2795 : i32
    %add3A_2797 = arith.constant 143 : i32
    %add3A_2798 = arith.addi %mul3A_2796, %add3A_2797 : i32
    %broadcast_in_dim3A_2799 = vector.broadcast %add3A_2798 : i32 to vector<8x512xi32>
    %select_n3A_2800 = arith.select %ne3A_2794, %broadcast_in_dim3A_2799, %select_n3A_2724 : vector<8x512xi1>, vector<8x512xi32>
    %slice3A_2801 = vector.extract_strided_slice %dot_general3A_61 {offsets = [128, 0], sizes = [8, 512], strides = [1, 1]} : vector<512x512xf32> to vector<8x512xf32>
    %mul3A_2802 = arith.constant 2048 : i32
    %mul3A_2803 = arith.muli %arg1, %mul3A_2802 : i32
    %add3A_2804 = arith.constant 1152 : i32
    %add3A_2805 = arith.addi %mul3A_2803, %add3A_2804 : i32
    %get3A_2806 = arith.index_cast %add3A_2805 : i32 to index
    %get3A_2807 = arith.constant 0 : index
    %get3A_2808 = vector.load %arg11[%get3A_2806, %get3A_2807] : memref<8192x1xf32, #tpu.memory_space<vmem>>, vector<8x1xf32>
    %add3A_2809 = vector.broadcast %get3A_2808 : vector<8x1xf32> to vector<8x512xf32>
    %add3A_2810 = arith.addf %get3A_13, %add3A_2809 : vector<8x512xf32>
    %sub3A_2811 = arith.subf %add3A_2810, %slice3A_2801 : vector<8x512xf32>
    %min3A_2812 = arith.minimumf %sub3A_2811, %min3A_2736 : vector<8x512xf32>
    %ne3A_2813 = arith.cmpf one, %min3A_2812, %min3A_2736 : vector<8x512xf32>
    %mul3A_2814 = arith.constant 256 : i32
    %mul3A_2815 = arith.muli %arg1, %mul3A_2814 : i32
    %add3A_2816 = arith.constant 144 : i32
    %add3A_2817 = arith.addi %mul3A_2815, %add3A_2816 : i32
    %broadcast_in_dim3A_2818 = vector.broadcast %add3A_2817 : i32 to vector<8x512xi32>
    %select_n3A_2819 = arith.select %ne3A_2813, %broadcast_in_dim3A_2818, %select_n3A_2743 : vector<8x512xi1>, vector<8x512xi32>
    %slice3A_2820 = vector.extract_strided_slice %dot_general3A_61 {offsets = [136, 0], sizes = [8, 512], strides = [1, 1]} : vector<512x512xf32> to vector<8x512xf32>
    %mul3A_2821 = arith.constant 2048 : i32
    %mul3A_2822 = arith.muli %arg1, %mul3A_2821 : i32
    %add3A_2823 = arith.constant 1160 : i32
    %add3A_2824 = arith.addi %mul3A_2822, %add3A_2823 : i32
    %get3A_2825 = arith.index_cast %add3A_2824 : i32 to index
    %get3A_2826 = arith.constant 0 : index
    %get3A_2827 = vector.load %arg11[%get3A_2825, %get3A_2826] : memref<8192x1xf32, #tpu.memory_space<vmem>>, vector<8x1xf32>
    %add3A_2828 = vector.broadcast %get3A_2827 : vector<8x1xf32> to vector<8x512xf32>
    %add3A_2829 = arith.addf %get3A_13, %add3A_2828 : vector<8x512xf32>
    %sub3A_2830 = arith.subf %add3A_2829, %slice3A_2820 : vector<8x512xf32>
    %min3A_2831 = arith.minimumf %sub3A_2830, %min3A_2755 : vector<8x512xf32>
    %ne3A_2832 = arith.cmpf one, %min3A_2831, %min3A_2755 : vector<8x512xf32>
    %mul3A_2833 = arith.constant 256 : i32
    %mul3A_2834 = arith.muli %arg1, %mul3A_2833 : i32
    %add3A_2835 = arith.constant 145 : i32
    %add3A_2836 = arith.addi %mul3A_2834, %add3A_2835 : i32
    %broadcast_in_dim3A_2837 = vector.broadcast %add3A_2836 : i32 to vector<8x512xi32>
    %select_n3A_2838 = arith.select %ne3A_2832, %broadcast_in_dim3A_2837, %select_n3A_2762 : vector<8x512xi1>, vector<8x512xi32>
    %slice3A_2839 = vector.extract_strided_slice %dot_general3A_61 {offsets = [144, 0], sizes = [8, 512], strides = [1, 1]} : vector<512x512xf32> to vector<8x512xf32>
    %mul3A_2840 = arith.constant 2048 : i32
    %mul3A_2841 = arith.muli %arg1, %mul3A_2840 : i32
    %add3A_2842 = arith.constant 1168 : i32
    %add3A_2843 = arith.addi %mul3A_2841, %add3A_2842 : i32
    %get3A_2844 = arith.index_cast %add3A_2843 : i32 to index
    %get3A_2845 = arith.constant 0 : index
    %get3A_2846 = vector.load %arg11[%get3A_2844, %get3A_2845] : memref<8192x1xf32, #tpu.memory_space<vmem>>, vector<8x1xf32>
    %add3A_2847 = vector.broadcast %get3A_2846 : vector<8x1xf32> to vector<8x512xf32>
    %add3A_2848 = arith.addf %get3A_13, %add3A_2847 : vector<8x512xf32>
    %sub3A_2849 = arith.subf %add3A_2848, %slice3A_2839 : vector<8x512xf32>
    %min3A_2850 = arith.minimumf %sub3A_2849, %min3A_2774 : vector<8x512xf32>
    %ne3A_2851 = arith.cmpf one, %min3A_2850, %min3A_2774 : vector<8x512xf32>
    %mul3A_2852 = arith.constant 256 : i32
    %mul3A_2853 = arith.muli %arg1, %mul3A_2852 : i32
    %add3A_2854 = arith.constant 146 : i32
    %add3A_2855 = arith.addi %mul3A_2853, %add3A_2854 : i32
    %broadcast_in_dim3A_2856 = vector.broadcast %add3A_2855 : i32 to vector<8x512xi32>
    %select_n3A_2857 = arith.select %ne3A_2851, %broadcast_in_dim3A_2856, %select_n3A_2781 : vector<8x512xi1>, vector<8x512xi32>
    %slice3A_2858 = vector.extract_strided_slice %dot_general3A_61 {offsets = [152, 0], sizes = [8, 512], strides = [1, 1]} : vector<512x512xf32> to vector<8x512xf32>
    %mul3A_2859 = arith.constant 2048 : i32
    %mul3A_2860 = arith.muli %arg1, %mul3A_2859 : i32
    %add3A_2861 = arith.constant 1176 : i32
    %add3A_2862 = arith.addi %mul3A_2860, %add3A_2861 : i32
    %get3A_2863 = arith.index_cast %add3A_2862 : i32 to index
    %get3A_2864 = arith.constant 0 : index
    %get3A_2865 = vector.load %arg11[%get3A_2863, %get3A_2864] : memref<8192x1xf32, #tpu.memory_space<vmem>>, vector<8x1xf32>
    %add3A_2866 = vector.broadcast %get3A_2865 : vector<8x1xf32> to vector<8x512xf32>
    %add3A_2867 = arith.addf %get3A_13, %add3A_2866 : vector<8x512xf32>
    %sub3A_2868 = arith.subf %add3A_2867, %slice3A_2858 : vector<8x512xf32>
    %min3A_2869 = arith.minimumf %sub3A_2868, %min3A_2793 : vector<8x512xf32>
    %ne3A_2870 = arith.cmpf one, %min3A_2869, %min3A_2793 : vector<8x512xf32>
    %mul3A_2871 = arith.constant 256 : i32
    %mul3A_2872 = arith.muli %arg1, %mul3A_2871 : i32
    %add3A_2873 = arith.constant 147 : i32
    %add3A_2874 = arith.addi %mul3A_2872, %add3A_2873 : i32
    %broadcast_in_dim3A_2875 = vector.broadcast %add3A_2874 : i32 to vector<8x512xi32>
    %select_n3A_2876 = arith.select %ne3A_2870, %broadcast_in_dim3A_2875, %select_n3A_2800 : vector<8x512xi1>, vector<8x512xi32>
    %slice3A_2877 = vector.extract_strided_slice %dot_general3A_61 {offsets = [160, 0], sizes = [8, 512], strides = [1, 1]} : vector<512x512xf32> to vector<8x512xf32>
    %mul3A_2878 = arith.constant 2048 : i32
    %mul3A_2879 = arith.muli %arg1, %mul3A_2878 : i32
    %add3A_2880 = arith.constant 1184 : i32
    %add3A_2881 = arith.addi %mul3A_2879, %add3A_2880 : i32
    %get3A_2882 = arith.index_cast %add3A_2881 : i32 to index
    %get3A_2883 = arith.constant 0 : index
    %get3A_2884 = vector.load %arg11[%get3A_2882, %get3A_2883] : memref<8192x1xf32, #tpu.memory_space<vmem>>, vector<8x1xf32>
    %add3A_2885 = vector.broadcast %get3A_2884 : vector<8x1xf32> to vector<8x512xf32>
    %add3A_2886 = arith.addf %get3A_13, %add3A_2885 : vector<8x512xf32>
    %sub3A_2887 = arith.subf %add3A_2886, %slice3A_2877 : vector<8x512xf32>
    %min3A_2888 = arith.minimumf %sub3A_2887, %min3A_2812 : vector<8x512xf32>
    %ne3A_2889 = arith.cmpf one, %min3A_2888, %min3A_2812 : vector<8x512xf32>
    %mul3A_2890 = arith.constant 256 : i32
    %mul3A_2891 = arith.muli %arg1, %mul3A_2890 : i32
    %add3A_2892 = arith.constant 148 : i32
    %add3A_2893 = arith.addi %mul3A_2891, %add3A_2892 : i32
    %broadcast_in_dim3A_2894 = vector.broadcast %add3A_2893 : i32 to vector<8x512xi32>
    %select_n3A_2895 = arith.select %ne3A_2889, %broadcast_in_dim3A_2894, %select_n3A_2819 : vector<8x512xi1>, vector<8x512xi32>
    %slice3A_2896 = vector.extract_strided_slice %dot_general3A_61 {offsets = [168, 0], sizes = [8, 512], strides = [1, 1]} : vector<512x512xf32> to vector<8x512xf32>
    %mul3A_2897 = arith.constant 2048 : i32
    %mul3A_2898 = arith.muli %arg1, %mul3A_2897 : i32
    %add3A_2899 = arith.constant 1192 : i32
    %add3A_2900 = arith.addi %mul3A_2898, %add3A_2899 : i32
    %get3A_2901 = arith.index_cast %add3A_2900 : i32 to index
    %get3A_2902 = arith.constant 0 : index
    %get3A_2903 = vector.load %arg11[%get3A_2901, %get3A_2902] : memref<8192x1xf32, #tpu.memory_space<vmem>>, vector<8x1xf32>
    %add3A_2904 = vector.broadcast %get3A_2903 : vector<8x1xf32> to vector<8x512xf32>
    %add3A_2905 = arith.addf %get3A_13, %add3A_2904 : vector<8x512xf32>
    %sub3A_2906 = arith.subf %add3A_2905, %slice3A_2896 : vector<8x512xf32>
    %min3A_2907 = arith.minimumf %sub3A_2906, %min3A_2831 : vector<8x512xf32>
    %ne3A_2908 = arith.cmpf one, %min3A_2907, %min3A_2831 : vector<8x512xf32>
    %mul3A_2909 = arith.constant 256 : i32
    %mul3A_2910 = arith.muli %arg1, %mul3A_2909 : i32
    %add3A_2911 = arith.constant 149 : i32
    %add3A_2912 = arith.addi %mul3A_2910, %add3A_2911 : i32
    %broadcast_in_dim3A_2913 = vector.broadcast %add3A_2912 : i32 to vector<8x512xi32>
    %select_n3A_2914 = arith.select %ne3A_2908, %broadcast_in_dim3A_2913, %select_n3A_2838 : vector<8x512xi1>, vector<8x512xi32>
    %slice3A_2915 = vector.extract_strided_slice %dot_general3A_61 {offsets = [176, 0], sizes = [8, 512], strides = [1, 1]} : vector<512x512xf32> to vector<8x512xf32>
    %mul3A_2916 = arith.constant 2048 : i32
    %mul3A_2917 = arith.muli %arg1, %mul3A_2916 : i32
    %add3A_2918 = arith.constant 1200 : i32
    %add3A_2919 = arith.addi %mul3A_2917, %add3A_2918 : i32
    %get3A_2920 = arith.index_cast %add3A_2919 : i32 to index
    %get3A_2921 = arith.constant 0 : index
    %get3A_2922 = vector.load %arg11[%get3A_2920, %get3A_2921] : memref<8192x1xf32, #tpu.memory_space<vmem>>, vector<8x1xf32>
    %add3A_2923 = vector.broadcast %get3A_2922 : vector<8x1xf32> to vector<8x512xf32>
    %add3A_2924 = arith.addf %get3A_13, %add3A_2923 : vector<8x512xf32>
    %sub3A_2925 = arith.subf %add3A_2924, %slice3A_2915 : vector<8x512xf32>
    %min3A_2926 = arith.minimumf %sub3A_2925, %min3A_2850 : vector<8x512xf32>
    %ne3A_2927 = arith.cmpf one, %min3A_2926, %min3A_2850 : vector<8x512xf32>
    %mul3A_2928 = arith.constant 256 : i32
    %mul3A_2929 = arith.muli %arg1, %mul3A_2928 : i32
    %add3A_2930 = arith.constant 150 : i32
    %add3A_2931 = arith.addi %mul3A_2929, %add3A_2930 : i32
    %broadcast_in_dim3A_2932 = vector.broadcast %add3A_2931 : i32 to vector<8x512xi32>
    %select_n3A_2933 = arith.select %ne3A_2927, %broadcast_in_dim3A_2932, %select_n3A_2857 : vector<8x512xi1>, vector<8x512xi32>
    %slice3A_2934 = vector.extract_strided_slice %dot_general3A_61 {offsets = [184, 0], sizes = [8, 512], strides = [1, 1]} : vector<512x512xf32> to vector<8x512xf32>
    %mul3A_2935 = arith.constant 2048 : i32
    %mul3A_2936 = arith.muli %arg1, %mul3A_2935 : i32
    %add3A_2937 = arith.constant 1208 : i32
    %add3A_2938 = arith.addi %mul3A_2936, %add3A_2937 : i32
    %get3A_2939 = arith.index_cast %add3A_2938 : i32 to index
    %get3A_2940 = arith.constant 0 : index
    %get3A_2941 = vector.load %arg11[%get3A_2939, %get3A_2940] : memref<8192x1xf32, #tpu.memory_space<vmem>>, vector<8x1xf32>
    %add3A_2942 = vector.broadcast %get3A_2941 : vector<8x1xf32> to vector<8x512xf32>
    %add3A_2943 = arith.addf %get3A_13, %add3A_2942 : vector<8x512xf32>
    %sub3A_2944 = arith.subf %add3A_2943, %slice3A_2934 : vector<8x512xf32>
    %min3A_2945 = arith.minimumf %sub3A_2944, %min3A_2869 : vector<8x512xf32>
    %ne3A_2946 = arith.cmpf one, %min3A_2945, %min3A_2869 : vector<8x512xf32>
    %mul3A_2947 = arith.constant 256 : i32
    %mul3A_2948 = arith.muli %arg1, %mul3A_2947 : i32
    %add3A_2949 = arith.constant 151 : i32
    %add3A_2950 = arith.addi %mul3A_2948, %add3A_2949 : i32
    %broadcast_in_dim3A_2951 = vector.broadcast %add3A_2950 : i32 to vector<8x512xi32>
    %select_n3A_2952 = arith.select %ne3A_2946, %broadcast_in_dim3A_2951, %select_n3A_2876 : vector<8x512xi1>, vector<8x512xi32>
    %slice3A_2953 = vector.extract_strided_slice %dot_general3A_61 {offsets = [192, 0], sizes = [8, 512], strides = [1, 1]} : vector<512x512xf32> to vector<8x512xf32>
    %mul3A_2954 = arith.constant 2048 : i32
    %mul3A_2955 = arith.muli %arg1, %mul3A_2954 : i32
    %add3A_2956 = arith.constant 1216 : i32
    %add3A_2957 = arith.addi %mul3A_2955, %add3A_2956 : i32
    %get3A_2958 = arith.index_cast %add3A_2957 : i32 to index
    %get3A_2959 = arith.constant 0 : index
    %get3A_2960 = vector.load %arg11[%get3A_2958, %get3A_2959] : memref<8192x1xf32, #tpu.memory_space<vmem>>, vector<8x1xf32>
    %add3A_2961 = vector.broadcast %get3A_2960 : vector<8x1xf32> to vector<8x512xf32>
    %add3A_2962 = arith.addf %get3A_13, %add3A_2961 : vector<8x512xf32>
    %sub3A_2963 = arith.subf %add3A_2962, %slice3A_2953 : vector<8x512xf32>
    %min3A_2964 = arith.minimumf %sub3A_2963, %min3A_2888 : vector<8x512xf32>
    %ne3A_2965 = arith.cmpf one, %min3A_2964, %min3A_2888 : vector<8x512xf32>
    %mul3A_2966 = arith.constant 256 : i32
    %mul3A_2967 = arith.muli %arg1, %mul3A_2966 : i32
    %add3A_2968 = arith.constant 152 : i32
    %add3A_2969 = arith.addi %mul3A_2967, %add3A_2968 : i32
    %broadcast_in_dim3A_2970 = vector.broadcast %add3A_2969 : i32 to vector<8x512xi32>
    %select_n3A_2971 = arith.select %ne3A_2965, %broadcast_in_dim3A_2970, %select_n3A_2895 : vector<8x512xi1>, vector<8x512xi32>
    %slice3A_2972 = vector.extract_strided_slice %dot_general3A_61 {offsets = [200, 0], sizes = [8, 512], strides = [1, 1]} : vector<512x512xf32> to vector<8x512xf32>
    %mul3A_2973 = arith.constant 2048 : i32
    %mul3A_2974 = arith.muli %arg1, %mul3A_2973 : i32
    %add3A_2975 = arith.constant 1224 : i32
    %add3A_2976 = arith.addi %mul3A_2974, %add3A_2975 : i32
    %get3A_2977 = arith.index_cast %add3A_2976 : i32 to index
    %get3A_2978 = arith.constant 0 : index
    %get3A_2979 = vector.load %arg11[%get3A_2977, %get3A_2978] : memref<8192x1xf32, #tpu.memory_space<vmem>>, vector<8x1xf32>
    %add3A_2980 = vector.broadcast %get3A_2979 : vector<8x1xf32> to vector<8x512xf32>
    %add3A_2981 = arith.addf %get3A_13, %add3A_2980 : vector<8x512xf32>
    %sub3A_2982 = arith.subf %add3A_2981, %slice3A_2972 : vector<8x512xf32>
    %min3A_2983 = arith.minimumf %sub3A_2982, %min3A_2907 : vector<8x512xf32>
    %ne3A_2984 = arith.cmpf one, %min3A_2983, %min3A_2907 : vector<8x512xf32>
    %mul3A_2985 = arith.constant 256 : i32
    %mul3A_2986 = arith.muli %arg1, %mul3A_2985 : i32
    %add3A_2987 = arith.constant 153 : i32
    %add3A_2988 = arith.addi %mul3A_2986, %add3A_2987 : i32
    %broadcast_in_dim3A_2989 = vector.broadcast %add3A_2988 : i32 to vector<8x512xi32>
    %select_n3A_2990 = arith.select %ne3A_2984, %broadcast_in_dim3A_2989, %select_n3A_2914 : vector<8x512xi1>, vector<8x512xi32>
    %slice3A_2991 = vector.extract_strided_slice %dot_general3A_61 {offsets = [208, 0], sizes = [8, 512], strides = [1, 1]} : vector<512x512xf32> to vector<8x512xf32>
    %mul3A_2992 = arith.constant 2048 : i32
    %mul3A_2993 = arith.muli %arg1, %mul3A_2992 : i32
    %add3A_2994 = arith.constant 1232 : i32
    %add3A_2995 = arith.addi %mul3A_2993, %add3A_2994 : i32
    %get3A_2996 = arith.index_cast %add3A_2995 : i32 to index
    %get3A_2997 = arith.constant 0 : index
    %get3A_2998 = vector.load %arg11[%get3A_2996, %get3A_2997] : memref<8192x1xf32, #tpu.memory_space<vmem>>, vector<8x1xf32>
    %add3A_2999 = vector.broadcast %get3A_2998 : vector<8x1xf32> to vector<8x512xf32>
    %add3A_3000 = arith.addf %get3A_13, %add3A_2999 : vector<8x512xf32>
    %sub3A_3001 = arith.subf %add3A_3000, %slice3A_2991 : vector<8x512xf32>
    %min3A_3002 = arith.minimumf %sub3A_3001, %min3A_2926 : vector<8x512xf32>
    %ne3A_3003 = arith.cmpf one, %min3A_3002, %min3A_2926 : vector<8x512xf32>
    %mul3A_3004 = arith.constant 256 : i32
    %mul3A_3005 = arith.muli %arg1, %mul3A_3004 : i32
    %add3A_3006 = arith.constant 154 : i32
    %add3A_3007 = arith.addi %mul3A_3005, %add3A_3006 : i32
    %broadcast_in_dim3A_3008 = vector.broadcast %add3A_3007 : i32 to vector<8x512xi32>
    %select_n3A_3009 = arith.select %ne3A_3003, %broadcast_in_dim3A_3008, %select_n3A_2933 : vector<8x512xi1>, vector<8x512xi32>
    %slice3A_3010 = vector.extract_strided_slice %dot_general3A_61 {offsets = [216, 0], sizes = [8, 512], strides = [1, 1]} : vector<512x512xf32> to vector<8x512xf32>
    %mul3A_3011 = arith.constant 2048 : i32
    %mul3A_3012 = arith.muli %arg1, %mul3A_3011 : i32
    %add3A_3013 = arith.constant 1240 : i32
    %add3A_3014 = arith.addi %mul3A_3012, %add3A_3013 : i32
    %get3A_3015 = arith.index_cast %add3A_3014 : i32 to index
    %get3A_3016 = arith.constant 0 : index
    %get3A_3017 = vector.load %arg11[%get3A_3015, %get3A_3016] : memref<8192x1xf32, #tpu.memory_space<vmem>>, vector<8x1xf32>
    %add3A_3018 = vector.broadcast %get3A_3017 : vector<8x1xf32> to vector<8x512xf32>
    %add3A_3019 = arith.addf %get3A_13, %add3A_3018 : vector<8x512xf32>
    %sub3A_3020 = arith.subf %add3A_3019, %slice3A_3010 : vector<8x512xf32>
    %min3A_3021 = arith.minimumf %sub3A_3020, %min3A_2945 : vector<8x512xf32>
    %ne3A_3022 = arith.cmpf one, %min3A_3021, %min3A_2945 : vector<8x512xf32>
    %mul3A_3023 = arith.constant 256 : i32
    %mul3A_3024 = arith.muli %arg1, %mul3A_3023 : i32
    %add3A_3025 = arith.constant 155 : i32
    %add3A_3026 = arith.addi %mul3A_3024, %add3A_3025 : i32
    %broadcast_in_dim3A_3027 = vector.broadcast %add3A_3026 : i32 to vector<8x512xi32>
    %select_n3A_3028 = arith.select %ne3A_3022, %broadcast_in_dim3A_3027, %select_n3A_2952 : vector<8x512xi1>, vector<8x512xi32>
    %slice3A_3029 = vector.extract_strided_slice %dot_general3A_61 {offsets = [224, 0], sizes = [8, 512], strides = [1, 1]} : vector<512x512xf32> to vector<8x512xf32>
    %mul3A_3030 = arith.constant 2048 : i32
    %mul3A_3031 = arith.muli %arg1, %mul3A_3030 : i32
    %add3A_3032 = arith.constant 1248 : i32
    %add3A_3033 = arith.addi %mul3A_3031, %add3A_3032 : i32
    %get3A_3034 = arith.index_cast %add3A_3033 : i32 to index
    %get3A_3035 = arith.constant 0 : index
    %get3A_3036 = vector.load %arg11[%get3A_3034, %get3A_3035] : memref<8192x1xf32, #tpu.memory_space<vmem>>, vector<8x1xf32>
    %add3A_3037 = vector.broadcast %get3A_3036 : vector<8x1xf32> to vector<8x512xf32>
    %add3A_3038 = arith.addf %get3A_13, %add3A_3037 : vector<8x512xf32>
    %sub3A_3039 = arith.subf %add3A_3038, %slice3A_3029 : vector<8x512xf32>
    %min3A_3040 = arith.minimumf %sub3A_3039, %min3A_2964 : vector<8x512xf32>
    %ne3A_3041 = arith.cmpf one, %min3A_3040, %min3A_2964 : vector<8x512xf32>
    %mul3A_3042 = arith.constant 256 : i32
    %mul3A_3043 = arith.muli %arg1, %mul3A_3042 : i32
    %add3A_3044 = arith.constant 156 : i32
    %add3A_3045 = arith.addi %mul3A_3043, %add3A_3044 : i32
    %broadcast_in_dim3A_3046 = vector.broadcast %add3A_3045 : i32 to vector<8x512xi32>
    %select_n3A_3047 = arith.select %ne3A_3041, %broadcast_in_dim3A_3046, %select_n3A_2971 : vector<8x512xi1>, vector<8x512xi32>
    %slice3A_3048 = vector.extract_strided_slice %dot_general3A_61 {offsets = [232, 0], sizes = [8, 512], strides = [1, 1]} : vector<512x512xf32> to vector<8x512xf32>
    %mul3A_3049 = arith.constant 2048 : i32
    %mul3A_3050 = arith.muli %arg1, %mul3A_3049 : i32
    %add3A_3051 = arith.constant 1256 : i32
    %add3A_3052 = arith.addi %mul3A_3050, %add3A_3051 : i32
    %get3A_3053 = arith.index_cast %add3A_3052 : i32 to index
    %get3A_3054 = arith.constant 0 : index
    %get3A_3055 = vector.load %arg11[%get3A_3053, %get3A_3054] : memref<8192x1xf32, #tpu.memory_space<vmem>>, vector<8x1xf32>
    %add3A_3056 = vector.broadcast %get3A_3055 : vector<8x1xf32> to vector<8x512xf32>
    %add3A_3057 = arith.addf %get3A_13, %add3A_3056 : vector<8x512xf32>
    %sub3A_3058 = arith.subf %add3A_3057, %slice3A_3048 : vector<8x512xf32>
    %min3A_3059 = arith.minimumf %sub3A_3058, %min3A_2983 : vector<8x512xf32>
    %ne3A_3060 = arith.cmpf one, %min3A_3059, %min3A_2983 : vector<8x512xf32>
    %mul3A_3061 = arith.constant 256 : i32
    %mul3A_3062 = arith.muli %arg1, %mul3A_3061 : i32
    %add3A_3063 = arith.constant 157 : i32
    %add3A_3064 = arith.addi %mul3A_3062, %add3A_3063 : i32
    %broadcast_in_dim3A_3065 = vector.broadcast %add3A_3064 : i32 to vector<8x512xi32>
    %select_n3A_3066 = arith.select %ne3A_3060, %broadcast_in_dim3A_3065, %select_n3A_2990 : vector<8x512xi1>, vector<8x512xi32>
    %slice3A_3067 = vector.extract_strided_slice %dot_general3A_61 {offsets = [240, 0], sizes = [8, 512], strides = [1, 1]} : vector<512x512xf32> to vector<8x512xf32>
    %mul3A_3068 = arith.constant 2048 : i32
    %mul3A_3069 = arith.muli %arg1, %mul3A_3068 : i32
    %add3A_3070 = arith.constant 1264 : i32
    %add3A_3071 = arith.addi %mul3A_3069, %add3A_3070 : i32
    %get3A_3072 = arith.index_cast %add3A_3071 : i32 to index
    %get3A_3073 = arith.constant 0 : index
    %get3A_3074 = vector.load %arg11[%get3A_3072, %get3A_3073] : memref<8192x1xf32, #tpu.memory_space<vmem>>, vector<8x1xf32>
    %add3A_3075 = vector.broadcast %get3A_3074 : vector<8x1xf32> to vector<8x512xf32>
    %add3A_3076 = arith.addf %get3A_13, %add3A_3075 : vector<8x512xf32>
    %sub3A_3077 = arith.subf %add3A_3076, %slice3A_3067 : vector<8x512xf32>
    %min3A_3078 = arith.minimumf %sub3A_3077, %min3A_3002 : vector<8x512xf32>
    %ne3A_3079 = arith.cmpf one, %min3A_3078, %min3A_3002 : vector<8x512xf32>
    %mul3A_3080 = arith.constant 256 : i32
    %mul3A_3081 = arith.muli %arg1, %mul3A_3080 : i32
    %add3A_3082 = arith.constant 158 : i32
    %add3A_3083 = arith.addi %mul3A_3081, %add3A_3082 : i32
    %broadcast_in_dim3A_3084 = vector.broadcast %add3A_3083 : i32 to vector<8x512xi32>
    %select_n3A_3085 = arith.select %ne3A_3079, %broadcast_in_dim3A_3084, %select_n3A_3009 : vector<8x512xi1>, vector<8x512xi32>
    %slice3A_3086 = vector.extract_strided_slice %dot_general3A_61 {offsets = [248, 0], sizes = [8, 512], strides = [1, 1]} : vector<512x512xf32> to vector<8x512xf32>
    %mul3A_3087 = arith.constant 2048 : i32
    %mul3A_3088 = arith.muli %arg1, %mul3A_3087 : i32
    %add3A_3089 = arith.constant 1272 : i32
    %add3A_3090 = arith.addi %mul3A_3088, %add3A_3089 : i32
    %get3A_3091 = arith.index_cast %add3A_3090 : i32 to index
    %get3A_3092 = arith.constant 0 : index
    %get3A_3093 = vector.load %arg11[%get3A_3091, %get3A_3092] : memref<8192x1xf32, #tpu.memory_space<vmem>>, vector<8x1xf32>
    %add3A_3094 = vector.broadcast %get3A_3093 : vector<8x1xf32> to vector<8x512xf32>
    %add3A_3095 = arith.addf %get3A_13, %add3A_3094 : vector<8x512xf32>
    %sub3A_3096 = arith.subf %add3A_3095, %slice3A_3086 : vector<8x512xf32>
    %min3A_3097 = arith.minimumf %sub3A_3096, %min3A_3021 : vector<8x512xf32>
    %ne3A_3098 = arith.cmpf one, %min3A_3097, %min3A_3021 : vector<8x512xf32>
    %mul3A_3099 = arith.constant 256 : i32
    %mul3A_3100 = arith.muli %arg1, %mul3A_3099 : i32
    %add3A_3101 = arith.constant 159 : i32
    %add3A_3102 = arith.addi %mul3A_3100, %add3A_3101 : i32
    %broadcast_in_dim3A_3103 = vector.broadcast %add3A_3102 : i32 to vector<8x512xi32>
    %select_n3A_3104 = arith.select %ne3A_3098, %broadcast_in_dim3A_3103, %select_n3A_3028 : vector<8x512xi1>, vector<8x512xi32>
    %slice3A_3105 = vector.extract_strided_slice %dot_general3A_61 {offsets = [256, 0], sizes = [8, 512], strides = [1, 1]} : vector<512x512xf32> to vector<8x512xf32>
    %mul3A_3106 = arith.constant 2048 : i32
    %mul3A_3107 = arith.muli %arg1, %mul3A_3106 : i32
    %add3A_3108 = arith.constant 1280 : i32
    %add3A_3109 = arith.addi %mul3A_3107, %add3A_3108 : i32
    %get3A_3110 = arith.index_cast %add3A_3109 : i32 to index
    %get3A_3111 = arith.constant 0 : index
    %get3A_3112 = vector.load %arg11[%get3A_3110, %get3A_3111] : memref<8192x1xf32, #tpu.memory_space<vmem>>, vector<8x1xf32>
    %add3A_3113 = vector.broadcast %get3A_3112 : vector<8x1xf32> to vector<8x512xf32>
    %add3A_3114 = arith.addf %get3A_13, %add3A_3113 : vector<8x512xf32>
    %sub3A_3115 = arith.subf %add3A_3114, %slice3A_3105 : vector<8x512xf32>
    %min3A_3116 = arith.minimumf %sub3A_3115, %min3A_3040 : vector<8x512xf32>
    %ne3A_3117 = arith.cmpf one, %min3A_3116, %min3A_3040 : vector<8x512xf32>
    %mul3A_3118 = arith.constant 256 : i32
    %mul3A_3119 = arith.muli %arg1, %mul3A_3118 : i32
    %add3A_3120 = arith.constant 160 : i32
    %add3A_3121 = arith.addi %mul3A_3119, %add3A_3120 : i32
    %broadcast_in_dim3A_3122 = vector.broadcast %add3A_3121 : i32 to vector<8x512xi32>
    %select_n3A_3123 = arith.select %ne3A_3117, %broadcast_in_dim3A_3122, %select_n3A_3047 : vector<8x512xi1>, vector<8x512xi32>
    %slice3A_3124 = vector.extract_strided_slice %dot_general3A_61 {offsets = [264, 0], sizes = [8, 512], strides = [1, 1]} : vector<512x512xf32> to vector<8x512xf32>
    %mul3A_3125 = arith.constant 2048 : i32
    %mul3A_3126 = arith.muli %arg1, %mul3A_3125 : i32
    %add3A_3127 = arith.constant 1288 : i32
    %add3A_3128 = arith.addi %mul3A_3126, %add3A_3127 : i32
    %get3A_3129 = arith.index_cast %add3A_3128 : i32 to index
    %get3A_3130 = arith.constant 0 : index
    %get3A_3131 = vector.load %arg11[%get3A_3129, %get3A_3130] : memref<8192x1xf32, #tpu.memory_space<vmem>>, vector<8x1xf32>
    %add3A_3132 = vector.broadcast %get3A_3131 : vector<8x1xf32> to vector<8x512xf32>
    %add3A_3133 = arith.addf %get3A_13, %add3A_3132 : vector<8x512xf32>
    %sub3A_3134 = arith.subf %add3A_3133, %slice3A_3124 : vector<8x512xf32>
    %min3A_3135 = arith.minimumf %sub3A_3134, %min3A_3059 : vector<8x512xf32>
    %ne3A_3136 = arith.cmpf one, %min3A_3135, %min3A_3059 : vector<8x512xf32>
    %mul3A_3137 = arith.constant 256 : i32
    %mul3A_3138 = arith.muli %arg1, %mul3A_3137 : i32
    %add3A_3139 = arith.constant 161 : i32
    %add3A_3140 = arith.addi %mul3A_3138, %add3A_3139 : i32
    %broadcast_in_dim3A_3141 = vector.broadcast %add3A_3140 : i32 to vector<8x512xi32>
    %select_n3A_3142 = arith.select %ne3A_3136, %broadcast_in_dim3A_3141, %select_n3A_3066 : vector<8x512xi1>, vector<8x512xi32>
    %slice3A_3143 = vector.extract_strided_slice %dot_general3A_61 {offsets = [272, 0], sizes = [8, 512], strides = [1, 1]} : vector<512x512xf32> to vector<8x512xf32>
    %mul3A_3144 = arith.constant 2048 : i32
    %mul3A_3145 = arith.muli %arg1, %mul3A_3144 : i32
    %add3A_3146 = arith.constant 1296 : i32
    %add3A_3147 = arith.addi %mul3A_3145, %add3A_3146 : i32
    %get3A_3148 = arith.index_cast %add3A_3147 : i32 to index
    %get3A_3149 = arith.constant 0 : index
    %get3A_3150 = vector.load %arg11[%get3A_3148, %get3A_3149] : memref<8192x1xf32, #tpu.memory_space<vmem>>, vector<8x1xf32>
    %add3A_3151 = vector.broadcast %get3A_3150 : vector<8x1xf32> to vector<8x512xf32>
    %add3A_3152 = arith.addf %get3A_13, %add3A_3151 : vector<8x512xf32>
    %sub3A_3153 = arith.subf %add3A_3152, %slice3A_3143 : vector<8x512xf32>
    %min3A_3154 = arith.minimumf %sub3A_3153, %min3A_3078 : vector<8x512xf32>
    %ne3A_3155 = arith.cmpf one, %min3A_3154, %min3A_3078 : vector<8x512xf32>
    %mul3A_3156 = arith.constant 256 : i32
    %mul3A_3157 = arith.muli %arg1, %mul3A_3156 : i32
    %add3A_3158 = arith.constant 162 : i32
    %add3A_3159 = arith.addi %mul3A_3157, %add3A_3158 : i32
    %broadcast_in_dim3A_3160 = vector.broadcast %add3A_3159 : i32 to vector<8x512xi32>
    %select_n3A_3161 = arith.select %ne3A_3155, %broadcast_in_dim3A_3160, %select_n3A_3085 : vector<8x512xi1>, vector<8x512xi32>
    %slice3A_3162 = vector.extract_strided_slice %dot_general3A_61 {offsets = [280, 0], sizes = [8, 512], strides = [1, 1]} : vector<512x512xf32> to vector<8x512xf32>
    %mul3A_3163 = arith.constant 2048 : i32
    %mul3A_3164 = arith.muli %arg1, %mul3A_3163 : i32
    %add3A_3165 = arith.constant 1304 : i32
    %add3A_3166 = arith.addi %mul3A_3164, %add3A_3165 : i32
    %get3A_3167 = arith.index_cast %add3A_3166 : i32 to index
    %get3A_3168 = arith.constant 0 : index
    %get3A_3169 = vector.load %arg11[%get3A_3167, %get3A_3168] : memref<8192x1xf32, #tpu.memory_space<vmem>>, vector<8x1xf32>
    %add3A_3170 = vector.broadcast %get3A_3169 : vector<8x1xf32> to vector<8x512xf32>
    %add3A_3171 = arith.addf %get3A_13, %add3A_3170 : vector<8x512xf32>
    %sub3A_3172 = arith.subf %add3A_3171, %slice3A_3162 : vector<8x512xf32>
    %min3A_3173 = arith.minimumf %sub3A_3172, %min3A_3097 : vector<8x512xf32>
    %ne3A_3174 = arith.cmpf one, %min3A_3173, %min3A_3097 : vector<8x512xf32>
    %mul3A_3175 = arith.constant 256 : i32
    %mul3A_3176 = arith.muli %arg1, %mul3A_3175 : i32
    %add3A_3177 = arith.constant 163 : i32
    %add3A_3178 = arith.addi %mul3A_3176, %add3A_3177 : i32
    %broadcast_in_dim3A_3179 = vector.broadcast %add3A_3178 : i32 to vector<8x512xi32>
    %select_n3A_3180 = arith.select %ne3A_3174, %broadcast_in_dim3A_3179, %select_n3A_3104 : vector<8x512xi1>, vector<8x512xi32>
    %slice3A_3181 = vector.extract_strided_slice %dot_general3A_61 {offsets = [288, 0], sizes = [8, 512], strides = [1, 1]} : vector<512x512xf32> to vector<8x512xf32>
    %mul3A_3182 = arith.constant 2048 : i32
    %mul3A_3183 = arith.muli %arg1, %mul3A_3182 : i32
    %add3A_3184 = arith.constant 1312 : i32
    %add3A_3185 = arith.addi %mul3A_3183, %add3A_3184 : i32
    %get3A_3186 = arith.index_cast %add3A_3185 : i32 to index
    %get3A_3187 = arith.constant 0 : index
    %get3A_3188 = vector.load %arg11[%get3A_3186, %get3A_3187] : memref<8192x1xf32, #tpu.memory_space<vmem>>, vector<8x1xf32>
    %add3A_3189 = vector.broadcast %get3A_3188 : vector<8x1xf32> to vector<8x512xf32>
    %add3A_3190 = arith.addf %get3A_13, %add3A_3189 : vector<8x512xf32>
    %sub3A_3191 = arith.subf %add3A_3190, %slice3A_3181 : vector<8x512xf32>
    %min3A_3192 = arith.minimumf %sub3A_3191, %min3A_3116 : vector<8x512xf32>
    %ne3A_3193 = arith.cmpf one, %min3A_3192, %min3A_3116 : vector<8x512xf32>
    %mul3A_3194 = arith.constant 256 : i32
    %mul3A_3195 = arith.muli %arg1, %mul3A_3194 : i32
    %add3A_3196 = arith.constant 164 : i32
    %add3A_3197 = arith.addi %mul3A_3195, %add3A_3196 : i32
    %broadcast_in_dim3A_3198 = vector.broadcast %add3A_3197 : i32 to vector<8x512xi32>
    %select_n3A_3199 = arith.select %ne3A_3193, %broadcast_in_dim3A_3198, %select_n3A_3123 : vector<8x512xi1>, vector<8x512xi32>
    %slice3A_3200 = vector.extract_strided_slice %dot_general3A_61 {offsets = [296, 0], sizes = [8, 512], strides = [1, 1]} : vector<512x512xf32> to vector<8x512xf32>
    %mul3A_3201 = arith.constant 2048 : i32
    %mul3A_3202 = arith.muli %arg1, %mul3A_3201 : i32
    %add3A_3203 = arith.constant 1320 : i32
    %add3A_3204 = arith.addi %mul3A_3202, %add3A_3203 : i32
    %get3A_3205 = arith.index_cast %add3A_3204 : i32 to index
    %get3A_3206 = arith.constant 0 : index
    %get3A_3207 = vector.load %arg11[%get3A_3205, %get3A_3206] : memref<8192x1xf32, #tpu.memory_space<vmem>>, vector<8x1xf32>
    %add3A_3208 = vector.broadcast %get3A_3207 : vector<8x1xf32> to vector<8x512xf32>
    %add3A_3209 = arith.addf %get3A_13, %add3A_3208 : vector<8x512xf32>
    %sub3A_3210 = arith.subf %add3A_3209, %slice3A_3200 : vector<8x512xf32>
    %min3A_3211 = arith.minimumf %sub3A_3210, %min3A_3135 : vector<8x512xf32>
    %ne3A_3212 = arith.cmpf one, %min3A_3211, %min3A_3135 : vector<8x512xf32>
    %mul3A_3213 = arith.constant 256 : i32
    %mul3A_3214 = arith.muli %arg1, %mul3A_3213 : i32
    %add3A_3215 = arith.constant 165 : i32
    %add3A_3216 = arith.addi %mul3A_3214, %add3A_3215 : i32
    %broadcast_in_dim3A_3217 = vector.broadcast %add3A_3216 : i32 to vector<8x512xi32>
    %select_n3A_3218 = arith.select %ne3A_3212, %broadcast_in_dim3A_3217, %select_n3A_3142 : vector<8x512xi1>, vector<8x512xi32>
    %slice3A_3219 = vector.extract_strided_slice %dot_general3A_61 {offsets = [304, 0], sizes = [8, 512], strides = [1, 1]} : vector<512x512xf32> to vector<8x512xf32>
    %mul3A_3220 = arith.constant 2048 : i32
    %mul3A_3221 = arith.muli %arg1, %mul3A_3220 : i32
    %add3A_3222 = arith.constant 1328 : i32
    %add3A_3223 = arith.addi %mul3A_3221, %add3A_3222 : i32
    %get3A_3224 = arith.index_cast %add3A_3223 : i32 to index
    %get3A_3225 = arith.constant 0 : index
    %get3A_3226 = vector.load %arg11[%get3A_3224, %get3A_3225] : memref<8192x1xf32, #tpu.memory_space<vmem>>, vector<8x1xf32>
    %add3A_3227 = vector.broadcast %get3A_3226 : vector<8x1xf32> to vector<8x512xf32>
    %add3A_3228 = arith.addf %get3A_13, %add3A_3227 : vector<8x512xf32>
    %sub3A_3229 = arith.subf %add3A_3228, %slice3A_3219 : vector<8x512xf32>
    %min3A_3230 = arith.minimumf %sub3A_3229, %min3A_3154 : vector<8x512xf32>
    %ne3A_3231 = arith.cmpf one, %min3A_3230, %min3A_3154 : vector<8x512xf32>
    %mul3A_3232 = arith.constant 256 : i32
    %mul3A_3233 = arith.muli %arg1, %mul3A_3232 : i32
    %add3A_3234 = arith.constant 166 : i32
    %add3A_3235 = arith.addi %mul3A_3233, %add3A_3234 : i32
    %broadcast_in_dim3A_3236 = vector.broadcast %add3A_3235 : i32 to vector<8x512xi32>
    %select_n3A_3237 = arith.select %ne3A_3231, %broadcast_in_dim3A_3236, %select_n3A_3161 : vector<8x512xi1>, vector<8x512xi32>
    %slice3A_3238 = vector.extract_strided_slice %dot_general3A_61 {offsets = [312, 0], sizes = [8, 512], strides = [1, 1]} : vector<512x512xf32> to vector<8x512xf32>
    %mul3A_3239 = arith.constant 2048 : i32
    %mul3A_3240 = arith.muli %arg1, %mul3A_3239 : i32
    %add3A_3241 = arith.constant 1336 : i32
    %add3A_3242 = arith.addi %mul3A_3240, %add3A_3241 : i32
    %get3A_3243 = arith.index_cast %add3A_3242 : i32 to index
    %get3A_3244 = arith.constant 0 : index
    %get3A_3245 = vector.load %arg11[%get3A_3243, %get3A_3244] : memref<8192x1xf32, #tpu.memory_space<vmem>>, vector<8x1xf32>
    %add3A_3246 = vector.broadcast %get3A_3245 : vector<8x1xf32> to vector<8x512xf32>
    %add3A_3247 = arith.addf %get3A_13, %add3A_3246 : vector<8x512xf32>
    %sub3A_3248 = arith.subf %add3A_3247, %slice3A_3238 : vector<8x512xf32>
    %min3A_3249 = arith.minimumf %sub3A_3248, %min3A_3173 : vector<8x512xf32>
    %ne3A_3250 = arith.cmpf one, %min3A_3249, %min3A_3173 : vector<8x512xf32>
    %mul3A_3251 = arith.constant 256 : i32
    %mul3A_3252 = arith.muli %arg1, %mul3A_3251 : i32
    %add3A_3253 = arith.constant 167 : i32
    %add3A_3254 = arith.addi %mul3A_3252, %add3A_3253 : i32
    %broadcast_in_dim3A_3255 = vector.broadcast %add3A_3254 : i32 to vector<8x512xi32>
    %select_n3A_3256 = arith.select %ne3A_3250, %broadcast_in_dim3A_3255, %select_n3A_3180 : vector<8x512xi1>, vector<8x512xi32>
    %slice3A_3257 = vector.extract_strided_slice %dot_general3A_61 {offsets = [320, 0], sizes = [8, 512], strides = [1, 1]} : vector<512x512xf32> to vector<8x512xf32>
    %mul3A_3258 = arith.constant 2048 : i32
    %mul3A_3259 = arith.muli %arg1, %mul3A_3258 : i32
    %add3A_3260 = arith.constant 1344 : i32
    %add3A_3261 = arith.addi %mul3A_3259, %add3A_3260 : i32
    %get3A_3262 = arith.index_cast %add3A_3261 : i32 to index
    %get3A_3263 = arith.constant 0 : index
    %get3A_3264 = vector.load %arg11[%get3A_3262, %get3A_3263] : memref<8192x1xf32, #tpu.memory_space<vmem>>, vector<8x1xf32>
    %add3A_3265 = vector.broadcast %get3A_3264 : vector<8x1xf32> to vector<8x512xf32>
    %add3A_3266 = arith.addf %get3A_13, %add3A_3265 : vector<8x512xf32>
    %sub3A_3267 = arith.subf %add3A_3266, %slice3A_3257 : vector<8x512xf32>
    %min3A_3268 = arith.minimumf %sub3A_3267, %min3A_3192 : vector<8x512xf32>
    %ne3A_3269 = arith.cmpf one, %min3A_3268, %min3A_3192 : vector<8x512xf32>
    %mul3A_3270 = arith.constant 256 : i32
    %mul3A_3271 = arith.muli %arg1, %mul3A_3270 : i32
    %add3A_3272 = arith.constant 168 : i32
    %add3A_3273 = arith.addi %mul3A_3271, %add3A_3272 : i32
    %broadcast_in_dim3A_3274 = vector.broadcast %add3A_3273 : i32 to vector<8x512xi32>
    %select_n3A_3275 = arith.select %ne3A_3269, %broadcast_in_dim3A_3274, %select_n3A_3199 : vector<8x512xi1>, vector<8x512xi32>
    %slice3A_3276 = vector.extract_strided_slice %dot_general3A_61 {offsets = [328, 0], sizes = [8, 512], strides = [1, 1]} : vector<512x512xf32> to vector<8x512xf32>
    %mul3A_3277 = arith.constant 2048 : i32
    %mul3A_3278 = arith.muli %arg1, %mul3A_3277 : i32
    %add3A_3279 = arith.constant 1352 : i32
    %add3A_3280 = arith.addi %mul3A_3278, %add3A_3279 : i32
    %get3A_3281 = arith.index_cast %add3A_3280 : i32 to index
    %get3A_3282 = arith.constant 0 : index
    %get3A_3283 = vector.load %arg11[%get3A_3281, %get3A_3282] : memref<8192x1xf32, #tpu.memory_space<vmem>>, vector<8x1xf32>
    %add3A_3284 = vector.broadcast %get3A_3283 : vector<8x1xf32> to vector<8x512xf32>
    %add3A_3285 = arith.addf %get3A_13, %add3A_3284 : vector<8x512xf32>
    %sub3A_3286 = arith.subf %add3A_3285, %slice3A_3276 : vector<8x512xf32>
    %min3A_3287 = arith.minimumf %sub3A_3286, %min3A_3211 : vector<8x512xf32>
    %ne3A_3288 = arith.cmpf one, %min3A_3287, %min3A_3211 : vector<8x512xf32>
    %mul3A_3289 = arith.constant 256 : i32
    %mul3A_3290 = arith.muli %arg1, %mul3A_3289 : i32
    %add3A_3291 = arith.constant 169 : i32
    %add3A_3292 = arith.addi %mul3A_3290, %add3A_3291 : i32
    %broadcast_in_dim3A_3293 = vector.broadcast %add3A_3292 : i32 to vector<8x512xi32>
    %select_n3A_3294 = arith.select %ne3A_3288, %broadcast_in_dim3A_3293, %select_n3A_3218 : vector<8x512xi1>, vector<8x512xi32>
    %slice3A_3295 = vector.extract_strided_slice %dot_general3A_61 {offsets = [336, 0], sizes = [8, 512], strides = [1, 1]} : vector<512x512xf32> to vector<8x512xf32>
    %mul3A_3296 = arith.constant 2048 : i32
    %mul3A_3297 = arith.muli %arg1, %mul3A_3296 : i32
    %add3A_3298 = arith.constant 1360 : i32
    %add3A_3299 = arith.addi %mul3A_3297, %add3A_3298 : i32
    %get3A_3300 = arith.index_cast %add3A_3299 : i32 to index
    %get3A_3301 = arith.constant 0 : index
    %get3A_3302 = vector.load %arg11[%get3A_3300, %get3A_3301] : memref<8192x1xf32, #tpu.memory_space<vmem>>, vector<8x1xf32>
    %add3A_3303 = vector.broadcast %get3A_3302 : vector<8x1xf32> to vector<8x512xf32>
    %add3A_3304 = arith.addf %get3A_13, %add3A_3303 : vector<8x512xf32>
    %sub3A_3305 = arith.subf %add3A_3304, %slice3A_3295 : vector<8x512xf32>
    %min3A_3306 = arith.minimumf %sub3A_3305, %min3A_3230 : vector<8x512xf32>
    %ne3A_3307 = arith.cmpf one, %min3A_3306, %min3A_3230 : vector<8x512xf32>
    %mul3A_3308 = arith.constant 256 : i32
    %mul3A_3309 = arith.muli %arg1, %mul3A_3308 : i32
    %add3A_3310 = arith.constant 170 : i32
    %add3A_3311 = arith.addi %mul3A_3309, %add3A_3310 : i32
    %broadcast_in_dim3A_3312 = vector.broadcast %add3A_3311 : i32 to vector<8x512xi32>
    %select_n3A_3313 = arith.select %ne3A_3307, %broadcast_in_dim3A_3312, %select_n3A_3237 : vector<8x512xi1>, vector<8x512xi32>
    %slice3A_3314 = vector.extract_strided_slice %dot_general3A_61 {offsets = [344, 0], sizes = [8, 512], strides = [1, 1]} : vector<512x512xf32> to vector<8x512xf32>
    %mul3A_3315 = arith.constant 2048 : i32
    %mul3A_3316 = arith.muli %arg1, %mul3A_3315 : i32
    %add3A_3317 = arith.constant 1368 : i32
    %add3A_3318 = arith.addi %mul3A_3316, %add3A_3317 : i32
    %get3A_3319 = arith.index_cast %add3A_3318 : i32 to index
    %get3A_3320 = arith.constant 0 : index
    %get3A_3321 = vector.load %arg11[%get3A_3319, %get3A_3320] : memref<8192x1xf32, #tpu.memory_space<vmem>>, vector<8x1xf32>
    %add3A_3322 = vector.broadcast %get3A_3321 : vector<8x1xf32> to vector<8x512xf32>
    %add3A_3323 = arith.addf %get3A_13, %add3A_3322 : vector<8x512xf32>
    %sub3A_3324 = arith.subf %add3A_3323, %slice3A_3314 : vector<8x512xf32>
    %min3A_3325 = arith.minimumf %sub3A_3324, %min3A_3249 : vector<8x512xf32>
    %ne3A_3326 = arith.cmpf one, %min3A_3325, %min3A_3249 : vector<8x512xf32>
    %mul3A_3327 = arith.constant 256 : i32
    %mul3A_3328 = arith.muli %arg1, %mul3A_3327 : i32
    %add3A_3329 = arith.constant 171 : i32
    %add3A_3330 = arith.addi %mul3A_3328, %add3A_3329 : i32
    %broadcast_in_dim3A_3331 = vector.broadcast %add3A_3330 : i32 to vector<8x512xi32>
    %select_n3A_3332 = arith.select %ne3A_3326, %broadcast_in_dim3A_3331, %select_n3A_3256 : vector<8x512xi1>, vector<8x512xi32>
    %slice3A_3333 = vector.extract_strided_slice %dot_general3A_61 {offsets = [352, 0], sizes = [8, 512], strides = [1, 1]} : vector<512x512xf32> to vector<8x512xf32>
    %mul3A_3334 = arith.constant 2048 : i32
    %mul3A_3335 = arith.muli %arg1, %mul3A_3334 : i32
    %add3A_3336 = arith.constant 1376 : i32
    %add3A_3337 = arith.addi %mul3A_3335, %add3A_3336 : i32
    %get3A_3338 = arith.index_cast %add3A_3337 : i32 to index
    %get3A_3339 = arith.constant 0 : index
    %get3A_3340 = vector.load %arg11[%get3A_3338, %get3A_3339] : memref<8192x1xf32, #tpu.memory_space<vmem>>, vector<8x1xf32>
    %add3A_3341 = vector.broadcast %get3A_3340 : vector<8x1xf32> to vector<8x512xf32>
    %add3A_3342 = arith.addf %get3A_13, %add3A_3341 : vector<8x512xf32>
    %sub3A_3343 = arith.subf %add3A_3342, %slice3A_3333 : vector<8x512xf32>
    %min3A_3344 = arith.minimumf %sub3A_3343, %min3A_3268 : vector<8x512xf32>
    %ne3A_3345 = arith.cmpf one, %min3A_3344, %min3A_3268 : vector<8x512xf32>
    %mul3A_3346 = arith.constant 256 : i32
    %mul3A_3347 = arith.muli %arg1, %mul3A_3346 : i32
    %add3A_3348 = arith.constant 172 : i32
    %add3A_3349 = arith.addi %mul3A_3347, %add3A_3348 : i32
    %broadcast_in_dim3A_3350 = vector.broadcast %add3A_3349 : i32 to vector<8x512xi32>
    %select_n3A_3351 = arith.select %ne3A_3345, %broadcast_in_dim3A_3350, %select_n3A_3275 : vector<8x512xi1>, vector<8x512xi32>
    %slice3A_3352 = vector.extract_strided_slice %dot_general3A_61 {offsets = [360, 0], sizes = [8, 512], strides = [1, 1]} : vector<512x512xf32> to vector<8x512xf32>
    %mul3A_3353 = arith.constant 2048 : i32
    %mul3A_3354 = arith.muli %arg1, %mul3A_3353 : i32
    %add3A_3355 = arith.constant 1384 : i32
    %add3A_3356 = arith.addi %mul3A_3354, %add3A_3355 : i32
    %get3A_3357 = arith.index_cast %add3A_3356 : i32 to index
    %get3A_3358 = arith.constant 0 : index
    %get3A_3359 = vector.load %arg11[%get3A_3357, %get3A_3358] : memref<8192x1xf32, #tpu.memory_space<vmem>>, vector<8x1xf32>
    %add3A_3360 = vector.broadcast %get3A_3359 : vector<8x1xf32> to vector<8x512xf32>
    %add3A_3361 = arith.addf %get3A_13, %add3A_3360 : vector<8x512xf32>
    %sub3A_3362 = arith.subf %add3A_3361, %slice3A_3352 : vector<8x512xf32>
    %min3A_3363 = arith.minimumf %sub3A_3362, %min3A_3287 : vector<8x512xf32>
    %ne3A_3364 = arith.cmpf one, %min3A_3363, %min3A_3287 : vector<8x512xf32>
    %mul3A_3365 = arith.constant 256 : i32
    %mul3A_3366 = arith.muli %arg1, %mul3A_3365 : i32
    %add3A_3367 = arith.constant 173 : i32
    %add3A_3368 = arith.addi %mul3A_3366, %add3A_3367 : i32
    %broadcast_in_dim3A_3369 = vector.broadcast %add3A_3368 : i32 to vector<8x512xi32>
    %select_n3A_3370 = arith.select %ne3A_3364, %broadcast_in_dim3A_3369, %select_n3A_3294 : vector<8x512xi1>, vector<8x512xi32>
    %slice3A_3371 = vector.extract_strided_slice %dot_general3A_61 {offsets = [368, 0], sizes = [8, 512], strides = [1, 1]} : vector<512x512xf32> to vector<8x512xf32>
    %mul3A_3372 = arith.constant 2048 : i32
    %mul3A_3373 = arith.muli %arg1, %mul3A_3372 : i32
    %add3A_3374 = arith.constant 1392 : i32
    %add3A_3375 = arith.addi %mul3A_3373, %add3A_3374 : i32
    %get3A_3376 = arith.index_cast %add3A_3375 : i32 to index
    %get3A_3377 = arith.constant 0 : index
    %get3A_3378 = vector.load %arg11[%get3A_3376, %get3A_3377] : memref<8192x1xf32, #tpu.memory_space<vmem>>, vector<8x1xf32>
    %add3A_3379 = vector.broadcast %get3A_3378 : vector<8x1xf32> to vector<8x512xf32>
    %add3A_3380 = arith.addf %get3A_13, %add3A_3379 : vector<8x512xf32>
    %sub3A_3381 = arith.subf %add3A_3380, %slice3A_3371 : vector<8x512xf32>
    %min3A_3382 = arith.minimumf %sub3A_3381, %min3A_3306 : vector<8x512xf32>
    %ne3A_3383 = arith.cmpf one, %min3A_3382, %min3A_3306 : vector<8x512xf32>
    %mul3A_3384 = arith.constant 256 : i32
    %mul3A_3385 = arith.muli %arg1, %mul3A_3384 : i32
    %add3A_3386 = arith.constant 174 : i32
    %add3A_3387 = arith.addi %mul3A_3385, %add3A_3386 : i32
    %broadcast_in_dim3A_3388 = vector.broadcast %add3A_3387 : i32 to vector<8x512xi32>
    %select_n3A_3389 = arith.select %ne3A_3383, %broadcast_in_dim3A_3388, %select_n3A_3313 : vector<8x512xi1>, vector<8x512xi32>
    %slice3A_3390 = vector.extract_strided_slice %dot_general3A_61 {offsets = [376, 0], sizes = [8, 512], strides = [1, 1]} : vector<512x512xf32> to vector<8x512xf32>
    %mul3A_3391 = arith.constant 2048 : i32
    %mul3A_3392 = arith.muli %arg1, %mul3A_3391 : i32
    %add3A_3393 = arith.constant 1400 : i32
    %add3A_3394 = arith.addi %mul3A_3392, %add3A_3393 : i32
    %get3A_3395 = arith.index_cast %add3A_3394 : i32 to index
    %get3A_3396 = arith.constant 0 : index
    %get3A_3397 = vector.load %arg11[%get3A_3395, %get3A_3396] : memref<8192x1xf32, #tpu.memory_space<vmem>>, vector<8x1xf32>
    %add3A_3398 = vector.broadcast %get3A_3397 : vector<8x1xf32> to vector<8x512xf32>
    %add3A_3399 = arith.addf %get3A_13, %add3A_3398 : vector<8x512xf32>
    %sub3A_3400 = arith.subf %add3A_3399, %slice3A_3390 : vector<8x512xf32>
    %min3A_3401 = arith.minimumf %sub3A_3400, %min3A_3325 : vector<8x512xf32>
    %ne3A_3402 = arith.cmpf one, %min3A_3401, %min3A_3325 : vector<8x512xf32>
    %mul3A_3403 = arith.constant 256 : i32
    %mul3A_3404 = arith.muli %arg1, %mul3A_3403 : i32
    %add3A_3405 = arith.constant 175 : i32
    %add3A_3406 = arith.addi %mul3A_3404, %add3A_3405 : i32
    %broadcast_in_dim3A_3407 = vector.broadcast %add3A_3406 : i32 to vector<8x512xi32>
    %select_n3A_3408 = arith.select %ne3A_3402, %broadcast_in_dim3A_3407, %select_n3A_3332 : vector<8x512xi1>, vector<8x512xi32>
    %slice3A_3409 = vector.extract_strided_slice %dot_general3A_61 {offsets = [384, 0], sizes = [8, 512], strides = [1, 1]} : vector<512x512xf32> to vector<8x512xf32>
    %mul3A_3410 = arith.constant 2048 : i32
    %mul3A_3411 = arith.muli %arg1, %mul3A_3410 : i32
    %add3A_3412 = arith.constant 1408 : i32
    %add3A_3413 = arith.addi %mul3A_3411, %add3A_3412 : i32
    %get3A_3414 = arith.index_cast %add3A_3413 : i32 to index
    %get3A_3415 = arith.constant 0 : index
    %get3A_3416 = vector.load %arg11[%get3A_3414, %get3A_3415] : memref<8192x1xf32, #tpu.memory_space<vmem>>, vector<8x1xf32>
    %add3A_3417 = vector.broadcast %get3A_3416 : vector<8x1xf32> to vector<8x512xf32>
    %add3A_3418 = arith.addf %get3A_13, %add3A_3417 : vector<8x512xf32>
    %sub3A_3419 = arith.subf %add3A_3418, %slice3A_3409 : vector<8x512xf32>
    %min3A_3420 = arith.minimumf %sub3A_3419, %min3A_3344 : vector<8x512xf32>
    %ne3A_3421 = arith.cmpf one, %min3A_3420, %min3A_3344 : vector<8x512xf32>
    %mul3A_3422 = arith.constant 256 : i32
    %mul3A_3423 = arith.muli %arg1, %mul3A_3422 : i32
    %add3A_3424 = arith.constant 176 : i32
    %add3A_3425 = arith.addi %mul3A_3423, %add3A_3424 : i32
    %broadcast_in_dim3A_3426 = vector.broadcast %add3A_3425 : i32 to vector<8x512xi32>
    %select_n3A_3427 = arith.select %ne3A_3421, %broadcast_in_dim3A_3426, %select_n3A_3351 : vector<8x512xi1>, vector<8x512xi32>
    %slice3A_3428 = vector.extract_strided_slice %dot_general3A_61 {offsets = [392, 0], sizes = [8, 512], strides = [1, 1]} : vector<512x512xf32> to vector<8x512xf32>
    %mul3A_3429 = arith.constant 2048 : i32
    %mul3A_3430 = arith.muli %arg1, %mul3A_3429 : i32
    %add3A_3431 = arith.constant 1416 : i32
    %add3A_3432 = arith.addi %mul3A_3430, %add3A_3431 : i32
    %get3A_3433 = arith.index_cast %add3A_3432 : i32 to index
    %get3A_3434 = arith.constant 0 : index
    %get3A_3435 = vector.load %arg11[%get3A_3433, %get3A_3434] : memref<8192x1xf32, #tpu.memory_space<vmem>>, vector<8x1xf32>
    %add3A_3436 = vector.broadcast %get3A_3435 : vector<8x1xf32> to vector<8x512xf32>
    %add3A_3437 = arith.addf %get3A_13, %add3A_3436 : vector<8x512xf32>
    %sub3A_3438 = arith.subf %add3A_3437, %slice3A_3428 : vector<8x512xf32>
    %min3A_3439 = arith.minimumf %sub3A_3438, %min3A_3363 : vector<8x512xf32>
    %ne3A_3440 = arith.cmpf one, %min3A_3439, %min3A_3363 : vector<8x512xf32>
    %mul3A_3441 = arith.constant 256 : i32
    %mul3A_3442 = arith.muli %arg1, %mul3A_3441 : i32
    %add3A_3443 = arith.constant 177 : i32
    %add3A_3444 = arith.addi %mul3A_3442, %add3A_3443 : i32
    %broadcast_in_dim3A_3445 = vector.broadcast %add3A_3444 : i32 to vector<8x512xi32>
    %select_n3A_3446 = arith.select %ne3A_3440, %broadcast_in_dim3A_3445, %select_n3A_3370 : vector<8x512xi1>, vector<8x512xi32>
    %slice3A_3447 = vector.extract_strided_slice %dot_general3A_61 {offsets = [400, 0], sizes = [8, 512], strides = [1, 1]} : vector<512x512xf32> to vector<8x512xf32>
    %mul3A_3448 = arith.constant 2048 : i32
    %mul3A_3449 = arith.muli %arg1, %mul3A_3448 : i32
    %add3A_3450 = arith.constant 1424 : i32
    %add3A_3451 = arith.addi %mul3A_3449, %add3A_3450 : i32
    %get3A_3452 = arith.index_cast %add3A_3451 : i32 to index
    %get3A_3453 = arith.constant 0 : index
    %get3A_3454 = vector.load %arg11[%get3A_3452, %get3A_3453] : memref<8192x1xf32, #tpu.memory_space<vmem>>, vector<8x1xf32>
    %add3A_3455 = vector.broadcast %get3A_3454 : vector<8x1xf32> to vector<8x512xf32>
    %add3A_3456 = arith.addf %get3A_13, %add3A_3455 : vector<8x512xf32>
    %sub3A_3457 = arith.subf %add3A_3456, %slice3A_3447 : vector<8x512xf32>
    %min3A_3458 = arith.minimumf %sub3A_3457, %min3A_3382 : vector<8x512xf32>
    %ne3A_3459 = arith.cmpf one, %min3A_3458, %min3A_3382 : vector<8x512xf32>
    %mul3A_3460 = arith.constant 256 : i32
    %mul3A_3461 = arith.muli %arg1, %mul3A_3460 : i32
    %add3A_3462 = arith.constant 178 : i32
    %add3A_3463 = arith.addi %mul3A_3461, %add3A_3462 : i32
    %broadcast_in_dim3A_3464 = vector.broadcast %add3A_3463 : i32 to vector<8x512xi32>
    %select_n3A_3465 = arith.select %ne3A_3459, %broadcast_in_dim3A_3464, %select_n3A_3389 : vector<8x512xi1>, vector<8x512xi32>
    %slice3A_3466 = vector.extract_strided_slice %dot_general3A_61 {offsets = [408, 0], sizes = [8, 512], strides = [1, 1]} : vector<512x512xf32> to vector<8x512xf32>
    %mul3A_3467 = arith.constant 2048 : i32
    %mul3A_3468 = arith.muli %arg1, %mul3A_3467 : i32
    %add3A_3469 = arith.constant 1432 : i32
    %add3A_3470 = arith.addi %mul3A_3468, %add3A_3469 : i32
    %get3A_3471 = arith.index_cast %add3A_3470 : i32 to index
    %get3A_3472 = arith.constant 0 : index
    %get3A_3473 = vector.load %arg11[%get3A_3471, %get3A_3472] : memref<8192x1xf32, #tpu.memory_space<vmem>>, vector<8x1xf32>
    %add3A_3474 = vector.broadcast %get3A_3473 : vector<8x1xf32> to vector<8x512xf32>
    %add3A_3475 = arith.addf %get3A_13, %add3A_3474 : vector<8x512xf32>
    %sub3A_3476 = arith.subf %add3A_3475, %slice3A_3466 : vector<8x512xf32>
    %min3A_3477 = arith.minimumf %sub3A_3476, %min3A_3401 : vector<8x512xf32>
    %ne3A_3478 = arith.cmpf one, %min3A_3477, %min3A_3401 : vector<8x512xf32>
    %mul3A_3479 = arith.constant 256 : i32
    %mul3A_3480 = arith.muli %arg1, %mul3A_3479 : i32
    %add3A_3481 = arith.constant 179 : i32
    %add3A_3482 = arith.addi %mul3A_3480, %add3A_3481 : i32
    %broadcast_in_dim3A_3483 = vector.broadcast %add3A_3482 : i32 to vector<8x512xi32>
    %select_n3A_3484 = arith.select %ne3A_3478, %broadcast_in_dim3A_3483, %select_n3A_3408 : vector<8x512xi1>, vector<8x512xi32>
    %slice3A_3485 = vector.extract_strided_slice %dot_general3A_61 {offsets = [416, 0], sizes = [8, 512], strides = [1, 1]} : vector<512x512xf32> to vector<8x512xf32>
    %mul3A_3486 = arith.constant 2048 : i32
    %mul3A_3487 = arith.muli %arg1, %mul3A_3486 : i32
    %add3A_3488 = arith.constant 1440 : i32
    %add3A_3489 = arith.addi %mul3A_3487, %add3A_3488 : i32
    %get3A_3490 = arith.index_cast %add3A_3489 : i32 to index
    %get3A_3491 = arith.constant 0 : index
    %get3A_3492 = vector.load %arg11[%get3A_3490, %get3A_3491] : memref<8192x1xf32, #tpu.memory_space<vmem>>, vector<8x1xf32>
    %add3A_3493 = vector.broadcast %get3A_3492 : vector<8x1xf32> to vector<8x512xf32>
    %add3A_3494 = arith.addf %get3A_13, %add3A_3493 : vector<8x512xf32>
    %sub3A_3495 = arith.subf %add3A_3494, %slice3A_3485 : vector<8x512xf32>
    %min3A_3496 = arith.minimumf %sub3A_3495, %min3A_3420 : vector<8x512xf32>
    %ne3A_3497 = arith.cmpf one, %min3A_3496, %min3A_3420 : vector<8x512xf32>
    %mul3A_3498 = arith.constant 256 : i32
    %mul3A_3499 = arith.muli %arg1, %mul3A_3498 : i32
    %add3A_3500 = arith.constant 180 : i32
    %add3A_3501 = arith.addi %mul3A_3499, %add3A_3500 : i32
    %broadcast_in_dim3A_3502 = vector.broadcast %add3A_3501 : i32 to vector<8x512xi32>
    %select_n3A_3503 = arith.select %ne3A_3497, %broadcast_in_dim3A_3502, %select_n3A_3427 : vector<8x512xi1>, vector<8x512xi32>
    %slice3A_3504 = vector.extract_strided_slice %dot_general3A_61 {offsets = [424, 0], sizes = [8, 512], strides = [1, 1]} : vector<512x512xf32> to vector<8x512xf32>
    %mul3A_3505 = arith.constant 2048 : i32
    %mul3A_3506 = arith.muli %arg1, %mul3A_3505 : i32
    %add3A_3507 = arith.constant 1448 : i32
    %add3A_3508 = arith.addi %mul3A_3506, %add3A_3507 : i32
    %get3A_3509 = arith.index_cast %add3A_3508 : i32 to index
    %get3A_3510 = arith.constant 0 : index
    %get3A_3511 = vector.load %arg11[%get3A_3509, %get3A_3510] : memref<8192x1xf32, #tpu.memory_space<vmem>>, vector<8x1xf32>
    %add3A_3512 = vector.broadcast %get3A_3511 : vector<8x1xf32> to vector<8x512xf32>
    %add3A_3513 = arith.addf %get3A_13, %add3A_3512 : vector<8x512xf32>
    %sub3A_3514 = arith.subf %add3A_3513, %slice3A_3504 : vector<8x512xf32>
    %min3A_3515 = arith.minimumf %sub3A_3514, %min3A_3439 : vector<8x512xf32>
    %ne3A_3516 = arith.cmpf one, %min3A_3515, %min3A_3439 : vector<8x512xf32>
    %mul3A_3517 = arith.constant 256 : i32
    %mul3A_3518 = arith.muli %arg1, %mul3A_3517 : i32
    %add3A_3519 = arith.constant 181 : i32
    %add3A_3520 = arith.addi %mul3A_3518, %add3A_3519 : i32
    %broadcast_in_dim3A_3521 = vector.broadcast %add3A_3520 : i32 to vector<8x512xi32>
    %select_n3A_3522 = arith.select %ne3A_3516, %broadcast_in_dim3A_3521, %select_n3A_3446 : vector<8x512xi1>, vector<8x512xi32>
    %slice3A_3523 = vector.extract_strided_slice %dot_general3A_61 {offsets = [432, 0], sizes = [8, 512], strides = [1, 1]} : vector<512x512xf32> to vector<8x512xf32>
    %mul3A_3524 = arith.constant 2048 : i32
    %mul3A_3525 = arith.muli %arg1, %mul3A_3524 : i32
    %add3A_3526 = arith.constant 1456 : i32
    %add3A_3527 = arith.addi %mul3A_3525, %add3A_3526 : i32
    %get3A_3528 = arith.index_cast %add3A_3527 : i32 to index
    %get3A_3529 = arith.constant 0 : index
    %get3A_3530 = vector.load %arg11[%get3A_3528, %get3A_3529] : memref<8192x1xf32, #tpu.memory_space<vmem>>, vector<8x1xf32>
    %add3A_3531 = vector.broadcast %get3A_3530 : vector<8x1xf32> to vector<8x512xf32>
    %add3A_3532 = arith.addf %get3A_13, %add3A_3531 : vector<8x512xf32>
    %sub3A_3533 = arith.subf %add3A_3532, %slice3A_3523 : vector<8x512xf32>
    %min3A_3534 = arith.minimumf %sub3A_3533, %min3A_3458 : vector<8x512xf32>
    %ne3A_3535 = arith.cmpf one, %min3A_3534, %min3A_3458 : vector<8x512xf32>
    %mul3A_3536 = arith.constant 256 : i32
    %mul3A_3537 = arith.muli %arg1, %mul3A_3536 : i32
    %add3A_3538 = arith.constant 182 : i32
    %add3A_3539 = arith.addi %mul3A_3537, %add3A_3538 : i32
    %broadcast_in_dim3A_3540 = vector.broadcast %add3A_3539 : i32 to vector<8x512xi32>
    %select_n3A_3541 = arith.select %ne3A_3535, %broadcast_in_dim3A_3540, %select_n3A_3465 : vector<8x512xi1>, vector<8x512xi32>
    %slice3A_3542 = vector.extract_strided_slice %dot_general3A_61 {offsets = [440, 0], sizes = [8, 512], strides = [1, 1]} : vector<512x512xf32> to vector<8x512xf32>
    %mul3A_3543 = arith.constant 2048 : i32
    %mul3A_3544 = arith.muli %arg1, %mul3A_3543 : i32
    %add3A_3545 = arith.constant 1464 : i32
    %add3A_3546 = arith.addi %mul3A_3544, %add3A_3545 : i32
    %get3A_3547 = arith.index_cast %add3A_3546 : i32 to index
    %get3A_3548 = arith.constant 0 : index
    %get3A_3549 = vector.load %arg11[%get3A_3547, %get3A_3548] : memref<8192x1xf32, #tpu.memory_space<vmem>>, vector<8x1xf32>
    %add3A_3550 = vector.broadcast %get3A_3549 : vector<8x1xf32> to vector<8x512xf32>
    %add3A_3551 = arith.addf %get3A_13, %add3A_3550 : vector<8x512xf32>
    %sub3A_3552 = arith.subf %add3A_3551, %slice3A_3542 : vector<8x512xf32>
    %min3A_3553 = arith.minimumf %sub3A_3552, %min3A_3477 : vector<8x512xf32>
    %ne3A_3554 = arith.cmpf one, %min3A_3553, %min3A_3477 : vector<8x512xf32>
    %mul3A_3555 = arith.constant 256 : i32
    %mul3A_3556 = arith.muli %arg1, %mul3A_3555 : i32
    %add3A_3557 = arith.constant 183 : i32
    %add3A_3558 = arith.addi %mul3A_3556, %add3A_3557 : i32
    %broadcast_in_dim3A_3559 = vector.broadcast %add3A_3558 : i32 to vector<8x512xi32>
    %select_n3A_3560 = arith.select %ne3A_3554, %broadcast_in_dim3A_3559, %select_n3A_3484 : vector<8x512xi1>, vector<8x512xi32>
    %slice3A_3561 = vector.extract_strided_slice %dot_general3A_61 {offsets = [448, 0], sizes = [8, 512], strides = [1, 1]} : vector<512x512xf32> to vector<8x512xf32>
    %mul3A_3562 = arith.constant 2048 : i32
    %mul3A_3563 = arith.muli %arg1, %mul3A_3562 : i32
    %add3A_3564 = arith.constant 1472 : i32
    %add3A_3565 = arith.addi %mul3A_3563, %add3A_3564 : i32
    %get3A_3566 = arith.index_cast %add3A_3565 : i32 to index
    %get3A_3567 = arith.constant 0 : index
    %get3A_3568 = vector.load %arg11[%get3A_3566, %get3A_3567] : memref<8192x1xf32, #tpu.memory_space<vmem>>, vector<8x1xf32>
    %add3A_3569 = vector.broadcast %get3A_3568 : vector<8x1xf32> to vector<8x512xf32>
    %add3A_3570 = arith.addf %get3A_13, %add3A_3569 : vector<8x512xf32>
    %sub3A_3571 = arith.subf %add3A_3570, %slice3A_3561 : vector<8x512xf32>
    %min3A_3572 = arith.minimumf %sub3A_3571, %min3A_3496 : vector<8x512xf32>
    %ne3A_3573 = arith.cmpf one, %min3A_3572, %min3A_3496 : vector<8x512xf32>
    %mul3A_3574 = arith.constant 256 : i32
    %mul3A_3575 = arith.muli %arg1, %mul3A_3574 : i32
    %add3A_3576 = arith.constant 184 : i32
    %add3A_3577 = arith.addi %mul3A_3575, %add3A_3576 : i32
    %broadcast_in_dim3A_3578 = vector.broadcast %add3A_3577 : i32 to vector<8x512xi32>
    %select_n3A_3579 = arith.select %ne3A_3573, %broadcast_in_dim3A_3578, %select_n3A_3503 : vector<8x512xi1>, vector<8x512xi32>
    %slice3A_3580 = vector.extract_strided_slice %dot_general3A_61 {offsets = [456, 0], sizes = [8, 512], strides = [1, 1]} : vector<512x512xf32> to vector<8x512xf32>
    %mul3A_3581 = arith.constant 2048 : i32
    %mul3A_3582 = arith.muli %arg1, %mul3A_3581 : i32
    %add3A_3583 = arith.constant 1480 : i32
    %add3A_3584 = arith.addi %mul3A_3582, %add3A_3583 : i32
    %get3A_3585 = arith.index_cast %add3A_3584 : i32 to index
    %get3A_3586 = arith.constant 0 : index
    %get3A_3587 = vector.load %arg11[%get3A_3585, %get3A_3586] : memref<8192x1xf32, #tpu.memory_space<vmem>>, vector<8x1xf32>
    %add3A_3588 = vector.broadcast %get3A_3587 : vector<8x1xf32> to vector<8x512xf32>
    %add3A_3589 = arith.addf %get3A_13, %add3A_3588 : vector<8x512xf32>
    %sub3A_3590 = arith.subf %add3A_3589, %slice3A_3580 : vector<8x512xf32>
    %min3A_3591 = arith.minimumf %sub3A_3590, %min3A_3515 : vector<8x512xf32>
    %ne3A_3592 = arith.cmpf one, %min3A_3591, %min3A_3515 : vector<8x512xf32>
    %mul3A_3593 = arith.constant 256 : i32
    %mul3A_3594 = arith.muli %arg1, %mul3A_3593 : i32
    %add3A_3595 = arith.constant 185 : i32
    %add3A_3596 = arith.addi %mul3A_3594, %add3A_3595 : i32
    %broadcast_in_dim3A_3597 = vector.broadcast %add3A_3596 : i32 to vector<8x512xi32>
    %select_n3A_3598 = arith.select %ne3A_3592, %broadcast_in_dim3A_3597, %select_n3A_3522 : vector<8x512xi1>, vector<8x512xi32>
    %slice3A_3599 = vector.extract_strided_slice %dot_general3A_61 {offsets = [464, 0], sizes = [8, 512], strides = [1, 1]} : vector<512x512xf32> to vector<8x512xf32>
    %mul3A_3600 = arith.constant 2048 : i32
    %mul3A_3601 = arith.muli %arg1, %mul3A_3600 : i32
    %add3A_3602 = arith.constant 1488 : i32
    %add3A_3603 = arith.addi %mul3A_3601, %add3A_3602 : i32
    %get3A_3604 = arith.index_cast %add3A_3603 : i32 to index
    %get3A_3605 = arith.constant 0 : index
    %get3A_3606 = vector.load %arg11[%get3A_3604, %get3A_3605] : memref<8192x1xf32, #tpu.memory_space<vmem>>, vector<8x1xf32>
    %add3A_3607 = vector.broadcast %get3A_3606 : vector<8x1xf32> to vector<8x512xf32>
    %add3A_3608 = arith.addf %get3A_13, %add3A_3607 : vector<8x512xf32>
    %sub3A_3609 = arith.subf %add3A_3608, %slice3A_3599 : vector<8x512xf32>
    %min3A_3610 = arith.minimumf %sub3A_3609, %min3A_3534 : vector<8x512xf32>
    %ne3A_3611 = arith.cmpf one, %min3A_3610, %min3A_3534 : vector<8x512xf32>
    %mul3A_3612 = arith.constant 256 : i32
    %mul3A_3613 = arith.muli %arg1, %mul3A_3612 : i32
    %add3A_3614 = arith.constant 186 : i32
    %add3A_3615 = arith.addi %mul3A_3613, %add3A_3614 : i32
    %broadcast_in_dim3A_3616 = vector.broadcast %add3A_3615 : i32 to vector<8x512xi32>
    %select_n3A_3617 = arith.select %ne3A_3611, %broadcast_in_dim3A_3616, %select_n3A_3541 : vector<8x512xi1>, vector<8x512xi32>
    %slice3A_3618 = vector.extract_strided_slice %dot_general3A_61 {offsets = [472, 0], sizes = [8, 512], strides = [1, 1]} : vector<512x512xf32> to vector<8x512xf32>
    %mul3A_3619 = arith.constant 2048 : i32
    %mul3A_3620 = arith.muli %arg1, %mul3A_3619 : i32
    %add3A_3621 = arith.constant 1496 : i32
    %add3A_3622 = arith.addi %mul3A_3620, %add3A_3621 : i32
    %get3A_3623 = arith.index_cast %add3A_3622 : i32 to index
    %get3A_3624 = arith.constant 0 : index
    %get3A_3625 = vector.load %arg11[%get3A_3623, %get3A_3624] : memref<8192x1xf32, #tpu.memory_space<vmem>>, vector<8x1xf32>
    %add3A_3626 = vector.broadcast %get3A_3625 : vector<8x1xf32> to vector<8x512xf32>
    %add3A_3627 = arith.addf %get3A_13, %add3A_3626 : vector<8x512xf32>
    %sub3A_3628 = arith.subf %add3A_3627, %slice3A_3618 : vector<8x512xf32>
    %min3A_3629 = arith.minimumf %sub3A_3628, %min3A_3553 : vector<8x512xf32>
    %ne3A_3630 = arith.cmpf one, %min3A_3629, %min3A_3553 : vector<8x512xf32>
    %mul3A_3631 = arith.constant 256 : i32
    %mul3A_3632 = arith.muli %arg1, %mul3A_3631 : i32
    %add3A_3633 = arith.constant 187 : i32
    %add3A_3634 = arith.addi %mul3A_3632, %add3A_3633 : i32
    %broadcast_in_dim3A_3635 = vector.broadcast %add3A_3634 : i32 to vector<8x512xi32>
    %select_n3A_3636 = arith.select %ne3A_3630, %broadcast_in_dim3A_3635, %select_n3A_3560 : vector<8x512xi1>, vector<8x512xi32>
    %slice3A_3637 = vector.extract_strided_slice %dot_general3A_61 {offsets = [480, 0], sizes = [8, 512], strides = [1, 1]} : vector<512x512xf32> to vector<8x512xf32>
    %mul3A_3638 = arith.constant 2048 : i32
    %mul3A_3639 = arith.muli %arg1, %mul3A_3638 : i32
    %add3A_3640 = arith.constant 1504 : i32
    %add3A_3641 = arith.addi %mul3A_3639, %add3A_3640 : i32
    %get3A_3642 = arith.index_cast %add3A_3641 : i32 to index
    %get3A_3643 = arith.constant 0 : index
    %get3A_3644 = vector.load %arg11[%get3A_3642, %get3A_3643] : memref<8192x1xf32, #tpu.memory_space<vmem>>, vector<8x1xf32>
    %add3A_3645 = vector.broadcast %get3A_3644 : vector<8x1xf32> to vector<8x512xf32>
    %add3A_3646 = arith.addf %get3A_13, %add3A_3645 : vector<8x512xf32>
    %sub3A_3647 = arith.subf %add3A_3646, %slice3A_3637 : vector<8x512xf32>
    %min3A_3648 = arith.minimumf %sub3A_3647, %min3A_3572 : vector<8x512xf32>
    %ne3A_3649 = arith.cmpf one, %min3A_3648, %min3A_3572 : vector<8x512xf32>
    %mul3A_3650 = arith.constant 256 : i32
    %mul3A_3651 = arith.muli %arg1, %mul3A_3650 : i32
    %add3A_3652 = arith.constant 188 : i32
    %add3A_3653 = arith.addi %mul3A_3651, %add3A_3652 : i32
    %broadcast_in_dim3A_3654 = vector.broadcast %add3A_3653 : i32 to vector<8x512xi32>
    %select_n3A_3655 = arith.select %ne3A_3649, %broadcast_in_dim3A_3654, %select_n3A_3579 : vector<8x512xi1>, vector<8x512xi32>
    %slice3A_3656 = vector.extract_strided_slice %dot_general3A_61 {offsets = [488, 0], sizes = [8, 512], strides = [1, 1]} : vector<512x512xf32> to vector<8x512xf32>
    %mul3A_3657 = arith.constant 2048 : i32
    %mul3A_3658 = arith.muli %arg1, %mul3A_3657 : i32
    %add3A_3659 = arith.constant 1512 : i32
    %add3A_3660 = arith.addi %mul3A_3658, %add3A_3659 : i32
    %get3A_3661 = arith.index_cast %add3A_3660 : i32 to index
    %get3A_3662 = arith.constant 0 : index
    %get3A_3663 = vector.load %arg11[%get3A_3661, %get3A_3662] : memref<8192x1xf32, #tpu.memory_space<vmem>>, vector<8x1xf32>
    %add3A_3664 = vector.broadcast %get3A_3663 : vector<8x1xf32> to vector<8x512xf32>
    %add3A_3665 = arith.addf %get3A_13, %add3A_3664 : vector<8x512xf32>
    %sub3A_3666 = arith.subf %add3A_3665, %slice3A_3656 : vector<8x512xf32>
    %min3A_3667 = arith.minimumf %sub3A_3666, %min3A_3591 : vector<8x512xf32>
    %ne3A_3668 = arith.cmpf one, %min3A_3667, %min3A_3591 : vector<8x512xf32>
    %mul3A_3669 = arith.constant 256 : i32
    %mul3A_3670 = arith.muli %arg1, %mul3A_3669 : i32
    %add3A_3671 = arith.constant 189 : i32
    %add3A_3672 = arith.addi %mul3A_3670, %add3A_3671 : i32
    %broadcast_in_dim3A_3673 = vector.broadcast %add3A_3672 : i32 to vector<8x512xi32>
    %select_n3A_3674 = arith.select %ne3A_3668, %broadcast_in_dim3A_3673, %select_n3A_3598 : vector<8x512xi1>, vector<8x512xi32>
    %slice3A_3675 = vector.extract_strided_slice %dot_general3A_61 {offsets = [496, 0], sizes = [8, 512], strides = [1, 1]} : vector<512x512xf32> to vector<8x512xf32>
    %mul3A_3676 = arith.constant 2048 : i32
    %mul3A_3677 = arith.muli %arg1, %mul3A_3676 : i32
    %add3A_3678 = arith.constant 1520 : i32
    %add3A_3679 = arith.addi %mul3A_3677, %add3A_3678 : i32
    %get3A_3680 = arith.index_cast %add3A_3679 : i32 to index
    %get3A_3681 = arith.constant 0 : index
    %get3A_3682 = vector.load %arg11[%get3A_3680, %get3A_3681] : memref<8192x1xf32, #tpu.memory_space<vmem>>, vector<8x1xf32>
    %add3A_3683 = vector.broadcast %get3A_3682 : vector<8x1xf32> to vector<8x512xf32>
    %add3A_3684 = arith.addf %get3A_13, %add3A_3683 : vector<8x512xf32>
    %sub3A_3685 = arith.subf %add3A_3684, %slice3A_3675 : vector<8x512xf32>
    %min3A_3686 = arith.minimumf %sub3A_3685, %min3A_3610 : vector<8x512xf32>
    %ne3A_3687 = arith.cmpf one, %min3A_3686, %min3A_3610 : vector<8x512xf32>
    %mul3A_3688 = arith.constant 256 : i32
    %mul3A_3689 = arith.muli %arg1, %mul3A_3688 : i32
    %add3A_3690 = arith.constant 190 : i32
    %add3A_3691 = arith.addi %mul3A_3689, %add3A_3690 : i32
    %broadcast_in_dim3A_3692 = vector.broadcast %add3A_3691 : i32 to vector<8x512xi32>
    %select_n3A_3693 = arith.select %ne3A_3687, %broadcast_in_dim3A_3692, %select_n3A_3617 : vector<8x512xi1>, vector<8x512xi32>
    %slice3A_3694 = vector.extract_strided_slice %dot_general3A_61 {offsets = [504, 0], sizes = [8, 512], strides = [1, 1]} : vector<512x512xf32> to vector<8x512xf32>
    %mul3A_3695 = arith.constant 2048 : i32
    %mul3A_3696 = arith.muli %arg1, %mul3A_3695 : i32
    %add3A_3697 = arith.constant 1528 : i32
    %add3A_3698 = arith.addi %mul3A_3696, %add3A_3697 : i32
    %get3A_3699 = arith.index_cast %add3A_3698 : i32 to index
    %get3A_3700 = arith.constant 0 : index
    %get3A_3701 = vector.load %arg11[%get3A_3699, %get3A_3700] : memref<8192x1xf32, #tpu.memory_space<vmem>>, vector<8x1xf32>
    %add3A_3702 = vector.broadcast %get3A_3701 : vector<8x1xf32> to vector<8x512xf32>
    %add3A_3703 = arith.addf %get3A_13, %add3A_3702 : vector<8x512xf32>
    %sub3A_3704 = arith.subf %add3A_3703, %slice3A_3694 : vector<8x512xf32>
    %min3A_3705 = arith.minimumf %sub3A_3704, %min3A_3629 : vector<8x512xf32>
    %ne3A_3706 = arith.cmpf one, %min3A_3705, %min3A_3629 : vector<8x512xf32>
    %mul3A_3707 = arith.constant 256 : i32
    %mul3A_3708 = arith.muli %arg1, %mul3A_3707 : i32
    %add3A_3709 = arith.constant 191 : i32
    %add3A_3710 = arith.addi %mul3A_3708, %add3A_3709 : i32
    %broadcast_in_dim3A_3711 = vector.broadcast %add3A_3710 : i32 to vector<8x512xi32>
    %select_n3A_3712 = arith.select %ne3A_3706, %broadcast_in_dim3A_3711, %select_n3A_3636 : vector<8x512xi1>, vector<8x512xi32>
    %slice3A_3713 = vector.extract_strided_slice %dot_general3A_70 {offsets = [0, 0], sizes = [8, 512], strides = [1, 1]} : vector<512x512xf32> to vector<8x512xf32>
    %mul3A_3714 = arith.constant 2048 : i32
    %mul3A_3715 = arith.muli %arg1, %mul3A_3714 : i32
    %add3A_3716 = arith.constant 1536 : i32
    %add3A_3717 = arith.addi %mul3A_3715, %add3A_3716 : i32
    %get3A_3718 = arith.index_cast %add3A_3717 : i32 to index
    %get3A_3719 = arith.constant 0 : index
    %get3A_3720 = vector.load %arg11[%get3A_3718, %get3A_3719] : memref<8192x1xf32, #tpu.memory_space<vmem>>, vector<8x1xf32>
    %add3A_3721 = vector.broadcast %get3A_3720 : vector<8x1xf32> to vector<8x512xf32>
    %add3A_3722 = arith.addf %get3A_13, %add3A_3721 : vector<8x512xf32>
    %sub3A_3723 = arith.subf %add3A_3722, %slice3A_3713 : vector<8x512xf32>
    %min3A_3724 = arith.minimumf %sub3A_3723, %min3A_3648 : vector<8x512xf32>
    %ne3A_3725 = arith.cmpf one, %min3A_3724, %min3A_3648 : vector<8x512xf32>
    %mul3A_3726 = arith.constant 256 : i32
    %mul3A_3727 = arith.muli %arg1, %mul3A_3726 : i32
    %add3A_3728 = arith.constant 192 : i32
    %add3A_3729 = arith.addi %mul3A_3727, %add3A_3728 : i32
    %broadcast_in_dim3A_3730 = vector.broadcast %add3A_3729 : i32 to vector<8x512xi32>
    %select_n3A_3731 = arith.select %ne3A_3725, %broadcast_in_dim3A_3730, %select_n3A_3655 : vector<8x512xi1>, vector<8x512xi32>
    %slice3A_3732 = vector.extract_strided_slice %dot_general3A_70 {offsets = [8, 0], sizes = [8, 512], strides = [1, 1]} : vector<512x512xf32> to vector<8x512xf32>
    %mul3A_3733 = arith.constant 2048 : i32
    %mul3A_3734 = arith.muli %arg1, %mul3A_3733 : i32
    %add3A_3735 = arith.constant 1544 : i32
    %add3A_3736 = arith.addi %mul3A_3734, %add3A_3735 : i32
    %get3A_3737 = arith.index_cast %add3A_3736 : i32 to index
    %get3A_3738 = arith.constant 0 : index
    %get3A_3739 = vector.load %arg11[%get3A_3737, %get3A_3738] : memref<8192x1xf32, #tpu.memory_space<vmem>>, vector<8x1xf32>
    %add3A_3740 = vector.broadcast %get3A_3739 : vector<8x1xf32> to vector<8x512xf32>
    %add3A_3741 = arith.addf %get3A_13, %add3A_3740 : vector<8x512xf32>
    %sub3A_3742 = arith.subf %add3A_3741, %slice3A_3732 : vector<8x512xf32>
    %min3A_3743 = arith.minimumf %sub3A_3742, %min3A_3667 : vector<8x512xf32>
    %ne3A_3744 = arith.cmpf one, %min3A_3743, %min3A_3667 : vector<8x512xf32>
    %mul3A_3745 = arith.constant 256 : i32
    %mul3A_3746 = arith.muli %arg1, %mul3A_3745 : i32
    %add3A_3747 = arith.constant 193 : i32
    %add3A_3748 = arith.addi %mul3A_3746, %add3A_3747 : i32
    %broadcast_in_dim3A_3749 = vector.broadcast %add3A_3748 : i32 to vector<8x512xi32>
    %select_n3A_3750 = arith.select %ne3A_3744, %broadcast_in_dim3A_3749, %select_n3A_3674 : vector<8x512xi1>, vector<8x512xi32>
    %slice3A_3751 = vector.extract_strided_slice %dot_general3A_70 {offsets = [16, 0], sizes = [8, 512], strides = [1, 1]} : vector<512x512xf32> to vector<8x512xf32>
    %mul3A_3752 = arith.constant 2048 : i32
    %mul3A_3753 = arith.muli %arg1, %mul3A_3752 : i32
    %add3A_3754 = arith.constant 1552 : i32
    %add3A_3755 = arith.addi %mul3A_3753, %add3A_3754 : i32
    %get3A_3756 = arith.index_cast %add3A_3755 : i32 to index
    %get3A_3757 = arith.constant 0 : index
    %get3A_3758 = vector.load %arg11[%get3A_3756, %get3A_3757] : memref<8192x1xf32, #tpu.memory_space<vmem>>, vector<8x1xf32>
    %add3A_3759 = vector.broadcast %get3A_3758 : vector<8x1xf32> to vector<8x512xf32>
    %add3A_3760 = arith.addf %get3A_13, %add3A_3759 : vector<8x512xf32>
    %sub3A_3761 = arith.subf %add3A_3760, %slice3A_3751 : vector<8x512xf32>
    %min3A_3762 = arith.minimumf %sub3A_3761, %min3A_3686 : vector<8x512xf32>
    %ne3A_3763 = arith.cmpf one, %min3A_3762, %min3A_3686 : vector<8x512xf32>
    %mul3A_3764 = arith.constant 256 : i32
    %mul3A_3765 = arith.muli %arg1, %mul3A_3764 : i32
    %add3A_3766 = arith.constant 194 : i32
    %add3A_3767 = arith.addi %mul3A_3765, %add3A_3766 : i32
    %broadcast_in_dim3A_3768 = vector.broadcast %add3A_3767 : i32 to vector<8x512xi32>
    %select_n3A_3769 = arith.select %ne3A_3763, %broadcast_in_dim3A_3768, %select_n3A_3693 : vector<8x512xi1>, vector<8x512xi32>
    %slice3A_3770 = vector.extract_strided_slice %dot_general3A_70 {offsets = [24, 0], sizes = [8, 512], strides = [1, 1]} : vector<512x512xf32> to vector<8x512xf32>
    %mul3A_3771 = arith.constant 2048 : i32
    %mul3A_3772 = arith.muli %arg1, %mul3A_3771 : i32
    %add3A_3773 = arith.constant 1560 : i32
    %add3A_3774 = arith.addi %mul3A_3772, %add3A_3773 : i32
    %get3A_3775 = arith.index_cast %add3A_3774 : i32 to index
    %get3A_3776 = arith.constant 0 : index
    %get3A_3777 = vector.load %arg11[%get3A_3775, %get3A_3776] : memref<8192x1xf32, #tpu.memory_space<vmem>>, vector<8x1xf32>
    %add3A_3778 = vector.broadcast %get3A_3777 : vector<8x1xf32> to vector<8x512xf32>
    %add3A_3779 = arith.addf %get3A_13, %add3A_3778 : vector<8x512xf32>
    %sub3A_3780 = arith.subf %add3A_3779, %slice3A_3770 : vector<8x512xf32>
    %min3A_3781 = arith.minimumf %sub3A_3780, %min3A_3705 : vector<8x512xf32>
    %ne3A_3782 = arith.cmpf one, %min3A_3781, %min3A_3705 : vector<8x512xf32>
    %mul3A_3783 = arith.constant 256 : i32
    %mul3A_3784 = arith.muli %arg1, %mul3A_3783 : i32
    %add3A_3785 = arith.constant 195 : i32
    %add3A_3786 = arith.addi %mul3A_3784, %add3A_3785 : i32
    %broadcast_in_dim3A_3787 = vector.broadcast %add3A_3786 : i32 to vector<8x512xi32>
    %select_n3A_3788 = arith.select %ne3A_3782, %broadcast_in_dim3A_3787, %select_n3A_3712 : vector<8x512xi1>, vector<8x512xi32>
    %slice3A_3789 = vector.extract_strided_slice %dot_general3A_70 {offsets = [32, 0], sizes = [8, 512], strides = [1, 1]} : vector<512x512xf32> to vector<8x512xf32>
    %mul3A_3790 = arith.constant 2048 : i32
    %mul3A_3791 = arith.muli %arg1, %mul3A_3790 : i32
    %add3A_3792 = arith.constant 1568 : i32
    %add3A_3793 = arith.addi %mul3A_3791, %add3A_3792 : i32
    %get3A_3794 = arith.index_cast %add3A_3793 : i32 to index
    %get3A_3795 = arith.constant 0 : index
    %get3A_3796 = vector.load %arg11[%get3A_3794, %get3A_3795] : memref<8192x1xf32, #tpu.memory_space<vmem>>, vector<8x1xf32>
    %add3A_3797 = vector.broadcast %get3A_3796 : vector<8x1xf32> to vector<8x512xf32>
    %add3A_3798 = arith.addf %get3A_13, %add3A_3797 : vector<8x512xf32>
    %sub3A_3799 = arith.subf %add3A_3798, %slice3A_3789 : vector<8x512xf32>
    %min3A_3800 = arith.minimumf %sub3A_3799, %min3A_3724 : vector<8x512xf32>
    %ne3A_3801 = arith.cmpf one, %min3A_3800, %min3A_3724 : vector<8x512xf32>
    %mul3A_3802 = arith.constant 256 : i32
    %mul3A_3803 = arith.muli %arg1, %mul3A_3802 : i32
    %add3A_3804 = arith.constant 196 : i32
    %add3A_3805 = arith.addi %mul3A_3803, %add3A_3804 : i32
    %broadcast_in_dim3A_3806 = vector.broadcast %add3A_3805 : i32 to vector<8x512xi32>
    %select_n3A_3807 = arith.select %ne3A_3801, %broadcast_in_dim3A_3806, %select_n3A_3731 : vector<8x512xi1>, vector<8x512xi32>
    %slice3A_3808 = vector.extract_strided_slice %dot_general3A_70 {offsets = [40, 0], sizes = [8, 512], strides = [1, 1]} : vector<512x512xf32> to vector<8x512xf32>
    %mul3A_3809 = arith.constant 2048 : i32
    %mul3A_3810 = arith.muli %arg1, %mul3A_3809 : i32
    %add3A_3811 = arith.constant 1576 : i32
    %add3A_3812 = arith.addi %mul3A_3810, %add3A_3811 : i32
    %get3A_3813 = arith.index_cast %add3A_3812 : i32 to index
    %get3A_3814 = arith.constant 0 : index
    %get3A_3815 = vector.load %arg11[%get3A_3813, %get3A_3814] : memref<8192x1xf32, #tpu.memory_space<vmem>>, vector<8x1xf32>
    %add3A_3816 = vector.broadcast %get3A_3815 : vector<8x1xf32> to vector<8x512xf32>
    %add3A_3817 = arith.addf %get3A_13, %add3A_3816 : vector<8x512xf32>
    %sub3A_3818 = arith.subf %add3A_3817, %slice3A_3808 : vector<8x512xf32>
    %min3A_3819 = arith.minimumf %sub3A_3818, %min3A_3743 : vector<8x512xf32>
    %ne3A_3820 = arith.cmpf one, %min3A_3819, %min3A_3743 : vector<8x512xf32>
    %mul3A_3821 = arith.constant 256 : i32
    %mul3A_3822 = arith.muli %arg1, %mul3A_3821 : i32
    %add3A_3823 = arith.constant 197 : i32
    %add3A_3824 = arith.addi %mul3A_3822, %add3A_3823 : i32
    %broadcast_in_dim3A_3825 = vector.broadcast %add3A_3824 : i32 to vector<8x512xi32>
    %select_n3A_3826 = arith.select %ne3A_3820, %broadcast_in_dim3A_3825, %select_n3A_3750 : vector<8x512xi1>, vector<8x512xi32>
    %slice3A_3827 = vector.extract_strided_slice %dot_general3A_70 {offsets = [48, 0], sizes = [8, 512], strides = [1, 1]} : vector<512x512xf32> to vector<8x512xf32>
    %mul3A_3828 = arith.constant 2048 : i32
    %mul3A_3829 = arith.muli %arg1, %mul3A_3828 : i32
    %add3A_3830 = arith.constant 1584 : i32
    %add3A_3831 = arith.addi %mul3A_3829, %add3A_3830 : i32
    %get3A_3832 = arith.index_cast %add3A_3831 : i32 to index
    %get3A_3833 = arith.constant 0 : index
    %get3A_3834 = vector.load %arg11[%get3A_3832, %get3A_3833] : memref<8192x1xf32, #tpu.memory_space<vmem>>, vector<8x1xf32>
    %add3A_3835 = vector.broadcast %get3A_3834 : vector<8x1xf32> to vector<8x512xf32>
    %add3A_3836 = arith.addf %get3A_13, %add3A_3835 : vector<8x512xf32>
    %sub3A_3837 = arith.subf %add3A_3836, %slice3A_3827 : vector<8x512xf32>
    %min3A_3838 = arith.minimumf %sub3A_3837, %min3A_3762 : vector<8x512xf32>
    %ne3A_3839 = arith.cmpf one, %min3A_3838, %min3A_3762 : vector<8x512xf32>
    %mul3A_3840 = arith.constant 256 : i32
    %mul3A_3841 = arith.muli %arg1, %mul3A_3840 : i32
    %add3A_3842 = arith.constant 198 : i32
    %add3A_3843 = arith.addi %mul3A_3841, %add3A_3842 : i32
    %broadcast_in_dim3A_3844 = vector.broadcast %add3A_3843 : i32 to vector<8x512xi32>
    %select_n3A_3845 = arith.select %ne3A_3839, %broadcast_in_dim3A_3844, %select_n3A_3769 : vector<8x512xi1>, vector<8x512xi32>
    %slice3A_3846 = vector.extract_strided_slice %dot_general3A_70 {offsets = [56, 0], sizes = [8, 512], strides = [1, 1]} : vector<512x512xf32> to vector<8x512xf32>
    %mul3A_3847 = arith.constant 2048 : i32
    %mul3A_3848 = arith.muli %arg1, %mul3A_3847 : i32
    %add3A_3849 = arith.constant 1592 : i32
    %add3A_3850 = arith.addi %mul3A_3848, %add3A_3849 : i32
    %get3A_3851 = arith.index_cast %add3A_3850 : i32 to index
    %get3A_3852 = arith.constant 0 : index
    %get3A_3853 = vector.load %arg11[%get3A_3851, %get3A_3852] : memref<8192x1xf32, #tpu.memory_space<vmem>>, vector<8x1xf32>
    %add3A_3854 = vector.broadcast %get3A_3853 : vector<8x1xf32> to vector<8x512xf32>
    %add3A_3855 = arith.addf %get3A_13, %add3A_3854 : vector<8x512xf32>
    %sub3A_3856 = arith.subf %add3A_3855, %slice3A_3846 : vector<8x512xf32>
    %min3A_3857 = arith.minimumf %sub3A_3856, %min3A_3781 : vector<8x512xf32>
    %ne3A_3858 = arith.cmpf one, %min3A_3857, %min3A_3781 : vector<8x512xf32>
    %mul3A_3859 = arith.constant 256 : i32
    %mul3A_3860 = arith.muli %arg1, %mul3A_3859 : i32
    %add3A_3861 = arith.constant 199 : i32
    %add3A_3862 = arith.addi %mul3A_3860, %add3A_3861 : i32
    %broadcast_in_dim3A_3863 = vector.broadcast %add3A_3862 : i32 to vector<8x512xi32>
    %select_n3A_3864 = arith.select %ne3A_3858, %broadcast_in_dim3A_3863, %select_n3A_3788 : vector<8x512xi1>, vector<8x512xi32>
    %slice3A_3865 = vector.extract_strided_slice %dot_general3A_70 {offsets = [64, 0], sizes = [8, 512], strides = [1, 1]} : vector<512x512xf32> to vector<8x512xf32>
    %mul3A_3866 = arith.constant 2048 : i32
    %mul3A_3867 = arith.muli %arg1, %mul3A_3866 : i32
    %add3A_3868 = arith.constant 1600 : i32
    %add3A_3869 = arith.addi %mul3A_3867, %add3A_3868 : i32
    %get3A_3870 = arith.index_cast %add3A_3869 : i32 to index
    %get3A_3871 = arith.constant 0 : index
    %get3A_3872 = vector.load %arg11[%get3A_3870, %get3A_3871] : memref<8192x1xf32, #tpu.memory_space<vmem>>, vector<8x1xf32>
    %add3A_3873 = vector.broadcast %get3A_3872 : vector<8x1xf32> to vector<8x512xf32>
    %add3A_3874 = arith.addf %get3A_13, %add3A_3873 : vector<8x512xf32>
    %sub3A_3875 = arith.subf %add3A_3874, %slice3A_3865 : vector<8x512xf32>
    %min3A_3876 = arith.minimumf %sub3A_3875, %min3A_3800 : vector<8x512xf32>
    %ne3A_3877 = arith.cmpf one, %min3A_3876, %min3A_3800 : vector<8x512xf32>
    %mul3A_3878 = arith.constant 256 : i32
    %mul3A_3879 = arith.muli %arg1, %mul3A_3878 : i32
    %add3A_3880 = arith.constant 200 : i32
    %add3A_3881 = arith.addi %mul3A_3879, %add3A_3880 : i32
    %broadcast_in_dim3A_3882 = vector.broadcast %add3A_3881 : i32 to vector<8x512xi32>
    %select_n3A_3883 = arith.select %ne3A_3877, %broadcast_in_dim3A_3882, %select_n3A_3807 : vector<8x512xi1>, vector<8x512xi32>
    %slice3A_3884 = vector.extract_strided_slice %dot_general3A_70 {offsets = [72, 0], sizes = [8, 512], strides = [1, 1]} : vector<512x512xf32> to vector<8x512xf32>
    %mul3A_3885 = arith.constant 2048 : i32
    %mul3A_3886 = arith.muli %arg1, %mul3A_3885 : i32
    %add3A_3887 = arith.constant 1608 : i32
    %add3A_3888 = arith.addi %mul3A_3886, %add3A_3887 : i32
    %get3A_3889 = arith.index_cast %add3A_3888 : i32 to index
    %get3A_3890 = arith.constant 0 : index
    %get3A_3891 = vector.load %arg11[%get3A_3889, %get3A_3890] : memref<8192x1xf32, #tpu.memory_space<vmem>>, vector<8x1xf32>
    %add3A_3892 = vector.broadcast %get3A_3891 : vector<8x1xf32> to vector<8x512xf32>
    %add3A_3893 = arith.addf %get3A_13, %add3A_3892 : vector<8x512xf32>
    %sub3A_3894 = arith.subf %add3A_3893, %slice3A_3884 : vector<8x512xf32>
    %min3A_3895 = arith.minimumf %sub3A_3894, %min3A_3819 : vector<8x512xf32>
    %ne3A_3896 = arith.cmpf one, %min3A_3895, %min3A_3819 : vector<8x512xf32>
    %mul3A_3897 = arith.constant 256 : i32
    %mul3A_3898 = arith.muli %arg1, %mul3A_3897 : i32
    %add3A_3899 = arith.constant 201 : i32
    %add3A_3900 = arith.addi %mul3A_3898, %add3A_3899 : i32
    %broadcast_in_dim3A_3901 = vector.broadcast %add3A_3900 : i32 to vector<8x512xi32>
    %select_n3A_3902 = arith.select %ne3A_3896, %broadcast_in_dim3A_3901, %select_n3A_3826 : vector<8x512xi1>, vector<8x512xi32>
    %slice3A_3903 = vector.extract_strided_slice %dot_general3A_70 {offsets = [80, 0], sizes = [8, 512], strides = [1, 1]} : vector<512x512xf32> to vector<8x512xf32>
    %mul3A_3904 = arith.constant 2048 : i32
    %mul3A_3905 = arith.muli %arg1, %mul3A_3904 : i32
    %add3A_3906 = arith.constant 1616 : i32
    %add3A_3907 = arith.addi %mul3A_3905, %add3A_3906 : i32
    %get3A_3908 = arith.index_cast %add3A_3907 : i32 to index
    %get3A_3909 = arith.constant 0 : index
    %get3A_3910 = vector.load %arg11[%get3A_3908, %get3A_3909] : memref<8192x1xf32, #tpu.memory_space<vmem>>, vector<8x1xf32>
    %add3A_3911 = vector.broadcast %get3A_3910 : vector<8x1xf32> to vector<8x512xf32>
    %add3A_3912 = arith.addf %get3A_13, %add3A_3911 : vector<8x512xf32>
    %sub3A_3913 = arith.subf %add3A_3912, %slice3A_3903 : vector<8x512xf32>
    %min3A_3914 = arith.minimumf %sub3A_3913, %min3A_3838 : vector<8x512xf32>
    %ne3A_3915 = arith.cmpf one, %min3A_3914, %min3A_3838 : vector<8x512xf32>
    %mul3A_3916 = arith.constant 256 : i32
    %mul3A_3917 = arith.muli %arg1, %mul3A_3916 : i32
    %add3A_3918 = arith.constant 202 : i32
    %add3A_3919 = arith.addi %mul3A_3917, %add3A_3918 : i32
    %broadcast_in_dim3A_3920 = vector.broadcast %add3A_3919 : i32 to vector<8x512xi32>
    %select_n3A_3921 = arith.select %ne3A_3915, %broadcast_in_dim3A_3920, %select_n3A_3845 : vector<8x512xi1>, vector<8x512xi32>
    %slice3A_3922 = vector.extract_strided_slice %dot_general3A_70 {offsets = [88, 0], sizes = [8, 512], strides = [1, 1]} : vector<512x512xf32> to vector<8x512xf32>
    %mul3A_3923 = arith.constant 2048 : i32
    %mul3A_3924 = arith.muli %arg1, %mul3A_3923 : i32
    %add3A_3925 = arith.constant 1624 : i32
    %add3A_3926 = arith.addi %mul3A_3924, %add3A_3925 : i32
    %get3A_3927 = arith.index_cast %add3A_3926 : i32 to index
    %get3A_3928 = arith.constant 0 : index
    %get3A_3929 = vector.load %arg11[%get3A_3927, %get3A_3928] : memref<8192x1xf32, #tpu.memory_space<vmem>>, vector<8x1xf32>
    %add3A_3930 = vector.broadcast %get3A_3929 : vector<8x1xf32> to vector<8x512xf32>
    %add3A_3931 = arith.addf %get3A_13, %add3A_3930 : vector<8x512xf32>
    %sub3A_3932 = arith.subf %add3A_3931, %slice3A_3922 : vector<8x512xf32>
    %min3A_3933 = arith.minimumf %sub3A_3932, %min3A_3857 : vector<8x512xf32>
    %ne3A_3934 = arith.cmpf one, %min3A_3933, %min3A_3857 : vector<8x512xf32>
    %mul3A_3935 = arith.constant 256 : i32
    %mul3A_3936 = arith.muli %arg1, %mul3A_3935 : i32
    %add3A_3937 = arith.constant 203 : i32
    %add3A_3938 = arith.addi %mul3A_3936, %add3A_3937 : i32
    %broadcast_in_dim3A_3939 = vector.broadcast %add3A_3938 : i32 to vector<8x512xi32>
    %select_n3A_3940 = arith.select %ne3A_3934, %broadcast_in_dim3A_3939, %select_n3A_3864 : vector<8x512xi1>, vector<8x512xi32>
    %slice3A_3941 = vector.extract_strided_slice %dot_general3A_70 {offsets = [96, 0], sizes = [8, 512], strides = [1, 1]} : vector<512x512xf32> to vector<8x512xf32>
    %mul3A_3942 = arith.constant 2048 : i32
    %mul3A_3943 = arith.muli %arg1, %mul3A_3942 : i32
    %add3A_3944 = arith.constant 1632 : i32
    %add3A_3945 = arith.addi %mul3A_3943, %add3A_3944 : i32
    %get3A_3946 = arith.index_cast %add3A_3945 : i32 to index
    %get3A_3947 = arith.constant 0 : index
    %get3A_3948 = vector.load %arg11[%get3A_3946, %get3A_3947] : memref<8192x1xf32, #tpu.memory_space<vmem>>, vector<8x1xf32>
    %add3A_3949 = vector.broadcast %get3A_3948 : vector<8x1xf32> to vector<8x512xf32>
    %add3A_3950 = arith.addf %get3A_13, %add3A_3949 : vector<8x512xf32>
    %sub3A_3951 = arith.subf %add3A_3950, %slice3A_3941 : vector<8x512xf32>
    %min3A_3952 = arith.minimumf %sub3A_3951, %min3A_3876 : vector<8x512xf32>
    %ne3A_3953 = arith.cmpf one, %min3A_3952, %min3A_3876 : vector<8x512xf32>
    %mul3A_3954 = arith.constant 256 : i32
    %mul3A_3955 = arith.muli %arg1, %mul3A_3954 : i32
    %add3A_3956 = arith.constant 204 : i32
    %add3A_3957 = arith.addi %mul3A_3955, %add3A_3956 : i32
    %broadcast_in_dim3A_3958 = vector.broadcast %add3A_3957 : i32 to vector<8x512xi32>
    %select_n3A_3959 = arith.select %ne3A_3953, %broadcast_in_dim3A_3958, %select_n3A_3883 : vector<8x512xi1>, vector<8x512xi32>
    %slice3A_3960 = vector.extract_strided_slice %dot_general3A_70 {offsets = [104, 0], sizes = [8, 512], strides = [1, 1]} : vector<512x512xf32> to vector<8x512xf32>
    %mul3A_3961 = arith.constant 2048 : i32
    %mul3A_3962 = arith.muli %arg1, %mul3A_3961 : i32
    %add3A_3963 = arith.constant 1640 : i32
    %add3A_3964 = arith.addi %mul3A_3962, %add3A_3963 : i32
    %get3A_3965 = arith.index_cast %add3A_3964 : i32 to index
    %get3A_3966 = arith.constant 0 : index
    %get3A_3967 = vector.load %arg11[%get3A_3965, %get3A_3966] : memref<8192x1xf32, #tpu.memory_space<vmem>>, vector<8x1xf32>
    %add3A_3968 = vector.broadcast %get3A_3967 : vector<8x1xf32> to vector<8x512xf32>
    %add3A_3969 = arith.addf %get3A_13, %add3A_3968 : vector<8x512xf32>
    %sub3A_3970 = arith.subf %add3A_3969, %slice3A_3960 : vector<8x512xf32>
    %min3A_3971 = arith.minimumf %sub3A_3970, %min3A_3895 : vector<8x512xf32>
    %ne3A_3972 = arith.cmpf one, %min3A_3971, %min3A_3895 : vector<8x512xf32>
    %mul3A_3973 = arith.constant 256 : i32
    %mul3A_3974 = arith.muli %arg1, %mul3A_3973 : i32
    %add3A_3975 = arith.constant 205 : i32
    %add3A_3976 = arith.addi %mul3A_3974, %add3A_3975 : i32
    %broadcast_in_dim3A_3977 = vector.broadcast %add3A_3976 : i32 to vector<8x512xi32>
    %select_n3A_3978 = arith.select %ne3A_3972, %broadcast_in_dim3A_3977, %select_n3A_3902 : vector<8x512xi1>, vector<8x512xi32>
    %slice3A_3979 = vector.extract_strided_slice %dot_general3A_70 {offsets = [112, 0], sizes = [8, 512], strides = [1, 1]} : vector<512x512xf32> to vector<8x512xf32>
    %mul3A_3980 = arith.constant 2048 : i32
    %mul3A_3981 = arith.muli %arg1, %mul3A_3980 : i32
    %add3A_3982 = arith.constant 1648 : i32
    %add3A_3983 = arith.addi %mul3A_3981, %add3A_3982 : i32
    %get3A_3984 = arith.index_cast %add3A_3983 : i32 to index
    %get3A_3985 = arith.constant 0 : index
    %get3A_3986 = vector.load %arg11[%get3A_3984, %get3A_3985] : memref<8192x1xf32, #tpu.memory_space<vmem>>, vector<8x1xf32>
    %add3A_3987 = vector.broadcast %get3A_3986 : vector<8x1xf32> to vector<8x512xf32>
    %add3A_3988 = arith.addf %get3A_13, %add3A_3987 : vector<8x512xf32>
    %sub3A_3989 = arith.subf %add3A_3988, %slice3A_3979 : vector<8x512xf32>
    %min3A_3990 = arith.minimumf %sub3A_3989, %min3A_3914 : vector<8x512xf32>
    %ne3A_3991 = arith.cmpf one, %min3A_3990, %min3A_3914 : vector<8x512xf32>
    %mul3A_3992 = arith.constant 256 : i32
    %mul3A_3993 = arith.muli %arg1, %mul3A_3992 : i32
    %add3A_3994 = arith.constant 206 : i32
    %add3A_3995 = arith.addi %mul3A_3993, %add3A_3994 : i32
    %broadcast_in_dim3A_3996 = vector.broadcast %add3A_3995 : i32 to vector<8x512xi32>
    %select_n3A_3997 = arith.select %ne3A_3991, %broadcast_in_dim3A_3996, %select_n3A_3921 : vector<8x512xi1>, vector<8x512xi32>
    %slice3A_3998 = vector.extract_strided_slice %dot_general3A_70 {offsets = [120, 0], sizes = [8, 512], strides = [1, 1]} : vector<512x512xf32> to vector<8x512xf32>
    %mul3A_3999 = arith.constant 2048 : i32
    %mul3A_4000 = arith.muli %arg1, %mul3A_3999 : i32
    %add3A_4001 = arith.constant 1656 : i32
    %add3A_4002 = arith.addi %mul3A_4000, %add3A_4001 : i32
    %get3A_4003 = arith.index_cast %add3A_4002 : i32 to index
    %get3A_4004 = arith.constant 0 : index
    %get3A_4005 = vector.load %arg11[%get3A_4003, %get3A_4004] : memref<8192x1xf32, #tpu.memory_space<vmem>>, vector<8x1xf32>
    %add3A_4006 = vector.broadcast %get3A_4005 : vector<8x1xf32> to vector<8x512xf32>
    %add3A_4007 = arith.addf %get3A_13, %add3A_4006 : vector<8x512xf32>
    %sub3A_4008 = arith.subf %add3A_4007, %slice3A_3998 : vector<8x512xf32>
    %min3A_4009 = arith.minimumf %sub3A_4008, %min3A_3933 : vector<8x512xf32>
    %ne3A_4010 = arith.cmpf one, %min3A_4009, %min3A_3933 : vector<8x512xf32>
    %mul3A_4011 = arith.constant 256 : i32
    %mul3A_4012 = arith.muli %arg1, %mul3A_4011 : i32
    %add3A_4013 = arith.constant 207 : i32
    %add3A_4014 = arith.addi %mul3A_4012, %add3A_4013 : i32
    %broadcast_in_dim3A_4015 = vector.broadcast %add3A_4014 : i32 to vector<8x512xi32>
    %select_n3A_4016 = arith.select %ne3A_4010, %broadcast_in_dim3A_4015, %select_n3A_3940 : vector<8x512xi1>, vector<8x512xi32>
    %slice3A_4017 = vector.extract_strided_slice %dot_general3A_70 {offsets = [128, 0], sizes = [8, 512], strides = [1, 1]} : vector<512x512xf32> to vector<8x512xf32>
    %mul3A_4018 = arith.constant 2048 : i32
    %mul3A_4019 = arith.muli %arg1, %mul3A_4018 : i32
    %add3A_4020 = arith.constant 1664 : i32
    %add3A_4021 = arith.addi %mul3A_4019, %add3A_4020 : i32
    %get3A_4022 = arith.index_cast %add3A_4021 : i32 to index
    %get3A_4023 = arith.constant 0 : index
    %get3A_4024 = vector.load %arg11[%get3A_4022, %get3A_4023] : memref<8192x1xf32, #tpu.memory_space<vmem>>, vector<8x1xf32>
    %add3A_4025 = vector.broadcast %get3A_4024 : vector<8x1xf32> to vector<8x512xf32>
    %add3A_4026 = arith.addf %get3A_13, %add3A_4025 : vector<8x512xf32>
    %sub3A_4027 = arith.subf %add3A_4026, %slice3A_4017 : vector<8x512xf32>
    %min3A_4028 = arith.minimumf %sub3A_4027, %min3A_3952 : vector<8x512xf32>
    %ne3A_4029 = arith.cmpf one, %min3A_4028, %min3A_3952 : vector<8x512xf32>
    %mul3A_4030 = arith.constant 256 : i32
    %mul3A_4031 = arith.muli %arg1, %mul3A_4030 : i32
    %add3A_4032 = arith.constant 208 : i32
    %add3A_4033 = arith.addi %mul3A_4031, %add3A_4032 : i32
    %broadcast_in_dim3A_4034 = vector.broadcast %add3A_4033 : i32 to vector<8x512xi32>
    %select_n3A_4035 = arith.select %ne3A_4029, %broadcast_in_dim3A_4034, %select_n3A_3959 : vector<8x512xi1>, vector<8x512xi32>
    %slice3A_4036 = vector.extract_strided_slice %dot_general3A_70 {offsets = [136, 0], sizes = [8, 512], strides = [1, 1]} : vector<512x512xf32> to vector<8x512xf32>
    %mul3A_4037 = arith.constant 2048 : i32
    %mul3A_4038 = arith.muli %arg1, %mul3A_4037 : i32
    %add3A_4039 = arith.constant 1672 : i32
    %add3A_4040 = arith.addi %mul3A_4038, %add3A_4039 : i32
    %get3A_4041 = arith.index_cast %add3A_4040 : i32 to index
    %get3A_4042 = arith.constant 0 : index
    %get3A_4043 = vector.load %arg11[%get3A_4041, %get3A_4042] : memref<8192x1xf32, #tpu.memory_space<vmem>>, vector<8x1xf32>
    %add3A_4044 = vector.broadcast %get3A_4043 : vector<8x1xf32> to vector<8x512xf32>
    %add3A_4045 = arith.addf %get3A_13, %add3A_4044 : vector<8x512xf32>
    %sub3A_4046 = arith.subf %add3A_4045, %slice3A_4036 : vector<8x512xf32>
    %min3A_4047 = arith.minimumf %sub3A_4046, %min3A_3971 : vector<8x512xf32>
    %ne3A_4048 = arith.cmpf one, %min3A_4047, %min3A_3971 : vector<8x512xf32>
    %mul3A_4049 = arith.constant 256 : i32
    %mul3A_4050 = arith.muli %arg1, %mul3A_4049 : i32
    %add3A_4051 = arith.constant 209 : i32
    %add3A_4052 = arith.addi %mul3A_4050, %add3A_4051 : i32
    %broadcast_in_dim3A_4053 = vector.broadcast %add3A_4052 : i32 to vector<8x512xi32>
    %select_n3A_4054 = arith.select %ne3A_4048, %broadcast_in_dim3A_4053, %select_n3A_3978 : vector<8x512xi1>, vector<8x512xi32>
    %slice3A_4055 = vector.extract_strided_slice %dot_general3A_70 {offsets = [144, 0], sizes = [8, 512], strides = [1, 1]} : vector<512x512xf32> to vector<8x512xf32>
    %mul3A_4056 = arith.constant 2048 : i32
    %mul3A_4057 = arith.muli %arg1, %mul3A_4056 : i32
    %add3A_4058 = arith.constant 1680 : i32
    %add3A_4059 = arith.addi %mul3A_4057, %add3A_4058 : i32
    %get3A_4060 = arith.index_cast %add3A_4059 : i32 to index
    %get3A_4061 = arith.constant 0 : index
    %get3A_4062 = vector.load %arg11[%get3A_4060, %get3A_4061] : memref<8192x1xf32, #tpu.memory_space<vmem>>, vector<8x1xf32>
    %add3A_4063 = vector.broadcast %get3A_4062 : vector<8x1xf32> to vector<8x512xf32>
    %add3A_4064 = arith.addf %get3A_13, %add3A_4063 : vector<8x512xf32>
    %sub3A_4065 = arith.subf %add3A_4064, %slice3A_4055 : vector<8x512xf32>
    %min3A_4066 = arith.minimumf %sub3A_4065, %min3A_3990 : vector<8x512xf32>
    %ne3A_4067 = arith.cmpf one, %min3A_4066, %min3A_3990 : vector<8x512xf32>
    %mul3A_4068 = arith.constant 256 : i32
    %mul3A_4069 = arith.muli %arg1, %mul3A_4068 : i32
    %add3A_4070 = arith.constant 210 : i32
    %add3A_4071 = arith.addi %mul3A_4069, %add3A_4070 : i32
    %broadcast_in_dim3A_4072 = vector.broadcast %add3A_4071 : i32 to vector<8x512xi32>
    %select_n3A_4073 = arith.select %ne3A_4067, %broadcast_in_dim3A_4072, %select_n3A_3997 : vector<8x512xi1>, vector<8x512xi32>
    %slice3A_4074 = vector.extract_strided_slice %dot_general3A_70 {offsets = [152, 0], sizes = [8, 512], strides = [1, 1]} : vector<512x512xf32> to vector<8x512xf32>
    %mul3A_4075 = arith.constant 2048 : i32
    %mul3A_4076 = arith.muli %arg1, %mul3A_4075 : i32
    %add3A_4077 = arith.constant 1688 : i32
    %add3A_4078 = arith.addi %mul3A_4076, %add3A_4077 : i32
    %get3A_4079 = arith.index_cast %add3A_4078 : i32 to index
    %get3A_4080 = arith.constant 0 : index
    %get3A_4081 = vector.load %arg11[%get3A_4079, %get3A_4080] : memref<8192x1xf32, #tpu.memory_space<vmem>>, vector<8x1xf32>
    %add3A_4082 = vector.broadcast %get3A_4081 : vector<8x1xf32> to vector<8x512xf32>
    %add3A_4083 = arith.addf %get3A_13, %add3A_4082 : vector<8x512xf32>
    %sub3A_4084 = arith.subf %add3A_4083, %slice3A_4074 : vector<8x512xf32>
    %min3A_4085 = arith.minimumf %sub3A_4084, %min3A_4009 : vector<8x512xf32>
    %ne3A_4086 = arith.cmpf one, %min3A_4085, %min3A_4009 : vector<8x512xf32>
    %mul3A_4087 = arith.constant 256 : i32
    %mul3A_4088 = arith.muli %arg1, %mul3A_4087 : i32
    %add3A_4089 = arith.constant 211 : i32
    %add3A_4090 = arith.addi %mul3A_4088, %add3A_4089 : i32
    %broadcast_in_dim3A_4091 = vector.broadcast %add3A_4090 : i32 to vector<8x512xi32>
    %select_n3A_4092 = arith.select %ne3A_4086, %broadcast_in_dim3A_4091, %select_n3A_4016 : vector<8x512xi1>, vector<8x512xi32>
    %slice3A_4093 = vector.extract_strided_slice %dot_general3A_70 {offsets = [160, 0], sizes = [8, 512], strides = [1, 1]} : vector<512x512xf32> to vector<8x512xf32>
    %mul3A_4094 = arith.constant 2048 : i32
    %mul3A_4095 = arith.muli %arg1, %mul3A_4094 : i32
    %add3A_4096 = arith.constant 1696 : i32
    %add3A_4097 = arith.addi %mul3A_4095, %add3A_4096 : i32
    %get3A_4098 = arith.index_cast %add3A_4097 : i32 to index
    %get3A_4099 = arith.constant 0 : index
    %get3A_4100 = vector.load %arg11[%get3A_4098, %get3A_4099] : memref<8192x1xf32, #tpu.memory_space<vmem>>, vector<8x1xf32>
    %add3A_4101 = vector.broadcast %get3A_4100 : vector<8x1xf32> to vector<8x512xf32>
    %add3A_4102 = arith.addf %get3A_13, %add3A_4101 : vector<8x512xf32>
    %sub3A_4103 = arith.subf %add3A_4102, %slice3A_4093 : vector<8x512xf32>
    %min3A_4104 = arith.minimumf %sub3A_4103, %min3A_4028 : vector<8x512xf32>
    %ne3A_4105 = arith.cmpf one, %min3A_4104, %min3A_4028 : vector<8x512xf32>
    %mul3A_4106 = arith.constant 256 : i32
    %mul3A_4107 = arith.muli %arg1, %mul3A_4106 : i32
    %add3A_4108 = arith.constant 212 : i32
    %add3A_4109 = arith.addi %mul3A_4107, %add3A_4108 : i32
    %broadcast_in_dim3A_4110 = vector.broadcast %add3A_4109 : i32 to vector<8x512xi32>
    %select_n3A_4111 = arith.select %ne3A_4105, %broadcast_in_dim3A_4110, %select_n3A_4035 : vector<8x512xi1>, vector<8x512xi32>
    %slice3A_4112 = vector.extract_strided_slice %dot_general3A_70 {offsets = [168, 0], sizes = [8, 512], strides = [1, 1]} : vector<512x512xf32> to vector<8x512xf32>
    %mul3A_4113 = arith.constant 2048 : i32
    %mul3A_4114 = arith.muli %arg1, %mul3A_4113 : i32
    %add3A_4115 = arith.constant 1704 : i32
    %add3A_4116 = arith.addi %mul3A_4114, %add3A_4115 : i32
    %get3A_4117 = arith.index_cast %add3A_4116 : i32 to index
    %get3A_4118 = arith.constant 0 : index
    %get3A_4119 = vector.load %arg11[%get3A_4117, %get3A_4118] : memref<8192x1xf32, #tpu.memory_space<vmem>>, vector<8x1xf32>
    %add3A_4120 = vector.broadcast %get3A_4119 : vector<8x1xf32> to vector<8x512xf32>
    %add3A_4121 = arith.addf %get3A_13, %add3A_4120 : vector<8x512xf32>
    %sub3A_4122 = arith.subf %add3A_4121, %slice3A_4112 : vector<8x512xf32>
    %min3A_4123 = arith.minimumf %sub3A_4122, %min3A_4047 : vector<8x512xf32>
    %ne3A_4124 = arith.cmpf one, %min3A_4123, %min3A_4047 : vector<8x512xf32>
    %mul3A_4125 = arith.constant 256 : i32
    %mul3A_4126 = arith.muli %arg1, %mul3A_4125 : i32
    %add3A_4127 = arith.constant 213 : i32
    %add3A_4128 = arith.addi %mul3A_4126, %add3A_4127 : i32
    %broadcast_in_dim3A_4129 = vector.broadcast %add3A_4128 : i32 to vector<8x512xi32>
    %select_n3A_4130 = arith.select %ne3A_4124, %broadcast_in_dim3A_4129, %select_n3A_4054 : vector<8x512xi1>, vector<8x512xi32>
    %slice3A_4131 = vector.extract_strided_slice %dot_general3A_70 {offsets = [176, 0], sizes = [8, 512], strides = [1, 1]} : vector<512x512xf32> to vector<8x512xf32>
    %mul3A_4132 = arith.constant 2048 : i32
    %mul3A_4133 = arith.muli %arg1, %mul3A_4132 : i32
    %add3A_4134 = arith.constant 1712 : i32
    %add3A_4135 = arith.addi %mul3A_4133, %add3A_4134 : i32
    %get3A_4136 = arith.index_cast %add3A_4135 : i32 to index
    %get3A_4137 = arith.constant 0 : index
    %get3A_4138 = vector.load %arg11[%get3A_4136, %get3A_4137] : memref<8192x1xf32, #tpu.memory_space<vmem>>, vector<8x1xf32>
    %add3A_4139 = vector.broadcast %get3A_4138 : vector<8x1xf32> to vector<8x512xf32>
    %add3A_4140 = arith.addf %get3A_13, %add3A_4139 : vector<8x512xf32>
    %sub3A_4141 = arith.subf %add3A_4140, %slice3A_4131 : vector<8x512xf32>
    %min3A_4142 = arith.minimumf %sub3A_4141, %min3A_4066 : vector<8x512xf32>
    %ne3A_4143 = arith.cmpf one, %min3A_4142, %min3A_4066 : vector<8x512xf32>
    %mul3A_4144 = arith.constant 256 : i32
    %mul3A_4145 = arith.muli %arg1, %mul3A_4144 : i32
    %add3A_4146 = arith.constant 214 : i32
    %add3A_4147 = arith.addi %mul3A_4145, %add3A_4146 : i32
    %broadcast_in_dim3A_4148 = vector.broadcast %add3A_4147 : i32 to vector<8x512xi32>
    %select_n3A_4149 = arith.select %ne3A_4143, %broadcast_in_dim3A_4148, %select_n3A_4073 : vector<8x512xi1>, vector<8x512xi32>
    %slice3A_4150 = vector.extract_strided_slice %dot_general3A_70 {offsets = [184, 0], sizes = [8, 512], strides = [1, 1]} : vector<512x512xf32> to vector<8x512xf32>
    %mul3A_4151 = arith.constant 2048 : i32
    %mul3A_4152 = arith.muli %arg1, %mul3A_4151 : i32
    %add3A_4153 = arith.constant 1720 : i32
    %add3A_4154 = arith.addi %mul3A_4152, %add3A_4153 : i32
    %get3A_4155 = arith.index_cast %add3A_4154 : i32 to index
    %get3A_4156 = arith.constant 0 : index
    %get3A_4157 = vector.load %arg11[%get3A_4155, %get3A_4156] : memref<8192x1xf32, #tpu.memory_space<vmem>>, vector<8x1xf32>
    %add3A_4158 = vector.broadcast %get3A_4157 : vector<8x1xf32> to vector<8x512xf32>
    %add3A_4159 = arith.addf %get3A_13, %add3A_4158 : vector<8x512xf32>
    %sub3A_4160 = arith.subf %add3A_4159, %slice3A_4150 : vector<8x512xf32>
    %min3A_4161 = arith.minimumf %sub3A_4160, %min3A_4085 : vector<8x512xf32>
    %ne3A_4162 = arith.cmpf one, %min3A_4161, %min3A_4085 : vector<8x512xf32>
    %mul3A_4163 = arith.constant 256 : i32
    %mul3A_4164 = arith.muli %arg1, %mul3A_4163 : i32
    %add3A_4165 = arith.constant 215 : i32
    %add3A_4166 = arith.addi %mul3A_4164, %add3A_4165 : i32
    %broadcast_in_dim3A_4167 = vector.broadcast %add3A_4166 : i32 to vector<8x512xi32>
    %select_n3A_4168 = arith.select %ne3A_4162, %broadcast_in_dim3A_4167, %select_n3A_4092 : vector<8x512xi1>, vector<8x512xi32>
    %slice3A_4169 = vector.extract_strided_slice %dot_general3A_70 {offsets = [192, 0], sizes = [8, 512], strides = [1, 1]} : vector<512x512xf32> to vector<8x512xf32>
    %mul3A_4170 = arith.constant 2048 : i32
    %mul3A_4171 = arith.muli %arg1, %mul3A_4170 : i32
    %add3A_4172 = arith.constant 1728 : i32
    %add3A_4173 = arith.addi %mul3A_4171, %add3A_4172 : i32
    %get3A_4174 = arith.index_cast %add3A_4173 : i32 to index
    %get3A_4175 = arith.constant 0 : index
    %get3A_4176 = vector.load %arg11[%get3A_4174, %get3A_4175] : memref<8192x1xf32, #tpu.memory_space<vmem>>, vector<8x1xf32>
    %add3A_4177 = vector.broadcast %get3A_4176 : vector<8x1xf32> to vector<8x512xf32>
    %add3A_4178 = arith.addf %get3A_13, %add3A_4177 : vector<8x512xf32>
    %sub3A_4179 = arith.subf %add3A_4178, %slice3A_4169 : vector<8x512xf32>
    %min3A_4180 = arith.minimumf %sub3A_4179, %min3A_4104 : vector<8x512xf32>
    %ne3A_4181 = arith.cmpf one, %min3A_4180, %min3A_4104 : vector<8x512xf32>
    %mul3A_4182 = arith.constant 256 : i32
    %mul3A_4183 = arith.muli %arg1, %mul3A_4182 : i32
    %add3A_4184 = arith.constant 216 : i32
    %add3A_4185 = arith.addi %mul3A_4183, %add3A_4184 : i32
    %broadcast_in_dim3A_4186 = vector.broadcast %add3A_4185 : i32 to vector<8x512xi32>
    %select_n3A_4187 = arith.select %ne3A_4181, %broadcast_in_dim3A_4186, %select_n3A_4111 : vector<8x512xi1>, vector<8x512xi32>
    %slice3A_4188 = vector.extract_strided_slice %dot_general3A_70 {offsets = [200, 0], sizes = [8, 512], strides = [1, 1]} : vector<512x512xf32> to vector<8x512xf32>
    %mul3A_4189 = arith.constant 2048 : i32
    %mul3A_4190 = arith.muli %arg1, %mul3A_4189 : i32
    %add3A_4191 = arith.constant 1736 : i32
    %add3A_4192 = arith.addi %mul3A_4190, %add3A_4191 : i32
    %get3A_4193 = arith.index_cast %add3A_4192 : i32 to index
    %get3A_4194 = arith.constant 0 : index
    %get3A_4195 = vector.load %arg11[%get3A_4193, %get3A_4194] : memref<8192x1xf32, #tpu.memory_space<vmem>>, vector<8x1xf32>
    %add3A_4196 = vector.broadcast %get3A_4195 : vector<8x1xf32> to vector<8x512xf32>
    %add3A_4197 = arith.addf %get3A_13, %add3A_4196 : vector<8x512xf32>
    %sub3A_4198 = arith.subf %add3A_4197, %slice3A_4188 : vector<8x512xf32>
    %min3A_4199 = arith.minimumf %sub3A_4198, %min3A_4123 : vector<8x512xf32>
    %ne3A_4200 = arith.cmpf one, %min3A_4199, %min3A_4123 : vector<8x512xf32>
    %mul3A_4201 = arith.constant 256 : i32
    %mul3A_4202 = arith.muli %arg1, %mul3A_4201 : i32
    %add3A_4203 = arith.constant 217 : i32
    %add3A_4204 = arith.addi %mul3A_4202, %add3A_4203 : i32
    %broadcast_in_dim3A_4205 = vector.broadcast %add3A_4204 : i32 to vector<8x512xi32>
    %select_n3A_4206 = arith.select %ne3A_4200, %broadcast_in_dim3A_4205, %select_n3A_4130 : vector<8x512xi1>, vector<8x512xi32>
    %slice3A_4207 = vector.extract_strided_slice %dot_general3A_70 {offsets = [208, 0], sizes = [8, 512], strides = [1, 1]} : vector<512x512xf32> to vector<8x512xf32>
    %mul3A_4208 = arith.constant 2048 : i32
    %mul3A_4209 = arith.muli %arg1, %mul3A_4208 : i32
    %add3A_4210 = arith.constant 1744 : i32
    %add3A_4211 = arith.addi %mul3A_4209, %add3A_4210 : i32
    %get3A_4212 = arith.index_cast %add3A_4211 : i32 to index
    %get3A_4213 = arith.constant 0 : index
    %get3A_4214 = vector.load %arg11[%get3A_4212, %get3A_4213] : memref<8192x1xf32, #tpu.memory_space<vmem>>, vector<8x1xf32>
    %add3A_4215 = vector.broadcast %get3A_4214 : vector<8x1xf32> to vector<8x512xf32>
    %add3A_4216 = arith.addf %get3A_13, %add3A_4215 : vector<8x512xf32>
    %sub3A_4217 = arith.subf %add3A_4216, %slice3A_4207 : vector<8x512xf32>
    %min3A_4218 = arith.minimumf %sub3A_4217, %min3A_4142 : vector<8x512xf32>
    %ne3A_4219 = arith.cmpf one, %min3A_4218, %min3A_4142 : vector<8x512xf32>
    %mul3A_4220 = arith.constant 256 : i32
    %mul3A_4221 = arith.muli %arg1, %mul3A_4220 : i32
    %add3A_4222 = arith.constant 218 : i32
    %add3A_4223 = arith.addi %mul3A_4221, %add3A_4222 : i32
    %broadcast_in_dim3A_4224 = vector.broadcast %add3A_4223 : i32 to vector<8x512xi32>
    %select_n3A_4225 = arith.select %ne3A_4219, %broadcast_in_dim3A_4224, %select_n3A_4149 : vector<8x512xi1>, vector<8x512xi32>
    %slice3A_4226 = vector.extract_strided_slice %dot_general3A_70 {offsets = [216, 0], sizes = [8, 512], strides = [1, 1]} : vector<512x512xf32> to vector<8x512xf32>
    %mul3A_4227 = arith.constant 2048 : i32
    %mul3A_4228 = arith.muli %arg1, %mul3A_4227 : i32
    %add3A_4229 = arith.constant 1752 : i32
    %add3A_4230 = arith.addi %mul3A_4228, %add3A_4229 : i32
    %get3A_4231 = arith.index_cast %add3A_4230 : i32 to index
    %get3A_4232 = arith.constant 0 : index
    %get3A_4233 = vector.load %arg11[%get3A_4231, %get3A_4232] : memref<8192x1xf32, #tpu.memory_space<vmem>>, vector<8x1xf32>
    %add3A_4234 = vector.broadcast %get3A_4233 : vector<8x1xf32> to vector<8x512xf32>
    %add3A_4235 = arith.addf %get3A_13, %add3A_4234 : vector<8x512xf32>
    %sub3A_4236 = arith.subf %add3A_4235, %slice3A_4226 : vector<8x512xf32>
    %min3A_4237 = arith.minimumf %sub3A_4236, %min3A_4161 : vector<8x512xf32>
    %ne3A_4238 = arith.cmpf one, %min3A_4237, %min3A_4161 : vector<8x512xf32>
    %mul3A_4239 = arith.constant 256 : i32
    %mul3A_4240 = arith.muli %arg1, %mul3A_4239 : i32
    %add3A_4241 = arith.constant 219 : i32
    %add3A_4242 = arith.addi %mul3A_4240, %add3A_4241 : i32
    %broadcast_in_dim3A_4243 = vector.broadcast %add3A_4242 : i32 to vector<8x512xi32>
    %select_n3A_4244 = arith.select %ne3A_4238, %broadcast_in_dim3A_4243, %select_n3A_4168 : vector<8x512xi1>, vector<8x512xi32>
    %slice3A_4245 = vector.extract_strided_slice %dot_general3A_70 {offsets = [224, 0], sizes = [8, 512], strides = [1, 1]} : vector<512x512xf32> to vector<8x512xf32>
    %mul3A_4246 = arith.constant 2048 : i32
    %mul3A_4247 = arith.muli %arg1, %mul3A_4246 : i32
    %add3A_4248 = arith.constant 1760 : i32
    %add3A_4249 = arith.addi %mul3A_4247, %add3A_4248 : i32
    %get3A_4250 = arith.index_cast %add3A_4249 : i32 to index
    %get3A_4251 = arith.constant 0 : index
    %get3A_4252 = vector.load %arg11[%get3A_4250, %get3A_4251] : memref<8192x1xf32, #tpu.memory_space<vmem>>, vector<8x1xf32>
    %add3A_4253 = vector.broadcast %get3A_4252 : vector<8x1xf32> to vector<8x512xf32>
    %add3A_4254 = arith.addf %get3A_13, %add3A_4253 : vector<8x512xf32>
    %sub3A_4255 = arith.subf %add3A_4254, %slice3A_4245 : vector<8x512xf32>
    %min3A_4256 = arith.minimumf %sub3A_4255, %min3A_4180 : vector<8x512xf32>
    %ne3A_4257 = arith.cmpf one, %min3A_4256, %min3A_4180 : vector<8x512xf32>
    %mul3A_4258 = arith.constant 256 : i32
    %mul3A_4259 = arith.muli %arg1, %mul3A_4258 : i32
    %add3A_4260 = arith.constant 220 : i32
    %add3A_4261 = arith.addi %mul3A_4259, %add3A_4260 : i32
    %broadcast_in_dim3A_4262 = vector.broadcast %add3A_4261 : i32 to vector<8x512xi32>
    %select_n3A_4263 = arith.select %ne3A_4257, %broadcast_in_dim3A_4262, %select_n3A_4187 : vector<8x512xi1>, vector<8x512xi32>
    %slice3A_4264 = vector.extract_strided_slice %dot_general3A_70 {offsets = [232, 0], sizes = [8, 512], strides = [1, 1]} : vector<512x512xf32> to vector<8x512xf32>
    %mul3A_4265 = arith.constant 2048 : i32
    %mul3A_4266 = arith.muli %arg1, %mul3A_4265 : i32
    %add3A_4267 = arith.constant 1768 : i32
    %add3A_4268 = arith.addi %mul3A_4266, %add3A_4267 : i32
    %get3A_4269 = arith.index_cast %add3A_4268 : i32 to index
    %get3A_4270 = arith.constant 0 : index
    %get3A_4271 = vector.load %arg11[%get3A_4269, %get3A_4270] : memref<8192x1xf32, #tpu.memory_space<vmem>>, vector<8x1xf32>
    %add3A_4272 = vector.broadcast %get3A_4271 : vector<8x1xf32> to vector<8x512xf32>
    %add3A_4273 = arith.addf %get3A_13, %add3A_4272 : vector<8x512xf32>
    %sub3A_4274 = arith.subf %add3A_4273, %slice3A_4264 : vector<8x512xf32>
    %min3A_4275 = arith.minimumf %sub3A_4274, %min3A_4199 : vector<8x512xf32>
    %ne3A_4276 = arith.cmpf one, %min3A_4275, %min3A_4199 : vector<8x512xf32>
    %mul3A_4277 = arith.constant 256 : i32
    %mul3A_4278 = arith.muli %arg1, %mul3A_4277 : i32
    %add3A_4279 = arith.constant 221 : i32
    %add3A_4280 = arith.addi %mul3A_4278, %add3A_4279 : i32
    %broadcast_in_dim3A_4281 = vector.broadcast %add3A_4280 : i32 to vector<8x512xi32>
    %select_n3A_4282 = arith.select %ne3A_4276, %broadcast_in_dim3A_4281, %select_n3A_4206 : vector<8x512xi1>, vector<8x512xi32>
    %slice3A_4283 = vector.extract_strided_slice %dot_general3A_70 {offsets = [240, 0], sizes = [8, 512], strides = [1, 1]} : vector<512x512xf32> to vector<8x512xf32>
    %mul3A_4284 = arith.constant 2048 : i32
    %mul3A_4285 = arith.muli %arg1, %mul3A_4284 : i32
    %add3A_4286 = arith.constant 1776 : i32
    %add3A_4287 = arith.addi %mul3A_4285, %add3A_4286 : i32
    %get3A_4288 = arith.index_cast %add3A_4287 : i32 to index
    %get3A_4289 = arith.constant 0 : index
    %get3A_4290 = vector.load %arg11[%get3A_4288, %get3A_4289] : memref<8192x1xf32, #tpu.memory_space<vmem>>, vector<8x1xf32>
    %add3A_4291 = vector.broadcast %get3A_4290 : vector<8x1xf32> to vector<8x512xf32>
    %add3A_4292 = arith.addf %get3A_13, %add3A_4291 : vector<8x512xf32>
    %sub3A_4293 = arith.subf %add3A_4292, %slice3A_4283 : vector<8x512xf32>
    %min3A_4294 = arith.minimumf %sub3A_4293, %min3A_4218 : vector<8x512xf32>
    %ne3A_4295 = arith.cmpf one, %min3A_4294, %min3A_4218 : vector<8x512xf32>
    %mul3A_4296 = arith.constant 256 : i32
    %mul3A_4297 = arith.muli %arg1, %mul3A_4296 : i32
    %add3A_4298 = arith.constant 222 : i32
    %add3A_4299 = arith.addi %mul3A_4297, %add3A_4298 : i32
    %broadcast_in_dim3A_4300 = vector.broadcast %add3A_4299 : i32 to vector<8x512xi32>
    %select_n3A_4301 = arith.select %ne3A_4295, %broadcast_in_dim3A_4300, %select_n3A_4225 : vector<8x512xi1>, vector<8x512xi32>
    %slice3A_4302 = vector.extract_strided_slice %dot_general3A_70 {offsets = [248, 0], sizes = [8, 512], strides = [1, 1]} : vector<512x512xf32> to vector<8x512xf32>
    %mul3A_4303 = arith.constant 2048 : i32
    %mul3A_4304 = arith.muli %arg1, %mul3A_4303 : i32
    %add3A_4305 = arith.constant 1784 : i32
    %add3A_4306 = arith.addi %mul3A_4304, %add3A_4305 : i32
    %get3A_4307 = arith.index_cast %add3A_4306 : i32 to index
    %get3A_4308 = arith.constant 0 : index
    %get3A_4309 = vector.load %arg11[%get3A_4307, %get3A_4308] : memref<8192x1xf32, #tpu.memory_space<vmem>>, vector<8x1xf32>
    %add3A_4310 = vector.broadcast %get3A_4309 : vector<8x1xf32> to vector<8x512xf32>
    %add3A_4311 = arith.addf %get3A_13, %add3A_4310 : vector<8x512xf32>
    %sub3A_4312 = arith.subf %add3A_4311, %slice3A_4302 : vector<8x512xf32>
    %min3A_4313 = arith.minimumf %sub3A_4312, %min3A_4237 : vector<8x512xf32>
    %ne3A_4314 = arith.cmpf one, %min3A_4313, %min3A_4237 : vector<8x512xf32>
    %mul3A_4315 = arith.constant 256 : i32
    %mul3A_4316 = arith.muli %arg1, %mul3A_4315 : i32
    %add3A_4317 = arith.constant 223 : i32
    %add3A_4318 = arith.addi %mul3A_4316, %add3A_4317 : i32
    %broadcast_in_dim3A_4319 = vector.broadcast %add3A_4318 : i32 to vector<8x512xi32>
    %select_n3A_4320 = arith.select %ne3A_4314, %broadcast_in_dim3A_4319, %select_n3A_4244 : vector<8x512xi1>, vector<8x512xi32>
    %slice3A_4321 = vector.extract_strided_slice %dot_general3A_70 {offsets = [256, 0], sizes = [8, 512], strides = [1, 1]} : vector<512x512xf32> to vector<8x512xf32>
    %mul3A_4322 = arith.constant 2048 : i32
    %mul3A_4323 = arith.muli %arg1, %mul3A_4322 : i32
    %add3A_4324 = arith.constant 1792 : i32
    %add3A_4325 = arith.addi %mul3A_4323, %add3A_4324 : i32
    %get3A_4326 = arith.index_cast %add3A_4325 : i32 to index
    %get3A_4327 = arith.constant 0 : index
    %get3A_4328 = vector.load %arg11[%get3A_4326, %get3A_4327] : memref<8192x1xf32, #tpu.memory_space<vmem>>, vector<8x1xf32>
    %add3A_4329 = vector.broadcast %get3A_4328 : vector<8x1xf32> to vector<8x512xf32>
    %add3A_4330 = arith.addf %get3A_13, %add3A_4329 : vector<8x512xf32>
    %sub3A_4331 = arith.subf %add3A_4330, %slice3A_4321 : vector<8x512xf32>
    %min3A_4332 = arith.minimumf %sub3A_4331, %min3A_4256 : vector<8x512xf32>
    %ne3A_4333 = arith.cmpf one, %min3A_4332, %min3A_4256 : vector<8x512xf32>
    %mul3A_4334 = arith.constant 256 : i32
    %mul3A_4335 = arith.muli %arg1, %mul3A_4334 : i32
    %add3A_4336 = arith.constant 224 : i32
    %add3A_4337 = arith.addi %mul3A_4335, %add3A_4336 : i32
    %broadcast_in_dim3A_4338 = vector.broadcast %add3A_4337 : i32 to vector<8x512xi32>
    %select_n3A_4339 = arith.select %ne3A_4333, %broadcast_in_dim3A_4338, %select_n3A_4263 : vector<8x512xi1>, vector<8x512xi32>
    %slice3A_4340 = vector.extract_strided_slice %dot_general3A_70 {offsets = [264, 0], sizes = [8, 512], strides = [1, 1]} : vector<512x512xf32> to vector<8x512xf32>
    %mul3A_4341 = arith.constant 2048 : i32
    %mul3A_4342 = arith.muli %arg1, %mul3A_4341 : i32
    %add3A_4343 = arith.constant 1800 : i32
    %add3A_4344 = arith.addi %mul3A_4342, %add3A_4343 : i32
    %get3A_4345 = arith.index_cast %add3A_4344 : i32 to index
    %get3A_4346 = arith.constant 0 : index
    %get3A_4347 = vector.load %arg11[%get3A_4345, %get3A_4346] : memref<8192x1xf32, #tpu.memory_space<vmem>>, vector<8x1xf32>
    %add3A_4348 = vector.broadcast %get3A_4347 : vector<8x1xf32> to vector<8x512xf32>
    %add3A_4349 = arith.addf %get3A_13, %add3A_4348 : vector<8x512xf32>
    %sub3A_4350 = arith.subf %add3A_4349, %slice3A_4340 : vector<8x512xf32>
    %min3A_4351 = arith.minimumf %sub3A_4350, %min3A_4275 : vector<8x512xf32>
    %ne3A_4352 = arith.cmpf one, %min3A_4351, %min3A_4275 : vector<8x512xf32>
    %mul3A_4353 = arith.constant 256 : i32
    %mul3A_4354 = arith.muli %arg1, %mul3A_4353 : i32
    %add3A_4355 = arith.constant 225 : i32
    %add3A_4356 = arith.addi %mul3A_4354, %add3A_4355 : i32
    %broadcast_in_dim3A_4357 = vector.broadcast %add3A_4356 : i32 to vector<8x512xi32>
    %select_n3A_4358 = arith.select %ne3A_4352, %broadcast_in_dim3A_4357, %select_n3A_4282 : vector<8x512xi1>, vector<8x512xi32>
    %slice3A_4359 = vector.extract_strided_slice %dot_general3A_70 {offsets = [272, 0], sizes = [8, 512], strides = [1, 1]} : vector<512x512xf32> to vector<8x512xf32>
    %mul3A_4360 = arith.constant 2048 : i32
    %mul3A_4361 = arith.muli %arg1, %mul3A_4360 : i32
    %add3A_4362 = arith.constant 1808 : i32
    %add3A_4363 = arith.addi %mul3A_4361, %add3A_4362 : i32
    %get3A_4364 = arith.index_cast %add3A_4363 : i32 to index
    %get3A_4365 = arith.constant 0 : index
    %get3A_4366 = vector.load %arg11[%get3A_4364, %get3A_4365] : memref<8192x1xf32, #tpu.memory_space<vmem>>, vector<8x1xf32>
    %add3A_4367 = vector.broadcast %get3A_4366 : vector<8x1xf32> to vector<8x512xf32>
    %add3A_4368 = arith.addf %get3A_13, %add3A_4367 : vector<8x512xf32>
    %sub3A_4369 = arith.subf %add3A_4368, %slice3A_4359 : vector<8x512xf32>
    %min3A_4370 = arith.minimumf %sub3A_4369, %min3A_4294 : vector<8x512xf32>
    %ne3A_4371 = arith.cmpf one, %min3A_4370, %min3A_4294 : vector<8x512xf32>
    %mul3A_4372 = arith.constant 256 : i32
    %mul3A_4373 = arith.muli %arg1, %mul3A_4372 : i32
    %add3A_4374 = arith.constant 226 : i32
    %add3A_4375 = arith.addi %mul3A_4373, %add3A_4374 : i32
    %broadcast_in_dim3A_4376 = vector.broadcast %add3A_4375 : i32 to vector<8x512xi32>
    %select_n3A_4377 = arith.select %ne3A_4371, %broadcast_in_dim3A_4376, %select_n3A_4301 : vector<8x512xi1>, vector<8x512xi32>
    %slice3A_4378 = vector.extract_strided_slice %dot_general3A_70 {offsets = [280, 0], sizes = [8, 512], strides = [1, 1]} : vector<512x512xf32> to vector<8x512xf32>
    %mul3A_4379 = arith.constant 2048 : i32
    %mul3A_4380 = arith.muli %arg1, %mul3A_4379 : i32
    %add3A_4381 = arith.constant 1816 : i32
    %add3A_4382 = arith.addi %mul3A_4380, %add3A_4381 : i32
    %get3A_4383 = arith.index_cast %add3A_4382 : i32 to index
    %get3A_4384 = arith.constant 0 : index
    %get3A_4385 = vector.load %arg11[%get3A_4383, %get3A_4384] : memref<8192x1xf32, #tpu.memory_space<vmem>>, vector<8x1xf32>
    %add3A_4386 = vector.broadcast %get3A_4385 : vector<8x1xf32> to vector<8x512xf32>
    %add3A_4387 = arith.addf %get3A_13, %add3A_4386 : vector<8x512xf32>
    %sub3A_4388 = arith.subf %add3A_4387, %slice3A_4378 : vector<8x512xf32>
    %min3A_4389 = arith.minimumf %sub3A_4388, %min3A_4313 : vector<8x512xf32>
    %ne3A_4390 = arith.cmpf one, %min3A_4389, %min3A_4313 : vector<8x512xf32>
    %mul3A_4391 = arith.constant 256 : i32
    %mul3A_4392 = arith.muli %arg1, %mul3A_4391 : i32
    %add3A_4393 = arith.constant 227 : i32
    %add3A_4394 = arith.addi %mul3A_4392, %add3A_4393 : i32
    %broadcast_in_dim3A_4395 = vector.broadcast %add3A_4394 : i32 to vector<8x512xi32>
    %select_n3A_4396 = arith.select %ne3A_4390, %broadcast_in_dim3A_4395, %select_n3A_4320 : vector<8x512xi1>, vector<8x512xi32>
    %slice3A_4397 = vector.extract_strided_slice %dot_general3A_70 {offsets = [288, 0], sizes = [8, 512], strides = [1, 1]} : vector<512x512xf32> to vector<8x512xf32>
    %mul3A_4398 = arith.constant 2048 : i32
    %mul3A_4399 = arith.muli %arg1, %mul3A_4398 : i32
    %add3A_4400 = arith.constant 1824 : i32
    %add3A_4401 = arith.addi %mul3A_4399, %add3A_4400 : i32
    %get3A_4402 = arith.index_cast %add3A_4401 : i32 to index
    %get3A_4403 = arith.constant 0 : index
    %get3A_4404 = vector.load %arg11[%get3A_4402, %get3A_4403] : memref<8192x1xf32, #tpu.memory_space<vmem>>, vector<8x1xf32>
    %add3A_4405 = vector.broadcast %get3A_4404 : vector<8x1xf32> to vector<8x512xf32>
    %add3A_4406 = arith.addf %get3A_13, %add3A_4405 : vector<8x512xf32>
    %sub3A_4407 = arith.subf %add3A_4406, %slice3A_4397 : vector<8x512xf32>
    %min3A_4408 = arith.minimumf %sub3A_4407, %min3A_4332 : vector<8x512xf32>
    %ne3A_4409 = arith.cmpf one, %min3A_4408, %min3A_4332 : vector<8x512xf32>
    %mul3A_4410 = arith.constant 256 : i32
    %mul3A_4411 = arith.muli %arg1, %mul3A_4410 : i32
    %add3A_4412 = arith.constant 228 : i32
    %add3A_4413 = arith.addi %mul3A_4411, %add3A_4412 : i32
    %broadcast_in_dim3A_4414 = vector.broadcast %add3A_4413 : i32 to vector<8x512xi32>
    %select_n3A_4415 = arith.select %ne3A_4409, %broadcast_in_dim3A_4414, %select_n3A_4339 : vector<8x512xi1>, vector<8x512xi32>
    %slice3A_4416 = vector.extract_strided_slice %dot_general3A_70 {offsets = [296, 0], sizes = [8, 512], strides = [1, 1]} : vector<512x512xf32> to vector<8x512xf32>
    %mul3A_4417 = arith.constant 2048 : i32
    %mul3A_4418 = arith.muli %arg1, %mul3A_4417 : i32
    %add3A_4419 = arith.constant 1832 : i32
    %add3A_4420 = arith.addi %mul3A_4418, %add3A_4419 : i32
    %get3A_4421 = arith.index_cast %add3A_4420 : i32 to index
    %get3A_4422 = arith.constant 0 : index
    %get3A_4423 = vector.load %arg11[%get3A_4421, %get3A_4422] : memref<8192x1xf32, #tpu.memory_space<vmem>>, vector<8x1xf32>
    %add3A_4424 = vector.broadcast %get3A_4423 : vector<8x1xf32> to vector<8x512xf32>
    %add3A_4425 = arith.addf %get3A_13, %add3A_4424 : vector<8x512xf32>
    %sub3A_4426 = arith.subf %add3A_4425, %slice3A_4416 : vector<8x512xf32>
    %min3A_4427 = arith.minimumf %sub3A_4426, %min3A_4351 : vector<8x512xf32>
    %ne3A_4428 = arith.cmpf one, %min3A_4427, %min3A_4351 : vector<8x512xf32>
    %mul3A_4429 = arith.constant 256 : i32
    %mul3A_4430 = arith.muli %arg1, %mul3A_4429 : i32
    %add3A_4431 = arith.constant 229 : i32
    %add3A_4432 = arith.addi %mul3A_4430, %add3A_4431 : i32
    %broadcast_in_dim3A_4433 = vector.broadcast %add3A_4432 : i32 to vector<8x512xi32>
    %select_n3A_4434 = arith.select %ne3A_4428, %broadcast_in_dim3A_4433, %select_n3A_4358 : vector<8x512xi1>, vector<8x512xi32>
    %slice3A_4435 = vector.extract_strided_slice %dot_general3A_70 {offsets = [304, 0], sizes = [8, 512], strides = [1, 1]} : vector<512x512xf32> to vector<8x512xf32>
    %mul3A_4436 = arith.constant 2048 : i32
    %mul3A_4437 = arith.muli %arg1, %mul3A_4436 : i32
    %add3A_4438 = arith.constant 1840 : i32
    %add3A_4439 = arith.addi %mul3A_4437, %add3A_4438 : i32
    %get3A_4440 = arith.index_cast %add3A_4439 : i32 to index
    %get3A_4441 = arith.constant 0 : index
    %get3A_4442 = vector.load %arg11[%get3A_4440, %get3A_4441] : memref<8192x1xf32, #tpu.memory_space<vmem>>, vector<8x1xf32>
    %add3A_4443 = vector.broadcast %get3A_4442 : vector<8x1xf32> to vector<8x512xf32>
    %add3A_4444 = arith.addf %get3A_13, %add3A_4443 : vector<8x512xf32>
    %sub3A_4445 = arith.subf %add3A_4444, %slice3A_4435 : vector<8x512xf32>
    %min3A_4446 = arith.minimumf %sub3A_4445, %min3A_4370 : vector<8x512xf32>
    %ne3A_4447 = arith.cmpf one, %min3A_4446, %min3A_4370 : vector<8x512xf32>
    %mul3A_4448 = arith.constant 256 : i32
    %mul3A_4449 = arith.muli %arg1, %mul3A_4448 : i32
    %add3A_4450 = arith.constant 230 : i32
    %add3A_4451 = arith.addi %mul3A_4449, %add3A_4450 : i32
    %broadcast_in_dim3A_4452 = vector.broadcast %add3A_4451 : i32 to vector<8x512xi32>
    %select_n3A_4453 = arith.select %ne3A_4447, %broadcast_in_dim3A_4452, %select_n3A_4377 : vector<8x512xi1>, vector<8x512xi32>
    %slice3A_4454 = vector.extract_strided_slice %dot_general3A_70 {offsets = [312, 0], sizes = [8, 512], strides = [1, 1]} : vector<512x512xf32> to vector<8x512xf32>
    %mul3A_4455 = arith.constant 2048 : i32
    %mul3A_4456 = arith.muli %arg1, %mul3A_4455 : i32
    %add3A_4457 = arith.constant 1848 : i32
    %add3A_4458 = arith.addi %mul3A_4456, %add3A_4457 : i32
    %get3A_4459 = arith.index_cast %add3A_4458 : i32 to index
    %get3A_4460 = arith.constant 0 : index
    %get3A_4461 = vector.load %arg11[%get3A_4459, %get3A_4460] : memref<8192x1xf32, #tpu.memory_space<vmem>>, vector<8x1xf32>
    %add3A_4462 = vector.broadcast %get3A_4461 : vector<8x1xf32> to vector<8x512xf32>
    %add3A_4463 = arith.addf %get3A_13, %add3A_4462 : vector<8x512xf32>
    %sub3A_4464 = arith.subf %add3A_4463, %slice3A_4454 : vector<8x512xf32>
    %min3A_4465 = arith.minimumf %sub3A_4464, %min3A_4389 : vector<8x512xf32>
    %ne3A_4466 = arith.cmpf one, %min3A_4465, %min3A_4389 : vector<8x512xf32>
    %mul3A_4467 = arith.constant 256 : i32
    %mul3A_4468 = arith.muli %arg1, %mul3A_4467 : i32
    %add3A_4469 = arith.constant 231 : i32
    %add3A_4470 = arith.addi %mul3A_4468, %add3A_4469 : i32
    %broadcast_in_dim3A_4471 = vector.broadcast %add3A_4470 : i32 to vector<8x512xi32>
    %select_n3A_4472 = arith.select %ne3A_4466, %broadcast_in_dim3A_4471, %select_n3A_4396 : vector<8x512xi1>, vector<8x512xi32>
    %slice3A_4473 = vector.extract_strided_slice %dot_general3A_70 {offsets = [320, 0], sizes = [8, 512], strides = [1, 1]} : vector<512x512xf32> to vector<8x512xf32>
    %mul3A_4474 = arith.constant 2048 : i32
    %mul3A_4475 = arith.muli %arg1, %mul3A_4474 : i32
    %add3A_4476 = arith.constant 1856 : i32
    %add3A_4477 = arith.addi %mul3A_4475, %add3A_4476 : i32
    %get3A_4478 = arith.index_cast %add3A_4477 : i32 to index
    %get3A_4479 = arith.constant 0 : index
    %get3A_4480 = vector.load %arg11[%get3A_4478, %get3A_4479] : memref<8192x1xf32, #tpu.memory_space<vmem>>, vector<8x1xf32>
    %add3A_4481 = vector.broadcast %get3A_4480 : vector<8x1xf32> to vector<8x512xf32>
    %add3A_4482 = arith.addf %get3A_13, %add3A_4481 : vector<8x512xf32>
    %sub3A_4483 = arith.subf %add3A_4482, %slice3A_4473 : vector<8x512xf32>
    %min3A_4484 = arith.minimumf %sub3A_4483, %min3A_4408 : vector<8x512xf32>
    %ne3A_4485 = arith.cmpf one, %min3A_4484, %min3A_4408 : vector<8x512xf32>
    %mul3A_4486 = arith.constant 256 : i32
    %mul3A_4487 = arith.muli %arg1, %mul3A_4486 : i32
    %add3A_4488 = arith.constant 232 : i32
    %add3A_4489 = arith.addi %mul3A_4487, %add3A_4488 : i32
    %broadcast_in_dim3A_4490 = vector.broadcast %add3A_4489 : i32 to vector<8x512xi32>
    %select_n3A_4491 = arith.select %ne3A_4485, %broadcast_in_dim3A_4490, %select_n3A_4415 : vector<8x512xi1>, vector<8x512xi32>
    %slice3A_4492 = vector.extract_strided_slice %dot_general3A_70 {offsets = [328, 0], sizes = [8, 512], strides = [1, 1]} : vector<512x512xf32> to vector<8x512xf32>
    %mul3A_4493 = arith.constant 2048 : i32
    %mul3A_4494 = arith.muli %arg1, %mul3A_4493 : i32
    %add3A_4495 = arith.constant 1864 : i32
    %add3A_4496 = arith.addi %mul3A_4494, %add3A_4495 : i32
    %get3A_4497 = arith.index_cast %add3A_4496 : i32 to index
    %get3A_4498 = arith.constant 0 : index
    %get3A_4499 = vector.load %arg11[%get3A_4497, %get3A_4498] : memref<8192x1xf32, #tpu.memory_space<vmem>>, vector<8x1xf32>
    %add3A_4500 = vector.broadcast %get3A_4499 : vector<8x1xf32> to vector<8x512xf32>
    %add3A_4501 = arith.addf %get3A_13, %add3A_4500 : vector<8x512xf32>
    %sub3A_4502 = arith.subf %add3A_4501, %slice3A_4492 : vector<8x512xf32>
    %min3A_4503 = arith.minimumf %sub3A_4502, %min3A_4427 : vector<8x512xf32>
    %ne3A_4504 = arith.cmpf one, %min3A_4503, %min3A_4427 : vector<8x512xf32>
    %mul3A_4505 = arith.constant 256 : i32
    %mul3A_4506 = arith.muli %arg1, %mul3A_4505 : i32
    %add3A_4507 = arith.constant 233 : i32
    %add3A_4508 = arith.addi %mul3A_4506, %add3A_4507 : i32
    %broadcast_in_dim3A_4509 = vector.broadcast %add3A_4508 : i32 to vector<8x512xi32>
    %select_n3A_4510 = arith.select %ne3A_4504, %broadcast_in_dim3A_4509, %select_n3A_4434 : vector<8x512xi1>, vector<8x512xi32>
    %slice3A_4511 = vector.extract_strided_slice %dot_general3A_70 {offsets = [336, 0], sizes = [8, 512], strides = [1, 1]} : vector<512x512xf32> to vector<8x512xf32>
    %mul3A_4512 = arith.constant 2048 : i32
    %mul3A_4513 = arith.muli %arg1, %mul3A_4512 : i32
    %add3A_4514 = arith.constant 1872 : i32
    %add3A_4515 = arith.addi %mul3A_4513, %add3A_4514 : i32
    %get3A_4516 = arith.index_cast %add3A_4515 : i32 to index
    %get3A_4517 = arith.constant 0 : index
    %get3A_4518 = vector.load %arg11[%get3A_4516, %get3A_4517] : memref<8192x1xf32, #tpu.memory_space<vmem>>, vector<8x1xf32>
    %add3A_4519 = vector.broadcast %get3A_4518 : vector<8x1xf32> to vector<8x512xf32>
    %add3A_4520 = arith.addf %get3A_13, %add3A_4519 : vector<8x512xf32>
    %sub3A_4521 = arith.subf %add3A_4520, %slice3A_4511 : vector<8x512xf32>
    %min3A_4522 = arith.minimumf %sub3A_4521, %min3A_4446 : vector<8x512xf32>
    %ne3A_4523 = arith.cmpf one, %min3A_4522, %min3A_4446 : vector<8x512xf32>
    %mul3A_4524 = arith.constant 256 : i32
    %mul3A_4525 = arith.muli %arg1, %mul3A_4524 : i32
    %add3A_4526 = arith.constant 234 : i32
    %add3A_4527 = arith.addi %mul3A_4525, %add3A_4526 : i32
    %broadcast_in_dim3A_4528 = vector.broadcast %add3A_4527 : i32 to vector<8x512xi32>
    %select_n3A_4529 = arith.select %ne3A_4523, %broadcast_in_dim3A_4528, %select_n3A_4453 : vector<8x512xi1>, vector<8x512xi32>
    %slice3A_4530 = vector.extract_strided_slice %dot_general3A_70 {offsets = [344, 0], sizes = [8, 512], strides = [1, 1]} : vector<512x512xf32> to vector<8x512xf32>
    %mul3A_4531 = arith.constant 2048 : i32
    %mul3A_4532 = arith.muli %arg1, %mul3A_4531 : i32
    %add3A_4533 = arith.constant 1880 : i32
    %add3A_4534 = arith.addi %mul3A_4532, %add3A_4533 : i32
    %get3A_4535 = arith.index_cast %add3A_4534 : i32 to index
    %get3A_4536 = arith.constant 0 : index
    %get3A_4537 = vector.load %arg11[%get3A_4535, %get3A_4536] : memref<8192x1xf32, #tpu.memory_space<vmem>>, vector<8x1xf32>
    %add3A_4538 = vector.broadcast %get3A_4537 : vector<8x1xf32> to vector<8x512xf32>
    %add3A_4539 = arith.addf %get3A_13, %add3A_4538 : vector<8x512xf32>
    %sub3A_4540 = arith.subf %add3A_4539, %slice3A_4530 : vector<8x512xf32>
    %min3A_4541 = arith.minimumf %sub3A_4540, %min3A_4465 : vector<8x512xf32>
    %ne3A_4542 = arith.cmpf one, %min3A_4541, %min3A_4465 : vector<8x512xf32>
    %mul3A_4543 = arith.constant 256 : i32
    %mul3A_4544 = arith.muli %arg1, %mul3A_4543 : i32
    %add3A_4545 = arith.constant 235 : i32
    %add3A_4546 = arith.addi %mul3A_4544, %add3A_4545 : i32
    %broadcast_in_dim3A_4547 = vector.broadcast %add3A_4546 : i32 to vector<8x512xi32>
    %select_n3A_4548 = arith.select %ne3A_4542, %broadcast_in_dim3A_4547, %select_n3A_4472 : vector<8x512xi1>, vector<8x512xi32>
    %slice3A_4549 = vector.extract_strided_slice %dot_general3A_70 {offsets = [352, 0], sizes = [8, 512], strides = [1, 1]} : vector<512x512xf32> to vector<8x512xf32>
    %mul3A_4550 = arith.constant 2048 : i32
    %mul3A_4551 = arith.muli %arg1, %mul3A_4550 : i32
    %add3A_4552 = arith.constant 1888 : i32
    %add3A_4553 = arith.addi %mul3A_4551, %add3A_4552 : i32
    %get3A_4554 = arith.index_cast %add3A_4553 : i32 to index
    %get3A_4555 = arith.constant 0 : index
    %get3A_4556 = vector.load %arg11[%get3A_4554, %get3A_4555] : memref<8192x1xf32, #tpu.memory_space<vmem>>, vector<8x1xf32>
    %add3A_4557 = vector.broadcast %get3A_4556 : vector<8x1xf32> to vector<8x512xf32>
    %add3A_4558 = arith.addf %get3A_13, %add3A_4557 : vector<8x512xf32>
    %sub3A_4559 = arith.subf %add3A_4558, %slice3A_4549 : vector<8x512xf32>
    %min3A_4560 = arith.minimumf %sub3A_4559, %min3A_4484 : vector<8x512xf32>
    %ne3A_4561 = arith.cmpf one, %min3A_4560, %min3A_4484 : vector<8x512xf32>
    %mul3A_4562 = arith.constant 256 : i32
    %mul3A_4563 = arith.muli %arg1, %mul3A_4562 : i32
    %add3A_4564 = arith.constant 236 : i32
    %add3A_4565 = arith.addi %mul3A_4563, %add3A_4564 : i32
    %broadcast_in_dim3A_4566 = vector.broadcast %add3A_4565 : i32 to vector<8x512xi32>
    %select_n3A_4567 = arith.select %ne3A_4561, %broadcast_in_dim3A_4566, %select_n3A_4491 : vector<8x512xi1>, vector<8x512xi32>
    %slice3A_4568 = vector.extract_strided_slice %dot_general3A_70 {offsets = [360, 0], sizes = [8, 512], strides = [1, 1]} : vector<512x512xf32> to vector<8x512xf32>
    %mul3A_4569 = arith.constant 2048 : i32
    %mul3A_4570 = arith.muli %arg1, %mul3A_4569 : i32
    %add3A_4571 = arith.constant 1896 : i32
    %add3A_4572 = arith.addi %mul3A_4570, %add3A_4571 : i32
    %get3A_4573 = arith.index_cast %add3A_4572 : i32 to index
    %get3A_4574 = arith.constant 0 : index
    %get3A_4575 = vector.load %arg11[%get3A_4573, %get3A_4574] : memref<8192x1xf32, #tpu.memory_space<vmem>>, vector<8x1xf32>
    %add3A_4576 = vector.broadcast %get3A_4575 : vector<8x1xf32> to vector<8x512xf32>
    %add3A_4577 = arith.addf %get3A_13, %add3A_4576 : vector<8x512xf32>
    %sub3A_4578 = arith.subf %add3A_4577, %slice3A_4568 : vector<8x512xf32>
    %min3A_4579 = arith.minimumf %sub3A_4578, %min3A_4503 : vector<8x512xf32>
    %ne3A_4580 = arith.cmpf one, %min3A_4579, %min3A_4503 : vector<8x512xf32>
    %mul3A_4581 = arith.constant 256 : i32
    %mul3A_4582 = arith.muli %arg1, %mul3A_4581 : i32
    %add3A_4583 = arith.constant 237 : i32
    %add3A_4584 = arith.addi %mul3A_4582, %add3A_4583 : i32
    %broadcast_in_dim3A_4585 = vector.broadcast %add3A_4584 : i32 to vector<8x512xi32>
    %select_n3A_4586 = arith.select %ne3A_4580, %broadcast_in_dim3A_4585, %select_n3A_4510 : vector<8x512xi1>, vector<8x512xi32>
    %slice3A_4587 = vector.extract_strided_slice %dot_general3A_70 {offsets = [368, 0], sizes = [8, 512], strides = [1, 1]} : vector<512x512xf32> to vector<8x512xf32>
    %mul3A_4588 = arith.constant 2048 : i32
    %mul3A_4589 = arith.muli %arg1, %mul3A_4588 : i32
    %add3A_4590 = arith.constant 1904 : i32
    %add3A_4591 = arith.addi %mul3A_4589, %add3A_4590 : i32
    %get3A_4592 = arith.index_cast %add3A_4591 : i32 to index
    %get3A_4593 = arith.constant 0 : index
    %get3A_4594 = vector.load %arg11[%get3A_4592, %get3A_4593] : memref<8192x1xf32, #tpu.memory_space<vmem>>, vector<8x1xf32>
    %add3A_4595 = vector.broadcast %get3A_4594 : vector<8x1xf32> to vector<8x512xf32>
    %add3A_4596 = arith.addf %get3A_13, %add3A_4595 : vector<8x512xf32>
    %sub3A_4597 = arith.subf %add3A_4596, %slice3A_4587 : vector<8x512xf32>
    %min3A_4598 = arith.minimumf %sub3A_4597, %min3A_4522 : vector<8x512xf32>
    %ne3A_4599 = arith.cmpf one, %min3A_4598, %min3A_4522 : vector<8x512xf32>
    %mul3A_4600 = arith.constant 256 : i32
    %mul3A_4601 = arith.muli %arg1, %mul3A_4600 : i32
    %add3A_4602 = arith.constant 238 : i32
    %add3A_4603 = arith.addi %mul3A_4601, %add3A_4602 : i32
    %broadcast_in_dim3A_4604 = vector.broadcast %add3A_4603 : i32 to vector<8x512xi32>
    %select_n3A_4605 = arith.select %ne3A_4599, %broadcast_in_dim3A_4604, %select_n3A_4529 : vector<8x512xi1>, vector<8x512xi32>
    %slice3A_4606 = vector.extract_strided_slice %dot_general3A_70 {offsets = [376, 0], sizes = [8, 512], strides = [1, 1]} : vector<512x512xf32> to vector<8x512xf32>
    %mul3A_4607 = arith.constant 2048 : i32
    %mul3A_4608 = arith.muli %arg1, %mul3A_4607 : i32
    %add3A_4609 = arith.constant 1912 : i32
    %add3A_4610 = arith.addi %mul3A_4608, %add3A_4609 : i32
    %get3A_4611 = arith.index_cast %add3A_4610 : i32 to index
    %get3A_4612 = arith.constant 0 : index
    %get3A_4613 = vector.load %arg11[%get3A_4611, %get3A_4612] : memref<8192x1xf32, #tpu.memory_space<vmem>>, vector<8x1xf32>
    %add3A_4614 = vector.broadcast %get3A_4613 : vector<8x1xf32> to vector<8x512xf32>
    %add3A_4615 = arith.addf %get3A_13, %add3A_4614 : vector<8x512xf32>
    %sub3A_4616 = arith.subf %add3A_4615, %slice3A_4606 : vector<8x512xf32>
    %min3A_4617 = arith.minimumf %sub3A_4616, %min3A_4541 : vector<8x512xf32>
    %ne3A_4618 = arith.cmpf one, %min3A_4617, %min3A_4541 : vector<8x512xf32>
    %mul3A_4619 = arith.constant 256 : i32
    %mul3A_4620 = arith.muli %arg1, %mul3A_4619 : i32
    %add3A_4621 = arith.constant 239 : i32
    %add3A_4622 = arith.addi %mul3A_4620, %add3A_4621 : i32
    %broadcast_in_dim3A_4623 = vector.broadcast %add3A_4622 : i32 to vector<8x512xi32>
    %select_n3A_4624 = arith.select %ne3A_4618, %broadcast_in_dim3A_4623, %select_n3A_4548 : vector<8x512xi1>, vector<8x512xi32>
    %slice3A_4625 = vector.extract_strided_slice %dot_general3A_70 {offsets = [384, 0], sizes = [8, 512], strides = [1, 1]} : vector<512x512xf32> to vector<8x512xf32>
    %mul3A_4626 = arith.constant 2048 : i32
    %mul3A_4627 = arith.muli %arg1, %mul3A_4626 : i32
    %add3A_4628 = arith.constant 1920 : i32
    %add3A_4629 = arith.addi %mul3A_4627, %add3A_4628 : i32
    %get3A_4630 = arith.index_cast %add3A_4629 : i32 to index
    %get3A_4631 = arith.constant 0 : index
    %get3A_4632 = vector.load %arg11[%get3A_4630, %get3A_4631] : memref<8192x1xf32, #tpu.memory_space<vmem>>, vector<8x1xf32>
    %add3A_4633 = vector.broadcast %get3A_4632 : vector<8x1xf32> to vector<8x512xf32>
    %add3A_4634 = arith.addf %get3A_13, %add3A_4633 : vector<8x512xf32>
    %sub3A_4635 = arith.subf %add3A_4634, %slice3A_4625 : vector<8x512xf32>
    %min3A_4636 = arith.minimumf %sub3A_4635, %min3A_4560 : vector<8x512xf32>
    %ne3A_4637 = arith.cmpf one, %min3A_4636, %min3A_4560 : vector<8x512xf32>
    %mul3A_4638 = arith.constant 256 : i32
    %mul3A_4639 = arith.muli %arg1, %mul3A_4638 : i32
    %add3A_4640 = arith.constant 240 : i32
    %add3A_4641 = arith.addi %mul3A_4639, %add3A_4640 : i32
    %broadcast_in_dim3A_4642 = vector.broadcast %add3A_4641 : i32 to vector<8x512xi32>
    %select_n3A_4643 = arith.select %ne3A_4637, %broadcast_in_dim3A_4642, %select_n3A_4567 : vector<8x512xi1>, vector<8x512xi32>
    %slice3A_4644 = vector.extract_strided_slice %dot_general3A_70 {offsets = [392, 0], sizes = [8, 512], strides = [1, 1]} : vector<512x512xf32> to vector<8x512xf32>
    %mul3A_4645 = arith.constant 2048 : i32
    %mul3A_4646 = arith.muli %arg1, %mul3A_4645 : i32
    %add3A_4647 = arith.constant 1928 : i32
    %add3A_4648 = arith.addi %mul3A_4646, %add3A_4647 : i32
    %get3A_4649 = arith.index_cast %add3A_4648 : i32 to index
    %get3A_4650 = arith.constant 0 : index
    %get3A_4651 = vector.load %arg11[%get3A_4649, %get3A_4650] : memref<8192x1xf32, #tpu.memory_space<vmem>>, vector<8x1xf32>
    %add3A_4652 = vector.broadcast %get3A_4651 : vector<8x1xf32> to vector<8x512xf32>
    %add3A_4653 = arith.addf %get3A_13, %add3A_4652 : vector<8x512xf32>
    %sub3A_4654 = arith.subf %add3A_4653, %slice3A_4644 : vector<8x512xf32>
    %min3A_4655 = arith.minimumf %sub3A_4654, %min3A_4579 : vector<8x512xf32>
    %ne3A_4656 = arith.cmpf one, %min3A_4655, %min3A_4579 : vector<8x512xf32>
    %mul3A_4657 = arith.constant 256 : i32
    %mul3A_4658 = arith.muli %arg1, %mul3A_4657 : i32
    %add3A_4659 = arith.constant 241 : i32
    %add3A_4660 = arith.addi %mul3A_4658, %add3A_4659 : i32
    %broadcast_in_dim3A_4661 = vector.broadcast %add3A_4660 : i32 to vector<8x512xi32>
    %select_n3A_4662 = arith.select %ne3A_4656, %broadcast_in_dim3A_4661, %select_n3A_4586 : vector<8x512xi1>, vector<8x512xi32>
    %slice3A_4663 = vector.extract_strided_slice %dot_general3A_70 {offsets = [400, 0], sizes = [8, 512], strides = [1, 1]} : vector<512x512xf32> to vector<8x512xf32>
    %mul3A_4664 = arith.constant 2048 : i32
    %mul3A_4665 = arith.muli %arg1, %mul3A_4664 : i32
    %add3A_4666 = arith.constant 1936 : i32
    %add3A_4667 = arith.addi %mul3A_4665, %add3A_4666 : i32
    %get3A_4668 = arith.index_cast %add3A_4667 : i32 to index
    %get3A_4669 = arith.constant 0 : index
    %get3A_4670 = vector.load %arg11[%get3A_4668, %get3A_4669] : memref<8192x1xf32, #tpu.memory_space<vmem>>, vector<8x1xf32>
    %add3A_4671 = vector.broadcast %get3A_4670 : vector<8x1xf32> to vector<8x512xf32>
    %add3A_4672 = arith.addf %get3A_13, %add3A_4671 : vector<8x512xf32>
    %sub3A_4673 = arith.subf %add3A_4672, %slice3A_4663 : vector<8x512xf32>
    %min3A_4674 = arith.minimumf %sub3A_4673, %min3A_4598 : vector<8x512xf32>
    %ne3A_4675 = arith.cmpf one, %min3A_4674, %min3A_4598 : vector<8x512xf32>
    %mul3A_4676 = arith.constant 256 : i32
    %mul3A_4677 = arith.muli %arg1, %mul3A_4676 : i32
    %add3A_4678 = arith.constant 242 : i32
    %add3A_4679 = arith.addi %mul3A_4677, %add3A_4678 : i32
    %broadcast_in_dim3A_4680 = vector.broadcast %add3A_4679 : i32 to vector<8x512xi32>
    %select_n3A_4681 = arith.select %ne3A_4675, %broadcast_in_dim3A_4680, %select_n3A_4605 : vector<8x512xi1>, vector<8x512xi32>
    %slice3A_4682 = vector.extract_strided_slice %dot_general3A_70 {offsets = [408, 0], sizes = [8, 512], strides = [1, 1]} : vector<512x512xf32> to vector<8x512xf32>
    %mul3A_4683 = arith.constant 2048 : i32
    %mul3A_4684 = arith.muli %arg1, %mul3A_4683 : i32
    %add3A_4685 = arith.constant 1944 : i32
    %add3A_4686 = arith.addi %mul3A_4684, %add3A_4685 : i32
    %get3A_4687 = arith.index_cast %add3A_4686 : i32 to index
    %get3A_4688 = arith.constant 0 : index
    %get3A_4689 = vector.load %arg11[%get3A_4687, %get3A_4688] : memref<8192x1xf32, #tpu.memory_space<vmem>>, vector<8x1xf32>
    %add3A_4690 = vector.broadcast %get3A_4689 : vector<8x1xf32> to vector<8x512xf32>
    %add3A_4691 = arith.addf %get3A_13, %add3A_4690 : vector<8x512xf32>
    %sub3A_4692 = arith.subf %add3A_4691, %slice3A_4682 : vector<8x512xf32>
    %min3A_4693 = arith.minimumf %sub3A_4692, %min3A_4617 : vector<8x512xf32>
    %ne3A_4694 = arith.cmpf one, %min3A_4693, %min3A_4617 : vector<8x512xf32>
    %mul3A_4695 = arith.constant 256 : i32
    %mul3A_4696 = arith.muli %arg1, %mul3A_4695 : i32
    %add3A_4697 = arith.constant 243 : i32
    %add3A_4698 = arith.addi %mul3A_4696, %add3A_4697 : i32
    %broadcast_in_dim3A_4699 = vector.broadcast %add3A_4698 : i32 to vector<8x512xi32>
    %select_n3A_4700 = arith.select %ne3A_4694, %broadcast_in_dim3A_4699, %select_n3A_4624 : vector<8x512xi1>, vector<8x512xi32>
    %slice3A_4701 = vector.extract_strided_slice %dot_general3A_70 {offsets = [416, 0], sizes = [8, 512], strides = [1, 1]} : vector<512x512xf32> to vector<8x512xf32>
    %mul3A_4702 = arith.constant 2048 : i32
    %mul3A_4703 = arith.muli %arg1, %mul3A_4702 : i32
    %add3A_4704 = arith.constant 1952 : i32
    %add3A_4705 = arith.addi %mul3A_4703, %add3A_4704 : i32
    %get3A_4706 = arith.index_cast %add3A_4705 : i32 to index
    %get3A_4707 = arith.constant 0 : index
    %get3A_4708 = vector.load %arg11[%get3A_4706, %get3A_4707] : memref<8192x1xf32, #tpu.memory_space<vmem>>, vector<8x1xf32>
    %add3A_4709 = vector.broadcast %get3A_4708 : vector<8x1xf32> to vector<8x512xf32>
    %add3A_4710 = arith.addf %get3A_13, %add3A_4709 : vector<8x512xf32>
    %sub3A_4711 = arith.subf %add3A_4710, %slice3A_4701 : vector<8x512xf32>
    %min3A_4712 = arith.minimumf %sub3A_4711, %min3A_4636 : vector<8x512xf32>
    %ne3A_4713 = arith.cmpf one, %min3A_4712, %min3A_4636 : vector<8x512xf32>
    %mul3A_4714 = arith.constant 256 : i32
    %mul3A_4715 = arith.muli %arg1, %mul3A_4714 : i32
    %add3A_4716 = arith.constant 244 : i32
    %add3A_4717 = arith.addi %mul3A_4715, %add3A_4716 : i32
    %broadcast_in_dim3A_4718 = vector.broadcast %add3A_4717 : i32 to vector<8x512xi32>
    %select_n3A_4719 = arith.select %ne3A_4713, %broadcast_in_dim3A_4718, %select_n3A_4643 : vector<8x512xi1>, vector<8x512xi32>
    %slice3A_4720 = vector.extract_strided_slice %dot_general3A_70 {offsets = [424, 0], sizes = [8, 512], strides = [1, 1]} : vector<512x512xf32> to vector<8x512xf32>
    %mul3A_4721 = arith.constant 2048 : i32
    %mul3A_4722 = arith.muli %arg1, %mul3A_4721 : i32
    %add3A_4723 = arith.constant 1960 : i32
    %add3A_4724 = arith.addi %mul3A_4722, %add3A_4723 : i32
    %get3A_4725 = arith.index_cast %add3A_4724 : i32 to index
    %get3A_4726 = arith.constant 0 : index
    %get3A_4727 = vector.load %arg11[%get3A_4725, %get3A_4726] : memref<8192x1xf32, #tpu.memory_space<vmem>>, vector<8x1xf32>
    %add3A_4728 = vector.broadcast %get3A_4727 : vector<8x1xf32> to vector<8x512xf32>
    %add3A_4729 = arith.addf %get3A_13, %add3A_4728 : vector<8x512xf32>
    %sub3A_4730 = arith.subf %add3A_4729, %slice3A_4720 : vector<8x512xf32>
    %min3A_4731 = arith.minimumf %sub3A_4730, %min3A_4655 : vector<8x512xf32>
    %ne3A_4732 = arith.cmpf one, %min3A_4731, %min3A_4655 : vector<8x512xf32>
    %mul3A_4733 = arith.constant 256 : i32
    %mul3A_4734 = arith.muli %arg1, %mul3A_4733 : i32
    %add3A_4735 = arith.constant 245 : i32
    %add3A_4736 = arith.addi %mul3A_4734, %add3A_4735 : i32
    %broadcast_in_dim3A_4737 = vector.broadcast %add3A_4736 : i32 to vector<8x512xi32>
    %select_n3A_4738 = arith.select %ne3A_4732, %broadcast_in_dim3A_4737, %select_n3A_4662 : vector<8x512xi1>, vector<8x512xi32>
    %slice3A_4739 = vector.extract_strided_slice %dot_general3A_70 {offsets = [432, 0], sizes = [8, 512], strides = [1, 1]} : vector<512x512xf32> to vector<8x512xf32>
    %mul3A_4740 = arith.constant 2048 : i32
    %mul3A_4741 = arith.muli %arg1, %mul3A_4740 : i32
    %add3A_4742 = arith.constant 1968 : i32
    %add3A_4743 = arith.addi %mul3A_4741, %add3A_4742 : i32
    %get3A_4744 = arith.index_cast %add3A_4743 : i32 to index
    %get3A_4745 = arith.constant 0 : index
    %get3A_4746 = vector.load %arg11[%get3A_4744, %get3A_4745] : memref<8192x1xf32, #tpu.memory_space<vmem>>, vector<8x1xf32>
    %add3A_4747 = vector.broadcast %get3A_4746 : vector<8x1xf32> to vector<8x512xf32>
    %add3A_4748 = arith.addf %get3A_13, %add3A_4747 : vector<8x512xf32>
    %sub3A_4749 = arith.subf %add3A_4748, %slice3A_4739 : vector<8x512xf32>
    %min3A_4750 = arith.minimumf %sub3A_4749, %min3A_4674 : vector<8x512xf32>
    %ne3A_4751 = arith.cmpf one, %min3A_4750, %min3A_4674 : vector<8x512xf32>
    %mul3A_4752 = arith.constant 256 : i32
    %mul3A_4753 = arith.muli %arg1, %mul3A_4752 : i32
    %add3A_4754 = arith.constant 246 : i32
    %add3A_4755 = arith.addi %mul3A_4753, %add3A_4754 : i32
    %broadcast_in_dim3A_4756 = vector.broadcast %add3A_4755 : i32 to vector<8x512xi32>
    %select_n3A_4757 = arith.select %ne3A_4751, %broadcast_in_dim3A_4756, %select_n3A_4681 : vector<8x512xi1>, vector<8x512xi32>
    %slice3A_4758 = vector.extract_strided_slice %dot_general3A_70 {offsets = [440, 0], sizes = [8, 512], strides = [1, 1]} : vector<512x512xf32> to vector<8x512xf32>
    %mul3A_4759 = arith.constant 2048 : i32
    %mul3A_4760 = arith.muli %arg1, %mul3A_4759 : i32
    %add3A_4761 = arith.constant 1976 : i32
    %add3A_4762 = arith.addi %mul3A_4760, %add3A_4761 : i32
    %get3A_4763 = arith.index_cast %add3A_4762 : i32 to index
    %get3A_4764 = arith.constant 0 : index
    %get3A_4765 = vector.load %arg11[%get3A_4763, %get3A_4764] : memref<8192x1xf32, #tpu.memory_space<vmem>>, vector<8x1xf32>
    %add3A_4766 = vector.broadcast %get3A_4765 : vector<8x1xf32> to vector<8x512xf32>
    %add3A_4767 = arith.addf %get3A_13, %add3A_4766 : vector<8x512xf32>
    %sub3A_4768 = arith.subf %add3A_4767, %slice3A_4758 : vector<8x512xf32>
    %min3A_4769 = arith.minimumf %sub3A_4768, %min3A_4693 : vector<8x512xf32>
    %ne3A_4770 = arith.cmpf one, %min3A_4769, %min3A_4693 : vector<8x512xf32>
    %mul3A_4771 = arith.constant 256 : i32
    %mul3A_4772 = arith.muli %arg1, %mul3A_4771 : i32
    %add3A_4773 = arith.constant 247 : i32
    %add3A_4774 = arith.addi %mul3A_4772, %add3A_4773 : i32
    %broadcast_in_dim3A_4775 = vector.broadcast %add3A_4774 : i32 to vector<8x512xi32>
    %select_n3A_4776 = arith.select %ne3A_4770, %broadcast_in_dim3A_4775, %select_n3A_4700 : vector<8x512xi1>, vector<8x512xi32>
    %slice3A_4777 = vector.extract_strided_slice %dot_general3A_70 {offsets = [448, 0], sizes = [8, 512], strides = [1, 1]} : vector<512x512xf32> to vector<8x512xf32>
    %mul3A_4778 = arith.constant 2048 : i32
    %mul3A_4779 = arith.muli %arg1, %mul3A_4778 : i32
    %add3A_4780 = arith.constant 1984 : i32
    %add3A_4781 = arith.addi %mul3A_4779, %add3A_4780 : i32
    %get3A_4782 = arith.index_cast %add3A_4781 : i32 to index
    %get3A_4783 = arith.constant 0 : index
    %get3A_4784 = vector.load %arg11[%get3A_4782, %get3A_4783] : memref<8192x1xf32, #tpu.memory_space<vmem>>, vector<8x1xf32>
    %add3A_4785 = vector.broadcast %get3A_4784 : vector<8x1xf32> to vector<8x512xf32>
    %add3A_4786 = arith.addf %get3A_13, %add3A_4785 : vector<8x512xf32>
    %sub3A_4787 = arith.subf %add3A_4786, %slice3A_4777 : vector<8x512xf32>
    %min3A_4788 = arith.minimumf %sub3A_4787, %min3A_4712 : vector<8x512xf32>
    %ne3A_4789 = arith.cmpf one, %min3A_4788, %min3A_4712 : vector<8x512xf32>
    %mul3A_4790 = arith.constant 256 : i32
    %mul3A_4791 = arith.muli %arg1, %mul3A_4790 : i32
    %add3A_4792 = arith.constant 248 : i32
    %add3A_4793 = arith.addi %mul3A_4791, %add3A_4792 : i32
    %broadcast_in_dim3A_4794 = vector.broadcast %add3A_4793 : i32 to vector<8x512xi32>
    %select_n3A_4795 = arith.select %ne3A_4789, %broadcast_in_dim3A_4794, %select_n3A_4719 : vector<8x512xi1>, vector<8x512xi32>
    %slice3A_4796 = vector.extract_strided_slice %dot_general3A_70 {offsets = [456, 0], sizes = [8, 512], strides = [1, 1]} : vector<512x512xf32> to vector<8x512xf32>
    %mul3A_4797 = arith.constant 2048 : i32
    %mul3A_4798 = arith.muli %arg1, %mul3A_4797 : i32
    %add3A_4799 = arith.constant 1992 : i32
    %add3A_4800 = arith.addi %mul3A_4798, %add3A_4799 : i32
    %get3A_4801 = arith.index_cast %add3A_4800 : i32 to index
    %get3A_4802 = arith.constant 0 : index
    %get3A_4803 = vector.load %arg11[%get3A_4801, %get3A_4802] : memref<8192x1xf32, #tpu.memory_space<vmem>>, vector<8x1xf32>
    %add3A_4804 = vector.broadcast %get3A_4803 : vector<8x1xf32> to vector<8x512xf32>
    %add3A_4805 = arith.addf %get3A_13, %add3A_4804 : vector<8x512xf32>
    %sub3A_4806 = arith.subf %add3A_4805, %slice3A_4796 : vector<8x512xf32>
    %min3A_4807 = arith.minimumf %sub3A_4806, %min3A_4731 : vector<8x512xf32>
    %ne3A_4808 = arith.cmpf one, %min3A_4807, %min3A_4731 : vector<8x512xf32>
    %mul3A_4809 = arith.constant 256 : i32
    %mul3A_4810 = arith.muli %arg1, %mul3A_4809 : i32
    %add3A_4811 = arith.constant 249 : i32
    %add3A_4812 = arith.addi %mul3A_4810, %add3A_4811 : i32
    %broadcast_in_dim3A_4813 = vector.broadcast %add3A_4812 : i32 to vector<8x512xi32>
    %select_n3A_4814 = arith.select %ne3A_4808, %broadcast_in_dim3A_4813, %select_n3A_4738 : vector<8x512xi1>, vector<8x512xi32>
    %slice3A_4815 = vector.extract_strided_slice %dot_general3A_70 {offsets = [464, 0], sizes = [8, 512], strides = [1, 1]} : vector<512x512xf32> to vector<8x512xf32>
    %mul3A_4816 = arith.constant 2048 : i32
    %mul3A_4817 = arith.muli %arg1, %mul3A_4816 : i32
    %add3A_4818 = arith.constant 2000 : i32
    %add3A_4819 = arith.addi %mul3A_4817, %add3A_4818 : i32
    %get3A_4820 = arith.index_cast %add3A_4819 : i32 to index
    %get3A_4821 = arith.constant 0 : index
    %get3A_4822 = vector.load %arg11[%get3A_4820, %get3A_4821] : memref<8192x1xf32, #tpu.memory_space<vmem>>, vector<8x1xf32>
    %add3A_4823 = vector.broadcast %get3A_4822 : vector<8x1xf32> to vector<8x512xf32>
    %add3A_4824 = arith.addf %get3A_13, %add3A_4823 : vector<8x512xf32>
    %sub3A_4825 = arith.subf %add3A_4824, %slice3A_4815 : vector<8x512xf32>
    %min3A_4826 = arith.minimumf %sub3A_4825, %min3A_4750 : vector<8x512xf32>
    %ne3A_4827 = arith.cmpf one, %min3A_4826, %min3A_4750 : vector<8x512xf32>
    %mul3A_4828 = arith.constant 256 : i32
    %mul3A_4829 = arith.muli %arg1, %mul3A_4828 : i32
    %add3A_4830 = arith.constant 250 : i32
    %add3A_4831 = arith.addi %mul3A_4829, %add3A_4830 : i32
    %broadcast_in_dim3A_4832 = vector.broadcast %add3A_4831 : i32 to vector<8x512xi32>
    %select_n3A_4833 = arith.select %ne3A_4827, %broadcast_in_dim3A_4832, %select_n3A_4757 : vector<8x512xi1>, vector<8x512xi32>
    %slice3A_4834 = vector.extract_strided_slice %dot_general3A_70 {offsets = [472, 0], sizes = [8, 512], strides = [1, 1]} : vector<512x512xf32> to vector<8x512xf32>
    %mul3A_4835 = arith.constant 2048 : i32
    %mul3A_4836 = arith.muli %arg1, %mul3A_4835 : i32
    %add3A_4837 = arith.constant 2008 : i32
    %add3A_4838 = arith.addi %mul3A_4836, %add3A_4837 : i32
    %get3A_4839 = arith.index_cast %add3A_4838 : i32 to index
    %get3A_4840 = arith.constant 0 : index
    %get3A_4841 = vector.load %arg11[%get3A_4839, %get3A_4840] : memref<8192x1xf32, #tpu.memory_space<vmem>>, vector<8x1xf32>
    %add3A_4842 = vector.broadcast %get3A_4841 : vector<8x1xf32> to vector<8x512xf32>
    %add3A_4843 = arith.addf %get3A_13, %add3A_4842 : vector<8x512xf32>
    %sub3A_4844 = arith.subf %add3A_4843, %slice3A_4834 : vector<8x512xf32>
    %min3A_4845 = arith.minimumf %sub3A_4844, %min3A_4769 : vector<8x512xf32>
    %ne3A_4846 = arith.cmpf one, %min3A_4845, %min3A_4769 : vector<8x512xf32>
    %mul3A_4847 = arith.constant 256 : i32
    %mul3A_4848 = arith.muli %arg1, %mul3A_4847 : i32
    %add3A_4849 = arith.constant 251 : i32
    %add3A_4850 = arith.addi %mul3A_4848, %add3A_4849 : i32
    %broadcast_in_dim3A_4851 = vector.broadcast %add3A_4850 : i32 to vector<8x512xi32>
    %select_n3A_4852 = arith.select %ne3A_4846, %broadcast_in_dim3A_4851, %select_n3A_4776 : vector<8x512xi1>, vector<8x512xi32>
    %slice3A_4853 = vector.extract_strided_slice %dot_general3A_70 {offsets = [480, 0], sizes = [8, 512], strides = [1, 1]} : vector<512x512xf32> to vector<8x512xf32>
    %mul3A_4854 = arith.constant 2048 : i32
    %mul3A_4855 = arith.muli %arg1, %mul3A_4854 : i32
    %add3A_4856 = arith.constant 2016 : i32
    %add3A_4857 = arith.addi %mul3A_4855, %add3A_4856 : i32
    %get3A_4858 = arith.index_cast %add3A_4857 : i32 to index
    %get3A_4859 = arith.constant 0 : index
    %get3A_4860 = vector.load %arg11[%get3A_4858, %get3A_4859] : memref<8192x1xf32, #tpu.memory_space<vmem>>, vector<8x1xf32>
    %add3A_4861 = vector.broadcast %get3A_4860 : vector<8x1xf32> to vector<8x512xf32>
    %add3A_4862 = arith.addf %get3A_13, %add3A_4861 : vector<8x512xf32>
    %sub3A_4863 = arith.subf %add3A_4862, %slice3A_4853 : vector<8x512xf32>
    %min3A_4864 = arith.minimumf %sub3A_4863, %min3A_4788 : vector<8x512xf32>
    %ne3A_4865 = arith.cmpf one, %min3A_4864, %min3A_4788 : vector<8x512xf32>
    %mul3A_4866 = arith.constant 256 : i32
    %mul3A_4867 = arith.muli %arg1, %mul3A_4866 : i32
    %add3A_4868 = arith.constant 252 : i32
    %add3A_4869 = arith.addi %mul3A_4867, %add3A_4868 : i32
    %broadcast_in_dim3A_4870 = vector.broadcast %add3A_4869 : i32 to vector<8x512xi32>
    %select_n3A_4871 = arith.select %ne3A_4865, %broadcast_in_dim3A_4870, %select_n3A_4795 : vector<8x512xi1>, vector<8x512xi32>
    %slice3A_4872 = vector.extract_strided_slice %dot_general3A_70 {offsets = [488, 0], sizes = [8, 512], strides = [1, 1]} : vector<512x512xf32> to vector<8x512xf32>
    %mul3A_4873 = arith.constant 2048 : i32
    %mul3A_4874 = arith.muli %arg1, %mul3A_4873 : i32
    %add3A_4875 = arith.constant 2024 : i32
    %add3A_4876 = arith.addi %mul3A_4874, %add3A_4875 : i32
    %get3A_4877 = arith.index_cast %add3A_4876 : i32 to index
    %get3A_4878 = arith.constant 0 : index
    %get3A_4879 = vector.load %arg11[%get3A_4877, %get3A_4878] : memref<8192x1xf32, #tpu.memory_space<vmem>>, vector<8x1xf32>
    %add3A_4880 = vector.broadcast %get3A_4879 : vector<8x1xf32> to vector<8x512xf32>
    %add3A_4881 = arith.addf %get3A_13, %add3A_4880 : vector<8x512xf32>
    %sub3A_4882 = arith.subf %add3A_4881, %slice3A_4872 : vector<8x512xf32>
    %min3A_4883 = arith.minimumf %sub3A_4882, %min3A_4807 : vector<8x512xf32>
    %ne3A_4884 = arith.cmpf one, %min3A_4883, %min3A_4807 : vector<8x512xf32>
    %mul3A_4885 = arith.constant 256 : i32
    %mul3A_4886 = arith.muli %arg1, %mul3A_4885 : i32
    %add3A_4887 = arith.constant 253 : i32
    %add3A_4888 = arith.addi %mul3A_4886, %add3A_4887 : i32
    %broadcast_in_dim3A_4889 = vector.broadcast %add3A_4888 : i32 to vector<8x512xi32>
    %select_n3A_4890 = arith.select %ne3A_4884, %broadcast_in_dim3A_4889, %select_n3A_4814 : vector<8x512xi1>, vector<8x512xi32>
    %slice3A_4891 = vector.extract_strided_slice %dot_general3A_70 {offsets = [496, 0], sizes = [8, 512], strides = [1, 1]} : vector<512x512xf32> to vector<8x512xf32>
    %mul3A_4892 = arith.constant 2048 : i32
    %mul3A_4893 = arith.muli %arg1, %mul3A_4892 : i32
    %add3A_4894 = arith.constant 2032 : i32
    %add3A_4895 = arith.addi %mul3A_4893, %add3A_4894 : i32
    %get3A_4896 = arith.index_cast %add3A_4895 : i32 to index
    %get3A_4897 = arith.constant 0 : index
    %get3A_4898 = vector.load %arg11[%get3A_4896, %get3A_4897] : memref<8192x1xf32, #tpu.memory_space<vmem>>, vector<8x1xf32>
    %add3A_4899 = vector.broadcast %get3A_4898 : vector<8x1xf32> to vector<8x512xf32>
    %add3A_4900 = arith.addf %get3A_13, %add3A_4899 : vector<8x512xf32>
    %sub3A_4901 = arith.subf %add3A_4900, %slice3A_4891 : vector<8x512xf32>
    %min3A_4902 = arith.minimumf %sub3A_4901, %min3A_4826 : vector<8x512xf32>
    %ne3A_4903 = arith.cmpf one, %min3A_4902, %min3A_4826 : vector<8x512xf32>
    %mul3A_4904 = arith.constant 256 : i32
    %mul3A_4905 = arith.muli %arg1, %mul3A_4904 : i32
    %add3A_4906 = arith.constant 254 : i32
    %add3A_4907 = arith.addi %mul3A_4905, %add3A_4906 : i32
    %broadcast_in_dim3A_4908 = vector.broadcast %add3A_4907 : i32 to vector<8x512xi32>
    %select_n3A_4909 = arith.select %ne3A_4903, %broadcast_in_dim3A_4908, %select_n3A_4833 : vector<8x512xi1>, vector<8x512xi32>
    %slice3A_4910 = vector.extract_strided_slice %dot_general3A_70 {offsets = [504, 0], sizes = [8, 512], strides = [1, 1]} : vector<512x512xf32> to vector<8x512xf32>
    %mul3A_4911 = arith.constant 2048 : i32
    %mul3A_4912 = arith.muli %arg1, %mul3A_4911 : i32
    %add3A_4913 = arith.constant 2040 : i32
    %add3A_4914 = arith.addi %mul3A_4912, %add3A_4913 : i32
    %get3A_4915 = arith.index_cast %add3A_4914 : i32 to index
    %get3A_4916 = arith.constant 0 : index
    %get3A_4917 = vector.load %arg11[%get3A_4915, %get3A_4916] : memref<8192x1xf32, #tpu.memory_space<vmem>>, vector<8x1xf32>
    %add3A_4918 = vector.broadcast %get3A_4917 : vector<8x1xf32> to vector<8x512xf32>
    %add3A_4919 = arith.addf %get3A_13, %add3A_4918 : vector<8x512xf32>
    %sub3A_4920 = arith.subf %add3A_4919, %slice3A_4910 : vector<8x512xf32>
    %min3A_4921 = arith.minimumf %sub3A_4920, %min3A_4845 : vector<8x512xf32>
    %ne3A_4922 = arith.cmpf one, %min3A_4921, %min3A_4845 : vector<8x512xf32>
    %mul3A_4923 = arith.constant 256 : i32
    %mul3A_4924 = arith.muli %arg1, %mul3A_4923 : i32
    %add3A_4925 = arith.constant 255 : i32
    %add3A_4926 = arith.addi %mul3A_4924, %add3A_4925 : i32
    %broadcast_in_dim3A_4927 = vector.broadcast %add3A_4926 : i32 to vector<8x512xi32>
    %select_n3A_4928 = arith.select %ne3A_4922, %broadcast_in_dim3A_4927, %select_n3A_4852 : vector<8x512xi1>, vector<8x512xi32>
    %swap3A = arith.constant 0 : index
    %swap3A_4929 = arith.constant 0 : index
    %swap3A_4930 = vector.load %arg7[%swap3A, %swap3A_4929] : memref<32x512xf32, #tpu.memory_space<vmem>>, vector<8x512xf32>
    tpu.vector_store %arg7[%swap3A, %swap3A_4929], %min3A_4864 {strides = array<i32>} : memref<32x512xf32, #tpu.memory_space<vmem>>, vector<8x512xf32>,
    %swap3A_4931 = arith.constant 0 : index
    %swap3A_4932 = arith.constant 0 : index
    %swap3A_4933 = vector.load %arg8[%swap3A_4931, %swap3A_4932] : memref<32x512xi32, #tpu.memory_space<vmem>>, vector<8x512xi32>
    tpu.vector_store %arg8[%swap3A_4931, %swap3A_4932], %select_n3A_4871 {strides = array<i32>} : memref<32x512xi32, #tpu.memory_space<vmem>>, vector<8x512xi32>,
    %swap3A_4934 = arith.constant 8 : index
    %swap3A_4935 = arith.constant 0 : index
    %swap3A_4936 = vector.load %arg7[%swap3A_4934, %swap3A_4935] : memref<32x512xf32, #tpu.memory_space<vmem>>, vector<8x512xf32>
    tpu.vector_store %arg7[%swap3A_4934, %swap3A_4935], %min3A_4883 {strides = array<i32>} : memref<32x512xf32, #tpu.memory_space<vmem>>, vector<8x512xf32>,
    %swap3A_4937 = arith.constant 8 : index
    %swap3A_4938 = arith.constant 0 : index
    %swap3A_4939 = vector.load %arg8[%swap3A_4937, %swap3A_4938] : memref<32x512xi32, #tpu.memory_space<vmem>>, vector<8x512xi32>
    tpu.vector_store %arg8[%swap3A_4937, %swap3A_4938], %select_n3A_4890 {strides = array<i32>} : memref<32x512xi32, #tpu.memory_space<vmem>>, vector<8x512xi32>,
    %swap3A_4940 = arith.constant 16 : index
    %swap3A_4941 = arith.constant 0 : index
    %swap3A_4942 = vector.load %arg7[%swap3A_4940, %swap3A_4941] : memref<32x512xf32, #tpu.memory_space<vmem>>, vector<8x512xf32>
    tpu.vector_store %arg7[%swap3A_4940, %swap3A_4941], %min3A_4902 {strides = array<i32>} : memref<32x512xf32, #tpu.memory_space<vmem>>, vector<8x512xf32>,
    %swap3A_4943 = arith.constant 16 : index
    %swap3A_4944 = arith.constant 0 : index
    %swap3A_4945 = vector.load %arg8[%swap3A_4943, %swap3A_4944] : memref<32x512xi32, #tpu.memory_space<vmem>>, vector<8x512xi32>
    tpu.vector_store %arg8[%swap3A_4943, %swap3A_4944], %select_n3A_4909 {strides = array<i32>} : memref<32x512xi32, #tpu.memory_space<vmem>>, vector<8x512xi32>,
    %swap3A_4946 = arith.constant 24 : index
    %swap3A_4947 = arith.constant 0 : index
    %swap3A_4948 = vector.load %arg7[%swap3A_4946, %swap3A_4947] : memref<32x512xf32, #tpu.memory_space<vmem>>, vector<8x512xf32>
    tpu.vector_store %arg7[%swap3A_4946, %swap3A_4947], %min3A_4921 {strides = array<i32>} : memref<32x512xf32, #tpu.memory_space<vmem>>, vector<8x512xf32>,
    %swap3A_4949 = arith.constant 24 : index
    %swap3A_4950 = arith.constant 0 : index
    %swap3A_4951 = vector.load %arg8[%swap3A_4949, %swap3A_4950] : memref<32x512xi32, #tpu.memory_space<vmem>>, vector<8x512xi32>
    tpu.vector_store %arg8[%swap3A_4949, %swap3A_4950], %select_n3A_4928 {strides = array<i32>} : memref<32x512xi32, #tpu.memory_space<vmem>>, vector<8x512xi32>,
    %eq3A_4952 = arith.constant 3 : i32
    %eq3A_4953 = arith.cmpi eq, %arg1, %eq3A_4952 : i32
    %convert_element_type3A_4954 = arith.extui %eq3A_4953 : i1 to i32
    %cond3A_4955 = arith.constant 0 : i32
    %cond3A_4956 = arith.cmpi ne, %convert_element_type3A_4954, %cond3A_4955 : i32
    scf.if %cond3A_4956 {
      %lt3A = arith.cmpf olt, %min3A_4883, %min3A_4864 : vector<8x512xf32>
      %eq3A_4957 = arith.cmpf oeq, %min3A_4883, %min3A_4864 : vector<8x512xf32>
      %lt3A_4958 = arith.cmpi slt, %select_n3A_4890, %select_n3A_4871 : vector<8x512xi32>
      %and3A_4959 = arith.andi %eq3A_4957, %lt3A_4958 : vector<8x512xi1>
      %or3A = arith.ori %lt3A, %and3A_4959 : vector<8x512xi1>
      %select_n3A_4960 = arith.select %or3A, %min3A_4883, %min3A_4864 : vector<8x512xi1>, vector<8x512xf32>
      %select_n3A_4961 = arith.select %or3A, %select_n3A_4890, %select_n3A_4871 : vector<8x512xi1>, vector<8x512xi32>
      %lt3A_4962 = arith.cmpf olt, %min3A_4902, %select_n3A_4960 : vector<8x512xf32>
      %eq3A_4963 = arith.cmpf oeq, %min3A_4902, %select_n3A_4960 : vector<8x512xf32>
      %lt3A_4964 = arith.cmpi slt, %select_n3A_4909, %select_n3A_4961 : vector<8x512xi32>
      %and3A_4965 = arith.andi %eq3A_4963, %lt3A_4964 : vector<8x512xi1>
      %or3A_4966 = arith.ori %lt3A_4962, %and3A_4965 : vector<8x512xi1>
      %select_n3A_4967 = arith.select %or3A_4966, %min3A_4902, %select_n3A_4960 : vector<8x512xi1>, vector<8x512xf32>
      %select_n3A_4968 = arith.select %or3A_4966, %select_n3A_4909, %select_n3A_4961 : vector<8x512xi1>, vector<8x512xi32>
      %lt3A_4969 = arith.cmpf olt, %min3A_4921, %select_n3A_4967 : vector<8x512xf32>
      %eq3A_4970 = arith.cmpf oeq, %min3A_4921, %select_n3A_4967 : vector<8x512xf32>
      %lt3A_4971 = arith.cmpi slt, %select_n3A_4928, %select_n3A_4968 : vector<8x512xi32>
      %and3A_4972 = arith.andi %eq3A_4970, %lt3A_4971 : vector<8x512xi1>
      %or3A_4973 = arith.ori %lt3A_4969, %and3A_4972 : vector<8x512xi1>
      %select_n3A_4974 = arith.select %or3A_4973, %min3A_4921, %select_n3A_4967 : vector<8x512xi1>, vector<8x512xf32>
      %select_n3A_4975 = arith.select %or3A_4973, %select_n3A_4928, %select_n3A_4968 : vector<8x512xi1>, vector<8x512xi32>
      %reduce_min3A = arith.constant dense<0x7F800000> : vector<512xf32>
      %reduce_min3A_4976 = vector.multi_reduction <minimumf>, %select_n3A_4974, %reduce_min3A [0] : vector<8x512xf32> to vector<512xf32>
      %broadcast_in_dim3A_4977 = vector.shape_cast %reduce_min3A_4976 : vector<512xf32> to vector<1x512xf32>
      %mul3A_4978 = arith.constant 8 : i32
      %mul3A_4979 = vector.broadcast %mul3A_4978 : i32 to vector<8x512xi32>
      %mul3A_4980 = arith.muli %select_n3A_4975, %mul3A_4979 : vector<8x512xi32>
      %iota3A = tpu.iota {dimensions = array<i32: 0>} : vector<8x512xi32>
      %add3A_4981 = arith.addi %mul3A_4980, %iota3A : vector<8x512xi32>
      %eq3A_4982 = vector.broadcast %broadcast_in_dim3A_4977 : vector<1x512xf32> to vector<8x512xf32>
      %eq3A_4983 = arith.cmpf oeq, %select_n3A_4974, %eq3A_4982 : vector<8x512xf32>
      %jit3A = arith.constant 1073741824 : i32
      %broadcast_in_dim3A_4984 = vector.broadcast %jit3A : i32 to vector<8x512xi32>
      %select_n3A_4985 = arith.select %eq3A_4983, %add3A_4981, %broadcast_in_dim3A_4984 : vector<8x512xi1>, vector<8x512xi32>
      %reduce_min3A_4986 = arith.constant dense<2147483647> : vector<512xi32>
      %reduce_min3A_4987 = vector.multi_reduction <minsi>, %select_n3A_4985, %reduce_min3A_4986 [0] : vector<8x512xi32> to vector<512xi32>
      %broadcast_in_dim3A_4988 = vector.shape_cast %reduce_min3A_4987 : vector<512xi32> to vector<1x512xi32>
      %swap3A_4989 = arith.constant 0 : index
      %swap3A_4990 = arith.constant 0 : index
      %swap3A_4991 = arith.constant 0 : index
      %swap3A_4992 = vector.load %arg5[%swap3A_4989, %swap3A_4990, %swap3A_4991] : memref<1x1x512xi32, #tpu.memory_space<vmem>>, vector<1x1x512xi32>
      %swap3A_4993 = vector.shape_cast %swap3A_4992 : vector<1x1x512xi32> to vector<1x512xi32>
      %swap3A_4994 = vector.shape_cast %broadcast_in_dim3A_4988 : vector<1x512xi32> to vector<1x1x512xi32>
      tpu.vector_store %arg5[%swap3A_4989, %swap3A_4990, %swap3A_4991], %swap3A_4994 {strides = array<i32>} : memref<1x1x512xi32, #tpu.memory_space<vmem>>, vector<1x1x512xi32>,
      %get3A_4995 = arith.constant 0 : index
      %get3A_4996 = arith.constant 0 : index
      %get3A_4997 = vector.load %arg6[%get3A_4995, %get3A_4996] : memref<1x1xf32, #tpu.memory_space<vmem>>, vector<1x1xf32>
      %reduce_sum3A = vector.shape_cast %broadcast_in_dim3A_4977 : vector<1x512xf32> to vector<1x1x512xf32>
      %reduce_sum3A_4998 = arith.constant dense<0.000000e+00> : vector<1xf32>
      %reduce_sum3A_4999 = vector.multi_reduction <add>, %reduce_sum3A, %reduce_sum3A_4998 [1, 2] : vector<1x1x512xf32> to vector<1xf32>
      %reduce_sum3A_5000 = vector.shape_cast %reduce_sum3A_4999 : vector<1xf32> to vector<1x1x1xf32>
      %reduce_sum3A_5001 = vector.extract %reduce_sum3A_5000[0, 0, 0] : f32 from vector<1x1x1xf32>
      %reshape3A = vector.broadcast %reduce_sum3A_5001 : f32 to vector<1x1xf32>
      %add3A_5002 = arith.addf %get3A_4997, %reshape3A : vector<1x1xf32>
      %swap3A_5003 = arith.constant 0 : index
      %swap3A_5004 = arith.constant 0 : index
      %swap3A_5005 = vector.load %arg6[%swap3A_5003, %swap3A_5004] : memref<1x1xf32, #tpu.memory_space<vmem>>, vector<1x1xf32>
      tpu.vector_store %arg6[%swap3A_5003, %swap3A_5004], %add3A_5002 {strides = array<i32>} : memref<1x1xf32, #tpu.memory_space<vmem>>, vector<1x1xf32>,
    } else {
    }
    return
  }
  func.func @transform_0(%arg0: i32, %arg1: i32) -> (i32, i32) {
    %c0_i32 = arith.constant 0 : i32
    %c0_i32_0 = arith.constant 0 : i32
    %c0_i32_1 = arith.constant 0 : i32
    return %c0_i32, %c0_i32_0 : i32, i32
  }
  func.func @transform_1(%arg0: i32, %arg1: i32) -> (i32, i32) {
    %c0_i32 = arith.constant 0 : i32
    %c0_i32_0 = arith.constant 0 : i32
    return %arg0, %c0_i32 : i32, i32
  }
  func.func @transform_2(%arg0: i32, %arg1: i32) -> (i32, i32) {
    %c0_i32 = arith.constant 0 : i32
    %c0_i32_0 = arith.constant 0 : i32
    %c0_i32_1 = arith.constant 0 : i32
    return %c0_i32, %c0_i32_0 : i32, i32
  }
  func.func @transform_3(%arg0: i32, %arg1: i32) -> (i32, i32, i32) {
    %c0_i32 = arith.constant 0 : i32
    %c0_i32_0 = arith.constant 0 : i32
    %c0_i32_1 = arith.constant 0 : i32
    return %arg0, %c0_i32, %c0_i32_0 : i32, i32, i32
  }
  func.func @transform_4(%arg0: i32, %arg1: i32) -> (i32, i32) {
    %c0_i32 = arith.constant 0 : i32
    %c0_i32_0 = arith.constant 0 : i32
    %c0_i32_1 = arith.constant 0 : i32
    return %c0_i32, %c0_i32_0 : i32, i32
  }
}

</mosaic_0001>

<sc_bundles>
// kernel: kernel.4.cloned.1.call-start
scs
__scs_entry_jumppad:
0x0: {  	(pc) =	sbr.rel $0x88, $3  }
0x1: {  	(tag) =	ssettag $0x0;
	lr =	simm.s32 $0x1  }
0x2: {  	[smem:$0x3F9F] =	sst lr;
	_ =	strace $0xD0000000  }
0x3: {  	_ = 	snop  }
0x4: {  	_ = 	snop  }
0x5: {  	_ = 	snop  }
0x6: {  	_ = 	snop  }
0x7: {  	_ = 	snop  }
__scs_overlays_trampoline_lowered:
0x8: {  	[smem:$0x3FAE] =	sst s0  }
0x9: {  	[smem:$0x3FAF] =	sst s1  }
0xa: {  	[smem:$0x3FB0] =	sst s2  }
0xb: {  	[smem:$0x3FB1] =	sst s3  }
0xc: {  	[smem:$0x3FB2] =	sst s4  }
0xd: {  	[smem:$0x3FB3] =	sst s5  }
0xe: {  	[smem:$0x3FB4] =	sst s6  }
0xf: {  	[smem:$0x3FB5] =	sst s7  }
0x10: {  	[smem:$0x3FB6] =	sst s8  }
0x11: {  	[smem:$0x3FB7] =	sst s9;
	s0 =	simm.s32 @!p0 $0x0  }
0x12: {  	s1 =	sld [smem:$0x3F9D];
	s0 =	simm.s32 @p0 $0x1  }
0x13: {  	[smem:$0x3FB8] =	sst s0;
	s0 =	simm.s32 @!p1 $0x0  }
0x14: {  	s2 =	sld [smem:$0x3F9C];
	s0 =	simm.s32 @p1 $0x1  }
0x15: {  	[smem:$0x3FB9] =	sst s0;
	s0 =	simm.s32 @!p2 $0x0  }
0x16: {  	s3 =	sld [smem:$0x3FDB];
	s0 =	simm.s32 @p2 $0x1  }
0x17: {  	s4 =	simm.s32 $0x1BF5;
	[smem:$0x3FBB] =	sst s0  }
0x18: {  	s0 =	sld [smem:$0x3F9E];
	_ =	swait.ge [sflag:s4], $0x0  }
0x19: {  	s7 =	sld [smem:$0x3F9F]  }
0x1a: {  	s8 =	sadd.s32 $0xFFFFE003, lr  }
0x1b: {  	s9 =	sadd.s32 $0xFFFFFEF7, lr;
	s5 =	simm.s32 $0xFFFFFFFF;
	p2 =	slt.u32 s8, $0xFFFFF086  }
0x1c: {  	p1 =	slt.u32 s9, $0xF7A;
	s5 =	simm.s32 @!p2 $0x0  }
0x1d: {  	s5 =	simm.s32 @p1 $0x1;
	p0 =	seq.s32 s7, s2  }
0x1e: {  	s7 =	smul.u32 @!p0 $0xF7A, s2;
	p2 =	seq.s32 @!p0 s5, $0x0  }
0x1f: {  	s9 =	smul.u32 $0xF7A, s1;
	s8 =	simm.s32 @!p0 $0x1BF5;
	p2 =	por !p2, p0  }
0x20: {  	[sflag:s8] =	ssyncset.s32 @!p0 $0xFFFFF086;
	s6 =	sadd.s32 @!p0 s3, s7;
	s7 =	simm.s32 @!p0 $0x108  }
0x21: {  	s3 =	sadd.s32 s3, s9;
	s6 =	sadd.s32 @!p0 $0x88, s6;
	s7 =	simm.s32 @p2 $0x1082  }
0x22: {  	[simem:s7], [sflag:s8] =	dma.local @!p0 [hbm:s6], $0xF7A  }
0x23: {  	s9 =	sor.u32 $0xD0000000, s2;
	s6 =	simm.s32 $0x108;
	_ =	swait.ge @!p0 [sflag:s8], $0x0  }
0x24: {  	s3 =	sadd.s32 $0x88, s3;
	s6 =	simm.s32 @!p1 $0x1082;
	[sflag:s4] =	ssyncset.s32 $0xFFFFF086  }
0x25: {  	[simem:s6], [sflag:s4] =	dma.local [hbm:s3], $0xF7A  }
0x26: {  	[smem:$0x3F9F] =	sst s1;
	(tag) =	ssettag s2;
	_ =	strace s9  }
0x27: {  	s1 =	sld [smem:$0x3FAF]  }
0x28: {  	s2 =	sld [smem:$0x3FB0]  }
0x29: {  	s4 =	sld [smem:$0x3FB2]  }
0x2a: {  	p0 =	seq.s32 s5, $0x0;
	s5 =	sld [smem:$0x3FB3]  }
0x2b: {  	s6 =	sld [smem:$0x3FB4]  }
0x2c: {  	s7 =	sld [smem:$0x3FB5]  }
0x2d: {  	s3 =	simm.s32 $0x108;
	s8 =	sld [smem:$0x3FB6]  }
0x2e: {  	s3 =	simm.s32 @!p0 $0x1082;
	s9 =	sld [smem:$0x3FB7]  }
0x2f: {  	lr =	sadd.s32 s0, s3;
	s0 =	sld [smem:$0x3FAE]  }
0x30: {  	s3 =	sld [smem:$0x3FB1]  }
0x31: {  	[smem:$0x3FBA] =	sst s10  }
0x32: {  	s10 =	sld [smem:$0x3FB8];
	_ =	sdelay $0x3  }
0x33: {  	p0 =	seq.s32 s10, $0x1;
	s10 =	sld [smem:$0x3FBA];
	_ =	sdelay $0x3  }
0x34: {  	[smem:$0x3FBA] =	sst s10  }
0x35: {  	s10 =	sld [smem:$0x3FB9];
	_ =	sdelay $0x3  }
0x36: {  	p1 =	seq.s32 s10, $0x1;
	s10 =	sld [smem:$0x3FBA];
	_ =	sdelay $0x3  }
0x37: {  	[smem:$0x3FBA] =	sst s10  }
0x38: {  	s10 =	sld [smem:$0x3FBB]  }
0x39: {  	_ = 	snop;
	(pc) =	sbr.ind lr, $3  }
0x3a: {  	_ = 	snop  }
0x3b: {  	_ = 	snop  }
0x3c: {  	p2 =	seq.s32 s10, $0x1;
	s10 =	sld [smem:$0x3FBA]  }
0x3d: {  	_ =	shalt  }
0x3e: {  	_ =	shalt  }
0x3f: {  	_ =	shalt  }
0x40: {  	_ =	shalt  }
0x41: {  	_ =	shalt  }
0x42: {  	_ =	shalt  }
0x43: {  	_ =	shalt  }
0x44: {  	_ =	shalt  }
0x45: {  	_ =	shalt  }
0x46: {  	_ =	shalt  }
0x47: {  	_ =	shalt  }
0x48: {  	_ =	shalt  }
0x49: {  	_ =	shalt  }
0x4a: {  	_ =	shalt  }
0x4b: {  	_ =	shalt  }
0x4c: {  	_ =	shalt  }
0x4d: {  	_ =	shalt  }
0x4e: {  	_ =	shalt  }
0x4f: {  	_ =	shalt  }
0x50: {  	_ =	shalt  }
0x51: {  	_ =	shalt  }
0x52: {  	_ =	shalt  }
0x53: {  	_ =	shalt  }
0x54: {  	_ =	shalt  }
0x55: {  	_ =	shalt  }
0x56: {  	_ =	shalt  }
0x57: {  	_ =	shalt  }
0x58: {  	_ =	shalt  }
0x59: {  	_ =	shalt  }
0x5a: {  	_ =	shalt  }
0x5b: {  	_ =	shalt  }
0x5c: {  	_ =	shalt  }
0x5d: {  	_ =	shalt  }
0x5e: {  	_ =	shalt  }
0x5f: {  	_ =	shalt  }
0x60: {  	_ =	shalt  }
0x61: {  	_ =	shalt  }
0x62: {  	_ =	shalt  }
0x63: {  	_ =	shalt  }
0x64: {  	_ =	shalt  }
0x65: {  	_ =	shalt  }
0x66: {  	_ =	shalt  }
0x67: {  	_ =	shalt  }
0x68: {  	_ =	shalt  }
0x69: {  	_ =	shalt  }
0x6a: {  	_ =	shalt  }
0x6b: {  	_ =	shalt  }
0x6c: {  	_ =	shalt  }
0x6d: {  	_ =	shalt  }
0x6e: {  	_ =	shalt  }
0x6f: {  	_ =	shalt  }
0x70: {  	_ =	shalt  }
0x71: {  	_ =	shalt  }
0x72: {  	_ =	shalt  }
0x73: {  	_ =	shalt  }
0x74: {  	_ =	shalt  }
0x75: {  	_ =	shalt  }
0x76: {  	_ =	shalt  }
0x77: {  	_ =	shalt  }
0x78: {  	_ =	shalt  }
0x79: {  	_ =	shalt  }
0x7a: {  	_ =	shalt  }
0x7b: {  	_ =	shalt  }
0x7c: {  	_ =	shalt  }
0x7d: {  	_ =	shalt  }
0x7e: {  	_ =	shalt  }
0x7f: {  	_ =	shalt  }
0x80: {  	_ =	shalt  }
0x81: {  	_ =	shalt  }
0x82: {  	_ =	shalt  }
0x83: {  	_ =	shalt  }
0x84: {  	_ =	shalt  }
0x85: {  	_ =	shalt  }
0x86: {  	_ =	shalt  }
0x87: {  	_ =	shalt  }
.Lfunc_end0:
.L_simem_size_0:
called_computation_lowered:
.L_overlay_start_0:
0x88: {  	s2 =	sld [smem:$0x3FD9]  }
0x89: {  	s3 =	sld [smem:$0x3FFE];
	_ =	sdelay $0x1  }
0x8a: {  	s1 =	srdreg.scid  }
0x8b: {  	s0 =	sand.u32 $0x1, s1  }
0x8c: {  	s14 =	sshll.u32 s0, $0xA;
	s2 =	sadd.s32 s3, s2  }
0x8d: {  	s2 =	sadd.s32 s2, s14  }
0x8e: {  	[smem:$0x3FC6] =	sst s2  }
0x8f: {  	_ = 	snop  }
0x90: {  	s2 =	sld [smem:$0x3FD0];
	_ =	sdelay $0x2  }
0x91: {  	s4 =	simm.s32 $0xA;
	s5 =	simm.s32 $0x10;
	s15 =	sld [smem:$0x3FC8]  }
0x92: {  	[smem:s5], [sflag:s4] =	dma.local [hbm:s2], $0x1  }
0x93: {  	_ =	swait.eq [sflag:s4], $0x1  }
0x94: {  	[sflag:s4] =	ssyncset.done $0x0  }
0x95: {  	[sflag:s4] =	ssyncadd.s32 $0xFFFFFFFF  }
0x96: {  	s16 =	sld [smem:$0x10];
	(tm) =	ssettm $0x1  }
0x97: {  	s17 =	sld [smem:$0x3FFB];
	_ =	sdelay $0x3  }
0x98: {  	_ =	strace s17  }
0x99: {  	s4 =	sld [smem:$0x3FFC];
	_ =	sdelay $0x3  }
0x9a: {  	_ =	strace s4  }
0x9b: {  	s4 =	sld [smem:$0x3FFD];
	_ =	sdelay $0x3  }
0x9c: {  	_ =	strace s4  }
0x9d: {  	_ =	strace $0x8FFFFFFF  }
0x9e: {  	s18 =	sld [smem:$0x3FDB];
	_ =	sdelay $0x1  }
0x9f: {  	s19 =	simm.s32 $_scs_section_size  }
0xa0: {  	s6 =	simm.s32 $_size__tile_overlayer_lowered;
	s7 =	simm.s32 $_tile_overlayer_lowered  }
0xa1: {  	s22 =	simm.s32 $0x1BFF;
	s21 =	sshll.u32 s7, $0x1;
	s4 =	sadd.s32 s19, s18  }
0xa2: {  	s8 =	simm.s32 $0x0;
	s20 =	sshll.u32 s6, $0x1;
	s6 =	sadd.s32 s21, s4  }
0xa3: {  	[timem:s8], [sflag:s22] =	dma.local [hbm:s6], s20  }
0xa4: {  	_ =	swait.ge [sflag:s22], s20  }
0xa5: {  	s5 =	ssub.s32 $0x0, s20;
	[sflag:s22] =	ssyncset.done $0x0  }
0xa6: {  	[sflag:s22] =	ssyncadd.s32 s5;
	_ =	sdelay $0x1  }
0xa7: {  	s23 =	simm.s32 $0x1B8B  }
0xa8: {  	_ =	swait.ge [sflag:s23], $0x1  }
0xa9: {  	[sflag:s23] =	ssyncset.done $0x0  }
0xaa: {  	s25 =	simm.s32 $0x1B8E;
	s24 =	sld [smem:$0x3FFE];
	[sflag:s23] =	ssyncadd.s32 $0xFFFFFFFF  }
0xab: {  	s26 =	simm.s32 $execute0_lowered;
	[smem:$0x3FD2] =	sst s25  }
0xac: {  	s6 =	sshll.u32 s26, $0x1;
	_ =	strace $0x80000046;
	[dreg:$0x1] =	wrdreg $0xFFFFFFFF  }
0xad: {  	s28 =	simm.s32 $_size_execute0_lowered;
	s4 =	sadd.s32 s4, s6;
	[dreg:$0x0] =	wrdreg $0x0  }
0xae: {  	s6 =	sshll.u32 s28, $0x1;
	[dreg:$0x2] =	wrdreg s4  }
0xaf: {  	[dreg:$0x3] =	wrdreg s6  }
0xb0: {  	[dreg:$0x4] =	wrdreg $0xC0  }
0xb1: {  	_ =	task [dreg:s8], $0x5FFFF  }
0xb2: {  	[dreg:$0x1] =	wrdreg $0xFFFFFFFF  }
0xb3: {  	[dreg:$0x0] =	wrdreg $0x60  }
0xb4: {  	[dreg:$0x2] =	wrdreg s15  }
0xb5: {  	[dreg:$0x3] =	wrdreg s24  }
0xb6: {  	[dreg:$0x4] =	wrdreg s16  }
0xb7: {  	[dreg:$0x5] =	wrdreg $0x9  }
0xb8: {  	_ =	task.clear_ibuf [dreg:s8], $0x6FFFF;
	_ =	strace $0x90000046  }
0xb9: {  	s29 =	simm.s32 $0x9;
	_ =	strace $0x8000004F  }
0xba: {  	_ =	swait.ge [sflag:s29], $0x1  }
0xbb: {  	[sflag:s29] =	ssyncadd.s32 $0xFFFFFFFF  }
0xbc: {  	_ =	strace $0x9000004F  }
0xbd: {  	_ =	sfence  }
0xbe: {  	s30 =	sld [smem:$0x0];
	_ =	sdelay $0x2  }
0xbf: {  	s31 =	sshll.u32 s1, $0xD;
	s1 =	sshrl.u32 s1, $0x2  }
0xc0: {  	s3 =	sand.u32 $0x4000, s31;
	s1 =	sadd.s32 s1, s30  }
0xc1: {  	s0 =	sor.u32 s3, s0;
	s1 =	sshll.u32 s1, $0x11  }
0xc2: {  	s0 =	sor.u32 s1, s0  }
0xc3: {  	s0 =	sadd.s32 $0x8F2B, s0  }
0xc4: {  	[sflag:s0] =	ssyncadd.remote.s32 $0x1  }
0xc5: {  	_ =	sfence.sel $0xFFFF  }
0xc6: {  	[dreg:$0x0] =	wrdreg $0xFFFFFFFF;
	(pc) =	sbr.abs _section_cstart, $3  }
0xc7: {  	[dreg:$0x1] =	wrdreg $0xFFFFFFFF  }
0xc8: {  	_ =	task.clear_ibuf [dreg:s8], $0x2FFFF;
	_ =	strace $0x9FFFFFFF  }
0xc9: {  	(tm) =	ssettm $0x7FFFFFFF  }
tec
execute0_lowered:
.L_overlay_start_1:
0x0: {  	(tag) =	ssettag $0x1  }
0x1: {  	s1 =	rddreg [dreg:$0x0]  }
0x2: {  	s5 =	rddreg [dreg:$0x1]  }
0x3: {  	s2 =	rddreg [dreg:$0x2]  }
0x4: {  	s0 =	rddreg [dreg:$0x3];
	s4 =	simm.s32 $0x0;
	s3 =	srdreg.scid  }
0x5: {  	s9 =	simm.s32 $0x5;
	s10 =	simm.s32 $0x4;
	s11 =	simm.s32 $0x0  }
.Ltmp0:
0x6: {  	[smem:$0x7FF] =	sst s4;
	s6 =	sand.u32 $0x1, s3;
	(pc) =	sbr.rel .LBB2_1-.Ltmp0, $4  }
0x7: {  	s3 =	stileid.u32;
	s7 =	ssub.s32 $0x2, s6;
	s6 =	sshll.u32 s6, $0x4  }
0x8: {  	v2 =	vlaneseq.u32;
	s5 =	sadd.s32 $0xA00, s5;
	s8 =	sshrl.u32 s7, $0x1;
	s6 =	sor.u32 s3, s6  }
0x9: {  	vm0 =	vmmov $0xffff;
	v1 =	vshrl.u32 v2, $0x3;
	_ =	strace $0x80000047;
	s8 =	ssub.s32 s7, s8;
	s31 =	sshll.u32 s6, $0x5  }
0xa: {  	v0 =	vand.u32 $0x7, v2;
	v2 =	vor.u32 $0x8, v2;
	v1 =	vmul.u32 $0x8, v1;
	s6 =	sshll.u32 s6, $0x1;
	s7 =	sadd.s32 s5, s31;
	s8 =	smax.u32 s8, $0x1  }
.LBB2_4:
0xb: {  	s12 =	sand.u32 $0x1, s12  }
0xc: {  	_ =	strace $0x8000004D;
	s12 =	sadd.s32 $0x3, s12  }
0xd: {  	_ =	swait.ge [sflag:s12], $0x8000  }
0xe: {  	[sflag:s12] =	ssyncset.done $0x0  }
0xf: {  	s11 =	sadd.s32 $0x1, s11;
	[sflag:s12] =	ssyncadd.s32 $0xFFFF8000  }
0x10: {  	p0 =	sne.s32 s11, s8;
	_ =	strace $0x9000004D  }
.Ltmp1:
0x11: {  	_ =	strace $0x8000004E;
	(pc) =	sbr.rel @!p0 .LBB2_5-.Ltmp1, $4  }
0x12: {  	_ =	swait.ge [sflag:s10], $0x8000  }
0x13: {  	[sflag:s10] =	ssyncset.done $0x0  }
0x14: {  	[sflag:s10] =	ssyncadd.s32 $0xFFFF8000  }
0x15: {  	_ =	strace $0x9000004E  }
.LBB2_1:
0x16: {  	_ =	strace $0x80000048  }
0x17: {  	p0 =	por $0x1, $0x1;
	p2 =	por $0x0, $0x0;
	s13 =	simm.s32 $0x0  }
0x18: {  	s12 =	simm.s32 $0x0;
	s17 =	simm.s32 $0x0;
	s14 =	simm.s32 $0x0  }
0x19: {  	[tilespmem:s4], [sflag:$0x1] =	stream.linear.gather [hbm4b:s7+s4], $0x80, $0x200038;
	[tilespmem:$0x10100] =	vst v63  }
0x1a: {  	s15 =	simm.s32 $0x1;
	s16 =	simm.s32 $0x0;
	_ =	strace $0x90000048  }
.LBB2_2:
0x1b: {  	s18 =	smov.u32 s13;
	s13 =	sadd.s32 $0x1, s13  }
0x1c: {  	p1 =	seq.s32 s13, $0x2  }
0x1d: {  	s13 =	simm.s32 @p1 $0x0  }
0x1e: {  	p1 =	sne.s32 s18, s13  }
0x1f: {  	p1 =	por !p0, !p1  }
0x20: {  	p1 =	por !p1, !p1  }
0x21: {  	s19 =	sadd.s32 @p1 s6, s13  }
0x22: {  	s20 =	sand.u32 @p1 $0x1, s15;
	s19 =	sshll.u32 @p1 s19, $0x4  }
0x23: {  	_ =	strace @p1 $0x80000049;
	s22 =	simm.s32 @p1 $0x0;
	s19 =	sand.u32 @p1 $0x1FFFFFF0, s19  }
0x24: {  	s21 =	sshll.u32 @p1 s20, $0x7;
	s20 =	sadd.s32 @p1 $0x1, s20;
	s19 =	sadd.s32 @p1 s5, s19  }
0x25: {  	[tilespmem:s21], [sflag:s20] =	stream.linear.gather @p1 [hbm4b:s19+s22], $0x80, $0x200038;
	[tilespmem:$0x10100] =	vst v63  }
0x26: {  	s23 =	sand.u32 $0x1, s14;
	_ =	strace @p1 $0x90000049  }
0x27: {  	s19 =	sadd.s32 $0x1, s23;
	_ =	strace $0x8000004A  }
0x28: {  	_ =	swait.ge [sflag:s19], $0x80  }
0x29: {  	[sflag:s19] =	ssyncset.done $0x0  }
0x2a: {  	[sflag:s19] =	ssyncadd.s32 $0xFFFFFF80  }
0x2b: {  	s24 =	sshll.u32 s14, $0x7;
	_ =	strace $0x9000004A  }
0x2c: {  	s22 =	sand.u32 $0x80, s24;
	_ =	strace $0x8000004B  }
0x2d: {  	v3 =	vld [tilespmem:s22+$0x0];
	_ =	sdelay $0x4  }
0x2e: {  	v4 =	vshll.u32 v3, $0x1  }
0x2f: {  	v3 =	vand.u32 $0x7, v3;
	v4 =	vand.u32 $0xFFFFFFF0, v4  }
0x30: {  	v3 =	vor.u32 v3, v4  }
0x31: {  	v4 =	vperm.xlane v3, v0;
	_ =	sdelay $0x1  }
0x32: {  	v3 =	vperm.xlane v3, v2;
	v4 =	vadd.s32 v1, v4;
	_ =	sdelay $0x1  }
0x33: {  	s19 =	sand.u32 $0x1, s17;
	v3 =	vadd.s32 v1, v3  }
0x34: {  	s21 =	sshll.u32 s19, $0xF  }
0x35: {  	s20 =	sor.u32 $0x100, s21  }
0x36: {  	[tilespmem:s20], [sflag:$0x5] =	stream.indirect_vreg.gather [hbm4b:s1+s4], $0x80, v4, vm0, $0x2000b8;
	[tilespmem:$0x10100] =	vst v63  }
0x37: {  	s23 =	sor.u32 $0x900, s21  }
0x38: {  	[tilespmem:s23], [sflag:$0x5] =	stream.indirect_vreg.gather [hbm4b:s1+s4], $0x80, v3, vm0, $0x2000b8;
	[tilespmem:$0x10100] =	vst v63  }
0x39: {  	v3 =	vld [tilespmem:s22+$0x10];
	_ =	sdelay $0x4  }
0x3a: {  	v57 =	vshll.u32 v3, $0x1  }
0x3b: {  	v3 =	vand.u32 $0x7, v3;
	v4 =	vand.u32 $0xFFFFFFF0, v57  }
0x3c: {  	v3 =	vor.u32 v3, v4  }
0x3d: {  	v4 =	vperm.xlane v3, v0;
	_ =	sdelay $0x1  }
0x3e: {  	v3 =	vperm.xlane v3, v2;
	v4 =	vadd.s32 v1, v4;
	_ =	sdelay $0x1  }
0x3f: {  	v3 =	vadd.s32 v1, v3;
	_ =	sdelay $0x1  }
0x40: {  	s25 =	sor.u32 $0x1100, s21  }
0x41: {  	[tilespmem:s25], [sflag:$0x5] =	stream.indirect_vreg.gather [hbm4b:s1+s4], $0x80, v4, vm0, $0x2000b8;
	[tilespmem:$0x10100] =	vst v63  }
0x42: {  	s26 =	sor.u32 $0x1900, s21  }
0x43: {  	[tilespmem:s26], [sflag:$0x5] =	stream.indirect_vreg.gather [hbm4b:s1+s4], $0x80, v3, vm0, $0x2000b8;
	[tilespmem:$0x10100] =	vst v63  }
0x44: {  	v3 =	vld [tilespmem:s22+$0x20];
	_ =	sdelay $0x4  }
0x45: {  	v58 =	vshll.u32 v3, $0x1  }
0x46: {  	v3 =	vand.u32 $0x7, v3;
	v4 =	vand.u32 $0xFFFFFFF0, v58  }
0x47: {  	v3 =	vor.u32 v3, v4  }
0x48: {  	v4 =	vperm.xlane v3, v0;
	_ =	sdelay $0x1  }
0x49: {  	v3 =	vperm.xlane v3, v2;
	v4 =	vadd.s32 v1, v4;
	_ =	sdelay $0x1  }
0x4a: {  	v3 =	vadd.s32 v1, v3;
	_ =	sdelay $0x1  }
0x4b: {  	s28 =	sor.u32 $0x2100, s21  }
0x4c: {  	[tilespmem:s28], [sflag:$0x5] =	stream.indirect_vreg.gather [hbm4b:s1+s4], $0x80, v4, vm0, $0x2000b8;
	[tilespmem:$0x10100] =	vst v63  }
0x4d: {  	s29 =	sor.u32 $0x2900, s21  }
0x4e: {  	[tilespmem:s29], [sflag:$0x5] =	stream.indirect_vreg.gather [hbm4b:s1+s4], $0x80, v3, vm0, $0x2000b8;
	[tilespmem:$0x10100] =	vst v63  }
0x4f: {  	v3 =	vld [tilespmem:s22+$0x30];
	_ =	sdelay $0x4  }
0x50: {  	v59 =	vshll.u32 v3, $0x1  }
0x51: {  	v3 =	vand.u32 $0x7, v3;
	v4 =	vand.u32 $0xFFFFFFF0, v59  }
0x52: {  	v3 =	vor.u32 v3, v4  }
0x53: {  	v4 =	vperm.xlane v3, v0;
	_ =	sdelay $0x1  }
0x54: {  	v3 =	vperm.xlane v3, v2;
	v4 =	vadd.s32 v1, v4;
	_ =	sdelay $0x1  }
0x55: {  	v3 =	vadd.s32 v1, v3;
	_ =	sdelay $0x1  }
0x56: {  	s30 =	sor.u32 $0x3100, s21  }
0x57: {  	[tilespmem:s30], [sflag:$0x5] =	stream.indirect_vreg.gather [hbm4b:s1+s4], $0x80, v4, vm0, $0x2000b8;
	[tilespmem:$0x10100] =	vst v63  }
0x58: {  	s31 =	sor.u32 $0x3900, s21  }
0x59: {  	[tilespmem:s31], [sflag:$0x5] =	stream.indirect_vreg.gather [hbm4b:s1+s4], $0x80, v3, vm0, $0x2000b8;
	[tilespmem:$0x10100] =	vst v63  }
0x5a: {  	v3 =	vld [tilespmem:s22+$0x40];
	_ =	sdelay $0x4  }
0x5b: {  	v60 =	vshll.u32 v3, $0x1  }
0x5c: {  	v3 =	vand.u32 $0x7, v3;
	v4 =	vand.u32 $0xFFFFFFF0, v60  }
0x5d: {  	v3 =	vor.u32 v3, v4  }
0x5e: {  	v4 =	vperm.xlane v3, v0;
	_ =	sdelay $0x1  }
0x5f: {  	v3 =	vperm.xlane v3, v2;
	v4 =	vadd.s32 v1, v4;
	_ =	sdelay $0x1  }
0x60: {  	v3 =	vadd.s32 v1, v3;
	_ =	sdelay $0x1  }
0x61: {  	s24 =	sor.u32 $0x4100, s21  }
0x62: {  	[tilespmem:s24], [sflag:$0x5] =	stream.indirect_vreg.gather [hbm4b:s1+s4], $0x80, v4, vm0, $0x2000b8;
	[tilespmem:$0x10100] =	vst v63  }
0x63: {  	s25 =	sor.u32 $0x4900, s21  }
0x64: {  	[tilespmem:s25], [sflag:$0x5] =	stream.indirect_vreg.gather [hbm4b:s1+s4], $0x80, v3, vm0, $0x2000b8;
	[tilespmem:$0x10100] =	vst v63  }
0x65: {  	v3 =	vld [tilespmem:s22+$0x50];
	_ =	sdelay $0x4  }
0x66: {  	v61 =	vshll.u32 v3, $0x1  }
0x67: {  	v3 =	vand.u32 $0x7, v3;
	v4 =	vand.u32 $0xFFFFFFF0, v61  }
0x68: {  	v3 =	vor.u32 v3, v4  }
0x69: {  	v4 =	vperm.xlane v3, v0;
	_ =	sdelay $0x1  }
0x6a: {  	v3 =	vperm.xlane v3, v2;
	v4 =	vadd.s32 v1, v4;
	_ =	sdelay $0x1  }
0x6b: {  	v3 =	vadd.s32 v1, v3;
	_ =	sdelay $0x1  }
0x6c: {  	s26 =	sor.u32 $0x5100, s21  }
0x6d: {  	[tilespmem:s26], [sflag:$0x5] =	stream.indirect_vreg.gather [hbm4b:s1+s4], $0x80, v4, vm0, $0x2000b8;
	[tilespmem:$0x10100] =	vst v63  }
0x6e: {  	s28 =	sor.u32 $0x5900, s21  }
0x6f: {  	[tilespmem:s28], [sflag:$0x5] =	stream.indirect_vreg.gather [hbm4b:s1+s4], $0x80, v3, vm0, $0x2000b8;
	[tilespmem:$0x10100] =	vst v63  }
0x70: {  	v3 =	vld [tilespmem:s22+$0x60];
	_ =	sdelay $0x4  }
0x71: {  	v62 =	vshll.u32 v3, $0x1  }
0x72: {  	v3 =	vand.u32 $0x7, v3;
	v4 =	vand.u32 $0xFFFFFFF0, v62  }
0x73: {  	v3 =	vor.u32 v3, v4  }
0x74: {  	v4 =	vperm.xlane v3, v0;
	_ =	sdelay $0x1  }
0x75: {  	v3 =	vperm.xlane v3, v2;
	v4 =	vadd.s32 v1, v4;
	_ =	sdelay $0x1  }
0x76: {  	v3 =	vadd.s32 v1, v3;
	_ =	sdelay $0x1  }
0x77: {  	s29 =	sor.u32 $0x6100, s21  }
0x78: {  	[tilespmem:s29], [sflag:$0x5] =	stream.indirect_vreg.gather [hbm4b:s1+s4], $0x80, v4, vm0, $0x2000b8;
	[tilespmem:$0x10100] =	vst v63  }
0x79: {  	s30 =	sor.u32 $0x6900, s21  }
0x7a: {  	[tilespmem:s30], [sflag:$0x5] =	stream.indirect_vreg.gather [hbm4b:s1+s4], $0x80, v3, vm0, $0x2000b8;
	[tilespmem:$0x10100] =	vst v63  }
0x7b: {  	v3 =	vld [tilespmem:s22+$0x70];
	_ =	sdelay $0x4  }
0x7c: {  	v63 =	vshll.u32 v3, $0x1  }
0x7d: {  	v3 =	vand.u32 $0x7, v3;
	v4 =	vand.u32 $0xFFFFFFF0, v63  }
0x7e: {  	v3 =	vor.u32 v3, v4  }
0x7f: {  	v4 =	vperm.xlane v3, v0;
	_ =	sdelay $0x1  }
0x80: {  	v3 =	vperm.xlane v3, v2;
	v4 =	vadd.s32 v1, v4;
	_ =	sdelay $0x1  }
0x81: {  	v3 =	vadd.s32 v1, v3;
	_ =	sdelay $0x1  }
0x82: {  	p2 =	por !p2, !p2;
	p3 =	seq.s32 s18, s13;
	s31 =	sor.u32 $0x7100, s21  }
0x83: {  	[tilespmem:s31], [sflag:$0x5] =	stream.indirect_vreg.gather [hbm4b:s1+s4], $0x80, v4, vm0, $0x2000b8;
	[tilespmem:$0x10100] =	vst v63  }
0x84: {  	p2 =	por !p2, !p3;
	s21 =	sor.u32 $0x7900, s21  }
0x85: {  	[tilespmem:s21], [sflag:$0x5] =	stream.indirect_vreg.gather [hbm4b:s1+s4], $0x80, v3, vm0, $0x2000b8;
	[tilespmem:$0x10100] =	vst v63  }
0x86: {  	s18 =	sadd.s32 s6, s18;
	p2 =	por !p2, !p2;
	_ =	swait.ge [sflag:s9], $0x8000  }
0x87: {  	s18 =	sshll.u32 @!p2 s18, $0xC;
	p0 =	por p2, p0;
	[sflag:s9] =	ssyncset.done $0x0  }
.Ltmp2:
0x88: {  	s18 =	sand.u32 @!p2 $0x1FFFF000, s18;
	[sflag:s9] =	ssyncadd.s32 $0xFFFF8000;
	(pc) =	sbr.rel @!p0 .LBB2_4-.Ltmp2, $4  }
0x89: {  	s18 =	sadd.s32 @!p2 s2, s18;
	_ =	strace $0x9000004B  }
0x8a: {  	s19 =	sadd.s32 @!p2 $0x3, s19;
	s21 =	simm.s32 @!p2 $0x0;
	_ =	strace @!p2 $0x8000004C  }
0x8b: {  	[hbm4b:s18+s21] =	stream.linear.scatter @!p2 [tilespmem:s20], [sflag:s19], $0x8000, $0x200038;
	[tilespmem:$0x10100] =	vst v63  }
0x8c: {  	_ =	strace @!p2 $0x9000004C  }
.Ltmp3:
0x8d: {  	s18 =	simm.s32 $0x1;
	(pc) =	sbr.rel .LBB2_2-.Ltmp3, $4  }
0x8e: {  	s19 =	simm.s32 @!p2 $0x1;
	s12 =	sadd.s32 s16, s12;
	s18 =	simm.s32 @!p1 $0x0  }
0x8f: {  	s16 =	simm.s32 $0x1;
	s15 =	sadd.s32 s18, s15;
	s18 =	sadd.s32 @!p2 $0x1, s17  }
0x90: {  	p0 =	por $0x0, $0x0;
	s19 =	simm.s32 @p2 $0x0;
	s18 =	smov.u32 @p2 s17  }
0x91: {  	s14 =	sadd.s32 s14, s19;
	p2 =	por $0x1, $0x1;
	s17 =	smov.u32 s18  }
.LBB2_5:
0x92: {  	_ =	sfence.sel $0x180000  }
0x93: {  	[bflag:$0x0] =	sbarrier.arrive $0xFFFF  }
0x94: {  	p0 =	sne.s32 s3, $0x0;
	_ =	strace $0x90000047  }
0x95: {  	s0 =	sadd.s32 @!p0 $0x100000, s0;
	[bflag:$0x2] =	sbarrier.arrive $0xFFFF  }
0x96: {  	[sflag:s0] =	ssyncadd.tile.s32 @!p0 $0x1;
	_ =	shalt  }
.Lfunc_end2:
_tile_overlayer_lowered:
.L_overlay_start_2:
0x97: {  	(tag) =	ssettag $0x2  }
0x98: {  	s0 =	rddreg [dreg:$0x0];
	s2 =	stileid.u32  }
0x99: {  	s1 =	rddreg [dreg:$0x1];
	p0 =	sne.s32 s2, $0x0  }
0x9a: {  	s3 =	rddreg [dreg:$0x2];
	[bflag:$0x3] =	sbarrier.arrive $0xFFFF;
	s2 =	simm.s32 @!p0 $0x1C01  }
0x9b: {  	[timem:s3], [sflag:s2] =	dma.local @!p0 [hbm:s0], s1  }
0x9c: {  	s0 =	simm.s32 @!p0 $0x1  }
0x9d: {  	_ =	swait.ge @!p0 [sflag:s0], s1  }
0x9e: {  	s1 =	ssub.s32 @!p0 $0x0, s1;
	[sflag:s0] =	ssyncset.done @!p0 $0x0  }
0x9f: {  	[sflag:s0] =	ssyncadd.s32 @!p0 s1  }
0xa0: {  	[bflag:$0x3] =	sbarrier.arrive $0xFFFF  }
0xa1: {  	_ =	shalt  }

</sc_bundles>
